<compile_context>
chip_gen: v7x
topology: tpu7x:2x2x1
jax: 0.10.2.dev20260603
libtpu: 0.0.44.dev20260713+nightly
codegen_flags: <defaults>
</compile_context>

<pallas_src>
import functools

import jax
import jax.numpy as jnp
import numpy as np
from jax.experimental import pallas as pl
from jax.experimental.pallas import tpu as pltpu

_BLOCKS = [(64, 64, 1), (64, 64, 1), (64, 128, 2), (128, 128, 1),
           (128, 256, 2), (256, 256, 1), (256, 384, 2), (384, 384, 1)]
_BN_S = float((1.0 + 1e-5) ** -0.5)
_EPS = 1e-5

_INTERPRET = False


def _dot(a, b):
    return jnp.dot(a, b, preferred_element_type=jnp.float32)


def _dotT(a, b):
    return jax.lax.dot_general(a, b, (((1,), (1,)), ((), ())),
                               preferred_element_type=jnp.float32)


def _res_block(src_ref, dst_ref, w, H, Cin, Cout, stride, Nt,
               x3_ref, h3_ref, hp_ref):
    has_sc = len(w) == 8
    if has_sc:
        w1, b1, w2, b2, se1, se2, scw, scb = w
    else:
        w1, b1, w2, b2, se1, se2 = w
    W = H
    Ho = Wo = H // stride
    M = Nt * Ho * Wo

    acc = jnp.zeros((M, Cout), jnp.float32)
    if stride == 1:
        x3_ref[0] = src_ref[:, :, 1:W + 1, :]
        x3_ref[1] = src_ref[:, :, 2:W + 2, :]
        for ky in range(3):
            for kx in range(3):
                if kx == 0:
                    xs = src_ref[:, ky:ky + H, 0:W, :]
                else:
                    xs = x3_ref[kx - 1, :, ky:ky + H, :, :]
                acc = acc + _dotT(xs.reshape(M, Cin), w1[ky * 3 + kx])
    else:
        xr = src_ref[...].reshape(Nt, (H + 2) // 2, 2, (W + 2) // 2, 2, Cin)
        par = [[xr[:, :, a, :, b, :] for b in range(2)] for a in range(2)]
        for ky in range(3):
            for kx in range(3):
                xs = par[ky % 2][kx % 2][:, ky // 2:ky // 2 + Ho,
                                         kx // 2:kx // 2 + Wo, :]
                acc = acc + _dotT(xs.reshape(M, Cin), w1[ky * 3 + kx])
    h1 = jax.nn.relu(acc + b1[...])

    hp_ref[...] = jnp.zeros_like(hp_ref)
    hp_ref[:, 1:Ho + 1, 1:Wo + 1, :] = h1.reshape(Nt, Ho, Wo, Cout)
    h3_ref[0] = hp_ref[:, :, 1:Wo + 1, :]
    h3_ref[1] = hp_ref[:, :, 2:Wo + 2, :]

    acc2 = jnp.zeros((M, Cout), jnp.float32)
    for ky in range(3):
        for kx in range(3):
            if kx == 0:
                xs = hp_ref[:, ky:ky + Ho, 0:Wo, :]
            else:
                xs = h3_ref[kx - 1, :, ky:ky + Ho, :, :]
            acc2 = acc2 + _dotT(xs.reshape(M, Cout), w2[ky * 3 + kx])
    o = acc2 + b2[...]

    y = o.reshape(Nt, Ho * Wo, Cout).mean(axis=1)
    y1 = jax.nn.relu(_dotT(y, se1[...]))
    y2 = jax.nn.sigmoid(_dotT(y1, se2[...]))
    o = o.reshape(Nt, Ho * Wo, Cout) * y2[:, None, :]

    if has_sc:
        if stride == 1:
            xin = x3_ref[0, :, 1:H + 1, :, :]
        else:
            xin = par[1][1][:, :Ho, :Wo, :]
        sc = _dotT(xin.reshape(M, Cin), scw[...]) + scb[...]
        sc = sc.reshape(Nt, Ho * Wo, Cout)
    else:
        sc = x3_ref[0, :, 1:H + 1, :, :].reshape(Nt, Ho * Wo, Cout)

    res = jax.nn.relu(o + sc).reshape(Nt, Ho, Wo, Cout)
    dst_ref[...] = jnp.zeros_like(dst_ref)
    dst_ref[:, 1:Ho + 1, 1:Wo + 1, :] = res


def _vm(*shape):
    return pltpu.VMEM(shape, jnp.float32)


def _full_spec(*shape):
    return pl.BlockSpec(shape, lambda i, n=len(shape): (0,) * n)


def _mega1_body(N2, x_ref, sw_ref, sb_ref, *rest):
    w1 = rest[0:6]
    w2 = rest[6:12]
    w3 = rest[12:20]
    o_ref, a_ref, b_ref, x3s1, h3s1, hps1, h3s2, hps2, opk = rest[20:]
    H = 32
    M2 = N2 * H * H

    patches = x_ref[...].reshape(M2, 54)
    h = jax.nn.relu(_dot(patches, sw_ref[...]) + sb_ref[...])
    a_ref[...] = jnp.zeros_like(a_ref)
    a_ref[:, 1:H + 1, 1:H + 1, :] = h.reshape(N2, H, H, 128)

    _res_block(a_ref, b_ref, w1, 32, 128, 128, 1, N2, x3s1, h3s1, hps1)
    _res_block(b_ref, a_ref, w2, 32, 128, 128, 1, N2, x3s1, h3s1, hps1)
    _res_block(a_ref, opk, w3, 32, 128, 256, 2, N2, None, h3s2, hps2)

    t = opk[...]
    u = jnp.stack([t[..., :128], t[..., 128:]], axis=1)
    o_ref[...] = u.reshape(2 * N2, 18, 18, 128)


def _mega1(xpk, sw, sb, wts, N2):
    B2 = xpk.shape[0]
    grid = (B2 // N2,)
    in_specs = [pl.BlockSpec((N2, 1024, 54), lambda i: (i, 0, 0)),
                _full_spec(54, 128), _full_spec(1, 128)]
    args = [xpk, sw, sb]
    for w in wts:
        for a in w:
            in_specs.append(_full_spec(*a.shape))
            args.append(a)
    scratch = [
        _vm(N2, 34, 34, 128), _vm(N2, 34, 34, 128),
        _vm(2, N2, 34, 32, 128), _vm(2, N2, 34, 32, 128),
        _vm(N2, 34, 34, 128),
        _vm(2, N2, 18, 16, 256), _vm(N2, 18, 18, 256),
        _vm(N2, 18, 18, 256),
    ]
    return pl.pallas_call(
        functools.partial(_mega1_body, N2),
        grid=grid,
        in_specs=in_specs,
        out_specs=pl.BlockSpec((2 * N2, 18, 18, 128), lambda i: (i, 0, 0, 0)),
        out_shape=jax.ShapeDtypeStruct((2 * B2, 18, 18, 128), jnp.float32),
        scratch_shapes=scratch,
        interpret=_INTERPRET,
    )(*args)


def _mega2_body(Nt, x_ref, *rest):
    w4 = rest[0:6]
    w5 = rest[6:14]
    w6 = rest[14:20]
    w7 = rest[20:28]
    w8 = rest[28:34]
    (o_ref, a16, x3s2, h3s2, hps2, a8a, a8b, x3s3, h3s3, hps3,
     a4, x3s4, h3s4, hps4) = rest[34:]

    _res_block(x_ref, a16, w4, 16, 128, 128, 1, Nt, x3s2, h3s2, hps2)
    _res_block(a16, a8a, w5, 16, 128, 256, 2, Nt, None, h3s3, hps3)
    _res_block(a8a, a8b, w6, 8, 256, 256, 1, Nt, x3s3, h3s3, hps3)
    _res_block(a8b, a4, w7, 8, 256, 384, 2, Nt, None, h3s4, hps4)
    _res_block(a4, o_ref, w8, 4, 384, 384, 1, Nt, x3s4, h3s4, hps4)


def _mega2(x16, wts, Nt):
    B = x16.shape[0]
    grid = (B // Nt,)
    in_specs = [pl.BlockSpec((Nt, 18, 18, 128), lambda i: (i, 0, 0, 0))]
    args = [x16]
    for w in wts:
        for a in w:
            in_specs.append(_full_spec(*a.shape))
            args.append(a)
    scratch = [
        _vm(Nt, 18, 18, 128),
        _vm(2, Nt, 18, 16, 128), _vm(2, Nt, 18, 16, 128),
        _vm(Nt, 18, 18, 128),
        _vm(Nt, 10, 10, 256), _vm(Nt, 10, 10, 256),
        _vm(2, Nt, 10, 8, 256), _vm(2, Nt, 10, 8, 256),
        _vm(Nt, 10, 10, 256),
        _vm(Nt, 6, 6, 384),
        _vm(2, Nt, 6, 4, 384), _vm(2, Nt, 6, 4, 384),
        _vm(Nt, 6, 6, 384),
    ]
    return pl.pallas_call(
        functools.partial(_mega2_body, Nt),
        grid=grid,
        in_specs=in_specs,
        out_specs=pl.BlockSpec((Nt, 6, 6, 384), lambda i: (i, 0, 0, 0)),
        out_shape=jax.ShapeDtypeStruct((B, 6, 6, 384), jnp.float32),
        scratch_shapes=scratch,
        interpret=_INTERPRET,
    )(*args)


def _gelu(h):
    return 0.5 * h * (1.0 + jax.lax.erf(h * (2.0 ** -0.5)))


def _ln(h, g, b):
    m = h.mean(-1, keepdims=True)
    v = ((h - m) ** 2).mean(-1, keepdims=True)
    return (h - m) * jax.lax.rsqrt(v + _EPS) * g + b


def _head_body(B, x_ref, pw1_ref, pb1_ref, pw2_ref, pb2_ref, gw_ref, gb_ref,
               fc1w_ref, fc1b_ref, ln1g_ref, ln1b_ref,
               fc2w_ref, fc2b_ref, ln2g_ref, ln2b_ref,
               fc3w_ref, fc3b_ref, o_ref):
    x = x_ref[:, 1:5, 1:5, :]
    pooled = x.reshape(B, 2, 2, 2, 2, 384).mean(axis=(2, 4))
    h = pooled.reshape(B, 4 * 384)
    h = jax.nn.relu(_dotT(h, pw1_ref[...]) + pb1_ref[...])
    feat = _dotT(h, pw2_ref[...]) + pb2_ref[...]

    gl = _dotT(feat, gw_ref[...]) + gb_ref[...]
    lane = jax.lax.broadcasted_iota(jnp.int32, (B, 128), 1)
    glm = jnp.where(lane < 8, gl, -1e30)
    m = glm.max(-1, keepdims=True)
    p = jnp.exp(glm - m)
    p = p / p.sum(-1, keepdims=True)
    v1 = p.max(-1, keepdims=True)
    i1 = jnp.where(p == v1, lane, 128).min(-1, keepdims=True)
    p2 = jnp.where(lane == i1, -1.0, p)
    v2 = p2.max(-1, keepdims=True)
    i2 = jnp.where(p2 == v2, lane, 128).min(-1, keepdims=True)
    den = v1 + v2
    g1 = v1 / den
    g2 = v2 / den

    out = jnp.zeros((B, 128), jnp.float32)
    for e in range(8):
        h1 = _dotT(feat, fc1w_ref[e]) + fc1b_ref[e]
        h1 = _ln(h1, ln1g_ref[e], ln1b_ref[e])
        h1 = _gelu(h1)
        h2 = _dotT(h1, fc2w_ref[e]) + fc2b_ref[e]
        h2 = _ln(h2, ln2g_ref[e], ln2b_ref[e])
        h2 = _gelu(h2)
        oe = _dotT(h2, fc3w_ref[e]) + fc3b_ref[e]
        ge = jnp.where(i1 == e, g1, 0.0) + jnp.where(i2 == e, g2, 0.0)
        out = out + ge * oe
    o_ref[...] = out


def _head(xpad, hw):
    B = xpad.shape[0]
    full = lambda *shape: pl.BlockSpec(shape, lambda n=len(shape): (0,) * n)
    names = ['pw1', 'pb1', 'pw2', 'pb2', 'gw', 'gb',
             'fc1w', 'fc1b', 'ln1g', 'ln1b',
             'fc2w', 'fc2b', 'ln2g', 'ln2b', 'fc3w', 'fc3b']
    args = [hw[n] for n in names]
    in_specs = [full(*xpad.shape)] + [full(*hw[n].shape) for n in names]
    return pl.pallas_call(
        functools.partial(_head_body, B),
        grid=(),
        in_specs=in_specs,
        out_specs=full(B, 128),
        out_shape=jax.ShapeDtypeStruct((B, 128), jnp.float32),
        interpret=_INTERPRET,
    )(xpad, *args)


def _fold_conv(w, g):
    return (w * (g * _BN_S)[:, None, None, None]).transpose(2, 3, 1, 0)


def _fold_conv9(w, g):
    O, I = w.shape[0], w.shape[1]
    wf = (w * (g * _BN_S)[:, None, None, None]).reshape(O * I, 9)
    return wf.T.reshape(9, O, I)


def _bd(w):
    z = jnp.zeros_like(w)
    top = jnp.concatenate([w, z], axis=-1)
    bot = jnp.concatenate([z, w], axis=-1)
    return jnp.concatenate([top, bot], axis=-2)


def _prep_block_packed(p):
    wp = [
        _bd(_fold_conv9(p['c1'], p['g1'])), jnp.tile(p['b1'][None, :], (1, 2)),
        _bd(_fold_conv9(p['c2'], p['g2'])), jnp.tile(p['b2'][None, :], (1, 2)),
        _bd(p['se1']), _bd(p['se2']),
    ]
    if 'sc' in p:
        scw = (p['sc'] * (p['scg'] * _BN_S)[:, None, None, None])[:, :, 0, 0]
        wp.append(_bd(scw))
        wp.append(jnp.tile(p['scb'][None, :], (1, 2)))
    return wp


def _prep_block(p):
    wp = [
        _fold_conv9(p['c1'], p['g1']), p['b1'][None, :],
        _fold_conv9(p['c2'], p['g2']), p['b2'][None, :],
        p['se1'], p['se2'],
    ]
    if 'sc' in p:
        wp.append((p['sc'] * (p['scg'] * _BN_S)[:, None, None, None])[:, :, 0, 0])
        wp.append(p['scb'][None, :])
    return wp


_POOL_PERM = np.array([c * 4 + ph * 2 + pw
                       for ph in range(2) for pw in range(2)
                       for c in range(384)])


def kernel(x, params):
    B = x.shape[0]
    xpk = x.reshape(B // 2, 2, 3, 32, 32).transpose(0, 3, 4, 1, 2)
    xpk = jnp.pad(xpk.reshape(B // 2, 32, 32, 6),
                  ((0, 0), (1, 1), (1, 1), (0, 0)))
    xpk = jnp.concatenate(
        [xpk[:, ky:ky + 32, kx:kx + 32, :]
         for ky in range(3) for kx in range(3)], axis=-1)
    xpk = xpk.reshape(B // 2, 1024, 54)

    sw = _fold_conv(params['conv1'], params['g0']).reshape(9, 3, 64)
    sw = _bd(sw).reshape(54, 128)
    sb = jnp.tile(params['b0'][None, :], (1, 2))
    wts1 = [_prep_block_packed(p) for p in params['blocks'][:3]]
    wts2 = [_prep_block(p) for p in params['blocks'][3:]]

    n2 = min(B // 2, 4)
    while (B // 2) % n2:
        n2 //= 2
    nt = min(B, 8)
    while B % nt:
        nt //= 2
    h16 = _mega1(xpk, sw, sb, wts1, n2)
    h4 = _mega2(h16, wts2, nt)

    e = params['experts']
    hw = {
        'pw1': params['pw1'][:, _POOL_PERM], 'pb1': params['pb1'][None, :],
        'pw2': params['pw2'], 'pb2': params['pb2'][None, :],
        'gw': jnp.pad(params['gw'], ((0, 120), (0, 0))),
        'gb': jnp.pad(params['gb'][None, :], ((0, 0), (0, 120))),
        'fc1w': e['fc1w'], 'fc1b': e['fc1b'][:, None, :],
        'ln1g': e['ln1g'][:, None, :], 'ln1b': e['ln1b'][:, None, :],
        'fc2w': e['fc2w'], 'fc2b': e['fc2b'][:, None, :],
        'ln2g': e['ln2g'][:, None, :], 'ln2b': e['ln2b'][:, None, :],
        'fc3w': jnp.pad(e['fc3w'], ((0, 0), (0, 118), (0, 0))),
        'fc3b': jnp.pad(e['fc3b'][:, None, :], ((0, 0), (0, 0), (0, 118))),
    }
    out = _head(h4, hw)
    return out[:, :10]

# --- scband reference (transcript-rebuilt; emitter-appended) ---
"""Pipeline reference for scband-net-86689619902719 (READ-ONLY COPY).

The authoritative reference and input builder live on the scoring server;
editing this copy changes nothing except your own understanding.
"""

import jax, jax.numpy as jnp
import numpy as np

DN = ('NCHW', 'OIHW', 'NCHW')
EPS = 1e-5
BLOCKS = [(64, 64, 1), (64, 64, 1), (64, 128, 2), (128, 128, 1), (128, 256, 2), (256, 256, 1), (256, 384, 2), (384, 384, 1)]


def _conv(x, w, stride, pad):
    return jax.lax.conv_general_dilated(x, w, (stride, stride), ((pad, pad), (pad, pad)), dimension_numbers=DN)


def _bn(x, g, b):
    # eval-mode BatchNorm with running_mean=0, running_var=1
    return x / np.sqrt(1.0 + EPS) * g[None, :, None, None] + b[None, :, None, None]


def _se(x, w1, w2):
    y = x.mean(axis=(2, 3))
    y = jax.nn.relu(y @ w1.T)
    y = jax.nn.sigmoid(y @ w2.T)
    return x * y[:, :, None, None]


def _block(x, p, stride):
    out = jax.nn.relu(_bn(_conv(x, p['c1'], stride, 1), p['g1'], p['b1']))
    out = _bn(_conv(out, p['c2'], 1, 1), p['g2'], p['b2'])
    out = _se(out, p['se1'], p['se2'])
    if 'sc' in p:
        sc = _bn(_conv(x, p['sc'], stride, 0), p['scg'], p['scb'])
    else:
        sc = x
    return jax.nn.relu(out + sc)


def _ln(x, g, b):
    m = x.mean(-1, keepdims=True)
    v = ((x - m) ** 2).mean(-1, keepdims=True)
    return (x - m) / jnp.sqrt(v + EPS) * g + b


def _expert(ep, x):
    h = _ln(x @ ep['fc1w'].T + ep['fc1b'], ep['ln1g'], ep['ln1b'])
    h = jax.nn.gelu(h, approximate=False)
    h = _ln(h @ ep['fc2w'].T + ep['fc2b'], ep['ln2g'], ep['ln2b'])
    h = jax.nn.gelu(h, approximate=False)
    return h @ ep['fc3w'].T + ep['fc3b']


def _forward(x, params):
    h = jax.nn.relu(_bn(_conv(x, params['conv1'], 1, 1), params['g0'], params['b0']))
    for p, (cin, cout, s) in zip(params['blocks'], BLOCKS):
        h = _block(h, p, s)
    B = h.shape[0]
    # AdaptiveAvgPool2d((2,2)) from 4x4 feature map
    h = h.reshape(B, 384, 2, 2, 2, 2).mean(axis=(3, 5))
    h = h.reshape(B, 384 * 4)
    h = jax.nn.relu(h @ params['pw1'].T + params['pb1'])
    feat = h @ params['pw2'].T + params['pb2']
    # gate: softmax over experts, top-2 routing, renormalized weights
    gl = feat @ params['gw'].T + params['gb']
    probs = jax.nn.softmax(gl, axis=-1)
    topv, topi = jax.lax.top_k(probs, 2)
    topv = topv / topv.sum(-1, keepdims=True)
    gates = jnp.zeros_like(probs).at[jnp.arange(B)[:, None], topi].set(topv)
    eo = jax.vmap(lambda ep: _expert(ep, feat))(params['experts'])
    out = jnp.einsum('be,ebc->bc', gates, eo)
    return out


def setup_inputs() -> dict:
    rng = np.random.default_rng(0)
    f = lambda *s: jnp.asarray(rng.normal(0, 0.05, s), dtype=jnp.float32)
    ones = lambda *s: jnp.ones(s, jnp.float32)
    zeros = lambda *s: jnp.zeros(s, jnp.float32)

    def blk(cin, cout, stride):
        p = {'c1': f(cout, cin, 3, 3), 'g1': ones(cout), 'b1': zeros(cout),
             'c2': f(cout, cout, 3, 3), 'g2': ones(cout), 'b2': zeros(cout),
             'se1': f(cout // 16, cout), 'se2': f(cout, cout // 16)}
        if stride != 1 or cin != cout:
            p['sc'] = f(cout, cin, 1, 1)
            p['scg'] = ones(cout)
            p['scb'] = zeros(cout)
        return p

    E = 8
    params = {'conv1': f(64, 3, 3, 3), 'g0': ones(64), 'b0': zeros(64),
              'blocks': [blk(ci, co, s) for ci, co, s in BLOCKS],
              'pw1': f(512, 1536), 'pb1': zeros(512),
              'pw2': f(256, 512), 'pb2': zeros(256),
              'gw': f(E, 256), 'gb': zeros(E),
              'experts': {'fc1w': f(E, 256, 256), 'fc1b': zeros(E, 256),
                          'ln1g': ones(E, 256), 'ln1b': zeros(E, 256),
                          'fc2w': f(E, 128, 256), 'fc2b': zeros(E, 128),
                          'ln2g': ones(E, 128), 'ln2b': zeros(E, 128),
                          'fc3w': f(E, 10, 128), 'fc3b': zeros(E, 10)}}
    x = jnp.asarray(rng.normal(0, 1, (64, 3, 32, 32)), dtype=jnp.float32)
    return {'x': x, 'params': params}


def reference(x, params):
    return _forward(x, params)

if __name__ == "__main__":
    import jax
    _d = setup_inputs()
    print(jax.jit(kernel)(*tuple(_d.values())))

</pallas_src>

<mosaic_0001>
module attributes {stable_mosaic.version = 14 : i64} {
  func.func @_mega1_body(%arg0: i32, %arg1: memref<4x1024x54xf32, #tpu.memory_space<vmem>>, %arg2: memref<54x128xf32, #tpu.memory_space<vmem>>, %arg3: memref<1x128xf32, #tpu.memory_space<vmem>>, %arg4: memref<9x128x128xf32, #tpu.memory_space<vmem>>, %arg5: memref<1x128xf32, #tpu.memory_space<vmem>>, %arg6: memref<9x128x128xf32, #tpu.memory_space<vmem>>, %arg7: memref<1x128xf32, #tpu.memory_space<vmem>>, %arg8: memref<8x128xf32, #tpu.memory_space<vmem>>, %arg9: memref<128x8xf32, #tpu.memory_space<vmem>>, %arg10: memref<9x128x128xf32, #tpu.memory_space<vmem>>, %arg11: memref<1x128xf32, #tpu.memory_space<vmem>>, %arg12: memref<9x128x128xf32, #tpu.memory_space<vmem>>, %arg13: memref<1x128xf32, #tpu.memory_space<vmem>>, %arg14: memref<8x128xf32, #tpu.memory_space<vmem>>, %arg15: memref<128x8xf32, #tpu.memory_space<vmem>>, %arg16: memref<9x256x128xf32, #tpu.memory_space<vmem>>, %arg17: memref<1x256xf32, #tpu.memory_space<vmem>>, %arg18: memref<9x256x256xf32, #tpu.memory_space<vmem>>, %arg19: memref<1x256xf32, #tpu.memory_space<vmem>>, %arg20: memref<16x256xf32, #tpu.memory_space<vmem>>, %arg21: memref<256x16xf32, #tpu.memory_space<vmem>>, %arg22: memref<256x128xf32, #tpu.memory_space<vmem>>, %arg23: memref<1x256xf32, #tpu.memory_space<vmem>>, %arg24: memref<8x18x18x128xf32, #tpu.memory_space<vmem>>, %arg25: memref<4x34x34x128xf32, #tpu.memory_space<vmem>>, %arg26: memref<4x34x34x128xf32, #tpu.memory_space<vmem>>, %arg27: memref<2x4x34x32x128xf32, #tpu.memory_space<vmem>>, %arg28: memref<2x4x34x32x128xf32, #tpu.memory_space<vmem>>, %arg29: memref<4x34x34x128xf32, #tpu.memory_space<vmem>>, %arg30: memref<2x4x18x16x256xf32, #tpu.memory_space<vmem>>, %arg31: memref<4x18x18x256xf32, #tpu.memory_space<vmem>>, %arg32: memref<4x18x18x256xf32, #tpu.memory_space<vmem>>) attributes {dimension_semantics = [#tpu.dimension_semantics<arbitrary>], iteration_bounds = array<i64: 8>, scalar_prefetch = 0 : i64, scratch_operands = 8 : i64, tpu.core_type = #tpu.core_type<tc>, window_params = [{transform_indices = @transform_0, window_bounds = array<i64: 4, 1024, 54>}, {pipeline_mode = #tpu.pipeline_mode<synchronous>, transform_indices = @transform_1, window_bounds = array<i64: 54, 128>}, {pipeline_mode = #tpu.pipeline_mode<synchronous>, transform_indices = @transform_2, window_bounds = array<i64: 1, 128>}, {pipeline_mode = #tpu.pipeline_mode<synchronous>, transform_indices = @transform_3, window_bounds = array<i64: 9, 128, 128>}, {pipeline_mode = #tpu.pipeline_mode<synchronous>, transform_indices = @transform_4, window_bounds = array<i64: 1, 128>}, {pipeline_mode = #tpu.pipeline_mode<synchronous>, transform_indices = @transform_5, window_bounds = array<i64: 9, 128, 128>}, {pipeline_mode = #tpu.pipeline_mode<synchronous>, transform_indices = @transform_6, window_bounds = array<i64: 1, 128>}, {pipeline_mode = #tpu.pipeline_mode<synchronous>, transform_indices = @transform_7, window_bounds = array<i64: 8, 128>}, {pipeline_mode = #tpu.pipeline_mode<synchronous>, transform_indices = @transform_8, window_bounds = array<i64: 128, 8>}, {pipeline_mode = #tpu.pipeline_mode<synchronous>, transform_indices = @transform_9, window_bounds = array<i64: 9, 128, 128>}, {pipeline_mode = #tpu.pipeline_mode<synchronous>, transform_indices = @transform_10, window_bounds = array<i64: 1, 128>}, {pipeline_mode = #tpu.pipeline_mode<synchronous>, transform_indices = @transform_11, window_bounds = array<i64: 9, 128, 128>}, {pipeline_mode = #tpu.pipeline_mode<synchronous>, transform_indices = @transform_12, window_bounds = array<i64: 1, 128>}, {pipeline_mode = #tpu.pipeline_mode<synchronous>, transform_indices = @transform_13, window_bounds = array<i64: 8, 128>}, {pipeline_mode = #tpu.pipeline_mode<synchronous>, transform_indices = @transform_14, window_bounds = array<i64: 128, 8>}, {pipeline_mode = #tpu.pipeline_mode<synchronous>, transform_indices = @transform_15, window_bounds = array<i64: 9, 256, 128>}, {pipeline_mode = #tpu.pipeline_mode<synchronous>, transform_indices = @transform_16, window_bounds = array<i64: 1, 256>}, {pipeline_mode = #tpu.pipeline_mode<synchronous>, transform_indices = @transform_17, window_bounds = array<i64: 9, 256, 256>}, {pipeline_mode = #tpu.pipeline_mode<synchronous>, transform_indices = @transform_18, window_bounds = array<i64: 1, 256>}, {pipeline_mode = #tpu.pipeline_mode<synchronous>, transform_indices = @transform_19, window_bounds = array<i64: 16, 256>}, {pipeline_mode = #tpu.pipeline_mode<synchronous>, transform_indices = @transform_20, window_bounds = array<i64: 256, 16>}, {pipeline_mode = #tpu.pipeline_mode<synchronous>, transform_indices = @transform_21, window_bounds = array<i64: 256, 128>}, {pipeline_mode = #tpu.pipeline_mode<synchronous>, transform_indices = @transform_22, window_bounds = array<i64: 1, 256>}, {transform_indices = @transform_23, window_bounds = array<i64: 8, 18, 18, 128>}]} {
    %get3A = arith.constant 0 : index
    %get3A_0 = arith.constant 0 : index
    %get3A_1 = arith.constant 0 : index
    %get3A_2 = vector.load %arg1[%get3A, %get3A_0, %get3A_1] : memref<4x1024x54xf32, #tpu.memory_space<vmem>>, vector<4x1024x54xf32>
    %reshape3A = vector.shape_cast %get3A_2 : vector<4x1024x54xf32> to vector<4096x54xf32>
    %get3A_3 = arith.constant 0 : index
    %get3A_4 = arith.constant 0 : index
    %get3A_5 = vector.load %arg2[%get3A_3, %get3A_4] : memref<54x128xf32, #tpu.memory_space<vmem>>, vector<54x128xf32>
    %dot_general3A = arith.constant dense<0.000000e+00> : vector<4096x128xf32>
    %dot_general3A_6 = tpu.matmul %reshape3A, %get3A_5, %dot_general3A {dimension_numbers = #tpu.dot_dimension_numbers<[1], [0], [0], [1], [0, 0, 1, 1], [], []>, transpose_lhs_hint = false} : vector<4096x54xf32>, vector<54x128xf32>, vector<4096x128xf32> -> vector<4096x128xf32>
    %get3A_7 = arith.constant 0 : index
    %get3A_8 = arith.constant 0 : index
    %get3A_9 = vector.load %arg3[%get3A_7, %get3A_8] : memref<1x128xf32, #tpu.memory_space<vmem>>, vector<1x128xf32>
    %add3A = vector.broadcast %get3A_9 : vector<1x128xf32> to vector<4096x128xf32>
    %add3A_10 = arith.addf %dot_general3A_6, %add3A : vector<4096x128xf32>
    %max3A = arith.constant 0.000000e+00 : f32
    %max3A_11 = vector.broadcast %max3A : f32 to vector<4096x128xf32>
    %max3A_12 = arith.maximumf %add3A_10, %max3A_11 : vector<4096x128xf32>
    %broadcast_in_dim3A = arith.constant 0.000000e+00 : f32
    %broadcast_in_dim3A_13 = vector.broadcast %broadcast_in_dim3A : f32 to vector<4x34x34x128xf32>
    %swap3A = arith.constant 0 : index
    %swap3A_14 = arith.constant 0 : index
    %swap3A_15 = arith.constant 0 : index
    %swap3A_16 = arith.constant 0 : index
    %swap3A_17 = vector.load %arg25[%swap3A, %swap3A_14, %swap3A_15, %swap3A_16] : memref<4x34x34x128xf32, #tpu.memory_space<vmem>>, vector<4x34x34x128xf32>
    tpu.vector_store %arg25[%swap3A, %swap3A_14, %swap3A_15, %swap3A_16], %broadcast_in_dim3A_13 {strides = array<i32>} : memref<4x34x34x128xf32, #tpu.memory_space<vmem>>, vector<4x34x34x128xf32>,
    %reshape3A_18 = vector.shape_cast %max3A_12 : vector<4096x128xf32> to vector<4x32x32x128xf32>
    %swap3A_19 = arith.constant 0 : index
    %swap3A_20 = arith.constant 1 : index
    %swap3A_21 = arith.constant 1 : index
    %swap3A_22 = arith.constant 0 : index
    %swap3A_23 = vector.load %arg25[%swap3A_19, %swap3A_20, %swap3A_21, %swap3A_22] : memref<4x34x34x128xf32, #tpu.memory_space<vmem>>, vector<4x32x32x128xf32>
    tpu.vector_store %arg25[%swap3A_19, %swap3A_20, %swap3A_21, %swap3A_22], %reshape3A_18 {strides = array<i32>} : memref<4x34x34x128xf32, #tpu.memory_space<vmem>>, vector<4x32x32x128xf32>,
    %broadcast_in_dim3A_24 = arith.constant 0.000000e+00 : f32
    %broadcast_in_dim3A_25 = vector.broadcast %broadcast_in_dim3A_24 : f32 to vector<4096x128xf32>
    %get3A_26 = arith.constant 0 : index
    %get3A_27 = arith.constant 0 : index
    %get3A_28 = arith.constant 1 : index
    %get3A_29 = arith.constant 0 : index
    %get3A_30 = vector.load %arg25[%get3A_26, %get3A_27, %get3A_28, %get3A_29] : memref<4x34x34x128xf32, #tpu.memory_space<vmem>>, vector<4x34x32x128xf32>
    %swap3A_31 = arith.constant 0 : index
    %swap3A_32 = arith.constant 0 : index
    %swap3A_33 = arith.constant 0 : index
    %swap3A_34 = arith.constant 0 : index
    %swap3A_35 = arith.constant 0 : index
    %swap3A_36 = vector.load %arg27[%swap3A_31, %swap3A_32, %swap3A_33, %swap3A_34, %swap3A_35] : memref<2x4x34x32x128xf32, #tpu.memory_space<vmem>>, vector<1x4x34x32x128xf32>
    %swap3A_37 = vector.shape_cast %swap3A_36 : vector<1x4x34x32x128xf32> to vector<4x34x32x128xf32>
    %swap3A_38 = vector.shape_cast %get3A_30 : vector<4x34x32x128xf32> to vector<1x4x34x32x128xf32>
    tpu.vector_store %arg27[%swap3A_31, %swap3A_32, %swap3A_33, %swap3A_34, %swap3A_35], %swap3A_38 {strides = array<i32>} : memref<2x4x34x32x128xf32, #tpu.memory_space<vmem>>, vector<1x4x34x32x128xf32>,
    %get3A_39 = arith.constant 0 : index
    %get3A_40 = arith.constant 0 : index
    %get3A_41 = arith.constant 2 : index
    %get3A_42 = arith.constant 0 : index
    %get3A_43 = vector.load %arg25[%get3A_39, %get3A_40, %get3A_41, %get3A_42] : memref<4x34x34x128xf32, #tpu.memory_space<vmem>>, vector<4x34x32x128xf32>
    %swap3A_44 = arith.constant 1 : index
    %swap3A_45 = arith.constant 0 : index
    %swap3A_46 = arith.constant 0 : index
    %swap3A_47 = arith.constant 0 : index
    %swap3A_48 = arith.constant 0 : index
    %swap3A_49 = vector.load %arg27[%swap3A_44, %swap3A_45, %swap3A_46, %swap3A_47, %swap3A_48] : memref<2x4x34x32x128xf32, #tpu.memory_space<vmem>>, vector<1x4x34x32x128xf32>
    %swap3A_50 = vector.shape_cast %swap3A_49 : vector<1x4x34x32x128xf32> to vector<4x34x32x128xf32>
    %swap3A_51 = vector.shape_cast %get3A_43 : vector<4x34x32x128xf32> to vector<1x4x34x32x128xf32>
    tpu.vector_store %arg27[%swap3A_44, %swap3A_45, %swap3A_46, %swap3A_47, %swap3A_48], %swap3A_51 {strides = array<i32>} : memref<2x4x34x32x128xf32, #tpu.memory_space<vmem>>, vector<1x4x34x32x128xf32>,
    %get3A_52 = arith.constant 0 : index
    %get3A_53 = arith.constant 0 : index
    %get3A_54 = arith.constant 0 : index
    %get3A_55 = arith.constant 0 : index
    %get3A_56 = vector.load %arg25[%get3A_52, %get3A_53, %get3A_54, %get3A_55] : memref<4x34x34x128xf32, #tpu.memory_space<vmem>>, vector<4x32x32x128xf32>
    %reshape3A_57 = vector.shape_cast %get3A_56 : vector<4x32x32x128xf32> to vector<4096x128xf32>
    %get3A_58 = arith.constant 0 : index
    %get3A_59 = arith.constant 0 : index
    %get3A_60 = arith.constant 0 : index
    %get3A_61 = vector.load %arg4[%get3A_58, %get3A_59, %get3A_60] : memref<9x128x128xf32, #tpu.memory_space<vmem>>, vector<1x128x128xf32>
    %get3A_62 = vector.shape_cast %get3A_61 : vector<1x128x128xf32> to vector<128x128xf32>
    %dot_general3A_63 = arith.constant dense<0.000000e+00> : vector<4096x128xf32>
    %dot_general3A_64 = tpu.matmul %reshape3A_57, %get3A_62, %dot_general3A_63 {dimension_numbers = #tpu.dot_dimension_numbers<[1], [1], [0], [0], [0, 0, 1, 0], [], []>, transpose_lhs_hint = false} : vector<4096x128xf32>, vector<128x128xf32>, vector<4096x128xf32> -> vector<4096x128xf32>
    %add3A_65 = arith.addf %broadcast_in_dim3A_25, %dot_general3A_64 : vector<4096x128xf32>
    %get3A_66 = arith.constant 0 : index
    %get3A_67 = arith.constant 0 : index
    %get3A_68 = arith.constant 0 : index
    %get3A_69 = arith.constant 0 : index
    %get3A_70 = arith.constant 0 : index
    %get3A_71 = vector.load %arg27[%get3A_66, %get3A_67, %get3A_68, %get3A_69, %get3A_70] : memref<2x4x34x32x128xf32, #tpu.memory_space<vmem>>, vector<1x4x32x32x128xf32>
    %get3A_72 = vector.shape_cast %get3A_71 : vector<1x4x32x32x128xf32> to vector<4x32x32x128xf32>
    %reshape3A_73 = vector.shape_cast %get3A_72 : vector<4x32x32x128xf32> to vector<4096x128xf32>
    %get3A_74 = arith.constant 1 : index
    %get3A_75 = arith.constant 0 : index
    %get3A_76 = arith.constant 0 : index
    %get3A_77 = vector.load %arg4[%get3A_74, %get3A_75, %get3A_76] : memref<9x128x128xf32, #tpu.memory_space<vmem>>, vector<1x128x128xf32>
    %get3A_78 = vector.shape_cast %get3A_77 : vector<1x128x128xf32> to vector<128x128xf32>
    %dot_general3A_79 = arith.constant dense<0.000000e+00> : vector<4096x128xf32>
    %dot_general3A_80 = tpu.matmul %reshape3A_73, %get3A_78, %dot_general3A_79 {dimension_numbers = #tpu.dot_dimension_numbers<[1], [1], [0], [0], [0, 0, 1, 0], [], []>, transpose_lhs_hint = false} : vector<4096x128xf32>, vector<128x128xf32>, vector<4096x128xf32> -> vector<4096x128xf32>
    %add3A_81 = arith.addf %add3A_65, %dot_general3A_80 : vector<4096x128xf32>
    %get3A_82 = arith.constant 1 : index
    %get3A_83 = arith.constant 0 : index
    %get3A_84 = arith.constant 0 : index
    %get3A_85 = arith.constant 0 : index
    %get3A_86 = arith.constant 0 : index
    %get3A_87 = vector.load %arg27[%get3A_82, %get3A_83, %get3A_84, %get3A_85, %get3A_86] : memref<2x4x34x32x128xf32, #tpu.memory_space<vmem>>, vector<1x4x32x32x128xf32>
    %get3A_88 = vector.shape_cast %get3A_87 : vector<1x4x32x32x128xf32> to vector<4x32x32x128xf32>
    %reshape3A_89 = vector.shape_cast %get3A_88 : vector<4x32x32x128xf32> to vector<4096x128xf32>
    %get3A_90 = arith.constant 2 : index
    %get3A_91 = arith.constant 0 : index
    %get3A_92 = arith.constant 0 : index
    %get3A_93 = vector.load %arg4[%get3A_90, %get3A_91, %get3A_92] : memref<9x128x128xf32, #tpu.memory_space<vmem>>, vector<1x128x128xf32>
    %get3A_94 = vector.shape_cast %get3A_93 : vector<1x128x128xf32> to vector<128x128xf32>
    %dot_general3A_95 = arith.constant dense<0.000000e+00> : vector<4096x128xf32>
    %dot_general3A_96 = tpu.matmul %reshape3A_89, %get3A_94, %dot_general3A_95 {dimension_numbers = #tpu.dot_dimension_numbers<[1], [1], [0], [0], [0, 0, 1, 0], [], []>, transpose_lhs_hint = false} : vector<4096x128xf32>, vector<128x128xf32>, vector<4096x128xf32> -> vector<4096x128xf32>
    %add3A_97 = arith.addf %add3A_81, %dot_general3A_96 : vector<4096x128xf32>
    %get3A_98 = arith.constant 0 : index
    %get3A_99 = arith.constant 1 : index
    %get3A_100 = arith.constant 0 : index
    %get3A_101 = arith.constant 0 : index
    %get3A_102 = vector.load %arg25[%get3A_98, %get3A_99, %get3A_100, %get3A_101] : memref<4x34x34x128xf32, #tpu.memory_space<vmem>>, vector<4x32x32x128xf32>
    %reshape3A_103 = vector.shape_cast %get3A_102 : vector<4x32x32x128xf32> to vector<4096x128xf32>
    %get3A_104 = arith.constant 3 : index
    %get3A_105 = arith.constant 0 : index
    %get3A_106 = arith.constant 0 : index
    %get3A_107 = vector.load %arg4[%get3A_104, %get3A_105, %get3A_106] : memref<9x128x128xf32, #tpu.memory_space<vmem>>, vector<1x128x128xf32>
    %get3A_108 = vector.shape_cast %get3A_107 : vector<1x128x128xf32> to vector<128x128xf32>
    %dot_general3A_109 = arith.constant dense<0.000000e+00> : vector<4096x128xf32>
    %dot_general3A_110 = tpu.matmul %reshape3A_103, %get3A_108, %dot_general3A_109 {dimension_numbers = #tpu.dot_dimension_numbers<[1], [1], [0], [0], [0, 0, 1, 0], [], []>, transpose_lhs_hint = false} : vector<4096x128xf32>, vector<128x128xf32>, vector<4096x128xf32> -> vector<4096x128xf32>
    %add3A_111 = arith.addf %add3A_97, %dot_general3A_110 : vector<4096x128xf32>
    %get3A_112 = arith.constant 0 : index
    %get3A_113 = arith.constant 0 : index
    %get3A_114 = arith.constant 1 : index
    %get3A_115 = arith.constant 0 : index
    %get3A_116 = arith.constant 0 : index
    %get3A_117 = vector.load %arg27[%get3A_112, %get3A_113, %get3A_114, %get3A_115, %get3A_116] : memref<2x4x34x32x128xf32, #tpu.memory_space<vmem>>, vector<1x4x32x32x128xf32>
    %get3A_118 = vector.shape_cast %get3A_117 : vector<1x4x32x32x128xf32> to vector<4x32x32x128xf32>
    %reshape3A_119 = vector.shape_cast %get3A_118 : vector<4x32x32x128xf32> to vector<4096x128xf32>
    %get3A_120 = arith.constant 4 : index
    %get3A_121 = arith.constant 0 : index
    %get3A_122 = arith.constant 0 : index
    %get3A_123 = vector.load %arg4[%get3A_120, %get3A_121, %get3A_122] : memref<9x128x128xf32, #tpu.memory_space<vmem>>, vector<1x128x128xf32>
    %get3A_124 = vector.shape_cast %get3A_123 : vector<1x128x128xf32> to vector<128x128xf32>
    %dot_general3A_125 = arith.constant dense<0.000000e+00> : vector<4096x128xf32>
    %dot_general3A_126 = tpu.matmul %reshape3A_119, %get3A_124, %dot_general3A_125 {dimension_numbers = #tpu.dot_dimension_numbers<[1], [1], [0], [0], [0, 0, 1, 0], [], []>, transpose_lhs_hint = false} : vector<4096x128xf32>, vector<128x128xf32>, vector<4096x128xf32> -> vector<4096x128xf32>
    %add3A_127 = arith.addf %add3A_111, %dot_general3A_126 : vector<4096x128xf32>
    %get3A_128 = arith.constant 1 : index
    %get3A_129 = arith.constant 0 : index
    %get3A_130 = arith.constant 1 : index
    %get3A_131 = arith.constant 0 : index
    %get3A_132 = arith.constant 0 : index
    %get3A_133 = vector.load %arg27[%get3A_128, %get3A_129, %get3A_130, %get3A_131, %get3A_132] : memref<2x4x34x32x128xf32, #tpu.memory_space<vmem>>, vector<1x4x32x32x128xf32>
    %get3A_134 = vector.shape_cast %get3A_133 : vector<1x4x32x32x128xf32> to vector<4x32x32x128xf32>
    %reshape3A_135 = vector.shape_cast %get3A_134 : vector<4x32x32x128xf32> to vector<4096x128xf32>
    %get3A_136 = arith.constant 5 : index
    %get3A_137 = arith.constant 0 : index
    %get3A_138 = arith.constant 0 : index
    %get3A_139 = vector.load %arg4[%get3A_136, %get3A_137, %get3A_138] : memref<9x128x128xf32, #tpu.memory_space<vmem>>, vector<1x128x128xf32>
    %get3A_140 = vector.shape_cast %get3A_139 : vector<1x128x128xf32> to vector<128x128xf32>
    %dot_general3A_141 = arith.constant dense<0.000000e+00> : vector<4096x128xf32>
    %dot_general3A_142 = tpu.matmul %reshape3A_135, %get3A_140, %dot_general3A_141 {dimension_numbers = #tpu.dot_dimension_numbers<[1], [1], [0], [0], [0, 0, 1, 0], [], []>, transpose_lhs_hint = false} : vector<4096x128xf32>, vector<128x128xf32>, vector<4096x128xf32> -> vector<4096x128xf32>
    %add3A_143 = arith.addf %add3A_127, %dot_general3A_142 : vector<4096x128xf32>
    %get3A_144 = arith.constant 0 : index
    %get3A_145 = arith.constant 2 : index
    %get3A_146 = arith.constant 0 : index
    %get3A_147 = arith.constant 0 : index
    %get3A_148 = vector.load %arg25[%get3A_144, %get3A_145, %get3A_146, %get3A_147] : memref<4x34x34x128xf32, #tpu.memory_space<vmem>>, vector<4x32x32x128xf32>
    %reshape3A_149 = vector.shape_cast %get3A_148 : vector<4x32x32x128xf32> to vector<4096x128xf32>
    %get3A_150 = arith.constant 6 : index
    %get3A_151 = arith.constant 0 : index
    %get3A_152 = arith.constant 0 : index
    %get3A_153 = vector.load %arg4[%get3A_150, %get3A_151, %get3A_152] : memref<9x128x128xf32, #tpu.memory_space<vmem>>, vector<1x128x128xf32>
    %get3A_154 = vector.shape_cast %get3A_153 : vector<1x128x128xf32> to vector<128x128xf32>
    %dot_general3A_155 = arith.constant dense<0.000000e+00> : vector<4096x128xf32>
    %dot_general3A_156 = tpu.matmul %reshape3A_149, %get3A_154, %dot_general3A_155 {dimension_numbers = #tpu.dot_dimension_numbers<[1], [1], [0], [0], [0, 0, 1, 0], [], []>, transpose_lhs_hint = false} : vector<4096x128xf32>, vector<128x128xf32>, vector<4096x128xf32> -> vector<4096x128xf32>
    %add3A_157 = arith.addf %add3A_143, %dot_general3A_156 : vector<4096x128xf32>
    %get3A_158 = arith.constant 0 : index
    %get3A_159 = arith.constant 0 : index
    %get3A_160 = arith.constant 2 : index
    %get3A_161 = arith.constant 0 : index
    %get3A_162 = arith.constant 0 : index
    %get3A_163 = vector.load %arg27[%get3A_158, %get3A_159, %get3A_160, %get3A_161, %get3A_162] : memref<2x4x34x32x128xf32, #tpu.memory_space<vmem>>, vector<1x4x32x32x128xf32>
    %get3A_164 = vector.shape_cast %get3A_163 : vector<1x4x32x32x128xf32> to vector<4x32x32x128xf32>
    %reshape3A_165 = vector.shape_cast %get3A_164 : vector<4x32x32x128xf32> to vector<4096x128xf32>
    %get3A_166 = arith.constant 7 : index
    %get3A_167 = arith.constant 0 : index
    %get3A_168 = arith.constant 0 : index
    %get3A_169 = vector.load %arg4[%get3A_166, %get3A_167, %get3A_168] : memref<9x128x128xf32, #tpu.memory_space<vmem>>, vector<1x128x128xf32>
    %get3A_170 = vector.shape_cast %get3A_169 : vector<1x128x128xf32> to vector<128x128xf32>
    %dot_general3A_171 = arith.constant dense<0.000000e+00> : vector<4096x128xf32>
    %dot_general3A_172 = tpu.matmul %reshape3A_165, %get3A_170, %dot_general3A_171 {dimension_numbers = #tpu.dot_dimension_numbers<[1], [1], [0], [0], [0, 0, 1, 0], [], []>, transpose_lhs_hint = false} : vector<4096x128xf32>, vector<128x128xf32>, vector<4096x128xf32> -> vector<4096x128xf32>
    %add3A_173 = arith.addf %add3A_157, %dot_general3A_172 : vector<4096x128xf32>
    %get3A_174 = arith.constant 1 : index
    %get3A_175 = arith.constant 0 : index
    %get3A_176 = arith.constant 2 : index
    %get3A_177 = arith.constant 0 : index
    %get3A_178 = arith.constant 0 : index
    %get3A_179 = vector.load %arg27[%get3A_174, %get3A_175, %get3A_176, %get3A_177, %get3A_178] : memref<2x4x34x32x128xf32, #tpu.memory_space<vmem>>, vector<1x4x32x32x128xf32>
    %get3A_180 = vector.shape_cast %get3A_179 : vector<1x4x32x32x128xf32> to vector<4x32x32x128xf32>
    %reshape3A_181 = vector.shape_cast %get3A_180 : vector<4x32x32x128xf32> to vector<4096x128xf32>
    %get3A_182 = arith.constant 8 : index
    %get3A_183 = arith.constant 0 : index
    %get3A_184 = arith.constant 0 : index
    %get3A_185 = vector.load %arg4[%get3A_182, %get3A_183, %get3A_184] : memref<9x128x128xf32, #tpu.memory_space<vmem>>, vector<1x128x128xf32>
    %get3A_186 = vector.shape_cast %get3A_185 : vector<1x128x128xf32> to vector<128x128xf32>
    %dot_general3A_187 = arith.constant dense<0.000000e+00> : vector<4096x128xf32>
    %dot_general3A_188 = tpu.matmul %reshape3A_181, %get3A_186, %dot_general3A_187 {dimension_numbers = #tpu.dot_dimension_numbers<[1], [1], [0], [0], [0, 0, 1, 0], [], []>, transpose_lhs_hint = false} : vector<4096x128xf32>, vector<128x128xf32>, vector<4096x128xf32> -> vector<4096x128xf32>
    %add3A_189 = arith.addf %add3A_173, %dot_general3A_188 : vector<4096x128xf32>
    %get3A_190 = arith.constant 0 : index
    %get3A_191 = arith.constant 0 : index
    %get3A_192 = vector.load %arg5[%get3A_190, %get3A_191] : memref<1x128xf32, #tpu.memory_space<vmem>>, vector<1x128xf32>
    %add3A_193 = vector.broadcast %get3A_192 : vector<1x128xf32> to vector<4096x128xf32>
    %add3A_194 = arith.addf %add3A_189, %add3A_193 : vector<4096x128xf32>
    %max3A_195 = arith.constant 0.000000e+00 : f32
    %max3A_196 = vector.broadcast %max3A_195 : f32 to vector<4096x128xf32>
    %max3A_197 = arith.maximumf %add3A_194, %max3A_196 : vector<4096x128xf32>
    %broadcast_in_dim3A_198 = arith.constant 0.000000e+00 : f32
    %broadcast_in_dim3A_199 = vector.broadcast %broadcast_in_dim3A_198 : f32 to vector<4x34x34x128xf32>
    %swap3A_200 = arith.constant 0 : index
    %swap3A_201 = arith.constant 0 : index
    %swap3A_202 = arith.constant 0 : index
    %swap3A_203 = arith.constant 0 : index
    %swap3A_204 = vector.load %arg29[%swap3A_200, %swap3A_201, %swap3A_202, %swap3A_203] : memref<4x34x34x128xf32, #tpu.memory_space<vmem>>, vector<4x34x34x128xf32>
    tpu.vector_store %arg29[%swap3A_200, %swap3A_201, %swap3A_202, %swap3A_203], %broadcast_in_dim3A_199 {strides = array<i32>} : memref<4x34x34x128xf32, #tpu.memory_space<vmem>>, vector<4x34x34x128xf32>,
    %reshape3A_205 = vector.shape_cast %max3A_197 : vector<4096x128xf32> to vector<4x32x32x128xf32>
    %swap3A_206 = arith.constant 0 : index
    %swap3A_207 = arith.constant 1 : index
    %swap3A_208 = arith.constant 1 : index
    %swap3A_209 = arith.constant 0 : index
    %swap3A_210 = vector.load %arg29[%swap3A_206, %swap3A_207, %swap3A_208, %swap3A_209] : memref<4x34x34x128xf32, #tpu.memory_space<vmem>>, vector<4x32x32x128xf32>
    tpu.vector_store %arg29[%swap3A_206, %swap3A_207, %swap3A_208, %swap3A_209], %reshape3A_205 {strides = array<i32>} : memref<4x34x34x128xf32, #tpu.memory_space<vmem>>, vector<4x32x32x128xf32>,
    %get3A_211 = arith.constant 0 : index
    %get3A_212 = arith.constant 0 : index
    %get3A_213 = arith.constant 1 : index
    %get3A_214 = arith.constant 0 : index
    %get3A_215 = vector.load %arg29[%get3A_211, %get3A_212, %get3A_213, %get3A_214] : memref<4x34x34x128xf32, #tpu.memory_space<vmem>>, vector<4x34x32x128xf32>
    %swap3A_216 = arith.constant 0 : index
    %swap3A_217 = arith.constant 0 : index
    %swap3A_218 = arith.constant 0 : index
    %swap3A_219 = arith.constant 0 : index
    %swap3A_220 = arith.constant 0 : index
    %swap3A_221 = vector.load %arg28[%swap3A_216, %swap3A_217, %swap3A_218, %swap3A_219, %swap3A_220] : memref<2x4x34x32x128xf32, #tpu.memory_space<vmem>>, vector<1x4x34x32x128xf32>
    %swap3A_222 = vector.shape_cast %swap3A_221 : vector<1x4x34x32x128xf32> to vector<4x34x32x128xf32>
    %swap3A_223 = vector.shape_cast %get3A_215 : vector<4x34x32x128xf32> to vector<1x4x34x32x128xf32>
    tpu.vector_store %arg28[%swap3A_216, %swap3A_217, %swap3A_218, %swap3A_219, %swap3A_220], %swap3A_223 {strides = array<i32>} : memref<2x4x34x32x128xf32, #tpu.memory_space<vmem>>, vector<1x4x34x32x128xf32>,
    %get3A_224 = arith.constant 0 : index
    %get3A_225 = arith.constant 0 : index
    %get3A_226 = arith.constant 2 : index
    %get3A_227 = arith.constant 0 : index
    %get3A_228 = vector.load %arg29[%get3A_224, %get3A_225, %get3A_226, %get3A_227] : memref<4x34x34x128xf32, #tpu.memory_space<vmem>>, vector<4x34x32x128xf32>
    %swap3A_229 = arith.constant 1 : index
    %swap3A_230 = arith.constant 0 : index
    %swap3A_231 = arith.constant 0 : index
    %swap3A_232 = arith.constant 0 : index
    %swap3A_233 = arith.constant 0 : index
    %swap3A_234 = vector.load %arg28[%swap3A_229, %swap3A_230, %swap3A_231, %swap3A_232, %swap3A_233] : memref<2x4x34x32x128xf32, #tpu.memory_space<vmem>>, vector<1x4x34x32x128xf32>
    %swap3A_235 = vector.shape_cast %swap3A_234 : vector<1x4x34x32x128xf32> to vector<4x34x32x128xf32>
    %swap3A_236 = vector.shape_cast %get3A_228 : vector<4x34x32x128xf32> to vector<1x4x34x32x128xf32>
    tpu.vector_store %arg28[%swap3A_229, %swap3A_230, %swap3A_231, %swap3A_232, %swap3A_233], %swap3A_236 {strides = array<i32>} : memref<2x4x34x32x128xf32, #tpu.memory_space<vmem>>, vector<1x4x34x32x128xf32>,
    %broadcast_in_dim3A_237 = arith.constant 0.000000e+00 : f32
    %broadcast_in_dim3A_238 = vector.broadcast %broadcast_in_dim3A_237 : f32 to vector<4096x128xf32>
    %get3A_239 = arith.constant 0 : index
    %get3A_240 = arith.constant 0 : index
    %get3A_241 = arith.constant 0 : index
    %get3A_242 = arith.constant 0 : index
    %get3A_243 = vector.load %arg29[%get3A_239, %get3A_240, %get3A_241, %get3A_242] : memref<4x34x34x128xf32, #tpu.memory_space<vmem>>, vector<4x32x32x128xf32>
    %reshape3A_244 = vector.shape_cast %get3A_243 : vector<4x32x32x128xf32> to vector<4096x128xf32>
    %get3A_245 = arith.constant 0 : index
    %get3A_246 = arith.constant 0 : index
    %get3A_247 = arith.constant 0 : index
    %get3A_248 = vector.load %arg6[%get3A_245, %get3A_246, %get3A_247] : memref<9x128x128xf32, #tpu.memory_space<vmem>>, vector<1x128x128xf32>
    %get3A_249 = vector.shape_cast %get3A_248 : vector<1x128x128xf32> to vector<128x128xf32>
    %dot_general3A_250 = arith.constant dense<0.000000e+00> : vector<4096x128xf32>
    %dot_general3A_251 = tpu.matmul %reshape3A_244, %get3A_249, %dot_general3A_250 {dimension_numbers = #tpu.dot_dimension_numbers<[1], [1], [0], [0], [0, 0, 1, 0], [], []>, transpose_lhs_hint = false} : vector<4096x128xf32>, vector<128x128xf32>, vector<4096x128xf32> -> vector<4096x128xf32>
    %add3A_252 = arith.addf %broadcast_in_dim3A_238, %dot_general3A_251 : vector<4096x128xf32>
    %get3A_253 = arith.constant 0 : index
    %get3A_254 = arith.constant 0 : index
    %get3A_255 = arith.constant 0 : index
    %get3A_256 = arith.constant 0 : index
    %get3A_257 = arith.constant 0 : index
    %get3A_258 = vector.load %arg28[%get3A_253, %get3A_254, %get3A_255, %get3A_256, %get3A_257] : memref<2x4x34x32x128xf32, #tpu.memory_space<vmem>>, vector<1x4x32x32x128xf32>
    %get3A_259 = vector.shape_cast %get3A_258 : vector<1x4x32x32x128xf32> to vector<4x32x32x128xf32>
    %reshape3A_260 = vector.shape_cast %get3A_259 : vector<4x32x32x128xf32> to vector<4096x128xf32>
    %get3A_261 = arith.constant 1 : index
    %get3A_262 = arith.constant 0 : index
    %get3A_263 = arith.constant 0 : index
    %get3A_264 = vector.load %arg6[%get3A_261, %get3A_262, %get3A_263] : memref<9x128x128xf32, #tpu.memory_space<vmem>>, vector<1x128x128xf32>
    %get3A_265 = vector.shape_cast %get3A_264 : vector<1x128x128xf32> to vector<128x128xf32>
    %dot_general3A_266 = arith.constant dense<0.000000e+00> : vector<4096x128xf32>
    %dot_general3A_267 = tpu.matmul %reshape3A_260, %get3A_265, %dot_general3A_266 {dimension_numbers = #tpu.dot_dimension_numbers<[1], [1], [0], [0], [0, 0, 1, 0], [], []>, transpose_lhs_hint = false} : vector<4096x128xf32>, vector<128x128xf32>, vector<4096x128xf32> -> vector<4096x128xf32>
    %add3A_268 = arith.addf %add3A_252, %dot_general3A_267 : vector<4096x128xf32>
    %get3A_269 = arith.constant 1 : index
    %get3A_270 = arith.constant 0 : index
    %get3A_271 = arith.constant 0 : index
    %get3A_272 = arith.constant 0 : index
    %get3A_273 = arith.constant 0 : index
    %get3A_274 = vector.load %arg28[%get3A_269, %get3A_270, %get3A_271, %get3A_272, %get3A_273] : memref<2x4x34x32x128xf32, #tpu.memory_space<vmem>>, vector<1x4x32x32x128xf32>
    %get3A_275 = vector.shape_cast %get3A_274 : vector<1x4x32x32x128xf32> to vector<4x32x32x128xf32>
    %reshape3A_276 = vector.shape_cast %get3A_275 : vector<4x32x32x128xf32> to vector<4096x128xf32>
    %get3A_277 = arith.constant 2 : index
    %get3A_278 = arith.constant 0 : index
    %get3A_279 = arith.constant 0 : index
    %get3A_280 = vector.load %arg6[%get3A_277, %get3A_278, %get3A_279] : memref<9x128x128xf32, #tpu.memory_space<vmem>>, vector<1x128x128xf32>
    %get3A_281 = vector.shape_cast %get3A_280 : vector<1x128x128xf32> to vector<128x128xf32>
    %dot_general3A_282 = arith.constant dense<0.000000e+00> : vector<4096x128xf32>
    %dot_general3A_283 = tpu.matmul %reshape3A_276, %get3A_281, %dot_general3A_282 {dimension_numbers = #tpu.dot_dimension_numbers<[1], [1], [0], [0], [0, 0, 1, 0], [], []>, transpose_lhs_hint = false} : vector<4096x128xf32>, vector<128x128xf32>, vector<4096x128xf32> -> vector<4096x128xf32>
    %add3A_284 = arith.addf %add3A_268, %dot_general3A_283 : vector<4096x128xf32>
    %get3A_285 = arith.constant 0 : index
    %get3A_286 = arith.constant 1 : index
    %get3A_287 = arith.constant 0 : index
    %get3A_288 = arith.constant 0 : index
    %get3A_289 = vector.load %arg29[%get3A_285, %get3A_286, %get3A_287, %get3A_288] : memref<4x34x34x128xf32, #tpu.memory_space<vmem>>, vector<4x32x32x128xf32>
    %reshape3A_290 = vector.shape_cast %get3A_289 : vector<4x32x32x128xf32> to vector<4096x128xf32>
    %get3A_291 = arith.constant 3 : index
    %get3A_292 = arith.constant 0 : index
    %get3A_293 = arith.constant 0 : index
    %get3A_294 = vector.load %arg6[%get3A_291, %get3A_292, %get3A_293] : memref<9x128x128xf32, #tpu.memory_space<vmem>>, vector<1x128x128xf32>
    %get3A_295 = vector.shape_cast %get3A_294 : vector<1x128x128xf32> to vector<128x128xf32>
    %dot_general3A_296 = arith.constant dense<0.000000e+00> : vector<4096x128xf32>
    %dot_general3A_297 = tpu.matmul %reshape3A_290, %get3A_295, %dot_general3A_296 {dimension_numbers = #tpu.dot_dimension_numbers<[1], [1], [0], [0], [0, 0, 1, 0], [], []>, transpose_lhs_hint = false} : vector<4096x128xf32>, vector<128x128xf32>, vector<4096x128xf32> -> vector<4096x128xf32>
    %add3A_298 = arith.addf %add3A_284, %dot_general3A_297 : vector<4096x128xf32>
    %get3A_299 = arith.constant 0 : index
    %get3A_300 = arith.constant 0 : index
    %get3A_301 = arith.constant 1 : index
    %get3A_302 = arith.constant 0 : index
    %get3A_303 = arith.constant 0 : index
    %get3A_304 = vector.load %arg28[%get3A_299, %get3A_300, %get3A_301, %get3A_302, %get3A_303] : memref<2x4x34x32x128xf32, #tpu.memory_space<vmem>>, vector<1x4x32x32x128xf32>
    %get3A_305 = vector.shape_cast %get3A_304 : vector<1x4x32x32x128xf32> to vector<4x32x32x128xf32>
    %reshape3A_306 = vector.shape_cast %get3A_305 : vector<4x32x32x128xf32> to vector<4096x128xf32>
    %get3A_307 = arith.constant 4 : index
    %get3A_308 = arith.constant 0 : index
    %get3A_309 = arith.constant 0 : index
    %get3A_310 = vector.load %arg6[%get3A_307, %get3A_308, %get3A_309] : memref<9x128x128xf32, #tpu.memory_space<vmem>>, vector<1x128x128xf32>
    %get3A_311 = vector.shape_cast %get3A_310 : vector<1x128x128xf32> to vector<128x128xf32>
    %dot_general3A_312 = arith.constant dense<0.000000e+00> : vector<4096x128xf32>
    %dot_general3A_313 = tpu.matmul %reshape3A_306, %get3A_311, %dot_general3A_312 {dimension_numbers = #tpu.dot_dimension_numbers<[1], [1], [0], [0], [0, 0, 1, 0], [], []>, transpose_lhs_hint = false} : vector<4096x128xf32>, vector<128x128xf32>, vector<4096x128xf32> -> vector<4096x128xf32>
    %add3A_314 = arith.addf %add3A_298, %dot_general3A_313 : vector<4096x128xf32>
    %get3A_315 = arith.constant 1 : index
    %get3A_316 = arith.constant 0 : index
    %get3A_317 = arith.constant 1 : index
    %get3A_318 = arith.constant 0 : index
    %get3A_319 = arith.constant 0 : index
    %get3A_320 = vector.load %arg28[%get3A_315, %get3A_316, %get3A_317, %get3A_318, %get3A_319] : memref<2x4x34x32x128xf32, #tpu.memory_space<vmem>>, vector<1x4x32x32x128xf32>
    %get3A_321 = vector.shape_cast %get3A_320 : vector<1x4x32x32x128xf32> to vector<4x32x32x128xf32>
    %reshape3A_322 = vector.shape_cast %get3A_321 : vector<4x32x32x128xf32> to vector<4096x128xf32>
    %get3A_323 = arith.constant 5 : index
    %get3A_324 = arith.constant 0 : index
    %get3A_325 = arith.constant 0 : index
    %get3A_326 = vector.load %arg6[%get3A_323, %get3A_324, %get3A_325] : memref<9x128x128xf32, #tpu.memory_space<vmem>>, vector<1x128x128xf32>
    %get3A_327 = vector.shape_cast %get3A_326 : vector<1x128x128xf32> to vector<128x128xf32>
    %dot_general3A_328 = arith.constant dense<0.000000e+00> : vector<4096x128xf32>
    %dot_general3A_329 = tpu.matmul %reshape3A_322, %get3A_327, %dot_general3A_328 {dimension_numbers = #tpu.dot_dimension_numbers<[1], [1], [0], [0], [0, 0, 1, 0], [], []>, transpose_lhs_hint = false} : vector<4096x128xf32>, vector<128x128xf32>, vector<4096x128xf32> -> vector<4096x128xf32>
    %add3A_330 = arith.addf %add3A_314, %dot_general3A_329 : vector<4096x128xf32>
    %get3A_331 = arith.constant 0 : index
    %get3A_332 = arith.constant 2 : index
    %get3A_333 = arith.constant 0 : index
    %get3A_334 = arith.constant 0 : index
    %get3A_335 = vector.load %arg29[%get3A_331, %get3A_332, %get3A_333, %get3A_334] : memref<4x34x34x128xf32, #tpu.memory_space<vmem>>, vector<4x32x32x128xf32>
    %reshape3A_336 = vector.shape_cast %get3A_335 : vector<4x32x32x128xf32> to vector<4096x128xf32>
    %get3A_337 = arith.constant 6 : index
    %get3A_338 = arith.constant 0 : index
    %get3A_339 = arith.constant 0 : index
    %get3A_340 = vector.load %arg6[%get3A_337, %get3A_338, %get3A_339] : memref<9x128x128xf32, #tpu.memory_space<vmem>>, vector<1x128x128xf32>
    %get3A_341 = vector.shape_cast %get3A_340 : vector<1x128x128xf32> to vector<128x128xf32>
    %dot_general3A_342 = arith.constant dense<0.000000e+00> : vector<4096x128xf32>
    %dot_general3A_343 = tpu.matmul %reshape3A_336, %get3A_341, %dot_general3A_342 {dimension_numbers = #tpu.dot_dimension_numbers<[1], [1], [0], [0], [0, 0, 1, 0], [], []>, transpose_lhs_hint = false} : vector<4096x128xf32>, vector<128x128xf32>, vector<4096x128xf32> -> vector<4096x128xf32>
    %add3A_344 = arith.addf %add3A_330, %dot_general3A_343 : vector<4096x128xf32>
    %get3A_345 = arith.constant 0 : index
    %get3A_346 = arith.constant 0 : index
    %get3A_347 = arith.constant 2 : index
    %get3A_348 = arith.constant 0 : index
    %get3A_349 = arith.constant 0 : index
    %get3A_350 = vector.load %arg28[%get3A_345, %get3A_346, %get3A_347, %get3A_348, %get3A_349] : memref<2x4x34x32x128xf32, #tpu.memory_space<vmem>>, vector<1x4x32x32x128xf32>
    %get3A_351 = vector.shape_cast %get3A_350 : vector<1x4x32x32x128xf32> to vector<4x32x32x128xf32>
    %reshape3A_352 = vector.shape_cast %get3A_351 : vector<4x32x32x128xf32> to vector<4096x128xf32>
    %get3A_353 = arith.constant 7 : index
    %get3A_354 = arith.constant 0 : index
    %get3A_355 = arith.constant 0 : index
    %get3A_356 = vector.load %arg6[%get3A_353, %get3A_354, %get3A_355] : memref<9x128x128xf32, #tpu.memory_space<vmem>>, vector<1x128x128xf32>
    %get3A_357 = vector.shape_cast %get3A_356 : vector<1x128x128xf32> to vector<128x128xf32>
    %dot_general3A_358 = arith.constant dense<0.000000e+00> : vector<4096x128xf32>
    %dot_general3A_359 = tpu.matmul %reshape3A_352, %get3A_357, %dot_general3A_358 {dimension_numbers = #tpu.dot_dimension_numbers<[1], [1], [0], [0], [0, 0, 1, 0], [], []>, transpose_lhs_hint = false} : vector<4096x128xf32>, vector<128x128xf32>, vector<4096x128xf32> -> vector<4096x128xf32>
    %add3A_360 = arith.addf %add3A_344, %dot_general3A_359 : vector<4096x128xf32>
    %get3A_361 = arith.constant 1 : index
    %get3A_362 = arith.constant 0 : index
    %get3A_363 = arith.constant 2 : index
    %get3A_364 = arith.constant 0 : index
    %get3A_365 = arith.constant 0 : index
    %get3A_366 = vector.load %arg28[%get3A_361, %get3A_362, %get3A_363, %get3A_364, %get3A_365] : memref<2x4x34x32x128xf32, #tpu.memory_space<vmem>>, vector<1x4x32x32x128xf32>
    %get3A_367 = vector.shape_cast %get3A_366 : vector<1x4x32x32x128xf32> to vector<4x32x32x128xf32>
    %reshape3A_368 = vector.shape_cast %get3A_367 : vector<4x32x32x128xf32> to vector<4096x128xf32>
    %get3A_369 = arith.constant 8 : index
    %get3A_370 = arith.constant 0 : index
    %get3A_371 = arith.constant 0 : index
    %get3A_372 = vector.load %arg6[%get3A_369, %get3A_370, %get3A_371] : memref<9x128x128xf32, #tpu.memory_space<vmem>>, vector<1x128x128xf32>
    %get3A_373 = vector.shape_cast %get3A_372 : vector<1x128x128xf32> to vector<128x128xf32>
    %dot_general3A_374 = arith.constant dense<0.000000e+00> : vector<4096x128xf32>
    %dot_general3A_375 = tpu.matmul %reshape3A_368, %get3A_373, %dot_general3A_374 {dimension_numbers = #tpu.dot_dimension_numbers<[1], [1], [0], [0], [0, 0, 1, 0], [], []>, transpose_lhs_hint = false} : vector<4096x128xf32>, vector<128x128xf32>, vector<4096x128xf32> -> vector<4096x128xf32>
    %add3A_376 = arith.addf %add3A_360, %dot_general3A_375 : vector<4096x128xf32>
    %get3A_377 = arith.constant 0 : index
    %get3A_378 = arith.constant 0 : index
    %get3A_379 = vector.load %arg7[%get3A_377, %get3A_378] : memref<1x128xf32, #tpu.memory_space<vmem>>, vector<1x128xf32>
    %add3A_380 = vector.broadcast %get3A_379 : vector<1x128xf32> to vector<4096x128xf32>
    %add3A_381 = arith.addf %add3A_376, %add3A_380 : vector<4096x128xf32>
    %reshape3A_382 = vector.shape_cast %add3A_381 : vector<4096x128xf32> to vector<4x1024x128xf32>
    %reduce_sum3A = arith.constant dense<0.000000e+00> : vector<4x128xf32>
    %reduce_sum3A_383 = vector.multi_reduction <add>, %reshape3A_382, %reduce_sum3A [1] : vector<4x1024x128xf32> to vector<4x128xf32>
    %div3A = arith.constant 1.024000e+03 : f32
    %div3A_384 = vector.broadcast %div3A : f32 to vector<4x128xf32>
    %div3A_385 = arith.divf %reduce_sum3A_383, %div3A_384 : vector<4x128xf32>
    %get3A_386 = arith.constant 0 : index
    %get3A_387 = arith.constant 0 : index
    %get3A_388 = vector.load %arg8[%get3A_386, %get3A_387] : memref<8x128xf32, #tpu.memory_space<vmem>>, vector<8x128xf32>
    %dot_general3A_389 = arith.constant dense<0.000000e+00> : vector<4x8xf32>
    %dot_general3A_390 = tpu.matmul %div3A_385, %get3A_388, %dot_general3A_389 {dimension_numbers = #tpu.dot_dimension_numbers<[1], [1], [0], [0], [0, 0, 1, 0], [], []>, transpose_lhs_hint = false} : vector<4x128xf32>, vector<8x128xf32>, vector<4x8xf32> -> vector<4x8xf32>
    %max3A_391 = arith.constant 0.000000e+00 : f32
    %max3A_392 = vector.broadcast %max3A_391 : f32 to vector<4x8xf32>
    %max3A_393 = arith.maximumf %dot_general3A_390, %max3A_392 : vector<4x8xf32>
    %get3A_394 = arith.constant 0 : index
    %get3A_395 = arith.constant 0 : index
    %get3A_396 = vector.load %arg9[%get3A_394, %get3A_395] : memref<128x8xf32, #tpu.memory_space<vmem>>, vector<128x8xf32>
    %dot_general3A_397 = arith.constant dense<0.000000e+00> : vector<4x128xf32>
    %dot_general3A_398 = tpu.matmul %max3A_393, %get3A_396, %dot_general3A_397 {dimension_numbers = #tpu.dot_dimension_numbers<[1], [1], [0], [0], [0, 0, 1, 0], [], []>, transpose_lhs_hint = false} : vector<4x8xf32>, vector<128x8xf32>, vector<4x128xf32> -> vector<4x128xf32>
    %logistic3A = arith.negf %dot_general3A_398 : vector<4x128xf32>
    %logistic3A_399 = math.exp %logistic3A : vector<4x128xf32>
    %logistic3A_400 = arith.constant 1.000000e+00 : f32
    %logistic3A_401 = vector.broadcast %logistic3A_400 : f32 to vector<4x128xf32>
    %logistic3A_402 = arith.addf %logistic3A_401, %logistic3A_399 : vector<4x128xf32>
    %logistic3A_403 = arith.divf %logistic3A_401, %logistic3A_402 : vector<4x128xf32>
    %reshape3A_404 = vector.shape_cast %add3A_381 : vector<4096x128xf32> to vector<4x1024x128xf32>
    %broadcast_in_dim3A_405 = vector.shape_cast %logistic3A_403 : vector<4x128xf32> to vector<4x1x128xf32>
    %mul3A = vector.broadcast %broadcast_in_dim3A_405 : vector<4x1x128xf32> to vector<4x1024x128xf32>
    %mul3A_406 = arith.mulf %reshape3A_404, %mul3A : vector<4x1024x128xf32>
    %get3A_407 = arith.constant 0 : index
    %get3A_408 = arith.constant 0 : index
    %get3A_409 = arith.constant 1 : index
    %get3A_410 = arith.constant 0 : index
    %get3A_411 = arith.constant 0 : index
    %get3A_412 = vector.load %arg27[%get3A_407, %get3A_408, %get3A_409, %get3A_410, %get3A_411] : memref<2x4x34x32x128xf32, #tpu.memory_space<vmem>>, vector<1x4x32x32x128xf32>
    %get3A_413 = vector.shape_cast %get3A_412 : vector<1x4x32x32x128xf32> to vector<4x32x32x128xf32>
    %reshape3A_414 = vector.shape_cast %get3A_413 : vector<4x32x32x128xf32> to vector<4x1024x128xf32>
    %add3A_415 = arith.addf %mul3A_406, %reshape3A_414 : vector<4x1024x128xf32>
    %max3A_416 = arith.constant 0.000000e+00 : f32
    %max3A_417 = vector.broadcast %max3A_416 : f32 to vector<4x1024x128xf32>
    %max3A_418 = arith.maximumf %add3A_415, %max3A_417 : vector<4x1024x128xf32>
    %reshape3A_419 = vector.shape_cast %max3A_418 : vector<4x1024x128xf32> to vector<4x32x32x128xf32>
    %broadcast_in_dim3A_420 = arith.constant 0.000000e+00 : f32
    %broadcast_in_dim3A_421 = vector.broadcast %broadcast_in_dim3A_420 : f32 to vector<4x34x34x128xf32>
    %swap3A_422 = arith.constant 0 : index
    %swap3A_423 = arith.constant 0 : index
    %swap3A_424 = arith.constant 0 : index
    %swap3A_425 = arith.constant 0 : index
    %swap3A_426 = vector.load %arg26[%swap3A_422, %swap3A_423, %swap3A_424, %swap3A_425] : memref<4x34x34x128xf32, #tpu.memory_space<vmem>>, vector<4x34x34x128xf32>
    tpu.vector_store %arg26[%swap3A_422, %swap3A_423, %swap3A_424, %swap3A_425], %broadcast_in_dim3A_421 {strides = array<i32>} : memref<4x34x34x128xf32, #tpu.memory_space<vmem>>, vector<4x34x34x128xf32>,
    %swap3A_427 = arith.constant 0 : index
    %swap3A_428 = arith.constant 1 : index
    %swap3A_429 = arith.constant 1 : index
    %swap3A_430 = arith.constant 0 : index
    %swap3A_431 = vector.load %arg26[%swap3A_427, %swap3A_428, %swap3A_429, %swap3A_430] : memref<4x34x34x128xf32, #tpu.memory_space<vmem>>, vector<4x32x32x128xf32>
    tpu.vector_store %arg26[%swap3A_427, %swap3A_428, %swap3A_429, %swap3A_430], %reshape3A_419 {strides = array<i32>} : memref<4x34x34x128xf32, #tpu.memory_space<vmem>>, vector<4x32x32x128xf32>,
    %broadcast_in_dim3A_432 = arith.constant 0.000000e+00 : f32
    %broadcast_in_dim3A_433 = vector.broadcast %broadcast_in_dim3A_432 : f32 to vector<4096x128xf32>
    %get3A_434 = arith.constant 0 : index
    %get3A_435 = arith.constant 0 : index
    %get3A_436 = arith.constant 1 : index
    %get3A_437 = arith.constant 0 : index
    %get3A_438 = vector.load %arg26[%get3A_434, %get3A_435, %get3A_436, %get3A_437] : memref<4x34x34x128xf32, #tpu.memory_space<vmem>>, vector<4x34x32x128xf32>
    %swap3A_439 = arith.constant 0 : index
    %swap3A_440 = arith.constant 0 : index
    %swap3A_441 = arith.constant 0 : index
    %swap3A_442 = arith.constant 0 : index
    %swap3A_443 = arith.constant 0 : index
    %swap3A_444 = vector.load %arg27[%swap3A_439, %swap3A_440, %swap3A_441, %swap3A_442, %swap3A_443] : memref<2x4x34x32x128xf32, #tpu.memory_space<vmem>>, vector<1x4x34x32x128xf32>
    %swap3A_445 = vector.shape_cast %swap3A_444 : vector<1x4x34x32x128xf32> to vector<4x34x32x128xf32>
    %swap3A_446 = vector.shape_cast %get3A_438 : vector<4x34x32x128xf32> to vector<1x4x34x32x128xf32>
    tpu.vector_store %arg27[%swap3A_439, %swap3A_440, %swap3A_441, %swap3A_442, %swap3A_443], %swap3A_446 {strides = array<i32>} : memref<2x4x34x32x128xf32, #tpu.memory_space<vmem>>, vector<1x4x34x32x128xf32>,
    %get3A_447 = arith.constant 0 : index
    %get3A_448 = arith.constant 0 : index
    %get3A_449 = arith.constant 2 : index
    %get3A_450 = arith.constant 0 : index
    %get3A_451 = vector.load %arg26[%get3A_447, %get3A_448, %get3A_449, %get3A_450] : memref<4x34x34x128xf32, #tpu.memory_space<vmem>>, vector<4x34x32x128xf32>
    %swap3A_452 = arith.constant 1 : index
    %swap3A_453 = arith.constant 0 : index
    %swap3A_454 = arith.constant 0 : index
    %swap3A_455 = arith.constant 0 : index
    %swap3A_456 = arith.constant 0 : index
    %swap3A_457 = vector.load %arg27[%swap3A_452, %swap3A_453, %swap3A_454, %swap3A_455, %swap3A_456] : memref<2x4x34x32x128xf32, #tpu.memory_space<vmem>>, vector<1x4x34x32x128xf32>
    %swap3A_458 = vector.shape_cast %swap3A_457 : vector<1x4x34x32x128xf32> to vector<4x34x32x128xf32>
    %swap3A_459 = vector.shape_cast %get3A_451 : vector<4x34x32x128xf32> to vector<1x4x34x32x128xf32>
    tpu.vector_store %arg27[%swap3A_452, %swap3A_453, %swap3A_454, %swap3A_455, %swap3A_456], %swap3A_459 {strides = array<i32>} : memref<2x4x34x32x128xf32, #tpu.memory_space<vmem>>, vector<1x4x34x32x128xf32>,
    %get3A_460 = arith.constant 0 : index
    %get3A_461 = arith.constant 0 : index
    %get3A_462 = arith.constant 0 : index
    %get3A_463 = arith.constant 0 : index
    %get3A_464 = vector.load %arg26[%get3A_460, %get3A_461, %get3A_462, %get3A_463] : memref<4x34x34x128xf32, #tpu.memory_space<vmem>>, vector<4x32x32x128xf32>
    %reshape3A_465 = vector.shape_cast %get3A_464 : vector<4x32x32x128xf32> to vector<4096x128xf32>
    %get3A_466 = arith.constant 0 : index
    %get3A_467 = arith.constant 0 : index
    %get3A_468 = arith.constant 0 : index
    %get3A_469 = vector.load %arg10[%get3A_466, %get3A_467, %get3A_468] : memref<9x128x128xf32, #tpu.memory_space<vmem>>, vector<1x128x128xf32>
    %get3A_470 = vector.shape_cast %get3A_469 : vector<1x128x128xf32> to vector<128x128xf32>
    %dot_general3A_471 = arith.constant dense<0.000000e+00> : vector<4096x128xf32>
    %dot_general3A_472 = tpu.matmul %reshape3A_465, %get3A_470, %dot_general3A_471 {dimension_numbers = #tpu.dot_dimension_numbers<[1], [1], [0], [0], [0, 0, 1, 0], [], []>, transpose_lhs_hint = false} : vector<4096x128xf32>, vector<128x128xf32>, vector<4096x128xf32> -> vector<4096x128xf32>
    %add3A_473 = arith.addf %broadcast_in_dim3A_433, %dot_general3A_472 : vector<4096x128xf32>
    %get3A_474 = arith.constant 0 : index
    %get3A_475 = arith.constant 0 : index
    %get3A_476 = arith.constant 0 : index
    %get3A_477 = arith.constant 0 : index
    %get3A_478 = arith.constant 0 : index
    %get3A_479 = vector.load %arg27[%get3A_474, %get3A_475, %get3A_476, %get3A_477, %get3A_478] : memref<2x4x34x32x128xf32, #tpu.memory_space<vmem>>, vector<1x4x32x32x128xf32>
    %get3A_480 = vector.shape_cast %get3A_479 : vector<1x4x32x32x128xf32> to vector<4x32x32x128xf32>
    %reshape3A_481 = vector.shape_cast %get3A_480 : vector<4x32x32x128xf32> to vector<4096x128xf32>
    %get3A_482 = arith.constant 1 : index
    %get3A_483 = arith.constant 0 : index
    %get3A_484 = arith.constant 0 : index
    %get3A_485 = vector.load %arg10[%get3A_482, %get3A_483, %get3A_484] : memref<9x128x128xf32, #tpu.memory_space<vmem>>, vector<1x128x128xf32>
    %get3A_486 = vector.shape_cast %get3A_485 : vector<1x128x128xf32> to vector<128x128xf32>
    %dot_general3A_487 = arith.constant dense<0.000000e+00> : vector<4096x128xf32>
    %dot_general3A_488 = tpu.matmul %reshape3A_481, %get3A_486, %dot_general3A_487 {dimension_numbers = #tpu.dot_dimension_numbers<[1], [1], [0], [0], [0, 0, 1, 0], [], []>, transpose_lhs_hint = false} : vector<4096x128xf32>, vector<128x128xf32>, vector<4096x128xf32> -> vector<4096x128xf32>
    %add3A_489 = arith.addf %add3A_473, %dot_general3A_488 : vector<4096x128xf32>
    %get3A_490 = arith.constant 1 : index
    %get3A_491 = arith.constant 0 : index
    %get3A_492 = arith.constant 0 : index
    %get3A_493 = arith.constant 0 : index
    %get3A_494 = arith.constant 0 : index
    %get3A_495 = vector.load %arg27[%get3A_490, %get3A_491, %get3A_492, %get3A_493, %get3A_494] : memref<2x4x34x32x128xf32, #tpu.memory_space<vmem>>, vector<1x4x32x32x128xf32>
    %get3A_496 = vector.shape_cast %get3A_495 : vector<1x4x32x32x128xf32> to vector<4x32x32x128xf32>
    %reshape3A_497 = vector.shape_cast %get3A_496 : vector<4x32x32x128xf32> to vector<4096x128xf32>
    %get3A_498 = arith.constant 2 : index
    %get3A_499 = arith.constant 0 : index
    %get3A_500 = arith.constant 0 : index
    %get3A_501 = vector.load %arg10[%get3A_498, %get3A_499, %get3A_500] : memref<9x128x128xf32, #tpu.memory_space<vmem>>, vector<1x128x128xf32>
    %get3A_502 = vector.shape_cast %get3A_501 : vector<1x128x128xf32> to vector<128x128xf32>
    %dot_general3A_503 = arith.constant dense<0.000000e+00> : vector<4096x128xf32>
    %dot_general3A_504 = tpu.matmul %reshape3A_497, %get3A_502, %dot_general3A_503 {dimension_numbers = #tpu.dot_dimension_numbers<[1], [1], [0], [0], [0, 0, 1, 0], [], []>, transpose_lhs_hint = false} : vector<4096x128xf32>, vector<128x128xf32>, vector<4096x128xf32> -> vector<4096x128xf32>
    %add3A_505 = arith.addf %add3A_489, %dot_general3A_504 : vector<4096x128xf32>
    %get3A_506 = arith.constant 0 : index
    %get3A_507 = arith.constant 1 : index
    %get3A_508 = arith.constant 0 : index
    %get3A_509 = arith.constant 0 : index
    %get3A_510 = vector.load %arg26[%get3A_506, %get3A_507, %get3A_508, %get3A_509] : memref<4x34x34x128xf32, #tpu.memory_space<vmem>>, vector<4x32x32x128xf32>
    %reshape3A_511 = vector.shape_cast %get3A_510 : vector<4x32x32x128xf32> to vector<4096x128xf32>
    %get3A_512 = arith.constant 3 : index
    %get3A_513 = arith.constant 0 : index
    %get3A_514 = arith.constant 0 : index
    %get3A_515 = vector.load %arg10[%get3A_512, %get3A_513, %get3A_514] : memref<9x128x128xf32, #tpu.memory_space<vmem>>, vector<1x128x128xf32>
    %get3A_516 = vector.shape_cast %get3A_515 : vector<1x128x128xf32> to vector<128x128xf32>
    %dot_general3A_517 = arith.constant dense<0.000000e+00> : vector<4096x128xf32>
    %dot_general3A_518 = tpu.matmul %reshape3A_511, %get3A_516, %dot_general3A_517 {dimension_numbers = #tpu.dot_dimension_numbers<[1], [1], [0], [0], [0, 0, 1, 0], [], []>, transpose_lhs_hint = false} : vector<4096x128xf32>, vector<128x128xf32>, vector<4096x128xf32> -> vector<4096x128xf32>
    %add3A_519 = arith.addf %add3A_505, %dot_general3A_518 : vector<4096x128xf32>
    %get3A_520 = arith.constant 0 : index
    %get3A_521 = arith.constant 0 : index
    %get3A_522 = arith.constant 1 : index
    %get3A_523 = arith.constant 0 : index
    %get3A_524 = arith.constant 0 : index
    %get3A_525 = vector.load %arg27[%get3A_520, %get3A_521, %get3A_522, %get3A_523, %get3A_524] : memref<2x4x34x32x128xf32, #tpu.memory_space<vmem>>, vector<1x4x32x32x128xf32>
    %get3A_526 = vector.shape_cast %get3A_525 : vector<1x4x32x32x128xf32> to vector<4x32x32x128xf32>
    %reshape3A_527 = vector.shape_cast %get3A_526 : vector<4x32x32x128xf32> to vector<4096x128xf32>
    %get3A_528 = arith.constant 4 : index
    %get3A_529 = arith.constant 0 : index
    %get3A_530 = arith.constant 0 : index
    %get3A_531 = vector.load %arg10[%get3A_528, %get3A_529, %get3A_530] : memref<9x128x128xf32, #tpu.memory_space<vmem>>, vector<1x128x128xf32>
    %get3A_532 = vector.shape_cast %get3A_531 : vector<1x128x128xf32> to vector<128x128xf32>
    %dot_general3A_533 = arith.constant dense<0.000000e+00> : vector<4096x128xf32>
    %dot_general3A_534 = tpu.matmul %reshape3A_527, %get3A_532, %dot_general3A_533 {dimension_numbers = #tpu.dot_dimension_numbers<[1], [1], [0], [0], [0, 0, 1, 0], [], []>, transpose_lhs_hint = false} : vector<4096x128xf32>, vector<128x128xf32>, vector<4096x128xf32> -> vector<4096x128xf32>
    %add3A_535 = arith.addf %add3A_519, %dot_general3A_534 : vector<4096x128xf32>
    %get3A_536 = arith.constant 1 : index
    %get3A_537 = arith.constant 0 : index
    %get3A_538 = arith.constant 1 : index
    %get3A_539 = arith.constant 0 : index
    %get3A_540 = arith.constant 0 : index
    %get3A_541 = vector.load %arg27[%get3A_536, %get3A_537, %get3A_538, %get3A_539, %get3A_540] : memref<2x4x34x32x128xf32, #tpu.memory_space<vmem>>, vector<1x4x32x32x128xf32>
    %get3A_542 = vector.shape_cast %get3A_541 : vector<1x4x32x32x128xf32> to vector<4x32x32x128xf32>
    %reshape3A_543 = vector.shape_cast %get3A_542 : vector<4x32x32x128xf32> to vector<4096x128xf32>
    %get3A_544 = arith.constant 5 : index
    %get3A_545 = arith.constant 0 : index
    %get3A_546 = arith.constant 0 : index
    %get3A_547 = vector.load %arg10[%get3A_544, %get3A_545, %get3A_546] : memref<9x128x128xf32, #tpu.memory_space<vmem>>, vector<1x128x128xf32>
    %get3A_548 = vector.shape_cast %get3A_547 : vector<1x128x128xf32> to vector<128x128xf32>
    %dot_general3A_549 = arith.constant dense<0.000000e+00> : vector<4096x128xf32>
    %dot_general3A_550 = tpu.matmul %reshape3A_543, %get3A_548, %dot_general3A_549 {dimension_numbers = #tpu.dot_dimension_numbers<[1], [1], [0], [0], [0, 0, 1, 0], [], []>, transpose_lhs_hint = false} : vector<4096x128xf32>, vector<128x128xf32>, vector<4096x128xf32> -> vector<4096x128xf32>
    %add3A_551 = arith.addf %add3A_535, %dot_general3A_550 : vector<4096x128xf32>
    %get3A_552 = arith.constant 0 : index
    %get3A_553 = arith.constant 2 : index
    %get3A_554 = arith.constant 0 : index
    %get3A_555 = arith.constant 0 : index
    %get3A_556 = vector.load %arg26[%get3A_552, %get3A_553, %get3A_554, %get3A_555] : memref<4x34x34x128xf32, #tpu.memory_space<vmem>>, vector<4x32x32x128xf32>
    %reshape3A_557 = vector.shape_cast %get3A_556 : vector<4x32x32x128xf32> to vector<4096x128xf32>
    %get3A_558 = arith.constant 6 : index
    %get3A_559 = arith.constant 0 : index
    %get3A_560 = arith.constant 0 : index
    %get3A_561 = vector.load %arg10[%get3A_558, %get3A_559, %get3A_560] : memref<9x128x128xf32, #tpu.memory_space<vmem>>, vector<1x128x128xf32>
    %get3A_562 = vector.shape_cast %get3A_561 : vector<1x128x128xf32> to vector<128x128xf32>
    %dot_general3A_563 = arith.constant dense<0.000000e+00> : vector<4096x128xf32>
    %dot_general3A_564 = tpu.matmul %reshape3A_557, %get3A_562, %dot_general3A_563 {dimension_numbers = #tpu.dot_dimension_numbers<[1], [1], [0], [0], [0, 0, 1, 0], [], []>, transpose_lhs_hint = false} : vector<4096x128xf32>, vector<128x128xf32>, vector<4096x128xf32> -> vector<4096x128xf32>
    %add3A_565 = arith.addf %add3A_551, %dot_general3A_564 : vector<4096x128xf32>
    %get3A_566 = arith.constant 0 : index
    %get3A_567 = arith.constant 0 : index
    %get3A_568 = arith.constant 2 : index
    %get3A_569 = arith.constant 0 : index
    %get3A_570 = arith.constant 0 : index
    %get3A_571 = vector.load %arg27[%get3A_566, %get3A_567, %get3A_568, %get3A_569, %get3A_570] : memref<2x4x34x32x128xf32, #tpu.memory_space<vmem>>, vector<1x4x32x32x128xf32>
    %get3A_572 = vector.shape_cast %get3A_571 : vector<1x4x32x32x128xf32> to vector<4x32x32x128xf32>
    %reshape3A_573 = vector.shape_cast %get3A_572 : vector<4x32x32x128xf32> to vector<4096x128xf32>
    %get3A_574 = arith.constant 7 : index
    %get3A_575 = arith.constant 0 : index
    %get3A_576 = arith.constant 0 : index
    %get3A_577 = vector.load %arg10[%get3A_574, %get3A_575, %get3A_576] : memref<9x128x128xf32, #tpu.memory_space<vmem>>, vector<1x128x128xf32>
    %get3A_578 = vector.shape_cast %get3A_577 : vector<1x128x128xf32> to vector<128x128xf32>
    %dot_general3A_579 = arith.constant dense<0.000000e+00> : vector<4096x128xf32>
    %dot_general3A_580 = tpu.matmul %reshape3A_573, %get3A_578, %dot_general3A_579 {dimension_numbers = #tpu.dot_dimension_numbers<[1], [1], [0], [0], [0, 0, 1, 0], [], []>, transpose_lhs_hint = false} : vector<4096x128xf32>, vector<128x128xf32>, vector<4096x128xf32> -> vector<4096x128xf32>
    %add3A_581 = arith.addf %add3A_565, %dot_general3A_580 : vector<4096x128xf32>
    %get3A_582 = arith.constant 1 : index
    %get3A_583 = arith.constant 0 : index
    %get3A_584 = arith.constant 2 : index
    %get3A_585 = arith.constant 0 : index
    %get3A_586 = arith.constant 0 : index
    %get3A_587 = vector.load %arg27[%get3A_582, %get3A_583, %get3A_584, %get3A_585, %get3A_586] : memref<2x4x34x32x128xf32, #tpu.memory_space<vmem>>, vector<1x4x32x32x128xf32>
    %get3A_588 = vector.shape_cast %get3A_587 : vector<1x4x32x32x128xf32> to vector<4x32x32x128xf32>
    %reshape3A_589 = vector.shape_cast %get3A_588 : vector<4x32x32x128xf32> to vector<4096x128xf32>
    %get3A_590 = arith.constant 8 : index
    %get3A_591 = arith.constant 0 : index
    %get3A_592 = arith.constant 0 : index
    %get3A_593 = vector.load %arg10[%get3A_590, %get3A_591, %get3A_592] : memref<9x128x128xf32, #tpu.memory_space<vmem>>, vector<1x128x128xf32>
    %get3A_594 = vector.shape_cast %get3A_593 : vector<1x128x128xf32> to vector<128x128xf32>
    %dot_general3A_595 = arith.constant dense<0.000000e+00> : vector<4096x128xf32>
    %dot_general3A_596 = tpu.matmul %reshape3A_589, %get3A_594, %dot_general3A_595 {dimension_numbers = #tpu.dot_dimension_numbers<[1], [1], [0], [0], [0, 0, 1, 0], [], []>, transpose_lhs_hint = false} : vector<4096x128xf32>, vector<128x128xf32>, vector<4096x128xf32> -> vector<4096x128xf32>
    %add3A_597 = arith.addf %add3A_581, %dot_general3A_596 : vector<4096x128xf32>
    %get3A_598 = arith.constant 0 : index
    %get3A_599 = arith.constant 0 : index
    %get3A_600 = vector.load %arg11[%get3A_598, %get3A_599] : memref<1x128xf32, #tpu.memory_space<vmem>>, vector<1x128xf32>
    %add3A_601 = vector.broadcast %get3A_600 : vector<1x128xf32> to vector<4096x128xf32>
    %add3A_602 = arith.addf %add3A_597, %add3A_601 : vector<4096x128xf32>
    %max3A_603 = arith.constant 0.000000e+00 : f32
    %max3A_604 = vector.broadcast %max3A_603 : f32 to vector<4096x128xf32>
    %max3A_605 = arith.maximumf %add3A_602, %max3A_604 : vector<4096x128xf32>
    %broadcast_in_dim3A_606 = arith.constant 0.000000e+00 : f32
    %broadcast_in_dim3A_607 = vector.broadcast %broadcast_in_dim3A_606 : f32 to vector<4x34x34x128xf32>
    %swap3A_608 = arith.constant 0 : index
    %swap3A_609 = arith.constant 0 : index
    %swap3A_610 = arith.constant 0 : index
    %swap3A_611 = arith.constant 0 : index
    %swap3A_612 = vector.load %arg29[%swap3A_608, %swap3A_609, %swap3A_610, %swap3A_611] : memref<4x34x34x128xf32, #tpu.memory_space<vmem>>, vector<4x34x34x128xf32>
    tpu.vector_store %arg29[%swap3A_608, %swap3A_609, %swap3A_610, %swap3A_611], %broadcast_in_dim3A_607 {strides = array<i32>} : memref<4x34x34x128xf32, #tpu.memory_space<vmem>>, vector<4x34x34x128xf32>,
    %reshape3A_613 = vector.shape_cast %max3A_605 : vector<4096x128xf32> to vector<4x32x32x128xf32>
    %swap3A_614 = arith.constant 0 : index
    %swap3A_615 = arith.constant 1 : index
    %swap3A_616 = arith.constant 1 : index
    %swap3A_617 = arith.constant 0 : index
    %swap3A_618 = vector.load %arg29[%swap3A_614, %swap3A_615, %swap3A_616, %swap3A_617] : memref<4x34x34x128xf32, #tpu.memory_space<vmem>>, vector<4x32x32x128xf32>
    tpu.vector_store %arg29[%swap3A_614, %swap3A_615, %swap3A_616, %swap3A_617], %reshape3A_613 {strides = array<i32>} : memref<4x34x34x128xf32, #tpu.memory_space<vmem>>, vector<4x32x32x128xf32>,
    %get3A_619 = arith.constant 0 : index
    %get3A_620 = arith.constant 0 : index
    %get3A_621 = arith.constant 1 : index
    %get3A_622 = arith.constant 0 : index
    %get3A_623 = vector.load %arg29[%get3A_619, %get3A_620, %get3A_621, %get3A_622] : memref<4x34x34x128xf32, #tpu.memory_space<vmem>>, vector<4x34x32x128xf32>
    %swap3A_624 = arith.constant 0 : index
    %swap3A_625 = arith.constant 0 : index
    %swap3A_626 = arith.constant 0 : index
    %swap3A_627 = arith.constant 0 : index
    %swap3A_628 = arith.constant 0 : index
    %swap3A_629 = vector.load %arg28[%swap3A_624, %swap3A_625, %swap3A_626, %swap3A_627, %swap3A_628] : memref<2x4x34x32x128xf32, #tpu.memory_space<vmem>>, vector<1x4x34x32x128xf32>
    %swap3A_630 = vector.shape_cast %swap3A_629 : vector<1x4x34x32x128xf32> to vector<4x34x32x128xf32>
    %swap3A_631 = vector.shape_cast %get3A_623 : vector<4x34x32x128xf32> to vector<1x4x34x32x128xf32>
    tpu.vector_store %arg28[%swap3A_624, %swap3A_625, %swap3A_626, %swap3A_627, %swap3A_628], %swap3A_631 {strides = array<i32>} : memref<2x4x34x32x128xf32, #tpu.memory_space<vmem>>, vector<1x4x34x32x128xf32>,
    %get3A_632 = arith.constant 0 : index
    %get3A_633 = arith.constant 0 : index
    %get3A_634 = arith.constant 2 : index
    %get3A_635 = arith.constant 0 : index
    %get3A_636 = vector.load %arg29[%get3A_632, %get3A_633, %get3A_634, %get3A_635] : memref<4x34x34x128xf32, #tpu.memory_space<vmem>>, vector<4x34x32x128xf32>
    %swap3A_637 = arith.constant 1 : index
    %swap3A_638 = arith.constant 0 : index
    %swap3A_639 = arith.constant 0 : index
    %swap3A_640 = arith.constant 0 : index
    %swap3A_641 = arith.constant 0 : index
    %swap3A_642 = vector.load %arg28[%swap3A_637, %swap3A_638, %swap3A_639, %swap3A_640, %swap3A_641] : memref<2x4x34x32x128xf32, #tpu.memory_space<vmem>>, vector<1x4x34x32x128xf32>
    %swap3A_643 = vector.shape_cast %swap3A_642 : vector<1x4x34x32x128xf32> to vector<4x34x32x128xf32>
    %swap3A_644 = vector.shape_cast %get3A_636 : vector<4x34x32x128xf32> to vector<1x4x34x32x128xf32>
    tpu.vector_store %arg28[%swap3A_637, %swap3A_638, %swap3A_639, %swap3A_640, %swap3A_641], %swap3A_644 {strides = array<i32>} : memref<2x4x34x32x128xf32, #tpu.memory_space<vmem>>, vector<1x4x34x32x128xf32>,
    %broadcast_in_dim3A_645 = arith.constant 0.000000e+00 : f32
    %broadcast_in_dim3A_646 = vector.broadcast %broadcast_in_dim3A_645 : f32 to vector<4096x128xf32>
    %get3A_647 = arith.constant 0 : index
    %get3A_648 = arith.constant 0 : index
    %get3A_649 = arith.constant 0 : index
    %get3A_650 = arith.constant 0 : index
    %get3A_651 = vector.load %arg29[%get3A_647, %get3A_648, %get3A_649, %get3A_650] : memref<4x34x34x128xf32, #tpu.memory_space<vmem>>, vector<4x32x32x128xf32>
    %reshape3A_652 = vector.shape_cast %get3A_651 : vector<4x32x32x128xf32> to vector<4096x128xf32>
    %get3A_653 = arith.constant 0 : index
    %get3A_654 = arith.constant 0 : index
    %get3A_655 = arith.constant 0 : index
    %get3A_656 = vector.load %arg12[%get3A_653, %get3A_654, %get3A_655] : memref<9x128x128xf32, #tpu.memory_space<vmem>>, vector<1x128x128xf32>
    %get3A_657 = vector.shape_cast %get3A_656 : vector<1x128x128xf32> to vector<128x128xf32>
    %dot_general3A_658 = arith.constant dense<0.000000e+00> : vector<4096x128xf32>
    %dot_general3A_659 = tpu.matmul %reshape3A_652, %get3A_657, %dot_general3A_658 {dimension_numbers = #tpu.dot_dimension_numbers<[1], [1], [0], [0], [0, 0, 1, 0], [], []>, transpose_lhs_hint = false} : vector<4096x128xf32>, vector<128x128xf32>, vector<4096x128xf32> -> vector<4096x128xf32>
    %add3A_660 = arith.addf %broadcast_in_dim3A_646, %dot_general3A_659 : vector<4096x128xf32>
    %get3A_661 = arith.constant 0 : index
    %get3A_662 = arith.constant 0 : index
    %get3A_663 = arith.constant 0 : index
    %get3A_664 = arith.constant 0 : index
    %get3A_665 = arith.constant 0 : index
    %get3A_666 = vector.load %arg28[%get3A_661, %get3A_662, %get3A_663, %get3A_664, %get3A_665] : memref<2x4x34x32x128xf32, #tpu.memory_space<vmem>>, vector<1x4x32x32x128xf32>
    %get3A_667 = vector.shape_cast %get3A_666 : vector<1x4x32x32x128xf32> to vector<4x32x32x128xf32>
    %reshape3A_668 = vector.shape_cast %get3A_667 : vector<4x32x32x128xf32> to vector<4096x128xf32>
    %get3A_669 = arith.constant 1 : index
    %get3A_670 = arith.constant 0 : index
    %get3A_671 = arith.constant 0 : index
    %get3A_672 = vector.load %arg12[%get3A_669, %get3A_670, %get3A_671] : memref<9x128x128xf32, #tpu.memory_space<vmem>>, vector<1x128x128xf32>
    %get3A_673 = vector.shape_cast %get3A_672 : vector<1x128x128xf32> to vector<128x128xf32>
    %dot_general3A_674 = arith.constant dense<0.000000e+00> : vector<4096x128xf32>
    %dot_general3A_675 = tpu.matmul %reshape3A_668, %get3A_673, %dot_general3A_674 {dimension_numbers = #tpu.dot_dimension_numbers<[1], [1], [0], [0], [0, 0, 1, 0], [], []>, transpose_lhs_hint = false} : vector<4096x128xf32>, vector<128x128xf32>, vector<4096x128xf32> -> vector<4096x128xf32>
    %add3A_676 = arith.addf %add3A_660, %dot_general3A_675 : vector<4096x128xf32>
    %get3A_677 = arith.constant 1 : index
    %get3A_678 = arith.constant 0 : index
    %get3A_679 = arith.constant 0 : index
    %get3A_680 = arith.constant 0 : index
    %get3A_681 = arith.constant 0 : index
    %get3A_682 = vector.load %arg28[%get3A_677, %get3A_678, %get3A_679, %get3A_680, %get3A_681] : memref<2x4x34x32x128xf32, #tpu.memory_space<vmem>>, vector<1x4x32x32x128xf32>
    %get3A_683 = vector.shape_cast %get3A_682 : vector<1x4x32x32x128xf32> to vector<4x32x32x128xf32>
    %reshape3A_684 = vector.shape_cast %get3A_683 : vector<4x32x32x128xf32> to vector<4096x128xf32>
    %get3A_685 = arith.constant 2 : index
    %get3A_686 = arith.constant 0 : index
    %get3A_687 = arith.constant 0 : index
    %get3A_688 = vector.load %arg12[%get3A_685, %get3A_686, %get3A_687] : memref<9x128x128xf32, #tpu.memory_space<vmem>>, vector<1x128x128xf32>
    %get3A_689 = vector.shape_cast %get3A_688 : vector<1x128x128xf32> to vector<128x128xf32>
    %dot_general3A_690 = arith.constant dense<0.000000e+00> : vector<4096x128xf32>
    %dot_general3A_691 = tpu.matmul %reshape3A_684, %get3A_689, %dot_general3A_690 {dimension_numbers = #tpu.dot_dimension_numbers<[1], [1], [0], [0], [0, 0, 1, 0], [], []>, transpose_lhs_hint = false} : vector<4096x128xf32>, vector<128x128xf32>, vector<4096x128xf32> -> vector<4096x128xf32>
    %add3A_692 = arith.addf %add3A_676, %dot_general3A_691 : vector<4096x128xf32>
    %get3A_693 = arith.constant 0 : index
    %get3A_694 = arith.constant 1 : index
    %get3A_695 = arith.constant 0 : index
    %get3A_696 = arith.constant 0 : index
    %get3A_697 = vector.load %arg29[%get3A_693, %get3A_694, %get3A_695, %get3A_696] : memref<4x34x34x128xf32, #tpu.memory_space<vmem>>, vector<4x32x32x128xf32>
    %reshape3A_698 = vector.shape_cast %get3A_697 : vector<4x32x32x128xf32> to vector<4096x128xf32>
    %get3A_699 = arith.constant 3 : index
    %get3A_700 = arith.constant 0 : index
    %get3A_701 = arith.constant 0 : index
    %get3A_702 = vector.load %arg12[%get3A_699, %get3A_700, %get3A_701] : memref<9x128x128xf32, #tpu.memory_space<vmem>>, vector<1x128x128xf32>
    %get3A_703 = vector.shape_cast %get3A_702 : vector<1x128x128xf32> to vector<128x128xf32>
    %dot_general3A_704 = arith.constant dense<0.000000e+00> : vector<4096x128xf32>
    %dot_general3A_705 = tpu.matmul %reshape3A_698, %get3A_703, %dot_general3A_704 {dimension_numbers = #tpu.dot_dimension_numbers<[1], [1], [0], [0], [0, 0, 1, 0], [], []>, transpose_lhs_hint = false} : vector<4096x128xf32>, vector<128x128xf32>, vector<4096x128xf32> -> vector<4096x128xf32>
    %add3A_706 = arith.addf %add3A_692, %dot_general3A_705 : vector<4096x128xf32>
    %get3A_707 = arith.constant 0 : index
    %get3A_708 = arith.constant 0 : index
    %get3A_709 = arith.constant 1 : index
    %get3A_710 = arith.constant 0 : index
    %get3A_711 = arith.constant 0 : index
    %get3A_712 = vector.load %arg28[%get3A_707, %get3A_708, %get3A_709, %get3A_710, %get3A_711] : memref<2x4x34x32x128xf32, #tpu.memory_space<vmem>>, vector<1x4x32x32x128xf32>
    %get3A_713 = vector.shape_cast %get3A_712 : vector<1x4x32x32x128xf32> to vector<4x32x32x128xf32>
    %reshape3A_714 = vector.shape_cast %get3A_713 : vector<4x32x32x128xf32> to vector<4096x128xf32>
    %get3A_715 = arith.constant 4 : index
    %get3A_716 = arith.constant 0 : index
    %get3A_717 = arith.constant 0 : index
    %get3A_718 = vector.load %arg12[%get3A_715, %get3A_716, %get3A_717] : memref<9x128x128xf32, #tpu.memory_space<vmem>>, vector<1x128x128xf32>
    %get3A_719 = vector.shape_cast %get3A_718 : vector<1x128x128xf32> to vector<128x128xf32>
    %dot_general3A_720 = arith.constant dense<0.000000e+00> : vector<4096x128xf32>
    %dot_general3A_721 = tpu.matmul %reshape3A_714, %get3A_719, %dot_general3A_720 {dimension_numbers = #tpu.dot_dimension_numbers<[1], [1], [0], [0], [0, 0, 1, 0], [], []>, transpose_lhs_hint = false} : vector<4096x128xf32>, vector<128x128xf32>, vector<4096x128xf32> -> vector<4096x128xf32>
    %add3A_722 = arith.addf %add3A_706, %dot_general3A_721 : vector<4096x128xf32>
    %get3A_723 = arith.constant 1 : index
    %get3A_724 = arith.constant 0 : index
    %get3A_725 = arith.constant 1 : index
    %get3A_726 = arith.constant 0 : index
    %get3A_727 = arith.constant 0 : index
    %get3A_728 = vector.load %arg28[%get3A_723, %get3A_724, %get3A_725, %get3A_726, %get3A_727] : memref<2x4x34x32x128xf32, #tpu.memory_space<vmem>>, vector<1x4x32x32x128xf32>
    %get3A_729 = vector.shape_cast %get3A_728 : vector<1x4x32x32x128xf32> to vector<4x32x32x128xf32>
    %reshape3A_730 = vector.shape_cast %get3A_729 : vector<4x32x32x128xf32> to vector<4096x128xf32>
    %get3A_731 = arith.constant 5 : index
    %get3A_732 = arith.constant 0 : index
    %get3A_733 = arith.constant 0 : index
    %get3A_734 = vector.load %arg12[%get3A_731, %get3A_732, %get3A_733] : memref<9x128x128xf32, #tpu.memory_space<vmem>>, vector<1x128x128xf32>
    %get3A_735 = vector.shape_cast %get3A_734 : vector<1x128x128xf32> to vector<128x128xf32>
    %dot_general3A_736 = arith.constant dense<0.000000e+00> : vector<4096x128xf32>
    %dot_general3A_737 = tpu.matmul %reshape3A_730, %get3A_735, %dot_general3A_736 {dimension_numbers = #tpu.dot_dimension_numbers<[1], [1], [0], [0], [0, 0, 1, 0], [], []>, transpose_lhs_hint = false} : vector<4096x128xf32>, vector<128x128xf32>, vector<4096x128xf32> -> vector<4096x128xf32>
    %add3A_738 = arith.addf %add3A_722, %dot_general3A_737 : vector<4096x128xf32>
    %get3A_739 = arith.constant 0 : index
    %get3A_740 = arith.constant 2 : index
    %get3A_741 = arith.constant 0 : index
    %get3A_742 = arith.constant 0 : index
    %get3A_743 = vector.load %arg29[%get3A_739, %get3A_740, %get3A_741, %get3A_742] : memref<4x34x34x128xf32, #tpu.memory_space<vmem>>, vector<4x32x32x128xf32>
    %reshape3A_744 = vector.shape_cast %get3A_743 : vector<4x32x32x128xf32> to vector<4096x128xf32>
    %get3A_745 = arith.constant 6 : index
    %get3A_746 = arith.constant 0 : index
    %get3A_747 = arith.constant 0 : index
    %get3A_748 = vector.load %arg12[%get3A_745, %get3A_746, %get3A_747] : memref<9x128x128xf32, #tpu.memory_space<vmem>>, vector<1x128x128xf32>
    %get3A_749 = vector.shape_cast %get3A_748 : vector<1x128x128xf32> to vector<128x128xf32>
    %dot_general3A_750 = arith.constant dense<0.000000e+00> : vector<4096x128xf32>
    %dot_general3A_751 = tpu.matmul %reshape3A_744, %get3A_749, %dot_general3A_750 {dimension_numbers = #tpu.dot_dimension_numbers<[1], [1], [0], [0], [0, 0, 1, 0], [], []>, transpose_lhs_hint = false} : vector<4096x128xf32>, vector<128x128xf32>, vector<4096x128xf32> -> vector<4096x128xf32>
    %add3A_752 = arith.addf %add3A_738, %dot_general3A_751 : vector<4096x128xf32>
    %get3A_753 = arith.constant 0 : index
    %get3A_754 = arith.constant 0 : index
    %get3A_755 = arith.constant 2 : index
    %get3A_756 = arith.constant 0 : index
    %get3A_757 = arith.constant 0 : index
    %get3A_758 = vector.load %arg28[%get3A_753, %get3A_754, %get3A_755, %get3A_756, %get3A_757] : memref<2x4x34x32x128xf32, #tpu.memory_space<vmem>>, vector<1x4x32x32x128xf32>
    %get3A_759 = vector.shape_cast %get3A_758 : vector<1x4x32x32x128xf32> to vector<4x32x32x128xf32>
    %reshape3A_760 = vector.shape_cast %get3A_759 : vector<4x32x32x128xf32> to vector<4096x128xf32>
    %get3A_761 = arith.constant 7 : index
    %get3A_762 = arith.constant 0 : index
    %get3A_763 = arith.constant 0 : index
    %get3A_764 = vector.load %arg12[%get3A_761, %get3A_762, %get3A_763] : memref<9x128x128xf32, #tpu.memory_space<vmem>>, vector<1x128x128xf32>
    %get3A_765 = vector.shape_cast %get3A_764 : vector<1x128x128xf32> to vector<128x128xf32>
    %dot_general3A_766 = arith.constant dense<0.000000e+00> : vector<4096x128xf32>
    %dot_general3A_767 = tpu.matmul %reshape3A_760, %get3A_765, %dot_general3A_766 {dimension_numbers = #tpu.dot_dimension_numbers<[1], [1], [0], [0], [0, 0, 1, 0], [], []>, transpose_lhs_hint = false} : vector<4096x128xf32>, vector<128x128xf32>, vector<4096x128xf32> -> vector<4096x128xf32>
    %add3A_768 = arith.addf %add3A_752, %dot_general3A_767 : vector<4096x128xf32>
    %get3A_769 = arith.constant 1 : index
    %get3A_770 = arith.constant 0 : index
    %get3A_771 = arith.constant 2 : index
    %get3A_772 = arith.constant 0 : index
    %get3A_773 = arith.constant 0 : index
    %get3A_774 = vector.load %arg28[%get3A_769, %get3A_770, %get3A_771, %get3A_772, %get3A_773] : memref<2x4x34x32x128xf32, #tpu.memory_space<vmem>>, vector<1x4x32x32x128xf32>
    %get3A_775 = vector.shape_cast %get3A_774 : vector<1x4x32x32x128xf32> to vector<4x32x32x128xf32>
    %reshape3A_776 = vector.shape_cast %get3A_775 : vector<4x32x32x128xf32> to vector<4096x128xf32>
    %get3A_777 = arith.constant 8 : index
    %get3A_778 = arith.constant 0 : index
    %get3A_779 = arith.constant 0 : index
    %get3A_780 = vector.load %arg12[%get3A_777, %get3A_778, %get3A_779] : memref<9x128x128xf32, #tpu.memory_space<vmem>>, vector<1x128x128xf32>
    %get3A_781 = vector.shape_cast %get3A_780 : vector<1x128x128xf32> to vector<128x128xf32>
    %dot_general3A_782 = arith.constant dense<0.000000e+00> : vector<4096x128xf32>
    %dot_general3A_783 = tpu.matmul %reshape3A_776, %get3A_781, %dot_general3A_782 {dimension_numbers = #tpu.dot_dimension_numbers<[1], [1], [0], [0], [0, 0, 1, 0], [], []>, transpose_lhs_hint = false} : vector<4096x128xf32>, vector<128x128xf32>, vector<4096x128xf32> -> vector<4096x128xf32>
    %add3A_784 = arith.addf %add3A_768, %dot_general3A_783 : vector<4096x128xf32>
    %get3A_785 = arith.constant 0 : index
    %get3A_786 = arith.constant 0 : index
    %get3A_787 = vector.load %arg13[%get3A_785, %get3A_786] : memref<1x128xf32, #tpu.memory_space<vmem>>, vector<1x128xf32>
    %add3A_788 = vector.broadcast %get3A_787 : vector<1x128xf32> to vector<4096x128xf32>
    %add3A_789 = arith.addf %add3A_784, %add3A_788 : vector<4096x128xf32>
    %reshape3A_790 = vector.shape_cast %add3A_789 : vector<4096x128xf32> to vector<4x1024x128xf32>
    %reduce_sum3A_791 = arith.constant dense<0.000000e+00> : vector<4x128xf32>
    %reduce_sum3A_792 = vector.multi_reduction <add>, %reshape3A_790, %reduce_sum3A_791 [1] : vector<4x1024x128xf32> to vector<4x128xf32>
    %div3A_793 = arith.constant 1.024000e+03 : f32
    %div3A_794 = vector.broadcast %div3A_793 : f32 to vector<4x128xf32>
    %div3A_795 = arith.divf %reduce_sum3A_792, %div3A_794 : vector<4x128xf32>
    %get3A_796 = arith.constant 0 : index
    %get3A_797 = arith.constant 0 : index
    %get3A_798 = vector.load %arg14[%get3A_796, %get3A_797] : memref<8x128xf32, #tpu.memory_space<vmem>>, vector<8x128xf32>
    %dot_general3A_799 = arith.constant dense<0.000000e+00> : vector<4x8xf32>
    %dot_general3A_800 = tpu.matmul %div3A_795, %get3A_798, %dot_general3A_799 {dimension_numbers = #tpu.dot_dimension_numbers<[1], [1], [0], [0], [0, 0, 1, 0], [], []>, transpose_lhs_hint = false} : vector<4x128xf32>, vector<8x128xf32>, vector<4x8xf32> -> vector<4x8xf32>
    %max3A_801 = arith.constant 0.000000e+00 : f32
    %max3A_802 = vector.broadcast %max3A_801 : f32 to vector<4x8xf32>
    %max3A_803 = arith.maximumf %dot_general3A_800, %max3A_802 : vector<4x8xf32>
    %get3A_804 = arith.constant 0 : index
    %get3A_805 = arith.constant 0 : index
    %get3A_806 = vector.load %arg15[%get3A_804, %get3A_805] : memref<128x8xf32, #tpu.memory_space<vmem>>, vector<128x8xf32>
    %dot_general3A_807 = arith.constant dense<0.000000e+00> : vector<4x128xf32>
    %dot_general3A_808 = tpu.matmul %max3A_803, %get3A_806, %dot_general3A_807 {dimension_numbers = #tpu.dot_dimension_numbers<[1], [1], [0], [0], [0, 0, 1, 0], [], []>, transpose_lhs_hint = false} : vector<4x8xf32>, vector<128x8xf32>, vector<4x128xf32> -> vector<4x128xf32>
    %logistic3A_809 = arith.negf %dot_general3A_808 : vector<4x128xf32>
    %logistic3A_810 = math.exp %logistic3A_809 : vector<4x128xf32>
    %logistic3A_811 = arith.constant 1.000000e+00 : f32
    %logistic3A_812 = vector.broadcast %logistic3A_811 : f32 to vector<4x128xf32>
    %logistic3A_813 = arith.addf %logistic3A_812, %logistic3A_810 : vector<4x128xf32>
    %logistic3A_814 = arith.divf %logistic3A_812, %logistic3A_813 : vector<4x128xf32>
    %reshape3A_815 = vector.shape_cast %add3A_789 : vector<4096x128xf32> to vector<4x1024x128xf32>
    %broadcast_in_dim3A_816 = vector.shape_cast %logistic3A_814 : vector<4x128xf32> to vector<4x1x128xf32>
    %mul3A_817 = vector.broadcast %broadcast_in_dim3A_816 : vector<4x1x128xf32> to vector<4x1024x128xf32>
    %mul3A_818 = arith.mulf %reshape3A_815, %mul3A_817 : vector<4x1024x128xf32>
    %get3A_819 = arith.constant 0 : index
    %get3A_820 = arith.constant 0 : index
    %get3A_821 = arith.constant 1 : index
    %get3A_822 = arith.constant 0 : index
    %get3A_823 = arith.constant 0 : index
    %get3A_824 = vector.load %arg27[%get3A_819, %get3A_820, %get3A_821, %get3A_822, %get3A_823] : memref<2x4x34x32x128xf32, #tpu.memory_space<vmem>>, vector<1x4x32x32x128xf32>
    %get3A_825 = vector.shape_cast %get3A_824 : vector<1x4x32x32x128xf32> to vector<4x32x32x128xf32>
    %reshape3A_826 = vector.shape_cast %get3A_825 : vector<4x32x32x128xf32> to vector<4x1024x128xf32>
    %add3A_827 = arith.addf %mul3A_818, %reshape3A_826 : vector<4x1024x128xf32>
    %max3A_828 = arith.constant 0.000000e+00 : f32
    %max3A_829 = vector.broadcast %max3A_828 : f32 to vector<4x1024x128xf32>
    %max3A_830 = arith.maximumf %add3A_827, %max3A_829 : vector<4x1024x128xf32>
    %reshape3A_831 = vector.shape_cast %max3A_830 : vector<4x1024x128xf32> to vector<4x32x32x128xf32>
    %broadcast_in_dim3A_832 = arith.constant 0.000000e+00 : f32
    %broadcast_in_dim3A_833 = vector.broadcast %broadcast_in_dim3A_832 : f32 to vector<4x34x34x128xf32>
    %swap3A_834 = arith.constant 0 : index
    %swap3A_835 = arith.constant 0 : index
    %swap3A_836 = arith.constant 0 : index
    %swap3A_837 = arith.constant 0 : index
    %swap3A_838 = vector.load %arg25[%swap3A_834, %swap3A_835, %swap3A_836, %swap3A_837] : memref<4x34x34x128xf32, #tpu.memory_space<vmem>>, vector<4x34x34x128xf32>
    tpu.vector_store %arg25[%swap3A_834, %swap3A_835, %swap3A_836, %swap3A_837], %broadcast_in_dim3A_833 {strides = array<i32>} : memref<4x34x34x128xf32, #tpu.memory_space<vmem>>, vector<4x34x34x128xf32>,
    %swap3A_839 = arith.constant 0 : index
    %swap3A_840 = arith.constant 1 : index
    %swap3A_841 = arith.constant 1 : index
    %swap3A_842 = arith.constant 0 : index
    %swap3A_843 = vector.load %arg25[%swap3A_839, %swap3A_840, %swap3A_841, %swap3A_842] : memref<4x34x34x128xf32, #tpu.memory_space<vmem>>, vector<4x32x32x128xf32>
    tpu.vector_store %arg25[%swap3A_839, %swap3A_840, %swap3A_841, %swap3A_842], %reshape3A_831 {strides = array<i32>} : memref<4x34x34x128xf32, #tpu.memory_space<vmem>>, vector<4x32x32x128xf32>,
    %broadcast_in_dim3A_844 = arith.constant 0.000000e+00 : f32
    %broadcast_in_dim3A_845 = vector.broadcast %broadcast_in_dim3A_844 : f32 to vector<1024x256xf32>
    %get3A_846 = arith.constant 0 : index
    %get3A_847 = arith.constant 0 : index
    %get3A_848 = arith.constant 0 : index
    %get3A_849 = arith.constant 0 : index
    %get3A_850 = vector.load %arg25[%get3A_846, %get3A_847, %get3A_848, %get3A_849] : memref<4x34x34x128xf32, #tpu.memory_space<vmem>>, vector<4x34x34x128xf32>
    %reshape3A_851 = vector.shape_cast %get3A_850 : vector<4x34x34x128xf32> to vector<4x17x2x17x2x128xf32>
    %slice3A = vector.extract_strided_slice %reshape3A_851 {offsets = [0, 0, 0, 0, 0, 0], sizes = [4, 17, 1, 17, 1, 128], strides = [1, 1, 1, 1, 1, 1]} : vector<4x17x2x17x2x128xf32> to vector<4x17x1x17x1x128xf32>
    %squeeze3A = vector.shape_cast %slice3A : vector<4x17x1x17x1x128xf32> to vector<4x17x17x128xf32>
    %slice3A_852 = vector.extract_strided_slice %reshape3A_851 {offsets = [0, 0, 0, 0, 1, 0], sizes = [4, 17, 1, 17, 1, 128], strides = [1, 1, 1, 1, 1, 1]} : vector<4x17x2x17x2x128xf32> to vector<4x17x1x17x1x128xf32>
    %squeeze3A_853 = vector.shape_cast %slice3A_852 : vector<4x17x1x17x1x128xf32> to vector<4x17x17x128xf32>
    %slice3A_854 = vector.extract_strided_slice %reshape3A_851 {offsets = [0, 0, 1, 0, 0, 0], sizes = [4, 17, 1, 17, 1, 128], strides = [1, 1, 1, 1, 1, 1]} : vector<4x17x2x17x2x128xf32> to vector<4x17x1x17x1x128xf32>
    %squeeze3A_855 = vector.shape_cast %slice3A_854 : vector<4x17x1x17x1x128xf32> to vector<4x17x17x128xf32>
    %slice3A_856 = vector.extract_strided_slice %reshape3A_851 {offsets = [0, 0, 1, 0, 1, 0], sizes = [4, 17, 1, 17, 1, 128], strides = [1, 1, 1, 1, 1, 1]} : vector<4x17x2x17x2x128xf32> to vector<4x17x1x17x1x128xf32>
    %squeeze3A_857 = vector.shape_cast %slice3A_856 : vector<4x17x1x17x1x128xf32> to vector<4x17x17x128xf32>
    %slice3A_858 = vector.extract_strided_slice %squeeze3A {offsets = [0, 0, 0, 0], sizes = [4, 16, 16, 128], strides = [1, 1, 1, 1]} : vector<4x17x17x128xf32> to vector<4x16x16x128xf32>
    %reshape3A_859 = vector.shape_cast %slice3A_858 : vector<4x16x16x128xf32> to vector<1024x128xf32>
    %get3A_860 = arith.constant 0 : index
    %get3A_861 = arith.constant 0 : index
    %get3A_862 = arith.constant 0 : index
    %get3A_863 = vector.load %arg16[%get3A_860, %get3A_861, %get3A_862] : memref<9x256x128xf32, #tpu.memory_space<vmem>>, vector<1x256x128xf32>
    %get3A_864 = vector.shape_cast %get3A_863 : vector<1x256x128xf32> to vector<256x128xf32>
    %dot_general3A_865 = arith.constant dense<0.000000e+00> : vector<1024x256xf32>
    %dot_general3A_866 = tpu.matmul %reshape3A_859, %get3A_864, %dot_general3A_865 {dimension_numbers = #tpu.dot_dimension_numbers<[1], [1], [0], [0], [0, 0, 1, 0], [], []>, transpose_lhs_hint = false} : vector<1024x128xf32>, vector<256x128xf32>, vector<1024x256xf32> -> vector<1024x256xf32>
    %add3A_867 = arith.addf %broadcast_in_dim3A_845, %dot_general3A_866 : vector<1024x256xf32>
    %slice3A_868 = vector.extract_strided_slice %squeeze3A_853 {offsets = [0, 0, 0, 0], sizes = [4, 16, 16, 128], strides = [1, 1, 1, 1]} : vector<4x17x17x128xf32> to vector<4x16x16x128xf32>
    %reshape3A_869 = vector.shape_cast %slice3A_868 : vector<4x16x16x128xf32> to vector<1024x128xf32>
    %get3A_870 = arith.constant 1 : index
    %get3A_871 = arith.constant 0 : index
    %get3A_872 = arith.constant 0 : index
    %get3A_873 = vector.load %arg16[%get3A_870, %get3A_871, %get3A_872] : memref<9x256x128xf32, #tpu.memory_space<vmem>>, vector<1x256x128xf32>
    %get3A_874 = vector.shape_cast %get3A_873 : vector<1x256x128xf32> to vector<256x128xf32>
    %dot_general3A_875 = arith.constant dense<0.000000e+00> : vector<1024x256xf32>
    %dot_general3A_876 = tpu.matmul %reshape3A_869, %get3A_874, %dot_general3A_875 {dimension_numbers = #tpu.dot_dimension_numbers<[1], [1], [0], [0], [0, 0, 1, 0], [], []>, transpose_lhs_hint = false} : vector<1024x128xf32>, vector<256x128xf32>, vector<1024x256xf32> -> vector<1024x256xf32>
    %add3A_877 = arith.addf %add3A_867, %dot_general3A_876 : vector<1024x256xf32>
    %slice3A_878 = vector.extract_strided_slice %squeeze3A {offsets = [0, 0, 1, 0], sizes = [4, 16, 16, 128], strides = [1, 1, 1, 1]} : vector<4x17x17x128xf32> to vector<4x16x16x128xf32>
    %reshape3A_879 = vector.shape_cast %slice3A_878 : vector<4x16x16x128xf32> to vector<1024x128xf32>
    %get3A_880 = arith.constant 2 : index
    %get3A_881 = arith.constant 0 : index
    %get3A_882 = arith.constant 0 : index
    %get3A_883 = vector.load %arg16[%get3A_880, %get3A_881, %get3A_882] : memref<9x256x128xf32, #tpu.memory_space<vmem>>, vector<1x256x128xf32>
    %get3A_884 = vector.shape_cast %get3A_883 : vector<1x256x128xf32> to vector<256x128xf32>
    %dot_general3A_885 = arith.constant dense<0.000000e+00> : vector<1024x256xf32>
    %dot_general3A_886 = tpu.matmul %reshape3A_879, %get3A_884, %dot_general3A_885 {dimension_numbers = #tpu.dot_dimension_numbers<[1], [1], [0], [0], [0, 0, 1, 0], [], []>, transpose_lhs_hint = false} : vector<1024x128xf32>, vector<256x128xf32>, vector<1024x256xf32> -> vector<1024x256xf32>
    %add3A_887 = arith.addf %add3A_877, %dot_general3A_886 : vector<1024x256xf32>
    %slice3A_888 = vector.extract_strided_slice %squeeze3A_855 {offsets = [0, 0, 0, 0], sizes = [4, 16, 16, 128], strides = [1, 1, 1, 1]} : vector<4x17x17x128xf32> to vector<4x16x16x128xf32>
    %reshape3A_889 = vector.shape_cast %slice3A_888 : vector<4x16x16x128xf32> to vector<1024x128xf32>
    %get3A_890 = arith.constant 3 : index
    %get3A_891 = arith.constant 0 : index
    %get3A_892 = arith.constant 0 : index
    %get3A_893 = vector.load %arg16[%get3A_890, %get3A_891, %get3A_892] : memref<9x256x128xf32, #tpu.memory_space<vmem>>, vector<1x256x128xf32>
    %get3A_894 = vector.shape_cast %get3A_893 : vector<1x256x128xf32> to vector<256x128xf32>
    %dot_general3A_895 = arith.constant dense<0.000000e+00> : vector<1024x256xf32>
    %dot_general3A_896 = tpu.matmul %reshape3A_889, %get3A_894, %dot_general3A_895 {dimension_numbers = #tpu.dot_dimension_numbers<[1], [1], [0], [0], [0, 0, 1, 0], [], []>, transpose_lhs_hint = false} : vector<1024x128xf32>, vector<256x128xf32>, vector<1024x256xf32> -> vector<1024x256xf32>
    %add3A_897 = arith.addf %add3A_887, %dot_general3A_896 : vector<1024x256xf32>
    %slice3A_898 = vector.extract_strided_slice %squeeze3A_857 {offsets = [0, 0, 0, 0], sizes = [4, 16, 16, 128], strides = [1, 1, 1, 1]} : vector<4x17x17x128xf32> to vector<4x16x16x128xf32>
    %reshape3A_899 = vector.shape_cast %slice3A_898 : vector<4x16x16x128xf32> to vector<1024x128xf32>
    %get3A_900 = arith.constant 4 : index
    %get3A_901 = arith.constant 0 : index
    %get3A_902 = arith.constant 0 : index
    %get3A_903 = vector.load %arg16[%get3A_900, %get3A_901, %get3A_902] : memref<9x256x128xf32, #tpu.memory_space<vmem>>, vector<1x256x128xf32>
    %get3A_904 = vector.shape_cast %get3A_903 : vector<1x256x128xf32> to vector<256x128xf32>
    %dot_general3A_905 = arith.constant dense<0.000000e+00> : vector<1024x256xf32>
    %dot_general3A_906 = tpu.matmul %reshape3A_899, %get3A_904, %dot_general3A_905 {dimension_numbers = #tpu.dot_dimension_numbers<[1], [1], [0], [0], [0, 0, 1, 0], [], []>, transpose_lhs_hint = false} : vector<1024x128xf32>, vector<256x128xf32>, vector<1024x256xf32> -> vector<1024x256xf32>
    %add3A_907 = arith.addf %add3A_897, %dot_general3A_906 : vector<1024x256xf32>
    %slice3A_908 = vector.extract_strided_slice %squeeze3A_855 {offsets = [0, 0, 1, 0], sizes = [4, 16, 16, 128], strides = [1, 1, 1, 1]} : vector<4x17x17x128xf32> to vector<4x16x16x128xf32>
    %reshape3A_909 = vector.shape_cast %slice3A_908 : vector<4x16x16x128xf32> to vector<1024x128xf32>
    %get3A_910 = arith.constant 5 : index
    %get3A_911 = arith.constant 0 : index
    %get3A_912 = arith.constant 0 : index
    %get3A_913 = vector.load %arg16[%get3A_910, %get3A_911, %get3A_912] : memref<9x256x128xf32, #tpu.memory_space<vmem>>, vector<1x256x128xf32>
    %get3A_914 = vector.shape_cast %get3A_913 : vector<1x256x128xf32> to vector<256x128xf32>
    %dot_general3A_915 = arith.constant dense<0.000000e+00> : vector<1024x256xf32>
    %dot_general3A_916 = tpu.matmul %reshape3A_909, %get3A_914, %dot_general3A_915 {dimension_numbers = #tpu.dot_dimension_numbers<[1], [1], [0], [0], [0, 0, 1, 0], [], []>, transpose_lhs_hint = false} : vector<1024x128xf32>, vector<256x128xf32>, vector<1024x256xf32> -> vector<1024x256xf32>
    %add3A_917 = arith.addf %add3A_907, %dot_general3A_916 : vector<1024x256xf32>
    %slice3A_918 = vector.extract_strided_slice %squeeze3A {offsets = [0, 1, 0, 0], sizes = [4, 16, 16, 128], strides = [1, 1, 1, 1]} : vector<4x17x17x128xf32> to vector<4x16x16x128xf32>
    %reshape3A_919 = vector.shape_cast %slice3A_918 : vector<4x16x16x128xf32> to vector<1024x128xf32>
    %get3A_920 = arith.constant 6 : index
    %get3A_921 = arith.constant 0 : index
    %get3A_922 = arith.constant 0 : index
    %get3A_923 = vector.load %arg16[%get3A_920, %get3A_921, %get3A_922] : memref<9x256x128xf32, #tpu.memory_space<vmem>>, vector<1x256x128xf32>
    %get3A_924 = vector.shape_cast %get3A_923 : vector<1x256x128xf32> to vector<256x128xf32>
    %dot_general3A_925 = arith.constant dense<0.000000e+00> : vector<1024x256xf32>
    %dot_general3A_926 = tpu.matmul %reshape3A_919, %get3A_924, %dot_general3A_925 {dimension_numbers = #tpu.dot_dimension_numbers<[1], [1], [0], [0], [0, 0, 1, 0], [], []>, transpose_lhs_hint = false} : vector<1024x128xf32>, vector<256x128xf32>, vector<1024x256xf32> -> vector<1024x256xf32>
    %add3A_927 = arith.addf %add3A_917, %dot_general3A_926 : vector<1024x256xf32>
    %slice3A_928 = vector.extract_strided_slice %squeeze3A_853 {offsets = [0, 1, 0, 0], sizes = [4, 16, 16, 128], strides = [1, 1, 1, 1]} : vector<4x17x17x128xf32> to vector<4x16x16x128xf32>
    %reshape3A_929 = vector.shape_cast %slice3A_928 : vector<4x16x16x128xf32> to vector<1024x128xf32>
    %get3A_930 = arith.constant 7 : index
    %get3A_931 = arith.constant 0 : index
    %get3A_932 = arith.constant 0 : index
    %get3A_933 = vector.load %arg16[%get3A_930, %get3A_931, %get3A_932] : memref<9x256x128xf32, #tpu.memory_space<vmem>>, vector<1x256x128xf32>
    %get3A_934 = vector.shape_cast %get3A_933 : vector<1x256x128xf32> to vector<256x128xf32>
    %dot_general3A_935 = arith.constant dense<0.000000e+00> : vector<1024x256xf32>
    %dot_general3A_936 = tpu.matmul %reshape3A_929, %get3A_934, %dot_general3A_935 {dimension_numbers = #tpu.dot_dimension_numbers<[1], [1], [0], [0], [0, 0, 1, 0], [], []>, transpose_lhs_hint = false} : vector<1024x128xf32>, vector<256x128xf32>, vector<1024x256xf32> -> vector<1024x256xf32>
    %add3A_937 = arith.addf %add3A_927, %dot_general3A_936 : vector<1024x256xf32>
    %slice3A_938 = vector.extract_strided_slice %squeeze3A {offsets = [0, 1, 1, 0], sizes = [4, 16, 16, 128], strides = [1, 1, 1, 1]} : vector<4x17x17x128xf32> to vector<4x16x16x128xf32>
    %reshape3A_939 = vector.shape_cast %slice3A_938 : vector<4x16x16x128xf32> to vector<1024x128xf32>
    %get3A_940 = arith.constant 8 : index
    %get3A_941 = arith.constant 0 : index
    %get3A_942 = arith.constant 0 : index
    %get3A_943 = vector.load %arg16[%get3A_940, %get3A_941, %get3A_942] : memref<9x256x128xf32, #tpu.memory_space<vmem>>, vector<1x256x128xf32>
    %get3A_944 = vector.shape_cast %get3A_943 : vector<1x256x128xf32> to vector<256x128xf32>
    %dot_general3A_945 = arith.constant dense<0.000000e+00> : vector<1024x256xf32>
    %dot_general3A_946 = tpu.matmul %reshape3A_939, %get3A_944, %dot_general3A_945 {dimension_numbers = #tpu.dot_dimension_numbers<[1], [1], [0], [0], [0, 0, 1, 0], [], []>, transpose_lhs_hint = false} : vector<1024x128xf32>, vector<256x128xf32>, vector<1024x256xf32> -> vector<1024x256xf32>
    %add3A_947 = arith.addf %add3A_937, %dot_general3A_946 : vector<1024x256xf32>
    %get3A_948 = arith.constant 0 : index
    %get3A_949 = arith.constant 0 : index
    %get3A_950 = vector.load %arg17[%get3A_948, %get3A_949] : memref<1x256xf32, #tpu.memory_space<vmem>>, vector<1x256xf32>
    %add3A_951 = vector.broadcast %get3A_950 : vector<1x256xf32> to vector<1024x256xf32>
    %add3A_952 = arith.addf %add3A_947, %add3A_951 : vector<1024x256xf32>
    %max3A_953 = arith.constant 0.000000e+00 : f32
    %max3A_954 = vector.broadcast %max3A_953 : f32 to vector<1024x256xf32>
    %max3A_955 = arith.maximumf %add3A_952, %max3A_954 : vector<1024x256xf32>
    %broadcast_in_dim3A_956 = arith.constant 0.000000e+00 : f32
    %broadcast_in_dim3A_957 = vector.broadcast %broadcast_in_dim3A_956 : f32 to vector<4x18x18x256xf32>
    %swap3A_958 = arith.constant 0 : index
    %swap3A_959 = arith.constant 0 : index
    %swap3A_960 = arith.constant 0 : index
    %swap3A_961 = arith.constant 0 : index
    %swap3A_962 = vector.load %arg31[%swap3A_958, %swap3A_959, %swap3A_960, %swap3A_961] : memref<4x18x18x256xf32, #tpu.memory_space<vmem>>, vector<4x18x18x256xf32>
    tpu.vector_store %arg31[%swap3A_958, %swap3A_959, %swap3A_960, %swap3A_961], %broadcast_in_dim3A_957 {strides = array<i32>} : memref<4x18x18x256xf32, #tpu.memory_space<vmem>>, vector<4x18x18x256xf32>,
    %reshape3A_963 = vector.shape_cast %max3A_955 : vector<1024x256xf32> to vector<4x16x16x256xf32>
    %swap3A_964 = arith.constant 0 : index
    %swap3A_965 = arith.constant 1 : index
    %swap3A_966 = arith.constant 1 : index
    %swap3A_967 = arith.constant 0 : index
    %swap3A_968 = vector.load %arg31[%swap3A_964, %swap3A_965, %swap3A_966, %swap3A_967] : memref<4x18x18x256xf32, #tpu.memory_space<vmem>>, vector<4x16x16x256xf32>
    tpu.vector_store %arg31[%swap3A_964, %swap3A_965, %swap3A_966, %swap3A_967], %reshape3A_963 {strides = array<i32>} : memref<4x18x18x256xf32, #tpu.memory_space<vmem>>, vector<4x16x16x256xf32>,
    %get3A_969 = arith.constant 0 : index
    %get3A_970 = arith.constant 0 : index
    %get3A_971 = arith.constant 1 : index
    %get3A_972 = arith.constant 0 : index
    %get3A_973 = vector.load %arg31[%get3A_969, %get3A_970, %get3A_971, %get3A_972] : memref<4x18x18x256xf32, #tpu.memory_space<vmem>>, vector<4x18x16x256xf32>
    %swap3A_974 = arith.constant 0 : index
    %swap3A_975 = arith.constant 0 : index
    %swap3A_976 = arith.constant 0 : index
    %swap3A_977 = arith.constant 0 : index
    %swap3A_978 = arith.constant 0 : index
    %swap3A_979 = vector.load %arg30[%swap3A_974, %swap3A_975, %swap3A_976, %swap3A_977, %swap3A_978] : memref<2x4x18x16x256xf32, #tpu.memory_space<vmem>>, vector<1x4x18x16x256xf32>
    %swap3A_980 = vector.shape_cast %swap3A_979 : vector<1x4x18x16x256xf32> to vector<4x18x16x256xf32>
    %swap3A_981 = vector.shape_cast %get3A_973 : vector<4x18x16x256xf32> to vector<1x4x18x16x256xf32>
    tpu.vector_store %arg30[%swap3A_974, %swap3A_975, %swap3A_976, %swap3A_977, %swap3A_978], %swap3A_981 {strides = array<i32>} : memref<2x4x18x16x256xf32, #tpu.memory_space<vmem>>, vector<1x4x18x16x256xf32>,
    %get3A_982 = arith.constant 0 : index
    %get3A_983 = arith.constant 0 : index
    %get3A_984 = arith.constant 2 : index
    %get3A_985 = arith.constant 0 : index
    %get3A_986 = vector.load %arg31[%get3A_982, %get3A_983, %get3A_984, %get3A_985] : memref<4x18x18x256xf32, #tpu.memory_space<vmem>>, vector<4x18x16x256xf32>
    %swap3A_987 = arith.constant 1 : index
    %swap3A_988 = arith.constant 0 : index
    %swap3A_989 = arith.constant 0 : index
    %swap3A_990 = arith.constant 0 : index
    %swap3A_991 = arith.constant 0 : index
    %swap3A_992 = vector.load %arg30[%swap3A_987, %swap3A_988, %swap3A_989, %swap3A_990, %swap3A_991] : memref<2x4x18x16x256xf32, #tpu.memory_space<vmem>>, vector<1x4x18x16x256xf32>
    %swap3A_993 = vector.shape_cast %swap3A_992 : vector<1x4x18x16x256xf32> to vector<4x18x16x256xf32>
    %swap3A_994 = vector.shape_cast %get3A_986 : vector<4x18x16x256xf32> to vector<1x4x18x16x256xf32>
    tpu.vector_store %arg30[%swap3A_987, %swap3A_988, %swap3A_989, %swap3A_990, %swap3A_991], %swap3A_994 {strides = array<i32>} : memref<2x4x18x16x256xf32, #tpu.memory_space<vmem>>, vector<1x4x18x16x256xf32>,
    %broadcast_in_dim3A_995 = arith.constant 0.000000e+00 : f32
    %broadcast_in_dim3A_996 = vector.broadcast %broadcast_in_dim3A_995 : f32 to vector<1024x256xf32>
    %get3A_997 = arith.constant 0 : index
    %get3A_998 = arith.constant 0 : index
    %get3A_999 = arith.constant 0 : index
    %get3A_1000 = arith.constant 0 : index
    %get3A_1001 = vector.load %arg31[%get3A_997, %get3A_998, %get3A_999, %get3A_1000] : memref<4x18x18x256xf32, #tpu.memory_space<vmem>>, vector<4x16x16x256xf32>
    %reshape3A_1002 = vector.shape_cast %get3A_1001 : vector<4x16x16x256xf32> to vector<1024x256xf32>
    %get3A_1003 = arith.constant 0 : index
    %get3A_1004 = arith.constant 0 : index
    %get3A_1005 = arith.constant 0 : index
    %get3A_1006 = vector.load %arg18[%get3A_1003, %get3A_1004, %get3A_1005] : memref<9x256x256xf32, #tpu.memory_space<vmem>>, vector<1x256x256xf32>
    %get3A_1007 = vector.shape_cast %get3A_1006 : vector<1x256x256xf32> to vector<256x256xf32>
    %dot_general3A_1008 = arith.constant dense<0.000000e+00> : vector<1024x256xf32>
    %dot_general3A_1009 = tpu.matmul %reshape3A_1002, %get3A_1007, %dot_general3A_1008 {dimension_numbers = #tpu.dot_dimension_numbers<[1], [1], [0], [0], [0, 0, 1, 0], [], []>, transpose_lhs_hint = false} : vector<1024x256xf32>, vector<256x256xf32>, vector<1024x256xf32> -> vector<1024x256xf32>
    %add3A_1010 = arith.addf %broadcast_in_dim3A_996, %dot_general3A_1009 : vector<1024x256xf32>
    %get3A_1011 = arith.constant 0 : index
    %get3A_1012 = arith.constant 0 : index
    %get3A_1013 = arith.constant 0 : index
    %get3A_1014 = arith.constant 0 : index
    %get3A_1015 = arith.constant 0 : index
    %get3A_1016 = vector.load %arg30[%get3A_1011, %get3A_1012, %get3A_1013, %get3A_1014, %get3A_1015] : memref<2x4x18x16x256xf32, #tpu.memory_space<vmem>>, vector<1x4x16x16x256xf32>
    %get3A_1017 = vector.shape_cast %get3A_1016 : vector<1x4x16x16x256xf32> to vector<4x16x16x256xf32>
    %reshape3A_1018 = vector.shape_cast %get3A_1017 : vector<4x16x16x256xf32> to vector<1024x256xf32>
    %get3A_1019 = arith.constant 1 : index
    %get3A_1020 = arith.constant 0 : index
    %get3A_1021 = arith.constant 0 : index
    %get3A_1022 = vector.load %arg18[%get3A_1019, %get3A_1020, %get3A_1021] : memref<9x256x256xf32, #tpu.memory_space<vmem>>, vector<1x256x256xf32>
    %get3A_1023 = vector.shape_cast %get3A_1022 : vector<1x256x256xf32> to vector<256x256xf32>
    %dot_general3A_1024 = arith.constant dense<0.000000e+00> : vector<1024x256xf32>
    %dot_general3A_1025 = tpu.matmul %reshape3A_1018, %get3A_1023, %dot_general3A_1024 {dimension_numbers = #tpu.dot_dimension_numbers<[1], [1], [0], [0], [0, 0, 1, 0], [], []>, transpose_lhs_hint = false} : vector<1024x256xf32>, vector<256x256xf32>, vector<1024x256xf32> -> vector<1024x256xf32>
    %add3A_1026 = arith.addf %add3A_1010, %dot_general3A_1025 : vector<1024x256xf32>
    %get3A_1027 = arith.constant 1 : index
    %get3A_1028 = arith.constant 0 : index
    %get3A_1029 = arith.constant 0 : index
    %get3A_1030 = arith.constant 0 : index
    %get3A_1031 = arith.constant 0 : index
    %get3A_1032 = vector.load %arg30[%get3A_1027, %get3A_1028, %get3A_1029, %get3A_1030, %get3A_1031] : memref<2x4x18x16x256xf32, #tpu.memory_space<vmem>>, vector<1x4x16x16x256xf32>
    %get3A_1033 = vector.shape_cast %get3A_1032 : vector<1x4x16x16x256xf32> to vector<4x16x16x256xf32>
    %reshape3A_1034 = vector.shape_cast %get3A_1033 : vector<4x16x16x256xf32> to vector<1024x256xf32>
    %get3A_1035 = arith.constant 2 : index
    %get3A_1036 = arith.constant 0 : index
    %get3A_1037 = arith.constant 0 : index
    %get3A_1038 = vector.load %arg18[%get3A_1035, %get3A_1036, %get3A_1037] : memref<9x256x256xf32, #tpu.memory_space<vmem>>, vector<1x256x256xf32>
    %get3A_1039 = vector.shape_cast %get3A_1038 : vector<1x256x256xf32> to vector<256x256xf32>
    %dot_general3A_1040 = arith.constant dense<0.000000e+00> : vector<1024x256xf32>
    %dot_general3A_1041 = tpu.matmul %reshape3A_1034, %get3A_1039, %dot_general3A_1040 {dimension_numbers = #tpu.dot_dimension_numbers<[1], [1], [0], [0], [0, 0, 1, 0], [], []>, transpose_lhs_hint = false} : vector<1024x256xf32>, vector<256x256xf32>, vector<1024x256xf32> -> vector<1024x256xf32>
    %add3A_1042 = arith.addf %add3A_1026, %dot_general3A_1041 : vector<1024x256xf32>
    %get3A_1043 = arith.constant 0 : index
    %get3A_1044 = arith.constant 1 : index
    %get3A_1045 = arith.constant 0 : index
    %get3A_1046 = arith.constant 0 : index
    %get3A_1047 = vector.load %arg31[%get3A_1043, %get3A_1044, %get3A_1045, %get3A_1046] : memref<4x18x18x256xf32, #tpu.memory_space<vmem>>, vector<4x16x16x256xf32>
    %reshape3A_1048 = vector.shape_cast %get3A_1047 : vector<4x16x16x256xf32> to vector<1024x256xf32>
    %get3A_1049 = arith.constant 3 : index
    %get3A_1050 = arith.constant 0 : index
    %get3A_1051 = arith.constant 0 : index
    %get3A_1052 = vector.load %arg18[%get3A_1049, %get3A_1050, %get3A_1051] : memref<9x256x256xf32, #tpu.memory_space<vmem>>, vector<1x256x256xf32>
    %get3A_1053 = vector.shape_cast %get3A_1052 : vector<1x256x256xf32> to vector<256x256xf32>
    %dot_general3A_1054 = arith.constant dense<0.000000e+00> : vector<1024x256xf32>
    %dot_general3A_1055 = tpu.matmul %reshape3A_1048, %get3A_1053, %dot_general3A_1054 {dimension_numbers = #tpu.dot_dimension_numbers<[1], [1], [0], [0], [0, 0, 1, 0], [], []>, transpose_lhs_hint = false} : vector<1024x256xf32>, vector<256x256xf32>, vector<1024x256xf32> -> vector<1024x256xf32>
    %add3A_1056 = arith.addf %add3A_1042, %dot_general3A_1055 : vector<1024x256xf32>
    %get3A_1057 = arith.constant 0 : index
    %get3A_1058 = arith.constant 0 : index
    %get3A_1059 = arith.constant 1 : index
    %get3A_1060 = arith.constant 0 : index
    %get3A_1061 = arith.constant 0 : index
    %get3A_1062 = vector.load %arg30[%get3A_1057, %get3A_1058, %get3A_1059, %get3A_1060, %get3A_1061] : memref<2x4x18x16x256xf32, #tpu.memory_space<vmem>>, vector<1x4x16x16x256xf32>
    %get3A_1063 = vector.shape_cast %get3A_1062 : vector<1x4x16x16x256xf32> to vector<4x16x16x256xf32>
    %reshape3A_1064 = vector.shape_cast %get3A_1063 : vector<4x16x16x256xf32> to vector<1024x256xf32>
    %get3A_1065 = arith.constant 4 : index
    %get3A_1066 = arith.constant 0 : index
    %get3A_1067 = arith.constant 0 : index
    %get3A_1068 = vector.load %arg18[%get3A_1065, %get3A_1066, %get3A_1067] : memref<9x256x256xf32, #tpu.memory_space<vmem>>, vector<1x256x256xf32>
    %get3A_1069 = vector.shape_cast %get3A_1068 : vector<1x256x256xf32> to vector<256x256xf32>
    %dot_general3A_1070 = arith.constant dense<0.000000e+00> : vector<1024x256xf32>
    %dot_general3A_1071 = tpu.matmul %reshape3A_1064, %get3A_1069, %dot_general3A_1070 {dimension_numbers = #tpu.dot_dimension_numbers<[1], [1], [0], [0], [0, 0, 1, 0], [], []>, transpose_lhs_hint = false} : vector<1024x256xf32>, vector<256x256xf32>, vector<1024x256xf32> -> vector<1024x256xf32>
    %add3A_1072 = arith.addf %add3A_1056, %dot_general3A_1071 : vector<1024x256xf32>
    %get3A_1073 = arith.constant 1 : index
    %get3A_1074 = arith.constant 0 : index
    %get3A_1075 = arith.constant 1 : index
    %get3A_1076 = arith.constant 0 : index
    %get3A_1077 = arith.constant 0 : index
    %get3A_1078 = vector.load %arg30[%get3A_1073, %get3A_1074, %get3A_1075, %get3A_1076, %get3A_1077] : memref<2x4x18x16x256xf32, #tpu.memory_space<vmem>>, vector<1x4x16x16x256xf32>
    %get3A_1079 = vector.shape_cast %get3A_1078 : vector<1x4x16x16x256xf32> to vector<4x16x16x256xf32>
    %reshape3A_1080 = vector.shape_cast %get3A_1079 : vector<4x16x16x256xf32> to vector<1024x256xf32>
    %get3A_1081 = arith.constant 5 : index
    %get3A_1082 = arith.constant 0 : index
    %get3A_1083 = arith.constant 0 : index
    %get3A_1084 = vector.load %arg18[%get3A_1081, %get3A_1082, %get3A_1083] : memref<9x256x256xf32, #tpu.memory_space<vmem>>, vector<1x256x256xf32>
    %get3A_1085 = vector.shape_cast %get3A_1084 : vector<1x256x256xf32> to vector<256x256xf32>
    %dot_general3A_1086 = arith.constant dense<0.000000e+00> : vector<1024x256xf32>
    %dot_general3A_1087 = tpu.matmul %reshape3A_1080, %get3A_1085, %dot_general3A_1086 {dimension_numbers = #tpu.dot_dimension_numbers<[1], [1], [0], [0], [0, 0, 1, 0], [], []>, transpose_lhs_hint = false} : vector<1024x256xf32>, vector<256x256xf32>, vector<1024x256xf32> -> vector<1024x256xf32>
    %add3A_1088 = arith.addf %add3A_1072, %dot_general3A_1087 : vector<1024x256xf32>
    %get3A_1089 = arith.constant 0 : index
    %get3A_1090 = arith.constant 2 : index
    %get3A_1091 = arith.constant 0 : index
    %get3A_1092 = arith.constant 0 : index
    %get3A_1093 = vector.load %arg31[%get3A_1089, %get3A_1090, %get3A_1091, %get3A_1092] : memref<4x18x18x256xf32, #tpu.memory_space<vmem>>, vector<4x16x16x256xf32>
    %reshape3A_1094 = vector.shape_cast %get3A_1093 : vector<4x16x16x256xf32> to vector<1024x256xf32>
    %get3A_1095 = arith.constant 6 : index
    %get3A_1096 = arith.constant 0 : index
    %get3A_1097 = arith.constant 0 : index
    %get3A_1098 = vector.load %arg18[%get3A_1095, %get3A_1096, %get3A_1097] : memref<9x256x256xf32, #tpu.memory_space<vmem>>, vector<1x256x256xf32>
    %get3A_1099 = vector.shape_cast %get3A_1098 : vector<1x256x256xf32> to vector<256x256xf32>
    %dot_general3A_1100 = arith.constant dense<0.000000e+00> : vector<1024x256xf32>
    %dot_general3A_1101 = tpu.matmul %reshape3A_1094, %get3A_1099, %dot_general3A_1100 {dimension_numbers = #tpu.dot_dimension_numbers<[1], [1], [0], [0], [0, 0, 1, 0], [], []>, transpose_lhs_hint = false} : vector<1024x256xf32>, vector<256x256xf32>, vector<1024x256xf32> -> vector<1024x256xf32>
    %add3A_1102 = arith.addf %add3A_1088, %dot_general3A_1101 : vector<1024x256xf32>
    %get3A_1103 = arith.constant 0 : index
    %get3A_1104 = arith.constant 0 : index
    %get3A_1105 = arith.constant 2 : index
    %get3A_1106 = arith.constant 0 : index
    %get3A_1107 = arith.constant 0 : index
    %get3A_1108 = vector.load %arg30[%get3A_1103, %get3A_1104, %get3A_1105, %get3A_1106, %get3A_1107] : memref<2x4x18x16x256xf32, #tpu.memory_space<vmem>>, vector<1x4x16x16x256xf32>
    %get3A_1109 = vector.shape_cast %get3A_1108 : vector<1x4x16x16x256xf32> to vector<4x16x16x256xf32>
    %reshape3A_1110 = vector.shape_cast %get3A_1109 : vector<4x16x16x256xf32> to vector<1024x256xf32>
    %get3A_1111 = arith.constant 7 : index
    %get3A_1112 = arith.constant 0 : index
    %get3A_1113 = arith.constant 0 : index
    %get3A_1114 = vector.load %arg18[%get3A_1111, %get3A_1112, %get3A_1113] : memref<9x256x256xf32, #tpu.memory_space<vmem>>, vector<1x256x256xf32>
    %get3A_1115 = vector.shape_cast %get3A_1114 : vector<1x256x256xf32> to vector<256x256xf32>
    %dot_general3A_1116 = arith.constant dense<0.000000e+00> : vector<1024x256xf32>
    %dot_general3A_1117 = tpu.matmul %reshape3A_1110, %get3A_1115, %dot_general3A_1116 {dimension_numbers = #tpu.dot_dimension_numbers<[1], [1], [0], [0], [0, 0, 1, 0], [], []>, transpose_lhs_hint = false} : vector<1024x256xf32>, vector<256x256xf32>, vector<1024x256xf32> -> vector<1024x256xf32>
    %add3A_1118 = arith.addf %add3A_1102, %dot_general3A_1117 : vector<1024x256xf32>
    %get3A_1119 = arith.constant 1 : index
    %get3A_1120 = arith.constant 0 : index
    %get3A_1121 = arith.constant 2 : index
    %get3A_1122 = arith.constant 0 : index
    %get3A_1123 = arith.constant 0 : index
    %get3A_1124 = vector.load %arg30[%get3A_1119, %get3A_1120, %get3A_1121, %get3A_1122, %get3A_1123] : memref<2x4x18x16x256xf32, #tpu.memory_space<vmem>>, vector<1x4x16x16x256xf32>
    %get3A_1125 = vector.shape_cast %get3A_1124 : vector<1x4x16x16x256xf32> to vector<4x16x16x256xf32>
    %reshape3A_1126 = vector.shape_cast %get3A_1125 : vector<4x16x16x256xf32> to vector<1024x256xf32>
    %get3A_1127 = arith.constant 8 : index
    %get3A_1128 = arith.constant 0 : index
    %get3A_1129 = arith.constant 0 : index
    %get3A_1130 = vector.load %arg18[%get3A_1127, %get3A_1128, %get3A_1129] : memref<9x256x256xf32, #tpu.memory_space<vmem>>, vector<1x256x256xf32>
    %get3A_1131 = vector.shape_cast %get3A_1130 : vector<1x256x256xf32> to vector<256x256xf32>
    %dot_general3A_1132 = arith.constant dense<0.000000e+00> : vector<1024x256xf32>
    %dot_general3A_1133 = tpu.matmul %reshape3A_1126, %get3A_1131, %dot_general3A_1132 {dimension_numbers = #tpu.dot_dimension_numbers<[1], [1], [0], [0], [0, 0, 1, 0], [], []>, transpose_lhs_hint = false} : vector<1024x256xf32>, vector<256x256xf32>, vector<1024x256xf32> -> vector<1024x256xf32>
    %add3A_1134 = arith.addf %add3A_1118, %dot_general3A_1133 : vector<1024x256xf32>
    %get3A_1135 = arith.constant 0 : index
    %get3A_1136 = arith.constant 0 : index
    %get3A_1137 = vector.load %arg19[%get3A_1135, %get3A_1136] : memref<1x256xf32, #tpu.memory_space<vmem>>, vector<1x256xf32>
    %add3A_1138 = vector.broadcast %get3A_1137 : vector<1x256xf32> to vector<1024x256xf32>
    %add3A_1139 = arith.addf %add3A_1134, %add3A_1138 : vector<1024x256xf32>
    %reshape3A_1140 = vector.shape_cast %add3A_1139 : vector<1024x256xf32> to vector<4x256x256xf32>
    %reduce_sum3A_1141 = arith.constant dense<0.000000e+00> : vector<4x256xf32>
    %reduce_sum3A_1142 = vector.multi_reduction <add>, %reshape3A_1140, %reduce_sum3A_1141 [1] : vector<4x256x256xf32> to vector<4x256xf32>
    %div3A_1143 = arith.constant 2.560000e+02 : f32
    %div3A_1144 = vector.broadcast %div3A_1143 : f32 to vector<4x256xf32>
    %div3A_1145 = arith.divf %reduce_sum3A_1142, %div3A_1144 : vector<4x256xf32>
    %get3A_1146 = arith.constant 0 : index
    %get3A_1147 = arith.constant 0 : index
    %get3A_1148 = vector.load %arg20[%get3A_1146, %get3A_1147] : memref<16x256xf32, #tpu.memory_space<vmem>>, vector<16x256xf32>
    %dot_general3A_1149 = arith.constant dense<0.000000e+00> : vector<4x16xf32>
    %dot_general3A_1150 = tpu.matmul %div3A_1145, %get3A_1148, %dot_general3A_1149 {dimension_numbers = #tpu.dot_dimension_numbers<[1], [1], [0], [0], [0, 0, 1, 0], [], []>, transpose_lhs_hint = false} : vector<4x256xf32>, vector<16x256xf32>, vector<4x16xf32> -> vector<4x16xf32>
    %max3A_1151 = arith.constant 0.000000e+00 : f32
    %max3A_1152 = vector.broadcast %max3A_1151 : f32 to vector<4x16xf32>
    %max3A_1153 = arith.maximumf %dot_general3A_1150, %max3A_1152 : vector<4x16xf32>
    %get3A_1154 = arith.constant 0 : index
    %get3A_1155 = arith.constant 0 : index
    %get3A_1156 = vector.load %arg21[%get3A_1154, %get3A_1155] : memref<256x16xf32, #tpu.memory_space<vmem>>, vector<256x16xf32>
    %dot_general3A_1157 = arith.constant dense<0.000000e+00> : vector<4x256xf32>
    %dot_general3A_1158 = tpu.matmul %max3A_1153, %get3A_1156, %dot_general3A_1157 {dimension_numbers = #tpu.dot_dimension_numbers<[1], [1], [0], [0], [0, 0, 1, 0], [], []>, transpose_lhs_hint = false} : vector<4x16xf32>, vector<256x16xf32>, vector<4x256xf32> -> vector<4x256xf32>
    %logistic3A_1159 = arith.negf %dot_general3A_1158 : vector<4x256xf32>
    %logistic3A_1160 = math.exp %logistic3A_1159 : vector<4x256xf32>
    %logistic3A_1161 = arith.constant 1.000000e+00 : f32
    %logistic3A_1162 = vector.broadcast %logistic3A_1161 : f32 to vector<4x256xf32>
    %logistic3A_1163 = arith.addf %logistic3A_1162, %logistic3A_1160 : vector<4x256xf32>
    %logistic3A_1164 = arith.divf %logistic3A_1162, %logistic3A_1163 : vector<4x256xf32>
    %reshape3A_1165 = vector.shape_cast %add3A_1139 : vector<1024x256xf32> to vector<4x256x256xf32>
    %broadcast_in_dim3A_1166 = vector.shape_cast %logistic3A_1164 : vector<4x256xf32> to vector<4x1x256xf32>
    %mul3A_1167 = vector.broadcast %broadcast_in_dim3A_1166 : vector<4x1x256xf32> to vector<4x256x256xf32>
    %mul3A_1168 = arith.mulf %reshape3A_1165, %mul3A_1167 : vector<4x256x256xf32>
    %slice3A_1169 = vector.extract_strided_slice %squeeze3A_857 {offsets = [0, 0, 0, 0], sizes = [4, 16, 16, 128], strides = [1, 1, 1, 1]} : vector<4x17x17x128xf32> to vector<4x16x16x128xf32>
    %reshape3A_1170 = vector.shape_cast %slice3A_1169 : vector<4x16x16x128xf32> to vector<1024x128xf32>
    %get3A_1171 = arith.constant 0 : index
    %get3A_1172 = arith.constant 0 : index
    %get3A_1173 = vector.load %arg22[%get3A_1171, %get3A_1172] : memref<256x128xf32, #tpu.memory_space<vmem>>, vector<256x128xf32>
    %dot_general3A_1174 = arith.constant dense<0.000000e+00> : vector<1024x256xf32>
    %dot_general3A_1175 = tpu.matmul %reshape3A_1170, %get3A_1173, %dot_general3A_1174 {dimension_numbers = #tpu.dot_dimension_numbers<[1], [1], [0], [0], [0, 0, 1, 0], [], []>, transpose_lhs_hint = false} : vector<1024x128xf32>, vector<256x128xf32>, vector<1024x256xf32> -> vector<1024x256xf32>
    %get3A_1176 = arith.constant 0 : index
    %get3A_1177 = arith.constant 0 : index
    %get3A_1178 = vector.load %arg23[%get3A_1176, %get3A_1177] : memref<1x256xf32, #tpu.memory_space<vmem>>, vector<1x256xf32>
    %add3A_1179 = vector.broadcast %get3A_1178 : vector<1x256xf32> to vector<1024x256xf32>
    %add3A_1180 = arith.addf %dot_general3A_1175, %add3A_1179 : vector<1024x256xf32>
    %reshape3A_1181 = vector.shape_cast %add3A_1180 : vector<1024x256xf32> to vector<4x256x256xf32>
    %add3A_1182 = arith.addf %mul3A_1168, %reshape3A_1181 : vector<4x256x256xf32>
    %max3A_1183 = arith.constant 0.000000e+00 : f32
    %max3A_1184 = vector.broadcast %max3A_1183 : f32 to vector<4x256x256xf32>
    %max3A_1185 = arith.maximumf %add3A_1182, %max3A_1184 : vector<4x256x256xf32>
    %reshape3A_1186 = vector.shape_cast %max3A_1185 : vector<4x256x256xf32> to vector<4x16x16x256xf32>
    %broadcast_in_dim3A_1187 = arith.constant 0.000000e+00 : f32
    %broadcast_in_dim3A_1188 = vector.broadcast %broadcast_in_dim3A_1187 : f32 to vector<4x18x18x256xf32>
    %swap3A_1189 = arith.constant 0 : index
    %swap3A_1190 = arith.constant 0 : index
    %swap3A_1191 = arith.constant 0 : index
    %swap3A_1192 = arith.constant 0 : index
    %swap3A_1193 = vector.load %arg32[%swap3A_1189, %swap3A_1190, %swap3A_1191, %swap3A_1192] : memref<4x18x18x256xf32, #tpu.memory_space<vmem>>, vector<4x18x18x256xf32>
    tpu.vector_store %arg32[%swap3A_1189, %swap3A_1190, %swap3A_1191, %swap3A_1192], %broadcast_in_dim3A_1188 {strides = array<i32>} : memref<4x18x18x256xf32, #tpu.memory_space<vmem>>, vector<4x18x18x256xf32>,
    %swap3A_1194 = arith.constant 0 : index
    %swap3A_1195 = arith.constant 1 : index
    %swap3A_1196 = arith.constant 1 : index
    %swap3A_1197 = arith.constant 0 : index
    %swap3A_1198 = vector.load %arg32[%swap3A_1194, %swap3A_1195, %swap3A_1196, %swap3A_1197] : memref<4x18x18x256xf32, #tpu.memory_space<vmem>>, vector<4x16x16x256xf32>
    tpu.vector_store %arg32[%swap3A_1194, %swap3A_1195, %swap3A_1196, %swap3A_1197], %reshape3A_1186 {strides = array<i32>} : memref<4x18x18x256xf32, #tpu.memory_space<vmem>>, vector<4x16x16x256xf32>,
    %get3A_1199 = arith.constant 0 : index
    %get3A_1200 = arith.constant 0 : index
    %get3A_1201 = arith.constant 0 : index
    %get3A_1202 = arith.constant 0 : index
    %get3A_1203 = vector.load %arg32[%get3A_1199, %get3A_1200, %get3A_1201, %get3A_1202] : memref<4x18x18x256xf32, #tpu.memory_space<vmem>>, vector<4x18x18x256xf32>
    %slice3A_1204 = vector.extract_strided_slice %get3A_1203 {offsets = [0, 0, 0, 0], sizes = [4, 18, 18, 128], strides = [1, 1, 1, 1]} : vector<4x18x18x256xf32> to vector<4x18x18x128xf32>
    %slice3A_1205 = vector.extract_strided_slice %get3A_1203 {offsets = [0, 0, 0, 128], sizes = [4, 18, 18, 128], strides = [1, 1, 1, 1]} : vector<4x18x18x256xf32> to vector<4x18x18x128xf32>
    %stack3A = vector.shape_cast %slice3A_1204 : vector<4x18x18x128xf32> to vector<4x1x18x18x128xf32>
    %stack3A_1206 = vector.shape_cast %slice3A_1205 : vector<4x18x18x128xf32> to vector<4x1x18x18x128xf32>
    %stack3A_1207 = tpu.concatenate %stack3A, %stack3A_1206 in 1 : vector<4x1x18x18x128xf32>, vector<4x1x18x18x128xf32> -> vector<4x2x18x18x128xf32>
    %reshape3A_1208 = vector.shape_cast %stack3A_1207 : vector<4x2x18x18x128xf32> to vector<8x18x18x128xf32>
    %swap3A_1209 = arith.constant 0 : index
    %swap3A_1210 = arith.constant 0 : index
    %swap3A_1211 = arith.constant 0 : index
    %swap3A_1212 = arith.constant 0 : index
    %swap3A_1213 = vector.load %arg24[%swap3A_1209, %swap3A_1210, %swap3A_1211, %swap3A_1212] : memref<8x18x18x128xf32, #tpu.memory_space<vmem>>, vector<8x18x18x128xf32>
    tpu.vector_store %arg24[%swap3A_1209, %swap3A_1210, %swap3A_1211, %swap3A_1212], %reshape3A_1208 {strides = array<i32>} : memref<8x18x18x128xf32, #tpu.memory_space<vmem>>, vector<8x18x18x128xf32>,
    return
  }
  func.func @transform_0(%arg0: i32) -> (i32, i32, i32) {
    %c0_i32 = arith.constant 0 : i32
    %c0_i32_0 = arith.constant 0 : i32
    %c0_i32_1 = arith.constant 0 : i32
    return %arg0, %c0_i32, %c0_i32_0 : i32, i32, i32
  }
  func.func @transform_1(%arg0: i32) -> (i32, i32) {
    %c0_i32 = arith.constant 0 : i32
    %c0_i32_0 = arith.constant 0 : i32
    %c0_i32_1 = arith.constant 0 : i32
    return %c0_i32, %c0_i32_0 : i32, i32
  }
  func.func @transform_2(%arg0: i32) -> (i32, i32) {
    %c0_i32 = arith.constant 0 : i32
    %c0_i32_0 = arith.constant 0 : i32
    %c0_i32_1 = arith.constant 0 : i32
    return %c0_i32, %c0_i32_0 : i32, i32
  }
  func.func @transform_3(%arg0: i32) -> (i32, i32, i32) {
    %c0_i32 = arith.constant 0 : i32
    %c0_i32_0 = arith.constant 0 : i32
    %c0_i32_1 = arith.constant 0 : i32
    %c0_i32_2 = arith.constant 0 : i32
    return %c0_i32, %c0_i32_0, %c0_i32_1 : i32, i32, i32
  }
  func.func @transform_4(%arg0: i32) -> (i32, i32) {
    %c0_i32 = arith.constant 0 : i32
    %c0_i32_0 = arith.constant 0 : i32
    %c0_i32_1 = arith.constant 0 : i32
    return %c0_i32, %c0_i32_0 : i32, i32
  }
  func.func @transform_5(%arg0: i32) -> (i32, i32, i32) {
    %c0_i32 = arith.constant 0 : i32
    %c0_i32_0 = arith.constant 0 : i32
    %c0_i32_1 = arith.constant 0 : i32
    %c0_i32_2 = arith.constant 0 : i32
    return %c0_i32, %c0_i32_0, %c0_i32_1 : i32, i32, i32
  }
  func.func @transform_6(%arg0: i32) -> (i32, i32) {
    %c0_i32 = arith.constant 0 : i32
    %c0_i32_0 = arith.constant 0 : i32
    %c0_i32_1 = arith.constant 0 : i32
    return %c0_i32, %c0_i32_0 : i32, i32
  }
  func.func @transform_7(%arg0: i32) -> (i32, i32) {
    %c0_i32 = arith.constant 0 : i32
    %c0_i32_0 = arith.constant 0 : i32
    %c0_i32_1 = arith.constant 0 : i32
    return %c0_i32, %c0_i32_0 : i32, i32
  }
  func.func @transform_8(%arg0: i32) -> (i32, i32) {
    %c0_i32 = arith.constant 0 : i32
    %c0_i32_0 = arith.constant 0 : i32
    %c0_i32_1 = arith.constant 0 : i32
    return %c0_i32, %c0_i32_0 : i32, i32
  }
  func.func @transform_9(%arg0: i32) -> (i32, i32, i32) {
    %c0_i32 = arith.constant 0 : i32
    %c0_i32_0 = arith.constant 0 : i32
    %c0_i32_1 = arith.constant 0 : i32
    %c0_i32_2 = arith.constant 0 : i32
    return %c0_i32, %c0_i32_0, %c0_i32_1 : i32, i32, i32
  }
  func.func @transform_10(%arg0: i32) -> (i32, i32) {
    %c0_i32 = arith.constant 0 : i32
    %c0_i32_0 = arith.constant 0 : i32
    %c0_i32_1 = arith.constant 0 : i32
    return %c0_i32, %c0_i32_0 : i32, i32
  }
  func.func @transform_11(%arg0: i32) -> (i32, i32, i32) {
    %c0_i32 = arith.constant 0 : i32
    %c0_i32_0 = arith.constant 0 : i32
    %c0_i32_1 = arith.constant 0 : i32
    %c0_i32_2 = arith.constant 0 : i32
    return %c0_i32, %c0_i32_0, %c0_i32_1 : i32, i32, i32
  }
  func.func @transform_12(%arg0: i32) -> (i32, i32) {
    %c0_i32 = arith.constant 0 : i32
    %c0_i32_0 = arith.constant 0 : i32
    %c0_i32_1 = arith.constant 0 : i32
    return %c0_i32, %c0_i32_0 : i32, i32
  }
  func.func @transform_13(%arg0: i32) -> (i32, i32) {
    %c0_i32 = arith.constant 0 : i32
    %c0_i32_0 = arith.constant 0 : i32
    %c0_i32_1 = arith.constant 0 : i32
    return %c0_i32, %c0_i32_0 : i32, i32
  }
  func.func @transform_14(%arg0: i32) -> (i32, i32) {
    %c0_i32 = arith.constant 0 : i32
    %c0_i32_0 = arith.constant 0 : i32
    %c0_i32_1 = arith.constant 0 : i32
    return %c0_i32, %c0_i32_0 : i32, i32
  }
  func.func @transform_15(%arg0: i32) -> (i32, i32, i32) {
    %c0_i32 = arith.constant 0 : i32
    %c0_i32_0 = arith.constant 0 : i32
    %c0_i32_1 = arith.constant 0 : i32
    %c0_i32_2 = arith.constant 0 : i32
    return %c0_i32, %c0_i32_0, %c0_i32_1 : i32, i32, i32
  }
  func.func @transform_16(%arg0: i32) -> (i32, i32) {
    %c0_i32 = arith.constant 0 : i32
    %c0_i32_0 = arith.constant 0 : i32
    %c0_i32_1 = arith.constant 0 : i32
    return %c0_i32, %c0_i32_0 : i32, i32
  }
  func.func @transform_17(%arg0: i32) -> (i32, i32, i32) {
    %c0_i32 = arith.constant 0 : i32
    %c0_i32_0 = arith.constant 0 : i32
    %c0_i32_1 = arith.constant 0 : i32
    %c0_i32_2 = arith.constant 0 : i32
    return %c0_i32, %c0_i32_0, %c0_i32_1 : i32, i32, i32
  }
  func.func @transform_18(%arg0: i32) -> (i32, i32) {
    %c0_i32 = arith.constant 0 : i32
    %c0_i32_0 = arith.constant 0 : i32
    %c0_i32_1 = arith.constant 0 : i32
    return %c0_i32, %c0_i32_0 : i32, i32
  }
  func.func @transform_19(%arg0: i32) -> (i32, i32) {
    %c0_i32 = arith.constant 0 : i32
    %c0_i32_0 = arith.constant 0 : i32
    %c0_i32_1 = arith.constant 0 : i32
    return %c0_i32, %c0_i32_0 : i32, i32
  }
  func.func @transform_20(%arg0: i32) -> (i32, i32) {
    %c0_i32 = arith.constant 0 : i32
    %c0_i32_0 = arith.constant 0 : i32
    %c0_i32_1 = arith.constant 0 : i32
    return %c0_i32, %c0_i32_0 : i32, i32
  }
  func.func @transform_21(%arg0: i32) -> (i32, i32) {
    %c0_i32 = arith.constant 0 : i32
    %c0_i32_0 = arith.constant 0 : i32
    %c0_i32_1 = arith.constant 0 : i32
    return %c0_i32, %c0_i32_0 : i32, i32
  }
  func.func @transform_22(%arg0: i32) -> (i32, i32) {
    %c0_i32 = arith.constant 0 : i32
    %c0_i32_0 = arith.constant 0 : i32
    %c0_i32_1 = arith.constant 0 : i32
    return %c0_i32, %c0_i32_0 : i32, i32
  }
  func.func @transform_23(%arg0: i32) -> (i32, i32, i32, i32) {
    %c0_i32 = arith.constant 0 : i32
    %c0_i32_0 = arith.constant 0 : i32
    %c0_i32_1 = arith.constant 0 : i32
    %c0_i32_2 = arith.constant 0 : i32
    return %arg0, %c0_i32, %c0_i32_0, %c0_i32_1 : i32, i32, i32, i32
  }
}

module attributes {stable_mosaic.version = 14 : i64} {
  func.func @_mega2_body(%arg0: i32, %arg1: memref<8x18x18x128xf32, #tpu.memory_space<vmem>>, %arg2: memref<9x128x128xf32, #tpu.memory_space<vmem>>, %arg3: memref<1x128xf32, #tpu.memory_space<vmem>>, %arg4: memref<9x128x128xf32, #tpu.memory_space<vmem>>, %arg5: memref<1x128xf32, #tpu.memory_space<vmem>>, %arg6: memref<8x128xf32, #tpu.memory_space<vmem>>, %arg7: memref<128x8xf32, #tpu.memory_space<vmem>>, %arg8: memref<9x256x128xf32, #tpu.memory_space<vmem>>, %arg9: memref<1x256xf32, #tpu.memory_space<vmem>>, %arg10: memref<9x256x256xf32, #tpu.memory_space<vmem>>, %arg11: memref<1x256xf32, #tpu.memory_space<vmem>>, %arg12: memref<16x256xf32, #tpu.memory_space<vmem>>, %arg13: memref<256x16xf32, #tpu.memory_space<vmem>>, %arg14: memref<256x128xf32, #tpu.memory_space<vmem>>, %arg15: memref<1x256xf32, #tpu.memory_space<vmem>>, %arg16: memref<9x256x256xf32, #tpu.memory_space<vmem>>, %arg17: memref<1x256xf32, #tpu.memory_space<vmem>>, %arg18: memref<9x256x256xf32, #tpu.memory_space<vmem>>, %arg19: memref<1x256xf32, #tpu.memory_space<vmem>>, %arg20: memref<16x256xf32, #tpu.memory_space<vmem>>, %arg21: memref<256x16xf32, #tpu.memory_space<vmem>>, %arg22: memref<9x384x256xf32, #tpu.memory_space<vmem>>, %arg23: memref<1x384xf32, #tpu.memory_space<vmem>>, %arg24: memref<9x384x384xf32, #tpu.memory_space<vmem>>, %arg25: memref<1x384xf32, #tpu.memory_space<vmem>>, %arg26: memref<24x384xf32, #tpu.memory_space<vmem>>, %arg27: memref<384x24xf32, #tpu.memory_space<vmem>>, %arg28: memref<384x256xf32, #tpu.memory_space<vmem>>, %arg29: memref<1x384xf32, #tpu.memory_space<vmem>>, %arg30: memref<9x384x384xf32, #tpu.memory_space<vmem>>, %arg31: memref<1x384xf32, #tpu.memory_space<vmem>>, %arg32: memref<9x384x384xf32, #tpu.memory_space<vmem>>, %arg33: memref<1x384xf32, #tpu.memory_space<vmem>>, %arg34: memref<24x384xf32, #tpu.memory_space<vmem>>, %arg35: memref<384x24xf32, #tpu.memory_space<vmem>>, %arg36: memref<8x6x6x384xf32, #tpu.memory_space<vmem>>, %arg37: memref<8x18x18x128xf32, #tpu.memory_space<vmem>>, %arg38: memref<2x8x18x16x128xf32, #tpu.memory_space<vmem>>, %arg39: memref<2x8x18x16x128xf32, #tpu.memory_space<vmem>>, %arg40: memref<8x18x18x128xf32, #tpu.memory_space<vmem>>, %arg41: memref<8x10x10x256xf32, #tpu.memory_space<vmem>>, %arg42: memref<8x10x10x256xf32, #tpu.memory_space<vmem>>, %arg43: memref<2x8x10x8x256xf32, #tpu.memory_space<vmem>>, %arg44: memref<2x8x10x8x256xf32, #tpu.memory_space<vmem>>, %arg45: memref<8x10x10x256xf32, #tpu.memory_space<vmem>>, %arg46: memref<8x6x6x384xf32, #tpu.memory_space<vmem>>, %arg47: memref<2x8x6x4x384xf32, #tpu.memory_space<vmem>>, %arg48: memref<2x8x6x4x384xf32, #tpu.memory_space<vmem>>, %arg49: memref<8x6x6x384xf32, #tpu.memory_space<vmem>>) attributes {dimension_semantics = [#tpu.dimension_semantics<arbitrary>], iteration_bounds = array<i64: 8>, scalar_prefetch = 0 : i64, scratch_operands = 13 : i64, tpu.core_type = #tpu.core_type<tc>, window_params = [{transform_indices = @transform_0, window_bounds = array<i64: 8, 18, 18, 128>}, {pipeline_mode = #tpu.pipeline_mode<synchronous>, transform_indices = @transform_1, window_bounds = array<i64: 9, 128, 128>}, {pipeline_mode = #tpu.pipeline_mode<synchronous>, transform_indices = @transform_2, window_bounds = array<i64: 1, 128>}, {pipeline_mode = #tpu.pipeline_mode<synchronous>, transform_indices = @transform_3, window_bounds = array<i64: 9, 128, 128>}, {pipeline_mode = #tpu.pipeline_mode<synchronous>, transform_indices = @transform_4, window_bounds = array<i64: 1, 128>}, {pipeline_mode = #tpu.pipeline_mode<synchronous>, transform_indices = @transform_5, window_bounds = array<i64: 8, 128>}, {pipeline_mode = #tpu.pipeline_mode<synchronous>, transform_indices = @transform_6, window_bounds = array<i64: 128, 8>}, {pipeline_mode = #tpu.pipeline_mode<synchronous>, transform_indices = @transform_7, window_bounds = array<i64: 9, 256, 128>}, {pipeline_mode = #tpu.pipeline_mode<synchronous>, transform_indices = @transform_8, window_bounds = array<i64: 1, 256>}, {pipeline_mode = #tpu.pipeline_mode<synchronous>, transform_indices = @transform_9, window_bounds = array<i64: 9, 256, 256>}, {pipeline_mode = #tpu.pipeline_mode<synchronous>, transform_indices = @transform_10, window_bounds = array<i64: 1, 256>}, {pipeline_mode = #tpu.pipeline_mode<synchronous>, transform_indices = @transform_11, window_bounds = array<i64: 16, 256>}, {pipeline_mode = #tpu.pipeline_mode<synchronous>, transform_indices = @transform_12, window_bounds = array<i64: 256, 16>}, {pipeline_mode = #tpu.pipeline_mode<synchronous>, transform_indices = @transform_13, window_bounds = array<i64: 256, 128>}, {pipeline_mode = #tpu.pipeline_mode<synchronous>, transform_indices = @transform_14, window_bounds = array<i64: 1, 256>}, {pipeline_mode = #tpu.pipeline_mode<synchronous>, transform_indices = @transform_15, window_bounds = array<i64: 9, 256, 256>}, {pipeline_mode = #tpu.pipeline_mode<synchronous>, transform_indices = @transform_16, window_bounds = array<i64: 1, 256>}, {pipeline_mode = #tpu.pipeline_mode<synchronous>, transform_indices = @transform_17, window_bounds = array<i64: 9, 256, 256>}, {pipeline_mode = #tpu.pipeline_mode<synchronous>, transform_indices = @transform_18, window_bounds = array<i64: 1, 256>}, {pipeline_mode = #tpu.pipeline_mode<synchronous>, transform_indices = @transform_19, window_bounds = array<i64: 16, 256>}, {pipeline_mode = #tpu.pipeline_mode<synchronous>, transform_indices = @transform_20, window_bounds = array<i64: 256, 16>}, {pipeline_mode = #tpu.pipeline_mode<synchronous>, transform_indices = @transform_21, window_bounds = array<i64: 9, 384, 256>}, {pipeline_mode = #tpu.pipeline_mode<synchronous>, transform_indices = @transform_22, window_bounds = array<i64: 1, 384>}, {pipeline_mode = #tpu.pipeline_mode<synchronous>, transform_indices = @transform_23, window_bounds = array<i64: 9, 384, 384>}, {pipeline_mode = #tpu.pipeline_mode<synchronous>, transform_indices = @transform_24, window_bounds = array<i64: 1, 384>}, {pipeline_mode = #tpu.pipeline_mode<synchronous>, transform_indices = @transform_25, window_bounds = array<i64: 24, 384>}, {pipeline_mode = #tpu.pipeline_mode<synchronous>, transform_indices = @transform_26, window_bounds = array<i64: 384, 24>}, {pipeline_mode = #tpu.pipeline_mode<synchronous>, transform_indices = @transform_27, window_bounds = array<i64: 384, 256>}, {pipeline_mode = #tpu.pipeline_mode<synchronous>, transform_indices = @transform_28, window_bounds = array<i64: 1, 384>}, {pipeline_mode = #tpu.pipeline_mode<synchronous>, transform_indices = @transform_29, window_bounds = array<i64: 9, 384, 384>}, {pipeline_mode = #tpu.pipeline_mode<synchronous>, transform_indices = @transform_30, window_bounds = array<i64: 1, 384>}, {pipeline_mode = #tpu.pipeline_mode<synchronous>, transform_indices = @transform_31, window_bounds = array<i64: 9, 384, 384>}, {pipeline_mode = #tpu.pipeline_mode<synchronous>, transform_indices = @transform_32, window_bounds = array<i64: 1, 384>}, {pipeline_mode = #tpu.pipeline_mode<synchronous>, transform_indices = @transform_33, window_bounds = array<i64: 24, 384>}, {pipeline_mode = #tpu.pipeline_mode<synchronous>, transform_indices = @transform_34, window_bounds = array<i64: 384, 24>}, {transform_indices = @transform_35, window_bounds = array<i64: 8, 6, 6, 384>}]} {
    %broadcast_in_dim3A = arith.constant 0.000000e+00 : f32
    %broadcast_in_dim3A_0 = vector.broadcast %broadcast_in_dim3A : f32 to vector<2048x128xf32>
    %get3A = arith.constant 0 : index
    %get3A_1 = arith.constant 0 : index
    %get3A_2 = arith.constant 1 : index
    %get3A_3 = arith.constant 0 : index
    %get3A_4 = vector.load %arg1[%get3A, %get3A_1, %get3A_2, %get3A_3] : memref<8x18x18x128xf32, #tpu.memory_space<vmem>>, vector<8x18x16x128xf32>
    %swap3A = arith.constant 0 : index
    %swap3A_5 = arith.constant 0 : index
    %swap3A_6 = arith.constant 0 : index
    %swap3A_7 = arith.constant 0 : index
    %swap3A_8 = arith.constant 0 : index
    %swap3A_9 = vector.load %arg38[%swap3A, %swap3A_5, %swap3A_6, %swap3A_7, %swap3A_8] : memref<2x8x18x16x128xf32, #tpu.memory_space<vmem>>, vector<1x8x18x16x128xf32>
    %swap3A_10 = vector.shape_cast %swap3A_9 : vector<1x8x18x16x128xf32> to vector<8x18x16x128xf32>
    %swap3A_11 = vector.shape_cast %get3A_4 : vector<8x18x16x128xf32> to vector<1x8x18x16x128xf32>
    tpu.vector_store %arg38[%swap3A, %swap3A_5, %swap3A_6, %swap3A_7, %swap3A_8], %swap3A_11 {strides = array<i32>} : memref<2x8x18x16x128xf32, #tpu.memory_space<vmem>>, vector<1x8x18x16x128xf32>,
    %get3A_12 = arith.constant 0 : index
    %get3A_13 = arith.constant 0 : index
    %get3A_14 = arith.constant 2 : index
    %get3A_15 = arith.constant 0 : index
    %get3A_16 = vector.load %arg1[%get3A_12, %get3A_13, %get3A_14, %get3A_15] : memref<8x18x18x128xf32, #tpu.memory_space<vmem>>, vector<8x18x16x128xf32>
    %swap3A_17 = arith.constant 1 : index
    %swap3A_18 = arith.constant 0 : index
    %swap3A_19 = arith.constant 0 : index
    %swap3A_20 = arith.constant 0 : index
    %swap3A_21 = arith.constant 0 : index
    %swap3A_22 = vector.load %arg38[%swap3A_17, %swap3A_18, %swap3A_19, %swap3A_20, %swap3A_21] : memref<2x8x18x16x128xf32, #tpu.memory_space<vmem>>, vector<1x8x18x16x128xf32>
    %swap3A_23 = vector.shape_cast %swap3A_22 : vector<1x8x18x16x128xf32> to vector<8x18x16x128xf32>
    %swap3A_24 = vector.shape_cast %get3A_16 : vector<8x18x16x128xf32> to vector<1x8x18x16x128xf32>
    tpu.vector_store %arg38[%swap3A_17, %swap3A_18, %swap3A_19, %swap3A_20, %swap3A_21], %swap3A_24 {strides = array<i32>} : memref<2x8x18x16x128xf32, #tpu.memory_space<vmem>>, vector<1x8x18x16x128xf32>,
    %get3A_25 = arith.constant 0 : index
    %get3A_26 = arith.constant 0 : index
    %get3A_27 = arith.constant 0 : index
    %get3A_28 = arith.constant 0 : index
    %get3A_29 = vector.load %arg1[%get3A_25, %get3A_26, %get3A_27, %get3A_28] : memref<8x18x18x128xf32, #tpu.memory_space<vmem>>, vector<8x16x16x128xf32>
    %reshape3A = vector.shape_cast %get3A_29 : vector<8x16x16x128xf32> to vector<2048x128xf32>
    %get3A_30 = arith.constant 0 : index
    %get3A_31 = arith.constant 0 : index
    %get3A_32 = arith.constant 0 : index
    %get3A_33 = vector.load %arg2[%get3A_30, %get3A_31, %get3A_32] : memref<9x128x128xf32, #tpu.memory_space<vmem>>, vector<1x128x128xf32>
    %get3A_34 = vector.shape_cast %get3A_33 : vector<1x128x128xf32> to vector<128x128xf32>
    %dot_general3A = arith.constant dense<0.000000e+00> : vector<2048x128xf32>
    %dot_general3A_35 = tpu.matmul %reshape3A, %get3A_34, %dot_general3A {dimension_numbers = #tpu.dot_dimension_numbers<[1], [1], [0], [0], [0, 0, 1, 0], [], []>, transpose_lhs_hint = false} : vector<2048x128xf32>, vector<128x128xf32>, vector<2048x128xf32> -> vector<2048x128xf32>
    %add3A = arith.addf %broadcast_in_dim3A_0, %dot_general3A_35 : vector<2048x128xf32>
    %get3A_36 = arith.constant 0 : index
    %get3A_37 = arith.constant 0 : index
    %get3A_38 = arith.constant 0 : index
    %get3A_39 = arith.constant 0 : index
    %get3A_40 = arith.constant 0 : index
    %get3A_41 = vector.load %arg38[%get3A_36, %get3A_37, %get3A_38, %get3A_39, %get3A_40] : memref<2x8x18x16x128xf32, #tpu.memory_space<vmem>>, vector<1x8x16x16x128xf32>
    %get3A_42 = vector.shape_cast %get3A_41 : vector<1x8x16x16x128xf32> to vector<8x16x16x128xf32>
    %reshape3A_43 = vector.shape_cast %get3A_42 : vector<8x16x16x128xf32> to vector<2048x128xf32>
    %get3A_44 = arith.constant 1 : index
    %get3A_45 = arith.constant 0 : index
    %get3A_46 = arith.constant 0 : index
    %get3A_47 = vector.load %arg2[%get3A_44, %get3A_45, %get3A_46] : memref<9x128x128xf32, #tpu.memory_space<vmem>>, vector<1x128x128xf32>
    %get3A_48 = vector.shape_cast %get3A_47 : vector<1x128x128xf32> to vector<128x128xf32>
    %dot_general3A_49 = arith.constant dense<0.000000e+00> : vector<2048x128xf32>
    %dot_general3A_50 = tpu.matmul %reshape3A_43, %get3A_48, %dot_general3A_49 {dimension_numbers = #tpu.dot_dimension_numbers<[1], [1], [0], [0], [0, 0, 1, 0], [], []>, transpose_lhs_hint = false} : vector<2048x128xf32>, vector<128x128xf32>, vector<2048x128xf32> -> vector<2048x128xf32>
    %add3A_51 = arith.addf %add3A, %dot_general3A_50 : vector<2048x128xf32>
    %get3A_52 = arith.constant 1 : index
    %get3A_53 = arith.constant 0 : index
    %get3A_54 = arith.constant 0 : index
    %get3A_55 = arith.constant 0 : index
    %get3A_56 = arith.constant 0 : index
    %get3A_57 = vector.load %arg38[%get3A_52, %get3A_53, %get3A_54, %get3A_55, %get3A_56] : memref<2x8x18x16x128xf32, #tpu.memory_space<vmem>>, vector<1x8x16x16x128xf32>
    %get3A_58 = vector.shape_cast %get3A_57 : vector<1x8x16x16x128xf32> to vector<8x16x16x128xf32>
    %reshape3A_59 = vector.shape_cast %get3A_58 : vector<8x16x16x128xf32> to vector<2048x128xf32>
    %get3A_60 = arith.constant 2 : index
    %get3A_61 = arith.constant 0 : index
    %get3A_62 = arith.constant 0 : index
    %get3A_63 = vector.load %arg2[%get3A_60, %get3A_61, %get3A_62] : memref<9x128x128xf32, #tpu.memory_space<vmem>>, vector<1x128x128xf32>
    %get3A_64 = vector.shape_cast %get3A_63 : vector<1x128x128xf32> to vector<128x128xf32>
    %dot_general3A_65 = arith.constant dense<0.000000e+00> : vector<2048x128xf32>
    %dot_general3A_66 = tpu.matmul %reshape3A_59, %get3A_64, %dot_general3A_65 {dimension_numbers = #tpu.dot_dimension_numbers<[1], [1], [0], [0], [0, 0, 1, 0], [], []>, transpose_lhs_hint = false} : vector<2048x128xf32>, vector<128x128xf32>, vector<2048x128xf32> -> vector<2048x128xf32>
    %add3A_67 = arith.addf %add3A_51, %dot_general3A_66 : vector<2048x128xf32>
    %get3A_68 = arith.constant 0 : index
    %get3A_69 = arith.constant 1 : index
    %get3A_70 = arith.constant 0 : index
    %get3A_71 = arith.constant 0 : index
    %get3A_72 = vector.load %arg1[%get3A_68, %get3A_69, %get3A_70, %get3A_71] : memref<8x18x18x128xf32, #tpu.memory_space<vmem>>, vector<8x16x16x128xf32>
    %reshape3A_73 = vector.shape_cast %get3A_72 : vector<8x16x16x128xf32> to vector<2048x128xf32>
    %get3A_74 = arith.constant 3 : index
    %get3A_75 = arith.constant 0 : index
    %get3A_76 = arith.constant 0 : index
    %get3A_77 = vector.load %arg2[%get3A_74, %get3A_75, %get3A_76] : memref<9x128x128xf32, #tpu.memory_space<vmem>>, vector<1x128x128xf32>
    %get3A_78 = vector.shape_cast %get3A_77 : vector<1x128x128xf32> to vector<128x128xf32>
    %dot_general3A_79 = arith.constant dense<0.000000e+00> : vector<2048x128xf32>
    %dot_general3A_80 = tpu.matmul %reshape3A_73, %get3A_78, %dot_general3A_79 {dimension_numbers = #tpu.dot_dimension_numbers<[1], [1], [0], [0], [0, 0, 1, 0], [], []>, transpose_lhs_hint = false} : vector<2048x128xf32>, vector<128x128xf32>, vector<2048x128xf32> -> vector<2048x128xf32>
    %add3A_81 = arith.addf %add3A_67, %dot_general3A_80 : vector<2048x128xf32>
    %get3A_82 = arith.constant 0 : index
    %get3A_83 = arith.constant 0 : index
    %get3A_84 = arith.constant 1 : index
    %get3A_85 = arith.constant 0 : index
    %get3A_86 = arith.constant 0 : index
    %get3A_87 = vector.load %arg38[%get3A_82, %get3A_83, %get3A_84, %get3A_85, %get3A_86] : memref<2x8x18x16x128xf32, #tpu.memory_space<vmem>>, vector<1x8x16x16x128xf32>
    %get3A_88 = vector.shape_cast %get3A_87 : vector<1x8x16x16x128xf32> to vector<8x16x16x128xf32>
    %reshape3A_89 = vector.shape_cast %get3A_88 : vector<8x16x16x128xf32> to vector<2048x128xf32>
    %get3A_90 = arith.constant 4 : index
    %get3A_91 = arith.constant 0 : index
    %get3A_92 = arith.constant 0 : index
    %get3A_93 = vector.load %arg2[%get3A_90, %get3A_91, %get3A_92] : memref<9x128x128xf32, #tpu.memory_space<vmem>>, vector<1x128x128xf32>
    %get3A_94 = vector.shape_cast %get3A_93 : vector<1x128x128xf32> to vector<128x128xf32>
    %dot_general3A_95 = arith.constant dense<0.000000e+00> : vector<2048x128xf32>
    %dot_general3A_96 = tpu.matmul %reshape3A_89, %get3A_94, %dot_general3A_95 {dimension_numbers = #tpu.dot_dimension_numbers<[1], [1], [0], [0], [0, 0, 1, 0], [], []>, transpose_lhs_hint = false} : vector<2048x128xf32>, vector<128x128xf32>, vector<2048x128xf32> -> vector<2048x128xf32>
    %add3A_97 = arith.addf %add3A_81, %dot_general3A_96 : vector<2048x128xf32>
    %get3A_98 = arith.constant 1 : index
    %get3A_99 = arith.constant 0 : index
    %get3A_100 = arith.constant 1 : index
    %get3A_101 = arith.constant 0 : index
    %get3A_102 = arith.constant 0 : index
    %get3A_103 = vector.load %arg38[%get3A_98, %get3A_99, %get3A_100, %get3A_101, %get3A_102] : memref<2x8x18x16x128xf32, #tpu.memory_space<vmem>>, vector<1x8x16x16x128xf32>
    %get3A_104 = vector.shape_cast %get3A_103 : vector<1x8x16x16x128xf32> to vector<8x16x16x128xf32>
    %reshape3A_105 = vector.shape_cast %get3A_104 : vector<8x16x16x128xf32> to vector<2048x128xf32>
    %get3A_106 = arith.constant 5 : index
    %get3A_107 = arith.constant 0 : index
    %get3A_108 = arith.constant 0 : index
    %get3A_109 = vector.load %arg2[%get3A_106, %get3A_107, %get3A_108] : memref<9x128x128xf32, #tpu.memory_space<vmem>>, vector<1x128x128xf32>
    %get3A_110 = vector.shape_cast %get3A_109 : vector<1x128x128xf32> to vector<128x128xf32>
    %dot_general3A_111 = arith.constant dense<0.000000e+00> : vector<2048x128xf32>
    %dot_general3A_112 = tpu.matmul %reshape3A_105, %get3A_110, %dot_general3A_111 {dimension_numbers = #tpu.dot_dimension_numbers<[1], [1], [0], [0], [0, 0, 1, 0], [], []>, transpose_lhs_hint = false} : vector<2048x128xf32>, vector<128x128xf32>, vector<2048x128xf32> -> vector<2048x128xf32>
    %add3A_113 = arith.addf %add3A_97, %dot_general3A_112 : vector<2048x128xf32>
    %get3A_114 = arith.constant 0 : index
    %get3A_115 = arith.constant 2 : index
    %get3A_116 = arith.constant 0 : index
    %get3A_117 = arith.constant 0 : index
    %get3A_118 = vector.load %arg1[%get3A_114, %get3A_115, %get3A_116, %get3A_117] : memref<8x18x18x128xf32, #tpu.memory_space<vmem>>, vector<8x16x16x128xf32>
    %reshape3A_119 = vector.shape_cast %get3A_118 : vector<8x16x16x128xf32> to vector<2048x128xf32>
    %get3A_120 = arith.constant 6 : index
    %get3A_121 = arith.constant 0 : index
    %get3A_122 = arith.constant 0 : index
    %get3A_123 = vector.load %arg2[%get3A_120, %get3A_121, %get3A_122] : memref<9x128x128xf32, #tpu.memory_space<vmem>>, vector<1x128x128xf32>
    %get3A_124 = vector.shape_cast %get3A_123 : vector<1x128x128xf32> to vector<128x128xf32>
    %dot_general3A_125 = arith.constant dense<0.000000e+00> : vector<2048x128xf32>
    %dot_general3A_126 = tpu.matmul %reshape3A_119, %get3A_124, %dot_general3A_125 {dimension_numbers = #tpu.dot_dimension_numbers<[1], [1], [0], [0], [0, 0, 1, 0], [], []>, transpose_lhs_hint = false} : vector<2048x128xf32>, vector<128x128xf32>, vector<2048x128xf32> -> vector<2048x128xf32>
    %add3A_127 = arith.addf %add3A_113, %dot_general3A_126 : vector<2048x128xf32>
    %get3A_128 = arith.constant 0 : index
    %get3A_129 = arith.constant 0 : index
    %get3A_130 = arith.constant 2 : index
    %get3A_131 = arith.constant 0 : index
    %get3A_132 = arith.constant 0 : index
    %get3A_133 = vector.load %arg38[%get3A_128, %get3A_129, %get3A_130, %get3A_131, %get3A_132] : memref<2x8x18x16x128xf32, #tpu.memory_space<vmem>>, vector<1x8x16x16x128xf32>
    %get3A_134 = vector.shape_cast %get3A_133 : vector<1x8x16x16x128xf32> to vector<8x16x16x128xf32>
    %reshape3A_135 = vector.shape_cast %get3A_134 : vector<8x16x16x128xf32> to vector<2048x128xf32>
    %get3A_136 = arith.constant 7 : index
    %get3A_137 = arith.constant 0 : index
    %get3A_138 = arith.constant 0 : index
    %get3A_139 = vector.load %arg2[%get3A_136, %get3A_137, %get3A_138] : memref<9x128x128xf32, #tpu.memory_space<vmem>>, vector<1x128x128xf32>
    %get3A_140 = vector.shape_cast %get3A_139 : vector<1x128x128xf32> to vector<128x128xf32>
    %dot_general3A_141 = arith.constant dense<0.000000e+00> : vector<2048x128xf32>
    %dot_general3A_142 = tpu.matmul %reshape3A_135, %get3A_140, %dot_general3A_141 {dimension_numbers = #tpu.dot_dimension_numbers<[1], [1], [0], [0], [0, 0, 1, 0], [], []>, transpose_lhs_hint = false} : vector<2048x128xf32>, vector<128x128xf32>, vector<2048x128xf32> -> vector<2048x128xf32>
    %add3A_143 = arith.addf %add3A_127, %dot_general3A_142 : vector<2048x128xf32>
    %get3A_144 = arith.constant 1 : index
    %get3A_145 = arith.constant 0 : index
    %get3A_146 = arith.constant 2 : index
    %get3A_147 = arith.constant 0 : index
    %get3A_148 = arith.constant 0 : index
    %get3A_149 = vector.load %arg38[%get3A_144, %get3A_145, %get3A_146, %get3A_147, %get3A_148] : memref<2x8x18x16x128xf32, #tpu.memory_space<vmem>>, vector<1x8x16x16x128xf32>
    %get3A_150 = vector.shape_cast %get3A_149 : vector<1x8x16x16x128xf32> to vector<8x16x16x128xf32>
    %reshape3A_151 = vector.shape_cast %get3A_150 : vector<8x16x16x128xf32> to vector<2048x128xf32>
    %get3A_152 = arith.constant 8 : index
    %get3A_153 = arith.constant 0 : index
    %get3A_154 = arith.constant 0 : index
    %get3A_155 = vector.load %arg2[%get3A_152, %get3A_153, %get3A_154] : memref<9x128x128xf32, #tpu.memory_space<vmem>>, vector<1x128x128xf32>
    %get3A_156 = vector.shape_cast %get3A_155 : vector<1x128x128xf32> to vector<128x128xf32>
    %dot_general3A_157 = arith.constant dense<0.000000e+00> : vector<2048x128xf32>
    %dot_general3A_158 = tpu.matmul %reshape3A_151, %get3A_156, %dot_general3A_157 {dimension_numbers = #tpu.dot_dimension_numbers<[1], [1], [0], [0], [0, 0, 1, 0], [], []>, transpose_lhs_hint = false} : vector<2048x128xf32>, vector<128x128xf32>, vector<2048x128xf32> -> vector<2048x128xf32>
    %add3A_159 = arith.addf %add3A_143, %dot_general3A_158 : vector<2048x128xf32>
    %get3A_160 = arith.constant 0 : index
    %get3A_161 = arith.constant 0 : index
    %get3A_162 = vector.load %arg3[%get3A_160, %get3A_161] : memref<1x128xf32, #tpu.memory_space<vmem>>, vector<1x128xf32>
    %add3A_163 = vector.broadcast %get3A_162 : vector<1x128xf32> to vector<2048x128xf32>
    %add3A_164 = arith.addf %add3A_159, %add3A_163 : vector<2048x128xf32>
    %max3A = arith.constant 0.000000e+00 : f32
    %max3A_165 = vector.broadcast %max3A : f32 to vector<2048x128xf32>
    %max3A_166 = arith.maximumf %add3A_164, %max3A_165 : vector<2048x128xf32>
    %broadcast_in_dim3A_167 = arith.constant 0.000000e+00 : f32
    %broadcast_in_dim3A_168 = vector.broadcast %broadcast_in_dim3A_167 : f32 to vector<8x18x18x128xf32>
    %swap3A_169 = arith.constant 0 : index
    %swap3A_170 = arith.constant 0 : index
    %swap3A_171 = arith.constant 0 : index
    %swap3A_172 = arith.constant 0 : index
    %swap3A_173 = vector.load %arg40[%swap3A_169, %swap3A_170, %swap3A_171, %swap3A_172] : memref<8x18x18x128xf32, #tpu.memory_space<vmem>>, vector<8x18x18x128xf32>
    tpu.vector_store %arg40[%swap3A_169, %swap3A_170, %swap3A_171, %swap3A_172], %broadcast_in_dim3A_168 {strides = array<i32>} : memref<8x18x18x128xf32, #tpu.memory_space<vmem>>, vector<8x18x18x128xf32>,
    %reshape3A_174 = vector.shape_cast %max3A_166 : vector<2048x128xf32> to vector<8x16x16x128xf32>
    %swap3A_175 = arith.constant 0 : index
    %swap3A_176 = arith.constant 1 : index
    %swap3A_177 = arith.constant 1 : index
    %swap3A_178 = arith.constant 0 : index
    %swap3A_179 = vector.load %arg40[%swap3A_175, %swap3A_176, %swap3A_177, %swap3A_178] : memref<8x18x18x128xf32, #tpu.memory_space<vmem>>, vector<8x16x16x128xf32>
    tpu.vector_store %arg40[%swap3A_175, %swap3A_176, %swap3A_177, %swap3A_178], %reshape3A_174 {strides = array<i32>} : memref<8x18x18x128xf32, #tpu.memory_space<vmem>>, vector<8x16x16x128xf32>,
    %get3A_180 = arith.constant 0 : index
    %get3A_181 = arith.constant 0 : index
    %get3A_182 = arith.constant 1 : index
    %get3A_183 = arith.constant 0 : index
    %get3A_184 = vector.load %arg40[%get3A_180, %get3A_181, %get3A_182, %get3A_183] : memref<8x18x18x128xf32, #tpu.memory_space<vmem>>, vector<8x18x16x128xf32>
    %swap3A_185 = arith.constant 0 : index
    %swap3A_186 = arith.constant 0 : index
    %swap3A_187 = arith.constant 0 : index
    %swap3A_188 = arith.constant 0 : index
    %swap3A_189 = arith.constant 0 : index
    %swap3A_190 = vector.load %arg39[%swap3A_185, %swap3A_186, %swap3A_187, %swap3A_188, %swap3A_189] : memref<2x8x18x16x128xf32, #tpu.memory_space<vmem>>, vector<1x8x18x16x128xf32>
    %swap3A_191 = vector.shape_cast %swap3A_190 : vector<1x8x18x16x128xf32> to vector<8x18x16x128xf32>
    %swap3A_192 = vector.shape_cast %get3A_184 : vector<8x18x16x128xf32> to vector<1x8x18x16x128xf32>
    tpu.vector_store %arg39[%swap3A_185, %swap3A_186, %swap3A_187, %swap3A_188, %swap3A_189], %swap3A_192 {strides = array<i32>} : memref<2x8x18x16x128xf32, #tpu.memory_space<vmem>>, vector<1x8x18x16x128xf32>,
    %get3A_193 = arith.constant 0 : index
    %get3A_194 = arith.constant 0 : index
    %get3A_195 = arith.constant 2 : index
    %get3A_196 = arith.constant 0 : index
    %get3A_197 = vector.load %arg40[%get3A_193, %get3A_194, %get3A_195, %get3A_196] : memref<8x18x18x128xf32, #tpu.memory_space<vmem>>, vector<8x18x16x128xf32>
    %swap3A_198 = arith.constant 1 : index
    %swap3A_199 = arith.constant 0 : index
    %swap3A_200 = arith.constant 0 : index
    %swap3A_201 = arith.constant 0 : index
    %swap3A_202 = arith.constant 0 : index
    %swap3A_203 = vector.load %arg39[%swap3A_198, %swap3A_199, %swap3A_200, %swap3A_201, %swap3A_202] : memref<2x8x18x16x128xf32, #tpu.memory_space<vmem>>, vector<1x8x18x16x128xf32>
    %swap3A_204 = vector.shape_cast %swap3A_203 : vector<1x8x18x16x128xf32> to vector<8x18x16x128xf32>
    %swap3A_205 = vector.shape_cast %get3A_197 : vector<8x18x16x128xf32> to vector<1x8x18x16x128xf32>
    tpu.vector_store %arg39[%swap3A_198, %swap3A_199, %swap3A_200, %swap3A_201, %swap3A_202], %swap3A_205 {strides = array<i32>} : memref<2x8x18x16x128xf32, #tpu.memory_space<vmem>>, vector<1x8x18x16x128xf32>,
    %broadcast_in_dim3A_206 = arith.constant 0.000000e+00 : f32
    %broadcast_in_dim3A_207 = vector.broadcast %broadcast_in_dim3A_206 : f32 to vector<2048x128xf32>
    %get3A_208 = arith.constant 0 : index
    %get3A_209 = arith.constant 0 : index
    %get3A_210 = arith.constant 0 : index
    %get3A_211 = arith.constant 0 : index
    %get3A_212 = vector.load %arg40[%get3A_208, %get3A_209, %get3A_210, %get3A_211] : memref<8x18x18x128xf32, #tpu.memory_space<vmem>>, vector<8x16x16x128xf32>
    %reshape3A_213 = vector.shape_cast %get3A_212 : vector<8x16x16x128xf32> to vector<2048x128xf32>
    %get3A_214 = arith.constant 0 : index
    %get3A_215 = arith.constant 0 : index
    %get3A_216 = arith.constant 0 : index
    %get3A_217 = vector.load %arg4[%get3A_214, %get3A_215, %get3A_216] : memref<9x128x128xf32, #tpu.memory_space<vmem>>, vector<1x128x128xf32>
    %get3A_218 = vector.shape_cast %get3A_217 : vector<1x128x128xf32> to vector<128x128xf32>
    %dot_general3A_219 = arith.constant dense<0.000000e+00> : vector<2048x128xf32>
    %dot_general3A_220 = tpu.matmul %reshape3A_213, %get3A_218, %dot_general3A_219 {dimension_numbers = #tpu.dot_dimension_numbers<[1], [1], [0], [0], [0, 0, 1, 0], [], []>, transpose_lhs_hint = false} : vector<2048x128xf32>, vector<128x128xf32>, vector<2048x128xf32> -> vector<2048x128xf32>
    %add3A_221 = arith.addf %broadcast_in_dim3A_207, %dot_general3A_220 : vector<2048x128xf32>
    %get3A_222 = arith.constant 0 : index
    %get3A_223 = arith.constant 0 : index
    %get3A_224 = arith.constant 0 : index
    %get3A_225 = arith.constant 0 : index
    %get3A_226 = arith.constant 0 : index
    %get3A_227 = vector.load %arg39[%get3A_222, %get3A_223, %get3A_224, %get3A_225, %get3A_226] : memref<2x8x18x16x128xf32, #tpu.memory_space<vmem>>, vector<1x8x16x16x128xf32>
    %get3A_228 = vector.shape_cast %get3A_227 : vector<1x8x16x16x128xf32> to vector<8x16x16x128xf32>
    %reshape3A_229 = vector.shape_cast %get3A_228 : vector<8x16x16x128xf32> to vector<2048x128xf32>
    %get3A_230 = arith.constant 1 : index
    %get3A_231 = arith.constant 0 : index
    %get3A_232 = arith.constant 0 : index
    %get3A_233 = vector.load %arg4[%get3A_230, %get3A_231, %get3A_232] : memref<9x128x128xf32, #tpu.memory_space<vmem>>, vector<1x128x128xf32>
    %get3A_234 = vector.shape_cast %get3A_233 : vector<1x128x128xf32> to vector<128x128xf32>
    %dot_general3A_235 = arith.constant dense<0.000000e+00> : vector<2048x128xf32>
    %dot_general3A_236 = tpu.matmul %reshape3A_229, %get3A_234, %dot_general3A_235 {dimension_numbers = #tpu.dot_dimension_numbers<[1], [1], [0], [0], [0, 0, 1, 0], [], []>, transpose_lhs_hint = false} : vector<2048x128xf32>, vector<128x128xf32>, vector<2048x128xf32> -> vector<2048x128xf32>
    %add3A_237 = arith.addf %add3A_221, %dot_general3A_236 : vector<2048x128xf32>
    %get3A_238 = arith.constant 1 : index
    %get3A_239 = arith.constant 0 : index
    %get3A_240 = arith.constant 0 : index
    %get3A_241 = arith.constant 0 : index
    %get3A_242 = arith.constant 0 : index
    %get3A_243 = vector.load %arg39[%get3A_238, %get3A_239, %get3A_240, %get3A_241, %get3A_242] : memref<2x8x18x16x128xf32, #tpu.memory_space<vmem>>, vector<1x8x16x16x128xf32>
    %get3A_244 = vector.shape_cast %get3A_243 : vector<1x8x16x16x128xf32> to vector<8x16x16x128xf32>
    %reshape3A_245 = vector.shape_cast %get3A_244 : vector<8x16x16x128xf32> to vector<2048x128xf32>
    %get3A_246 = arith.constant 2 : index
    %get3A_247 = arith.constant 0 : index
    %get3A_248 = arith.constant 0 : index
    %get3A_249 = vector.load %arg4[%get3A_246, %get3A_247, %get3A_248] : memref<9x128x128xf32, #tpu.memory_space<vmem>>, vector<1x128x128xf32>
    %get3A_250 = vector.shape_cast %get3A_249 : vector<1x128x128xf32> to vector<128x128xf32>
    %dot_general3A_251 = arith.constant dense<0.000000e+00> : vector<2048x128xf32>
    %dot_general3A_252 = tpu.matmul %reshape3A_245, %get3A_250, %dot_general3A_251 {dimension_numbers = #tpu.dot_dimension_numbers<[1], [1], [0], [0], [0, 0, 1, 0], [], []>, transpose_lhs_hint = false} : vector<2048x128xf32>, vector<128x128xf32>, vector<2048x128xf32> -> vector<2048x128xf32>
    %add3A_253 = arith.addf %add3A_237, %dot_general3A_252 : vector<2048x128xf32>
    %get3A_254 = arith.constant 0 : index
    %get3A_255 = arith.constant 1 : index
    %get3A_256 = arith.constant 0 : index
    %get3A_257 = arith.constant 0 : index
    %get3A_258 = vector.load %arg40[%get3A_254, %get3A_255, %get3A_256, %get3A_257] : memref<8x18x18x128xf32, #tpu.memory_space<vmem>>, vector<8x16x16x128xf32>
    %reshape3A_259 = vector.shape_cast %get3A_258 : vector<8x16x16x128xf32> to vector<2048x128xf32>
    %get3A_260 = arith.constant 3 : index
    %get3A_261 = arith.constant 0 : index
    %get3A_262 = arith.constant 0 : index
    %get3A_263 = vector.load %arg4[%get3A_260, %get3A_261, %get3A_262] : memref<9x128x128xf32, #tpu.memory_space<vmem>>, vector<1x128x128xf32>
    %get3A_264 = vector.shape_cast %get3A_263 : vector<1x128x128xf32> to vector<128x128xf32>
    %dot_general3A_265 = arith.constant dense<0.000000e+00> : vector<2048x128xf32>
    %dot_general3A_266 = tpu.matmul %reshape3A_259, %get3A_264, %dot_general3A_265 {dimension_numbers = #tpu.dot_dimension_numbers<[1], [1], [0], [0], [0, 0, 1, 0], [], []>, transpose_lhs_hint = false} : vector<2048x128xf32>, vector<128x128xf32>, vector<2048x128xf32> -> vector<2048x128xf32>
    %add3A_267 = arith.addf %add3A_253, %dot_general3A_266 : vector<2048x128xf32>
    %get3A_268 = arith.constant 0 : index
    %get3A_269 = arith.constant 0 : index
    %get3A_270 = arith.constant 1 : index
    %get3A_271 = arith.constant 0 : index
    %get3A_272 = arith.constant 0 : index
    %get3A_273 = vector.load %arg39[%get3A_268, %get3A_269, %get3A_270, %get3A_271, %get3A_272] : memref<2x8x18x16x128xf32, #tpu.memory_space<vmem>>, vector<1x8x16x16x128xf32>
    %get3A_274 = vector.shape_cast %get3A_273 : vector<1x8x16x16x128xf32> to vector<8x16x16x128xf32>
    %reshape3A_275 = vector.shape_cast %get3A_274 : vector<8x16x16x128xf32> to vector<2048x128xf32>
    %get3A_276 = arith.constant 4 : index
    %get3A_277 = arith.constant 0 : index
    %get3A_278 = arith.constant 0 : index
    %get3A_279 = vector.load %arg4[%get3A_276, %get3A_277, %get3A_278] : memref<9x128x128xf32, #tpu.memory_space<vmem>>, vector<1x128x128xf32>
    %get3A_280 = vector.shape_cast %get3A_279 : vector<1x128x128xf32> to vector<128x128xf32>
    %dot_general3A_281 = arith.constant dense<0.000000e+00> : vector<2048x128xf32>
    %dot_general3A_282 = tpu.matmul %reshape3A_275, %get3A_280, %dot_general3A_281 {dimension_numbers = #tpu.dot_dimension_numbers<[1], [1], [0], [0], [0, 0, 1, 0], [], []>, transpose_lhs_hint = false} : vector<2048x128xf32>, vector<128x128xf32>, vector<2048x128xf32> -> vector<2048x128xf32>
    %add3A_283 = arith.addf %add3A_267, %dot_general3A_282 : vector<2048x128xf32>
    %get3A_284 = arith.constant 1 : index
    %get3A_285 = arith.constant 0 : index
    %get3A_286 = arith.constant 1 : index
    %get3A_287 = arith.constant 0 : index
    %get3A_288 = arith.constant 0 : index
    %get3A_289 = vector.load %arg39[%get3A_284, %get3A_285, %get3A_286, %get3A_287, %get3A_288] : memref<2x8x18x16x128xf32, #tpu.memory_space<vmem>>, vector<1x8x16x16x128xf32>
    %get3A_290 = vector.shape_cast %get3A_289 : vector<1x8x16x16x128xf32> to vector<8x16x16x128xf32>
    %reshape3A_291 = vector.shape_cast %get3A_290 : vector<8x16x16x128xf32> to vector<2048x128xf32>
    %get3A_292 = arith.constant 5 : index
    %get3A_293 = arith.constant 0 : index
    %get3A_294 = arith.constant 0 : index
    %get3A_295 = vector.load %arg4[%get3A_292, %get3A_293, %get3A_294] : memref<9x128x128xf32, #tpu.memory_space<vmem>>, vector<1x128x128xf32>
    %get3A_296 = vector.shape_cast %get3A_295 : vector<1x128x128xf32> to vector<128x128xf32>
    %dot_general3A_297 = arith.constant dense<0.000000e+00> : vector<2048x128xf32>
    %dot_general3A_298 = tpu.matmul %reshape3A_291, %get3A_296, %dot_general3A_297 {dimension_numbers = #tpu.dot_dimension_numbers<[1], [1], [0], [0], [0, 0, 1, 0], [], []>, transpose_lhs_hint = false} : vector<2048x128xf32>, vector<128x128xf32>, vector<2048x128xf32> -> vector<2048x128xf32>
    %add3A_299 = arith.addf %add3A_283, %dot_general3A_298 : vector<2048x128xf32>
    %get3A_300 = arith.constant 0 : index
    %get3A_301 = arith.constant 2 : index
    %get3A_302 = arith.constant 0 : index
    %get3A_303 = arith.constant 0 : index
    %get3A_304 = vector.load %arg40[%get3A_300, %get3A_301, %get3A_302, %get3A_303] : memref<8x18x18x128xf32, #tpu.memory_space<vmem>>, vector<8x16x16x128xf32>
    %reshape3A_305 = vector.shape_cast %get3A_304 : vector<8x16x16x128xf32> to vector<2048x128xf32>
    %get3A_306 = arith.constant 6 : index
    %get3A_307 = arith.constant 0 : index
    %get3A_308 = arith.constant 0 : index
    %get3A_309 = vector.load %arg4[%get3A_306, %get3A_307, %get3A_308] : memref<9x128x128xf32, #tpu.memory_space<vmem>>, vector<1x128x128xf32>
    %get3A_310 = vector.shape_cast %get3A_309 : vector<1x128x128xf32> to vector<128x128xf32>
    %dot_general3A_311 = arith.constant dense<0.000000e+00> : vector<2048x128xf32>
    %dot_general3A_312 = tpu.matmul %reshape3A_305, %get3A_310, %dot_general3A_311 {dimension_numbers = #tpu.dot_dimension_numbers<[1], [1], [0], [0], [0, 0, 1, 0], [], []>, transpose_lhs_hint = false} : vector<2048x128xf32>, vector<128x128xf32>, vector<2048x128xf32> -> vector<2048x128xf32>
    %add3A_313 = arith.addf %add3A_299, %dot_general3A_312 : vector<2048x128xf32>
    %get3A_314 = arith.constant 0 : index
    %get3A_315 = arith.constant 0 : index
    %get3A_316 = arith.constant 2 : index
    %get3A_317 = arith.constant 0 : index
    %get3A_318 = arith.constant 0 : index
    %get3A_319 = vector.load %arg39[%get3A_314, %get3A_315, %get3A_316, %get3A_317, %get3A_318] : memref<2x8x18x16x128xf32, #tpu.memory_space<vmem>>, vector<1x8x16x16x128xf32>
    %get3A_320 = vector.shape_cast %get3A_319 : vector<1x8x16x16x128xf32> to vector<8x16x16x128xf32>
    %reshape3A_321 = vector.shape_cast %get3A_320 : vector<8x16x16x128xf32> to vector<2048x128xf32>
    %get3A_322 = arith.constant 7 : index
    %get3A_323 = arith.constant 0 : index
    %get3A_324 = arith.constant 0 : index
    %get3A_325 = vector.load %arg4[%get3A_322, %get3A_323, %get3A_324] : memref<9x128x128xf32, #tpu.memory_space<vmem>>, vector<1x128x128xf32>
    %get3A_326 = vector.shape_cast %get3A_325 : vector<1x128x128xf32> to vector<128x128xf32>
    %dot_general3A_327 = arith.constant dense<0.000000e+00> : vector<2048x128xf32>
    %dot_general3A_328 = tpu.matmul %reshape3A_321, %get3A_326, %dot_general3A_327 {dimension_numbers = #tpu.dot_dimension_numbers<[1], [1], [0], [0], [0, 0, 1, 0], [], []>, transpose_lhs_hint = false} : vector<2048x128xf32>, vector<128x128xf32>, vector<2048x128xf32> -> vector<2048x128xf32>
    %add3A_329 = arith.addf %add3A_313, %dot_general3A_328 : vector<2048x128xf32>
    %get3A_330 = arith.constant 1 : index
    %get3A_331 = arith.constant 0 : index
    %get3A_332 = arith.constant 2 : index
    %get3A_333 = arith.constant 0 : index
    %get3A_334 = arith.constant 0 : index
    %get3A_335 = vector.load %arg39[%get3A_330, %get3A_331, %get3A_332, %get3A_333, %get3A_334] : memref<2x8x18x16x128xf32, #tpu.memory_space<vmem>>, vector<1x8x16x16x128xf32>
    %get3A_336 = vector.shape_cast %get3A_335 : vector<1x8x16x16x128xf32> to vector<8x16x16x128xf32>
    %reshape3A_337 = vector.shape_cast %get3A_336 : vector<8x16x16x128xf32> to vector<2048x128xf32>
    %get3A_338 = arith.constant 8 : index
    %get3A_339 = arith.constant 0 : index
    %get3A_340 = arith.constant 0 : index
    %get3A_341 = vector.load %arg4[%get3A_338, %get3A_339, %get3A_340] : memref<9x128x128xf32, #tpu.memory_space<vmem>>, vector<1x128x128xf32>
    %get3A_342 = vector.shape_cast %get3A_341 : vector<1x128x128xf32> to vector<128x128xf32>
    %dot_general3A_343 = arith.constant dense<0.000000e+00> : vector<2048x128xf32>
    %dot_general3A_344 = tpu.matmul %reshape3A_337, %get3A_342, %dot_general3A_343 {dimension_numbers = #tpu.dot_dimension_numbers<[1], [1], [0], [0], [0, 0, 1, 0], [], []>, transpose_lhs_hint = false} : vector<2048x128xf32>, vector<128x128xf32>, vector<2048x128xf32> -> vector<2048x128xf32>
    %add3A_345 = arith.addf %add3A_329, %dot_general3A_344 : vector<2048x128xf32>
    %get3A_346 = arith.constant 0 : index
    %get3A_347 = arith.constant 0 : index
    %get3A_348 = vector.load %arg5[%get3A_346, %get3A_347] : memref<1x128xf32, #tpu.memory_space<vmem>>, vector<1x128xf32>
    %add3A_349 = vector.broadcast %get3A_348 : vector<1x128xf32> to vector<2048x128xf32>
    %add3A_350 = arith.addf %add3A_345, %add3A_349 : vector<2048x128xf32>
    %reshape3A_351 = vector.shape_cast %add3A_350 : vector<2048x128xf32> to vector<8x256x128xf32>
    %reduce_sum3A = arith.constant dense<0.000000e+00> : vector<8x128xf32>
    %reduce_sum3A_352 = vector.multi_reduction <add>, %reshape3A_351, %reduce_sum3A [1] : vector<8x256x128xf32> to vector<8x128xf32>
    %div3A = arith.constant 2.560000e+02 : f32
    %div3A_353 = vector.broadcast %div3A : f32 to vector<8x128xf32>
    %div3A_354 = arith.divf %reduce_sum3A_352, %div3A_353 : vector<8x128xf32>
    %get3A_355 = arith.constant 0 : index
    %get3A_356 = arith.constant 0 : index
    %get3A_357 = vector.load %arg6[%get3A_355, %get3A_356] : memref<8x128xf32, #tpu.memory_space<vmem>>, vector<8x128xf32>
    %dot_general3A_358 = arith.constant dense<0.000000e+00> : vector<8x8xf32>
    %dot_general3A_359 = tpu.matmul %div3A_354, %get3A_357, %dot_general3A_358 {dimension_numbers = #tpu.dot_dimension_numbers<[1], [1], [0], [0], [0, 0, 1, 0], [], []>, transpose_lhs_hint = false} : vector<8x128xf32>, vector<8x128xf32>, vector<8x8xf32> -> vector<8x8xf32>
    %max3A_360 = arith.constant 0.000000e+00 : f32
    %max3A_361 = vector.broadcast %max3A_360 : f32 to vector<8x8xf32>
    %max3A_362 = arith.maximumf %dot_general3A_359, %max3A_361 : vector<8x8xf32>
    %get3A_363 = arith.constant 0 : index
    %get3A_364 = arith.constant 0 : index
    %get3A_365 = vector.load %arg7[%get3A_363, %get3A_364] : memref<128x8xf32, #tpu.memory_space<vmem>>, vector<128x8xf32>
    %dot_general3A_366 = arith.constant dense<0.000000e+00> : vector<8x128xf32>
    %dot_general3A_367 = tpu.matmul %max3A_362, %get3A_365, %dot_general3A_366 {dimension_numbers = #tpu.dot_dimension_numbers<[1], [1], [0], [0], [0, 0, 1, 0], [], []>, transpose_lhs_hint = false} : vector<8x8xf32>, vector<128x8xf32>, vector<8x128xf32> -> vector<8x128xf32>
    %logistic3A = arith.negf %dot_general3A_367 : vector<8x128xf32>
    %logistic3A_368 = math.exp %logistic3A : vector<8x128xf32>
    %logistic3A_369 = arith.constant 1.000000e+00 : f32
    %logistic3A_370 = vector.broadcast %logistic3A_369 : f32 to vector<8x128xf32>
    %logistic3A_371 = arith.addf %logistic3A_370, %logistic3A_368 : vector<8x128xf32>
    %logistic3A_372 = arith.divf %logistic3A_370, %logistic3A_371 : vector<8x128xf32>
    %reshape3A_373 = vector.shape_cast %add3A_350 : vector<2048x128xf32> to vector<8x256x128xf32>
    %broadcast_in_dim3A_374 = vector.shape_cast %logistic3A_372 : vector<8x128xf32> to vector<8x1x128xf32>
    %mul3A = vector.broadcast %broadcast_in_dim3A_374 : vector<8x1x128xf32> to vector<8x256x128xf32>
    %mul3A_375 = arith.mulf %reshape3A_373, %mul3A : vector<8x256x128xf32>
    %get3A_376 = arith.constant 0 : index
    %get3A_377 = arith.constant 0 : index
    %get3A_378 = arith.constant 1 : index
    %get3A_379 = arith.constant 0 : index
    %get3A_380 = arith.constant 0 : index
    %get3A_381 = vector.load %arg38[%get3A_376, %get3A_377, %get3A_378, %get3A_379, %get3A_380] : memref<2x8x18x16x128xf32, #tpu.memory_space<vmem>>, vector<1x8x16x16x128xf32>
    %get3A_382 = vector.shape_cast %get3A_381 : vector<1x8x16x16x128xf32> to vector<8x16x16x128xf32>
    %reshape3A_383 = vector.shape_cast %get3A_382 : vector<8x16x16x128xf32> to vector<8x256x128xf32>
    %add3A_384 = arith.addf %mul3A_375, %reshape3A_383 : vector<8x256x128xf32>
    %max3A_385 = arith.constant 0.000000e+00 : f32
    %max3A_386 = vector.broadcast %max3A_385 : f32 to vector<8x256x128xf32>
    %max3A_387 = arith.maximumf %add3A_384, %max3A_386 : vector<8x256x128xf32>
    %reshape3A_388 = vector.shape_cast %max3A_387 : vector<8x256x128xf32> to vector<8x16x16x128xf32>
    %broadcast_in_dim3A_389 = arith.constant 0.000000e+00 : f32
    %broadcast_in_dim3A_390 = vector.broadcast %broadcast_in_dim3A_389 : f32 to vector<8x18x18x128xf32>
    %swap3A_391 = arith.constant 0 : index
    %swap3A_392 = arith.constant 0 : index
    %swap3A_393 = arith.constant 0 : index
    %swap3A_394 = arith.constant 0 : index
    %swap3A_395 = vector.load %arg37[%swap3A_391, %swap3A_392, %swap3A_393, %swap3A_394] : memref<8x18x18x128xf32, #tpu.memory_space<vmem>>, vector<8x18x18x128xf32>
    tpu.vector_store %arg37[%swap3A_391, %swap3A_392, %swap3A_393, %swap3A_394], %broadcast_in_dim3A_390 {strides = array<i32>} : memref<8x18x18x128xf32, #tpu.memory_space<vmem>>, vector<8x18x18x128xf32>,
    %swap3A_396 = arith.constant 0 : index
    %swap3A_397 = arith.constant 1 : index
    %swap3A_398 = arith.constant 1 : index
    %swap3A_399 = arith.constant 0 : index
    %swap3A_400 = vector.load %arg37[%swap3A_396, %swap3A_397, %swap3A_398, %swap3A_399] : memref<8x18x18x128xf32, #tpu.memory_space<vmem>>, vector<8x16x16x128xf32>
    tpu.vector_store %arg37[%swap3A_396, %swap3A_397, %swap3A_398, %swap3A_399], %reshape3A_388 {strides = array<i32>} : memref<8x18x18x128xf32, #tpu.memory_space<vmem>>, vector<8x16x16x128xf32>,
    %broadcast_in_dim3A_401 = arith.constant 0.000000e+00 : f32
    %broadcast_in_dim3A_402 = vector.broadcast %broadcast_in_dim3A_401 : f32 to vector<512x256xf32>
    %get3A_403 = arith.constant 0 : index
    %get3A_404 = arith.constant 0 : index
    %get3A_405 = arith.constant 0 : index
    %get3A_406 = arith.constant 0 : index
    %get3A_407 = vector.load %arg37[%get3A_403, %get3A_404, %get3A_405, %get3A_406] : memref<8x18x18x128xf32, #tpu.memory_space<vmem>>, vector<8x18x18x128xf32>
    %reshape3A_408 = vector.shape_cast %get3A_407 : vector<8x18x18x128xf32> to vector<8x9x2x9x2x128xf32>
    %slice3A = vector.extract_strided_slice %reshape3A_408 {offsets = [0, 0, 0, 0, 0, 0], sizes = [8, 9, 1, 9, 1, 128], strides = [1, 1, 1, 1, 1, 1]} : vector<8x9x2x9x2x128xf32> to vector<8x9x1x9x1x128xf32>
    %squeeze3A = vector.shape_cast %slice3A : vector<8x9x1x9x1x128xf32> to vector<8x9x9x128xf32>
    %slice3A_409 = vector.extract_strided_slice %reshape3A_408 {offsets = [0, 0, 0, 0, 1, 0], sizes = [8, 9, 1, 9, 1, 128], strides = [1, 1, 1, 1, 1, 1]} : vector<8x9x2x9x2x128xf32> to vector<8x9x1x9x1x128xf32>
    %squeeze3A_410 = vector.shape_cast %slice3A_409 : vector<8x9x1x9x1x128xf32> to vector<8x9x9x128xf32>
    %slice3A_411 = vector.extract_strided_slice %reshape3A_408 {offsets = [0, 0, 1, 0, 0, 0], sizes = [8, 9, 1, 9, 1, 128], strides = [1, 1, 1, 1, 1, 1]} : vector<8x9x2x9x2x128xf32> to vector<8x9x1x9x1x128xf32>
    %squeeze3A_412 = vector.shape_cast %slice3A_411 : vector<8x9x1x9x1x128xf32> to vector<8x9x9x128xf32>
    %slice3A_413 = vector.extract_strided_slice %reshape3A_408 {offsets = [0, 0, 1, 0, 1, 0], sizes = [8, 9, 1, 9, 1, 128], strides = [1, 1, 1, 1, 1, 1]} : vector<8x9x2x9x2x128xf32> to vector<8x9x1x9x1x128xf32>
    %squeeze3A_414 = vector.shape_cast %slice3A_413 : vector<8x9x1x9x1x128xf32> to vector<8x9x9x128xf32>
    %slice3A_415 = vector.extract_strided_slice %squeeze3A {offsets = [0, 0, 0, 0], sizes = [8, 8, 8, 128], strides = [1, 1, 1, 1]} : vector<8x9x9x128xf32> to vector<8x8x8x128xf32>
    %reshape3A_416 = vector.shape_cast %slice3A_415 : vector<8x8x8x128xf32> to vector<512x128xf32>
    %get3A_417 = arith.constant 0 : index
    %get3A_418 = arith.constant 0 : index
    %get3A_419 = arith.constant 0 : index
    %get3A_420 = vector.load %arg8[%get3A_417, %get3A_418, %get3A_419] : memref<9x256x128xf32, #tpu.memory_space<vmem>>, vector<1x256x128xf32>
    %get3A_421 = vector.shape_cast %get3A_420 : vector<1x256x128xf32> to vector<256x128xf32>
    %dot_general3A_422 = arith.constant dense<0.000000e+00> : vector<512x256xf32>
    %dot_general3A_423 = tpu.matmul %reshape3A_416, %get3A_421, %dot_general3A_422 {dimension_numbers = #tpu.dot_dimension_numbers<[1], [1], [0], [0], [0, 0, 1, 0], [], []>, transpose_lhs_hint = false} : vector<512x128xf32>, vector<256x128xf32>, vector<512x256xf32> -> vector<512x256xf32>
    %add3A_424 = arith.addf %broadcast_in_dim3A_402, %dot_general3A_423 : vector<512x256xf32>
    %slice3A_425 = vector.extract_strided_slice %squeeze3A_410 {offsets = [0, 0, 0, 0], sizes = [8, 8, 8, 128], strides = [1, 1, 1, 1]} : vector<8x9x9x128xf32> to vector<8x8x8x128xf32>
    %reshape3A_426 = vector.shape_cast %slice3A_425 : vector<8x8x8x128xf32> to vector<512x128xf32>
    %get3A_427 = arith.constant 1 : index
    %get3A_428 = arith.constant 0 : index
    %get3A_429 = arith.constant 0 : index
    %get3A_430 = vector.load %arg8[%get3A_427, %get3A_428, %get3A_429] : memref<9x256x128xf32, #tpu.memory_space<vmem>>, vector<1x256x128xf32>
    %get3A_431 = vector.shape_cast %get3A_430 : vector<1x256x128xf32> to vector<256x128xf32>
    %dot_general3A_432 = arith.constant dense<0.000000e+00> : vector<512x256xf32>
    %dot_general3A_433 = tpu.matmul %reshape3A_426, %get3A_431, %dot_general3A_432 {dimension_numbers = #tpu.dot_dimension_numbers<[1], [1], [0], [0], [0, 0, 1, 0], [], []>, transpose_lhs_hint = false} : vector<512x128xf32>, vector<256x128xf32>, vector<512x256xf32> -> vector<512x256xf32>
    %add3A_434 = arith.addf %add3A_424, %dot_general3A_433 : vector<512x256xf32>
    %slice3A_435 = vector.extract_strided_slice %squeeze3A {offsets = [0, 0, 1, 0], sizes = [8, 8, 8, 128], strides = [1, 1, 1, 1]} : vector<8x9x9x128xf32> to vector<8x8x8x128xf32>
    %reshape3A_436 = vector.shape_cast %slice3A_435 : vector<8x8x8x128xf32> to vector<512x128xf32>
    %get3A_437 = arith.constant 2 : index
    %get3A_438 = arith.constant 0 : index
    %get3A_439 = arith.constant 0 : index
    %get3A_440 = vector.load %arg8[%get3A_437, %get3A_438, %get3A_439] : memref<9x256x128xf32, #tpu.memory_space<vmem>>, vector<1x256x128xf32>
    %get3A_441 = vector.shape_cast %get3A_440 : vector<1x256x128xf32> to vector<256x128xf32>
    %dot_general3A_442 = arith.constant dense<0.000000e+00> : vector<512x256xf32>
    %dot_general3A_443 = tpu.matmul %reshape3A_436, %get3A_441, %dot_general3A_442 {dimension_numbers = #tpu.dot_dimension_numbers<[1], [1], [0], [0], [0, 0, 1, 0], [], []>, transpose_lhs_hint = false} : vector<512x128xf32>, vector<256x128xf32>, vector<512x256xf32> -> vector<512x256xf32>
    %add3A_444 = arith.addf %add3A_434, %dot_general3A_443 : vector<512x256xf32>
    %slice3A_445 = vector.extract_strided_slice %squeeze3A_412 {offsets = [0, 0, 0, 0], sizes = [8, 8, 8, 128], strides = [1, 1, 1, 1]} : vector<8x9x9x128xf32> to vector<8x8x8x128xf32>
    %reshape3A_446 = vector.shape_cast %slice3A_445 : vector<8x8x8x128xf32> to vector<512x128xf32>
    %get3A_447 = arith.constant 3 : index
    %get3A_448 = arith.constant 0 : index
    %get3A_449 = arith.constant 0 : index
    %get3A_450 = vector.load %arg8[%get3A_447, %get3A_448, %get3A_449] : memref<9x256x128xf32, #tpu.memory_space<vmem>>, vector<1x256x128xf32>
    %get3A_451 = vector.shape_cast %get3A_450 : vector<1x256x128xf32> to vector<256x128xf32>
    %dot_general3A_452 = arith.constant dense<0.000000e+00> : vector<512x256xf32>
    %dot_general3A_453 = tpu.matmul %reshape3A_446, %get3A_451, %dot_general3A_452 {dimension_numbers = #tpu.dot_dimension_numbers<[1], [1], [0], [0], [0, 0, 1, 0], [], []>, transpose_lhs_hint = false} : vector<512x128xf32>, vector<256x128xf32>, vector<512x256xf32> -> vector<512x256xf32>
    %add3A_454 = arith.addf %add3A_444, %dot_general3A_453 : vector<512x256xf32>
    %slice3A_455 = vector.extract_strided_slice %squeeze3A_414 {offsets = [0, 0, 0, 0], sizes = [8, 8, 8, 128], strides = [1, 1, 1, 1]} : vector<8x9x9x128xf32> to vector<8x8x8x128xf32>
    %reshape3A_456 = vector.shape_cast %slice3A_455 : vector<8x8x8x128xf32> to vector<512x128xf32>
    %get3A_457 = arith.constant 4 : index
    %get3A_458 = arith.constant 0 : index
    %get3A_459 = arith.constant 0 : index
    %get3A_460 = vector.load %arg8[%get3A_457, %get3A_458, %get3A_459] : memref<9x256x128xf32, #tpu.memory_space<vmem>>, vector<1x256x128xf32>
    %get3A_461 = vector.shape_cast %get3A_460 : vector<1x256x128xf32> to vector<256x128xf32>
    %dot_general3A_462 = arith.constant dense<0.000000e+00> : vector<512x256xf32>
    %dot_general3A_463 = tpu.matmul %reshape3A_456, %get3A_461, %dot_general3A_462 {dimension_numbers = #tpu.dot_dimension_numbers<[1], [1], [0], [0], [0, 0, 1, 0], [], []>, transpose_lhs_hint = false} : vector<512x128xf32>, vector<256x128xf32>, vector<512x256xf32> -> vector<512x256xf32>
    %add3A_464 = arith.addf %add3A_454, %dot_general3A_463 : vector<512x256xf32>
    %slice3A_465 = vector.extract_strided_slice %squeeze3A_412 {offsets = [0, 0, 1, 0], sizes = [8, 8, 8, 128], strides = [1, 1, 1, 1]} : vector<8x9x9x128xf32> to vector<8x8x8x128xf32>
    %reshape3A_466 = vector.shape_cast %slice3A_465 : vector<8x8x8x128xf32> to vector<512x128xf32>
    %get3A_467 = arith.constant 5 : index
    %get3A_468 = arith.constant 0 : index
    %get3A_469 = arith.constant 0 : index
    %get3A_470 = vector.load %arg8[%get3A_467, %get3A_468, %get3A_469] : memref<9x256x128xf32, #tpu.memory_space<vmem>>, vector<1x256x128xf32>
    %get3A_471 = vector.shape_cast %get3A_470 : vector<1x256x128xf32> to vector<256x128xf32>
    %dot_general3A_472 = arith.constant dense<0.000000e+00> : vector<512x256xf32>
    %dot_general3A_473 = tpu.matmul %reshape3A_466, %get3A_471, %dot_general3A_472 {dimension_numbers = #tpu.dot_dimension_numbers<[1], [1], [0], [0], [0, 0, 1, 0], [], []>, transpose_lhs_hint = false} : vector<512x128xf32>, vector<256x128xf32>, vector<512x256xf32> -> vector<512x256xf32>
    %add3A_474 = arith.addf %add3A_464, %dot_general3A_473 : vector<512x256xf32>
    %slice3A_475 = vector.extract_strided_slice %squeeze3A {offsets = [0, 1, 0, 0], sizes = [8, 8, 8, 128], strides = [1, 1, 1, 1]} : vector<8x9x9x128xf32> to vector<8x8x8x128xf32>
    %reshape3A_476 = vector.shape_cast %slice3A_475 : vector<8x8x8x128xf32> to vector<512x128xf32>
    %get3A_477 = arith.constant 6 : index
    %get3A_478 = arith.constant 0 : index
    %get3A_479 = arith.constant 0 : index
    %get3A_480 = vector.load %arg8[%get3A_477, %get3A_478, %get3A_479] : memref<9x256x128xf32, #tpu.memory_space<vmem>>, vector<1x256x128xf32>
    %get3A_481 = vector.shape_cast %get3A_480 : vector<1x256x128xf32> to vector<256x128xf32>
    %dot_general3A_482 = arith.constant dense<0.000000e+00> : vector<512x256xf32>
    %dot_general3A_483 = tpu.matmul %reshape3A_476, %get3A_481, %dot_general3A_482 {dimension_numbers = #tpu.dot_dimension_numbers<[1], [1], [0], [0], [0, 0, 1, 0], [], []>, transpose_lhs_hint = false} : vector<512x128xf32>, vector<256x128xf32>, vector<512x256xf32> -> vector<512x256xf32>
    %add3A_484 = arith.addf %add3A_474, %dot_general3A_483 : vector<512x256xf32>
    %slice3A_485 = vector.extract_strided_slice %squeeze3A_410 {offsets = [0, 1, 0, 0], sizes = [8, 8, 8, 128], strides = [1, 1, 1, 1]} : vector<8x9x9x128xf32> to vector<8x8x8x128xf32>
    %reshape3A_486 = vector.shape_cast %slice3A_485 : vector<8x8x8x128xf32> to vector<512x128xf32>
    %get3A_487 = arith.constant 7 : index
    %get3A_488 = arith.constant 0 : index
    %get3A_489 = arith.constant 0 : index
    %get3A_490 = vector.load %arg8[%get3A_487, %get3A_488, %get3A_489] : memref<9x256x128xf32, #tpu.memory_space<vmem>>, vector<1x256x128xf32>
    %get3A_491 = vector.shape_cast %get3A_490 : vector<1x256x128xf32> to vector<256x128xf32>
    %dot_general3A_492 = arith.constant dense<0.000000e+00> : vector<512x256xf32>
    %dot_general3A_493 = tpu.matmul %reshape3A_486, %get3A_491, %dot_general3A_492 {dimension_numbers = #tpu.dot_dimension_numbers<[1], [1], [0], [0], [0, 0, 1, 0], [], []>, transpose_lhs_hint = false} : vector<512x128xf32>, vector<256x128xf32>, vector<512x256xf32> -> vector<512x256xf32>
    %add3A_494 = arith.addf %add3A_484, %dot_general3A_493 : vector<512x256xf32>
    %slice3A_495 = vector.extract_strided_slice %squeeze3A {offsets = [0, 1, 1, 0], sizes = [8, 8, 8, 128], strides = [1, 1, 1, 1]} : vector<8x9x9x128xf32> to vector<8x8x8x128xf32>
    %reshape3A_496 = vector.shape_cast %slice3A_495 : vector<8x8x8x128xf32> to vector<512x128xf32>
    %get3A_497 = arith.constant 8 : index
    %get3A_498 = arith.constant 0 : index
    %get3A_499 = arith.constant 0 : index
    %get3A_500 = vector.load %arg8[%get3A_497, %get3A_498, %get3A_499] : memref<9x256x128xf32, #tpu.memory_space<vmem>>, vector<1x256x128xf32>
    %get3A_501 = vector.shape_cast %get3A_500 : vector<1x256x128xf32> to vector<256x128xf32>
    %dot_general3A_502 = arith.constant dense<0.000000e+00> : vector<512x256xf32>
    %dot_general3A_503 = tpu.matmul %reshape3A_496, %get3A_501, %dot_general3A_502 {dimension_numbers = #tpu.dot_dimension_numbers<[1], [1], [0], [0], [0, 0, 1, 0], [], []>, transpose_lhs_hint = false} : vector<512x128xf32>, vector<256x128xf32>, vector<512x256xf32> -> vector<512x256xf32>
    %add3A_504 = arith.addf %add3A_494, %dot_general3A_503 : vector<512x256xf32>
    %get3A_505 = arith.constant 0 : index
    %get3A_506 = arith.constant 0 : index
    %get3A_507 = vector.load %arg9[%get3A_505, %get3A_506] : memref<1x256xf32, #tpu.memory_space<vmem>>, vector<1x256xf32>
    %add3A_508 = vector.broadcast %get3A_507 : vector<1x256xf32> to vector<512x256xf32>
    %add3A_509 = arith.addf %add3A_504, %add3A_508 : vector<512x256xf32>
    %max3A_510 = arith.constant 0.000000e+00 : f32
    %max3A_511 = vector.broadcast %max3A_510 : f32 to vector<512x256xf32>
    %max3A_512 = arith.maximumf %add3A_509, %max3A_511 : vector<512x256xf32>
    %broadcast_in_dim3A_513 = arith.constant 0.000000e+00 : f32
    %broadcast_in_dim3A_514 = vector.broadcast %broadcast_in_dim3A_513 : f32 to vector<8x10x10x256xf32>
    %swap3A_515 = arith.constant 0 : index
    %swap3A_516 = arith.constant 0 : index
    %swap3A_517 = arith.constant 0 : index
    %swap3A_518 = arith.constant 0 : index
    %swap3A_519 = vector.load %arg45[%swap3A_515, %swap3A_516, %swap3A_517, %swap3A_518] : memref<8x10x10x256xf32, #tpu.memory_space<vmem>>, vector<8x10x10x256xf32>
    tpu.vector_store %arg45[%swap3A_515, %swap3A_516, %swap3A_517, %swap3A_518], %broadcast_in_dim3A_514 {strides = array<i32>} : memref<8x10x10x256xf32, #tpu.memory_space<vmem>>, vector<8x10x10x256xf32>,
    %reshape3A_520 = vector.shape_cast %max3A_512 : vector<512x256xf32> to vector<8x8x8x256xf32>
    %swap3A_521 = arith.constant 0 : index
    %swap3A_522 = arith.constant 1 : index
    %swap3A_523 = arith.constant 1 : index
    %swap3A_524 = arith.constant 0 : index
    %swap3A_525 = vector.load %arg45[%swap3A_521, %swap3A_522, %swap3A_523, %swap3A_524] : memref<8x10x10x256xf32, #tpu.memory_space<vmem>>, vector<8x8x8x256xf32>
    tpu.vector_store %arg45[%swap3A_521, %swap3A_522, %swap3A_523, %swap3A_524], %reshape3A_520 {strides = array<i32>} : memref<8x10x10x256xf32, #tpu.memory_space<vmem>>, vector<8x8x8x256xf32>,
    %get3A_526 = arith.constant 0 : index
    %get3A_527 = arith.constant 0 : index
    %get3A_528 = arith.constant 1 : index
    %get3A_529 = arith.constant 0 : index
    %get3A_530 = vector.load %arg45[%get3A_526, %get3A_527, %get3A_528, %get3A_529] : memref<8x10x10x256xf32, #tpu.memory_space<vmem>>, vector<8x10x8x256xf32>
    %swap3A_531 = arith.constant 0 : index
    %swap3A_532 = arith.constant 0 : index
    %swap3A_533 = arith.constant 0 : index
    %swap3A_534 = arith.constant 0 : index
    %swap3A_535 = arith.constant 0 : index
    %swap3A_536 = vector.load %arg44[%swap3A_531, %swap3A_532, %swap3A_533, %swap3A_534, %swap3A_535] : memref<2x8x10x8x256xf32, #tpu.memory_space<vmem>>, vector<1x8x10x8x256xf32>
    %swap3A_537 = vector.shape_cast %swap3A_536 : vector<1x8x10x8x256xf32> to vector<8x10x8x256xf32>
    %swap3A_538 = vector.shape_cast %get3A_530 : vector<8x10x8x256xf32> to vector<1x8x10x8x256xf32>
    tpu.vector_store %arg44[%swap3A_531, %swap3A_532, %swap3A_533, %swap3A_534, %swap3A_535], %swap3A_538 {strides = array<i32>} : memref<2x8x10x8x256xf32, #tpu.memory_space<vmem>>, vector<1x8x10x8x256xf32>,
    %get3A_539 = arith.constant 0 : index
    %get3A_540 = arith.constant 0 : index
    %get3A_541 = arith.constant 2 : index
    %get3A_542 = arith.constant 0 : index
    %get3A_543 = vector.load %arg45[%get3A_539, %get3A_540, %get3A_541, %get3A_542] : memref<8x10x10x256xf32, #tpu.memory_space<vmem>>, vector<8x10x8x256xf32>
    %swap3A_544 = arith.constant 1 : index
    %swap3A_545 = arith.constant 0 : index
    %swap3A_546 = arith.constant 0 : index
    %swap3A_547 = arith.constant 0 : index
    %swap3A_548 = arith.constant 0 : index
    %swap3A_549 = vector.load %arg44[%swap3A_544, %swap3A_545, %swap3A_546, %swap3A_547, %swap3A_548] : memref<2x8x10x8x256xf32, #tpu.memory_space<vmem>>, vector<1x8x10x8x256xf32>
    %swap3A_550 = vector.shape_cast %swap3A_549 : vector<1x8x10x8x256xf32> to vector<8x10x8x256xf32>
    %swap3A_551 = vector.shape_cast %get3A_543 : vector<8x10x8x256xf32> to vector<1x8x10x8x256xf32>
    tpu.vector_store %arg44[%swap3A_544, %swap3A_545, %swap3A_546, %swap3A_547, %swap3A_548], %swap3A_551 {strides = array<i32>} : memref<2x8x10x8x256xf32, #tpu.memory_space<vmem>>, vector<1x8x10x8x256xf32>,
    %broadcast_in_dim3A_552 = arith.constant 0.000000e+00 : f32
    %broadcast_in_dim3A_553 = vector.broadcast %broadcast_in_dim3A_552 : f32 to vector<512x256xf32>
    %get3A_554 = arith.constant 0 : index
    %get3A_555 = arith.constant 0 : index
    %get3A_556 = arith.constant 0 : index
    %get3A_557 = arith.constant 0 : index
    %get3A_558 = vector.load %arg45[%get3A_554, %get3A_555, %get3A_556, %get3A_557] : memref<8x10x10x256xf32, #tpu.memory_space<vmem>>, vector<8x8x8x256xf32>
    %reshape3A_559 = vector.shape_cast %get3A_558 : vector<8x8x8x256xf32> to vector<512x256xf32>
    %get3A_560 = arith.constant 0 : index
    %get3A_561 = arith.constant 0 : index
    %get3A_562 = arith.constant 0 : index
    %get3A_563 = vector.load %arg10[%get3A_560, %get3A_561, %get3A_562] : memref<9x256x256xf32, #tpu.memory_space<vmem>>, vector<1x256x256xf32>
    %get3A_564 = vector.shape_cast %get3A_563 : vector<1x256x256xf32> to vector<256x256xf32>
    %dot_general3A_565 = arith.constant dense<0.000000e+00> : vector<512x256xf32>
    %dot_general3A_566 = tpu.matmul %reshape3A_559, %get3A_564, %dot_general3A_565 {dimension_numbers = #tpu.dot_dimension_numbers<[1], [1], [0], [0], [0, 0, 1, 0], [], []>, transpose_lhs_hint = false} : vector<512x256xf32>, vector<256x256xf32>, vector<512x256xf32> -> vector<512x256xf32>
    %add3A_567 = arith.addf %broadcast_in_dim3A_553, %dot_general3A_566 : vector<512x256xf32>
    %get3A_568 = arith.constant 0 : index
    %get3A_569 = arith.constant 0 : index
    %get3A_570 = arith.constant 0 : index
    %get3A_571 = arith.constant 0 : index
    %get3A_572 = arith.constant 0 : index
    %get3A_573 = vector.load %arg44[%get3A_568, %get3A_569, %get3A_570, %get3A_571, %get3A_572] : memref<2x8x10x8x256xf32, #tpu.memory_space<vmem>>, vector<1x8x8x8x256xf32>
    %get3A_574 = vector.shape_cast %get3A_573 : vector<1x8x8x8x256xf32> to vector<8x8x8x256xf32>
    %reshape3A_575 = vector.shape_cast %get3A_574 : vector<8x8x8x256xf32> to vector<512x256xf32>
    %get3A_576 = arith.constant 1 : index
    %get3A_577 = arith.constant 0 : index
    %get3A_578 = arith.constant 0 : index
    %get3A_579 = vector.load %arg10[%get3A_576, %get3A_577, %get3A_578] : memref<9x256x256xf32, #tpu.memory_space<vmem>>, vector<1x256x256xf32>
    %get3A_580 = vector.shape_cast %get3A_579 : vector<1x256x256xf32> to vector<256x256xf32>
    %dot_general3A_581 = arith.constant dense<0.000000e+00> : vector<512x256xf32>
    %dot_general3A_582 = tpu.matmul %reshape3A_575, %get3A_580, %dot_general3A_581 {dimension_numbers = #tpu.dot_dimension_numbers<[1], [1], [0], [0], [0, 0, 1, 0], [], []>, transpose_lhs_hint = false} : vector<512x256xf32>, vector<256x256xf32>, vector<512x256xf32> -> vector<512x256xf32>
    %add3A_583 = arith.addf %add3A_567, %dot_general3A_582 : vector<512x256xf32>
    %get3A_584 = arith.constant 1 : index
    %get3A_585 = arith.constant 0 : index
    %get3A_586 = arith.constant 0 : index
    %get3A_587 = arith.constant 0 : index
    %get3A_588 = arith.constant 0 : index
    %get3A_589 = vector.load %arg44[%get3A_584, %get3A_585, %get3A_586, %get3A_587, %get3A_588] : memref<2x8x10x8x256xf32, #tpu.memory_space<vmem>>, vector<1x8x8x8x256xf32>
    %get3A_590 = vector.shape_cast %get3A_589 : vector<1x8x8x8x256xf32> to vector<8x8x8x256xf32>
    %reshape3A_591 = vector.shape_cast %get3A_590 : vector<8x8x8x256xf32> to vector<512x256xf32>
    %get3A_592 = arith.constant 2 : index
    %get3A_593 = arith.constant 0 : index
    %get3A_594 = arith.constant 0 : index
    %get3A_595 = vector.load %arg10[%get3A_592, %get3A_593, %get3A_594] : memref<9x256x256xf32, #tpu.memory_space<vmem>>, vector<1x256x256xf32>
    %get3A_596 = vector.shape_cast %get3A_595 : vector<1x256x256xf32> to vector<256x256xf32>
    %dot_general3A_597 = arith.constant dense<0.000000e+00> : vector<512x256xf32>
    %dot_general3A_598 = tpu.matmul %reshape3A_591, %get3A_596, %dot_general3A_597 {dimension_numbers = #tpu.dot_dimension_numbers<[1], [1], [0], [0], [0, 0, 1, 0], [], []>, transpose_lhs_hint = false} : vector<512x256xf32>, vector<256x256xf32>, vector<512x256xf32> -> vector<512x256xf32>
    %add3A_599 = arith.addf %add3A_583, %dot_general3A_598 : vector<512x256xf32>
    %get3A_600 = arith.constant 0 : index
    %get3A_601 = arith.constant 1 : index
    %get3A_602 = arith.constant 0 : index
    %get3A_603 = arith.constant 0 : index
    %get3A_604 = vector.load %arg45[%get3A_600, %get3A_601, %get3A_602, %get3A_603] : memref<8x10x10x256xf32, #tpu.memory_space<vmem>>, vector<8x8x8x256xf32>
    %reshape3A_605 = vector.shape_cast %get3A_604 : vector<8x8x8x256xf32> to vector<512x256xf32>
    %get3A_606 = arith.constant 3 : index
    %get3A_607 = arith.constant 0 : index
    %get3A_608 = arith.constant 0 : index
    %get3A_609 = vector.load %arg10[%get3A_606, %get3A_607, %get3A_608] : memref<9x256x256xf32, #tpu.memory_space<vmem>>, vector<1x256x256xf32>
    %get3A_610 = vector.shape_cast %get3A_609 : vector<1x256x256xf32> to vector<256x256xf32>
    %dot_general3A_611 = arith.constant dense<0.000000e+00> : vector<512x256xf32>
    %dot_general3A_612 = tpu.matmul %reshape3A_605, %get3A_610, %dot_general3A_611 {dimension_numbers = #tpu.dot_dimension_numbers<[1], [1], [0], [0], [0, 0, 1, 0], [], []>, transpose_lhs_hint = false} : vector<512x256xf32>, vector<256x256xf32>, vector<512x256xf32> -> vector<512x256xf32>
    %add3A_613 = arith.addf %add3A_599, %dot_general3A_612 : vector<512x256xf32>
    %get3A_614 = arith.constant 0 : index
    %get3A_615 = arith.constant 0 : index
    %get3A_616 = arith.constant 1 : index
    %get3A_617 = arith.constant 0 : index
    %get3A_618 = arith.constant 0 : index
    %get3A_619 = vector.load %arg44[%get3A_614, %get3A_615, %get3A_616, %get3A_617, %get3A_618] : memref<2x8x10x8x256xf32, #tpu.memory_space<vmem>>, vector<1x8x8x8x256xf32>
    %get3A_620 = vector.shape_cast %get3A_619 : vector<1x8x8x8x256xf32> to vector<8x8x8x256xf32>
    %reshape3A_621 = vector.shape_cast %get3A_620 : vector<8x8x8x256xf32> to vector<512x256xf32>
    %get3A_622 = arith.constant 4 : index
    %get3A_623 = arith.constant 0 : index
    %get3A_624 = arith.constant 0 : index
    %get3A_625 = vector.load %arg10[%get3A_622, %get3A_623, %get3A_624] : memref<9x256x256xf32, #tpu.memory_space<vmem>>, vector<1x256x256xf32>
    %get3A_626 = vector.shape_cast %get3A_625 : vector<1x256x256xf32> to vector<256x256xf32>
    %dot_general3A_627 = arith.constant dense<0.000000e+00> : vector<512x256xf32>
    %dot_general3A_628 = tpu.matmul %reshape3A_621, %get3A_626, %dot_general3A_627 {dimension_numbers = #tpu.dot_dimension_numbers<[1], [1], [0], [0], [0, 0, 1, 0], [], []>, transpose_lhs_hint = false} : vector<512x256xf32>, vector<256x256xf32>, vector<512x256xf32> -> vector<512x256xf32>
    %add3A_629 = arith.addf %add3A_613, %dot_general3A_628 : vector<512x256xf32>
    %get3A_630 = arith.constant 1 : index
    %get3A_631 = arith.constant 0 : index
    %get3A_632 = arith.constant 1 : index
    %get3A_633 = arith.constant 0 : index
    %get3A_634 = arith.constant 0 : index
    %get3A_635 = vector.load %arg44[%get3A_630, %get3A_631, %get3A_632, %get3A_633, %get3A_634] : memref<2x8x10x8x256xf32, #tpu.memory_space<vmem>>, vector<1x8x8x8x256xf32>
    %get3A_636 = vector.shape_cast %get3A_635 : vector<1x8x8x8x256xf32> to vector<8x8x8x256xf32>
    %reshape3A_637 = vector.shape_cast %get3A_636 : vector<8x8x8x256xf32> to vector<512x256xf32>
    %get3A_638 = arith.constant 5 : index
    %get3A_639 = arith.constant 0 : index
    %get3A_640 = arith.constant 0 : index
    %get3A_641 = vector.load %arg10[%get3A_638, %get3A_639, %get3A_640] : memref<9x256x256xf32, #tpu.memory_space<vmem>>, vector<1x256x256xf32>
    %get3A_642 = vector.shape_cast %get3A_641 : vector<1x256x256xf32> to vector<256x256xf32>
    %dot_general3A_643 = arith.constant dense<0.000000e+00> : vector<512x256xf32>
    %dot_general3A_644 = tpu.matmul %reshape3A_637, %get3A_642, %dot_general3A_643 {dimension_numbers = #tpu.dot_dimension_numbers<[1], [1], [0], [0], [0, 0, 1, 0], [], []>, transpose_lhs_hint = false} : vector<512x256xf32>, vector<256x256xf32>, vector<512x256xf32> -> vector<512x256xf32>
    %add3A_645 = arith.addf %add3A_629, %dot_general3A_644 : vector<512x256xf32>
    %get3A_646 = arith.constant 0 : index
    %get3A_647 = arith.constant 2 : index
    %get3A_648 = arith.constant 0 : index
    %get3A_649 = arith.constant 0 : index
    %get3A_650 = vector.load %arg45[%get3A_646, %get3A_647, %get3A_648, %get3A_649] : memref<8x10x10x256xf32, #tpu.memory_space<vmem>>, vector<8x8x8x256xf32>
    %reshape3A_651 = vector.shape_cast %get3A_650 : vector<8x8x8x256xf32> to vector<512x256xf32>
    %get3A_652 = arith.constant 6 : index
    %get3A_653 = arith.constant 0 : index
    %get3A_654 = arith.constant 0 : index
    %get3A_655 = vector.load %arg10[%get3A_652, %get3A_653, %get3A_654] : memref<9x256x256xf32, #tpu.memory_space<vmem>>, vector<1x256x256xf32>
    %get3A_656 = vector.shape_cast %get3A_655 : vector<1x256x256xf32> to vector<256x256xf32>
    %dot_general3A_657 = arith.constant dense<0.000000e+00> : vector<512x256xf32>
    %dot_general3A_658 = tpu.matmul %reshape3A_651, %get3A_656, %dot_general3A_657 {dimension_numbers = #tpu.dot_dimension_numbers<[1], [1], [0], [0], [0, 0, 1, 0], [], []>, transpose_lhs_hint = false} : vector<512x256xf32>, vector<256x256xf32>, vector<512x256xf32> -> vector<512x256xf32>
    %add3A_659 = arith.addf %add3A_645, %dot_general3A_658 : vector<512x256xf32>
    %get3A_660 = arith.constant 0 : index
    %get3A_661 = arith.constant 0 : index
    %get3A_662 = arith.constant 2 : index
    %get3A_663 = arith.constant 0 : index
    %get3A_664 = arith.constant 0 : index
    %get3A_665 = vector.load %arg44[%get3A_660, %get3A_661, %get3A_662, %get3A_663, %get3A_664] : memref<2x8x10x8x256xf32, #tpu.memory_space<vmem>>, vector<1x8x8x8x256xf32>
    %get3A_666 = vector.shape_cast %get3A_665 : vector<1x8x8x8x256xf32> to vector<8x8x8x256xf32>
    %reshape3A_667 = vector.shape_cast %get3A_666 : vector<8x8x8x256xf32> to vector<512x256xf32>
    %get3A_668 = arith.constant 7 : index
    %get3A_669 = arith.constant 0 : index
    %get3A_670 = arith.constant 0 : index
    %get3A_671 = vector.load %arg10[%get3A_668, %get3A_669, %get3A_670] : memref<9x256x256xf32, #tpu.memory_space<vmem>>, vector<1x256x256xf32>
    %get3A_672 = vector.shape_cast %get3A_671 : vector<1x256x256xf32> to vector<256x256xf32>
    %dot_general3A_673 = arith.constant dense<0.000000e+00> : vector<512x256xf32>
    %dot_general3A_674 = tpu.matmul %reshape3A_667, %get3A_672, %dot_general3A_673 {dimension_numbers = #tpu.dot_dimension_numbers<[1], [1], [0], [0], [0, 0, 1, 0], [], []>, transpose_lhs_hint = false} : vector<512x256xf32>, vector<256x256xf32>, vector<512x256xf32> -> vector<512x256xf32>
    %add3A_675 = arith.addf %add3A_659, %dot_general3A_674 : vector<512x256xf32>
    %get3A_676 = arith.constant 1 : index
    %get3A_677 = arith.constant 0 : index
    %get3A_678 = arith.constant 2 : index
    %get3A_679 = arith.constant 0 : index
    %get3A_680 = arith.constant 0 : index
    %get3A_681 = vector.load %arg44[%get3A_676, %get3A_677, %get3A_678, %get3A_679, %get3A_680] : memref<2x8x10x8x256xf32, #tpu.memory_space<vmem>>, vector<1x8x8x8x256xf32>
    %get3A_682 = vector.shape_cast %get3A_681 : vector<1x8x8x8x256xf32> to vector<8x8x8x256xf32>
    %reshape3A_683 = vector.shape_cast %get3A_682 : vector<8x8x8x256xf32> to vector<512x256xf32>
    %get3A_684 = arith.constant 8 : index
    %get3A_685 = arith.constant 0 : index
    %get3A_686 = arith.constant 0 : index
    %get3A_687 = vector.load %arg10[%get3A_684, %get3A_685, %get3A_686] : memref<9x256x256xf32, #tpu.memory_space<vmem>>, vector<1x256x256xf32>
    %get3A_688 = vector.shape_cast %get3A_687 : vector<1x256x256xf32> to vector<256x256xf32>
    %dot_general3A_689 = arith.constant dense<0.000000e+00> : vector<512x256xf32>
    %dot_general3A_690 = tpu.matmul %reshape3A_683, %get3A_688, %dot_general3A_689 {dimension_numbers = #tpu.dot_dimension_numbers<[1], [1], [0], [0], [0, 0, 1, 0], [], []>, transpose_lhs_hint = false} : vector<512x256xf32>, vector<256x256xf32>, vector<512x256xf32> -> vector<512x256xf32>
    %add3A_691 = arith.addf %add3A_675, %dot_general3A_690 : vector<512x256xf32>
    %get3A_692 = arith.constant 0 : index
    %get3A_693 = arith.constant 0 : index
    %get3A_694 = vector.load %arg11[%get3A_692, %get3A_693] : memref<1x256xf32, #tpu.memory_space<vmem>>, vector<1x256xf32>
    %add3A_695 = vector.broadcast %get3A_694 : vector<1x256xf32> to vector<512x256xf32>
    %add3A_696 = arith.addf %add3A_691, %add3A_695 : vector<512x256xf32>
    %reshape3A_697 = vector.shape_cast %add3A_696 : vector<512x256xf32> to vector<8x64x256xf32>
    %reduce_sum3A_698 = arith.constant dense<0.000000e+00> : vector<8x256xf32>
    %reduce_sum3A_699 = vector.multi_reduction <add>, %reshape3A_697, %reduce_sum3A_698 [1] : vector<8x64x256xf32> to vector<8x256xf32>
    %div3A_700 = arith.constant 6.400000e+01 : f32
    %div3A_701 = vector.broadcast %div3A_700 : f32 to vector<8x256xf32>
    %div3A_702 = arith.divf %reduce_sum3A_699, %div3A_701 : vector<8x256xf32>
    %get3A_703 = arith.constant 0 : index
    %get3A_704 = arith.constant 0 : index
    %get3A_705 = vector.load %arg12[%get3A_703, %get3A_704] : memref<16x256xf32, #tpu.memory_space<vmem>>, vector<16x256xf32>
    %dot_general3A_706 = arith.constant dense<0.000000e+00> : vector<8x16xf32>
    %dot_general3A_707 = tpu.matmul %div3A_702, %get3A_705, %dot_general3A_706 {dimension_numbers = #tpu.dot_dimension_numbers<[1], [1], [0], [0], [0, 0, 1, 0], [], []>, transpose_lhs_hint = false} : vector<8x256xf32>, vector<16x256xf32>, vector<8x16xf32> -> vector<8x16xf32>
    %max3A_708 = arith.constant 0.000000e+00 : f32
    %max3A_709 = vector.broadcast %max3A_708 : f32 to vector<8x16xf32>
    %max3A_710 = arith.maximumf %dot_general3A_707, %max3A_709 : vector<8x16xf32>
    %get3A_711 = arith.constant 0 : index
    %get3A_712 = arith.constant 0 : index
    %get3A_713 = vector.load %arg13[%get3A_711, %get3A_712] : memref<256x16xf32, #tpu.memory_space<vmem>>, vector<256x16xf32>
    %dot_general3A_714 = arith.constant dense<0.000000e+00> : vector<8x256xf32>
    %dot_general3A_715 = tpu.matmul %max3A_710, %get3A_713, %dot_general3A_714 {dimension_numbers = #tpu.dot_dimension_numbers<[1], [1], [0], [0], [0, 0, 1, 0], [], []>, transpose_lhs_hint = false} : vector<8x16xf32>, vector<256x16xf32>, vector<8x256xf32> -> vector<8x256xf32>
    %logistic3A_716 = arith.negf %dot_general3A_715 : vector<8x256xf32>
    %logistic3A_717 = math.exp %logistic3A_716 : vector<8x256xf32>
    %logistic3A_718 = arith.constant 1.000000e+00 : f32
    %logistic3A_719 = vector.broadcast %logistic3A_718 : f32 to vector<8x256xf32>
    %logistic3A_720 = arith.addf %logistic3A_719, %logistic3A_717 : vector<8x256xf32>
    %logistic3A_721 = arith.divf %logistic3A_719, %logistic3A_720 : vector<8x256xf32>
    %reshape3A_722 = vector.shape_cast %add3A_696 : vector<512x256xf32> to vector<8x64x256xf32>
    %broadcast_in_dim3A_723 = vector.shape_cast %logistic3A_721 : vector<8x256xf32> to vector<8x1x256xf32>
    %mul3A_724 = vector.broadcast %broadcast_in_dim3A_723 : vector<8x1x256xf32> to vector<8x64x256xf32>
    %mul3A_725 = arith.mulf %reshape3A_722, %mul3A_724 : vector<8x64x256xf32>
    %slice3A_726 = vector.extract_strided_slice %squeeze3A_414 {offsets = [0, 0, 0, 0], sizes = [8, 8, 8, 128], strides = [1, 1, 1, 1]} : vector<8x9x9x128xf32> to vector<8x8x8x128xf32>
    %reshape3A_727 = vector.shape_cast %slice3A_726 : vector<8x8x8x128xf32> to vector<512x128xf32>
    %get3A_728 = arith.constant 0 : index
    %get3A_729 = arith.constant 0 : index
    %get3A_730 = vector.load %arg14[%get3A_728, %get3A_729] : memref<256x128xf32, #tpu.memory_space<vmem>>, vector<256x128xf32>
    %dot_general3A_731 = arith.constant dense<0.000000e+00> : vector<512x256xf32>
    %dot_general3A_732 = tpu.matmul %reshape3A_727, %get3A_730, %dot_general3A_731 {dimension_numbers = #tpu.dot_dimension_numbers<[1], [1], [0], [0], [0, 0, 1, 0], [], []>, transpose_lhs_hint = false} : vector<512x128xf32>, vector<256x128xf32>, vector<512x256xf32> -> vector<512x256xf32>
    %get3A_733 = arith.constant 0 : index
    %get3A_734 = arith.constant 0 : index
    %get3A_735 = vector.load %arg15[%get3A_733, %get3A_734] : memref<1x256xf32, #tpu.memory_space<vmem>>, vector<1x256xf32>
    %add3A_736 = vector.broadcast %get3A_735 : vector<1x256xf32> to vector<512x256xf32>
    %add3A_737 = arith.addf %dot_general3A_732, %add3A_736 : vector<512x256xf32>
    %reshape3A_738 = vector.shape_cast %add3A_737 : vector<512x256xf32> to vector<8x64x256xf32>
    %add3A_739 = arith.addf %mul3A_725, %reshape3A_738 : vector<8x64x256xf32>
    %max3A_740 = arith.constant 0.000000e+00 : f32
    %max3A_741 = vector.broadcast %max3A_740 : f32 to vector<8x64x256xf32>
    %max3A_742 = arith.maximumf %add3A_739, %max3A_741 : vector<8x64x256xf32>
    %reshape3A_743 = vector.shape_cast %max3A_742 : vector<8x64x256xf32> to vector<8x8x8x256xf32>
    %broadcast_in_dim3A_744 = arith.constant 0.000000e+00 : f32
    %broadcast_in_dim3A_745 = vector.broadcast %broadcast_in_dim3A_744 : f32 to vector<8x10x10x256xf32>
    %swap3A_746 = arith.constant 0 : index
    %swap3A_747 = arith.constant 0 : index
    %swap3A_748 = arith.constant 0 : index
    %swap3A_749 = arith.constant 0 : index
    %swap3A_750 = vector.load %arg41[%swap3A_746, %swap3A_747, %swap3A_748, %swap3A_749] : memref<8x10x10x256xf32, #tpu.memory_space<vmem>>, vector<8x10x10x256xf32>
    tpu.vector_store %arg41[%swap3A_746, %swap3A_747, %swap3A_748, %swap3A_749], %broadcast_in_dim3A_745 {strides = array<i32>} : memref<8x10x10x256xf32, #tpu.memory_space<vmem>>, vector<8x10x10x256xf32>,
    %swap3A_751 = arith.constant 0 : index
    %swap3A_752 = arith.constant 1 : index
    %swap3A_753 = arith.constant 1 : index
    %swap3A_754 = arith.constant 0 : index
    %swap3A_755 = vector.load %arg41[%swap3A_751, %swap3A_752, %swap3A_753, %swap3A_754] : memref<8x10x10x256xf32, #tpu.memory_space<vmem>>, vector<8x8x8x256xf32>
    tpu.vector_store %arg41[%swap3A_751, %swap3A_752, %swap3A_753, %swap3A_754], %reshape3A_743 {strides = array<i32>} : memref<8x10x10x256xf32, #tpu.memory_space<vmem>>, vector<8x8x8x256xf32>,
    %broadcast_in_dim3A_756 = arith.constant 0.000000e+00 : f32
    %broadcast_in_dim3A_757 = vector.broadcast %broadcast_in_dim3A_756 : f32 to vector<512x256xf32>
    %get3A_758 = arith.constant 0 : index
    %get3A_759 = arith.constant 0 : index
    %get3A_760 = arith.constant 1 : index
    %get3A_761 = arith.constant 0 : index
    %get3A_762 = vector.load %arg41[%get3A_758, %get3A_759, %get3A_760, %get3A_761] : memref<8x10x10x256xf32, #tpu.memory_space<vmem>>, vector<8x10x8x256xf32>
    %swap3A_763 = arith.constant 0 : index
    %swap3A_764 = arith.constant 0 : index
    %swap3A_765 = arith.constant 0 : index
    %swap3A_766 = arith.constant 0 : index
    %swap3A_767 = arith.constant 0 : index
    %swap3A_768 = vector.load %arg43[%swap3A_763, %swap3A_764, %swap3A_765, %swap3A_766, %swap3A_767] : memref<2x8x10x8x256xf32, #tpu.memory_space<vmem>>, vector<1x8x10x8x256xf32>
    %swap3A_769 = vector.shape_cast %swap3A_768 : vector<1x8x10x8x256xf32> to vector<8x10x8x256xf32>
    %swap3A_770 = vector.shape_cast %get3A_762 : vector<8x10x8x256xf32> to vector<1x8x10x8x256xf32>
    tpu.vector_store %arg43[%swap3A_763, %swap3A_764, %swap3A_765, %swap3A_766, %swap3A_767], %swap3A_770 {strides = array<i32>} : memref<2x8x10x8x256xf32, #tpu.memory_space<vmem>>, vector<1x8x10x8x256xf32>,
    %get3A_771 = arith.constant 0 : index
    %get3A_772 = arith.constant 0 : index
    %get3A_773 = arith.constant 2 : index
    %get3A_774 = arith.constant 0 : index
    %get3A_775 = vector.load %arg41[%get3A_771, %get3A_772, %get3A_773, %get3A_774] : memref<8x10x10x256xf32, #tpu.memory_space<vmem>>, vector<8x10x8x256xf32>
    %swap3A_776 = arith.constant 1 : index
    %swap3A_777 = arith.constant 0 : index
    %swap3A_778 = arith.constant 0 : index
    %swap3A_779 = arith.constant 0 : index
    %swap3A_780 = arith.constant 0 : index
    %swap3A_781 = vector.load %arg43[%swap3A_776, %swap3A_777, %swap3A_778, %swap3A_779, %swap3A_780] : memref<2x8x10x8x256xf32, #tpu.memory_space<vmem>>, vector<1x8x10x8x256xf32>
    %swap3A_782 = vector.shape_cast %swap3A_781 : vector<1x8x10x8x256xf32> to vector<8x10x8x256xf32>
    %swap3A_783 = vector.shape_cast %get3A_775 : vector<8x10x8x256xf32> to vector<1x8x10x8x256xf32>
    tpu.vector_store %arg43[%swap3A_776, %swap3A_777, %swap3A_778, %swap3A_779, %swap3A_780], %swap3A_783 {strides = array<i32>} : memref<2x8x10x8x256xf32, #tpu.memory_space<vmem>>, vector<1x8x10x8x256xf32>,
    %get3A_784 = arith.constant 0 : index
    %get3A_785 = arith.constant 0 : index
    %get3A_786 = arith.constant 0 : index
    %get3A_787 = arith.constant 0 : index
    %get3A_788 = vector.load %arg41[%get3A_784, %get3A_785, %get3A_786, %get3A_787] : memref<8x10x10x256xf32, #tpu.memory_space<vmem>>, vector<8x8x8x256xf32>
    %reshape3A_789 = vector.shape_cast %get3A_788 : vector<8x8x8x256xf32> to vector<512x256xf32>
    %get3A_790 = arith.constant 0 : index
    %get3A_791 = arith.constant 0 : index
    %get3A_792 = arith.constant 0 : index
    %get3A_793 = vector.load %arg16[%get3A_790, %get3A_791, %get3A_792] : memref<9x256x256xf32, #tpu.memory_space<vmem>>, vector<1x256x256xf32>
    %get3A_794 = vector.shape_cast %get3A_793 : vector<1x256x256xf32> to vector<256x256xf32>
    %dot_general3A_795 = arith.constant dense<0.000000e+00> : vector<512x256xf32>
    %dot_general3A_796 = tpu.matmul %reshape3A_789, %get3A_794, %dot_general3A_795 {dimension_numbers = #tpu.dot_dimension_numbers<[1], [1], [0], [0], [0, 0, 1, 0], [], []>, transpose_lhs_hint = false} : vector<512x256xf32>, vector<256x256xf32>, vector<512x256xf32> -> vector<512x256xf32>
    %add3A_797 = arith.addf %broadcast_in_dim3A_757, %dot_general3A_796 : vector<512x256xf32>
    %get3A_798 = arith.constant 0 : index
    %get3A_799 = arith.constant 0 : index
    %get3A_800 = arith.constant 0 : index
    %get3A_801 = arith.constant 0 : index
    %get3A_802 = arith.constant 0 : index
    %get3A_803 = vector.load %arg43[%get3A_798, %get3A_799, %get3A_800, %get3A_801, %get3A_802] : memref<2x8x10x8x256xf32, #tpu.memory_space<vmem>>, vector<1x8x8x8x256xf32>
    %get3A_804 = vector.shape_cast %get3A_803 : vector<1x8x8x8x256xf32> to vector<8x8x8x256xf32>
    %reshape3A_805 = vector.shape_cast %get3A_804 : vector<8x8x8x256xf32> to vector<512x256xf32>
    %get3A_806 = arith.constant 1 : index
    %get3A_807 = arith.constant 0 : index
    %get3A_808 = arith.constant 0 : index
    %get3A_809 = vector.load %arg16[%get3A_806, %get3A_807, %get3A_808] : memref<9x256x256xf32, #tpu.memory_space<vmem>>, vector<1x256x256xf32>
    %get3A_810 = vector.shape_cast %get3A_809 : vector<1x256x256xf32> to vector<256x256xf32>
    %dot_general3A_811 = arith.constant dense<0.000000e+00> : vector<512x256xf32>
    %dot_general3A_812 = tpu.matmul %reshape3A_805, %get3A_810, %dot_general3A_811 {dimension_numbers = #tpu.dot_dimension_numbers<[1], [1], [0], [0], [0, 0, 1, 0], [], []>, transpose_lhs_hint = false} : vector<512x256xf32>, vector<256x256xf32>, vector<512x256xf32> -> vector<512x256xf32>
    %add3A_813 = arith.addf %add3A_797, %dot_general3A_812 : vector<512x256xf32>
    %get3A_814 = arith.constant 1 : index
    %get3A_815 = arith.constant 0 : index
    %get3A_816 = arith.constant 0 : index
    %get3A_817 = arith.constant 0 : index
    %get3A_818 = arith.constant 0 : index
    %get3A_819 = vector.load %arg43[%get3A_814, %get3A_815, %get3A_816, %get3A_817, %get3A_818] : memref<2x8x10x8x256xf32, #tpu.memory_space<vmem>>, vector<1x8x8x8x256xf32>
    %get3A_820 = vector.shape_cast %get3A_819 : vector<1x8x8x8x256xf32> to vector<8x8x8x256xf32>
    %reshape3A_821 = vector.shape_cast %get3A_820 : vector<8x8x8x256xf32> to vector<512x256xf32>
    %get3A_822 = arith.constant 2 : index
    %get3A_823 = arith.constant 0 : index
    %get3A_824 = arith.constant 0 : index
    %get3A_825 = vector.load %arg16[%get3A_822, %get3A_823, %get3A_824] : memref<9x256x256xf32, #tpu.memory_space<vmem>>, vector<1x256x256xf32>
    %get3A_826 = vector.shape_cast %get3A_825 : vector<1x256x256xf32> to vector<256x256xf32>
    %dot_general3A_827 = arith.constant dense<0.000000e+00> : vector<512x256xf32>
    %dot_general3A_828 = tpu.matmul %reshape3A_821, %get3A_826, %dot_general3A_827 {dimension_numbers = #tpu.dot_dimension_numbers<[1], [1], [0], [0], [0, 0, 1, 0], [], []>, transpose_lhs_hint = false} : vector<512x256xf32>, vector<256x256xf32>, vector<512x256xf32> -> vector<512x256xf32>
    %add3A_829 = arith.addf %add3A_813, %dot_general3A_828 : vector<512x256xf32>
    %get3A_830 = arith.constant 0 : index
    %get3A_831 = arith.constant 1 : index
    %get3A_832 = arith.constant 0 : index
    %get3A_833 = arith.constant 0 : index
    %get3A_834 = vector.load %arg41[%get3A_830, %get3A_831, %get3A_832, %get3A_833] : memref<8x10x10x256xf32, #tpu.memory_space<vmem>>, vector<8x8x8x256xf32>
    %reshape3A_835 = vector.shape_cast %get3A_834 : vector<8x8x8x256xf32> to vector<512x256xf32>
    %get3A_836 = arith.constant 3 : index
    %get3A_837 = arith.constant 0 : index
    %get3A_838 = arith.constant 0 : index
    %get3A_839 = vector.load %arg16[%get3A_836, %get3A_837, %get3A_838] : memref<9x256x256xf32, #tpu.memory_space<vmem>>, vector<1x256x256xf32>
    %get3A_840 = vector.shape_cast %get3A_839 : vector<1x256x256xf32> to vector<256x256xf32>
    %dot_general3A_841 = arith.constant dense<0.000000e+00> : vector<512x256xf32>
    %dot_general3A_842 = tpu.matmul %reshape3A_835, %get3A_840, %dot_general3A_841 {dimension_numbers = #tpu.dot_dimension_numbers<[1], [1], [0], [0], [0, 0, 1, 0], [], []>, transpose_lhs_hint = false} : vector<512x256xf32>, vector<256x256xf32>, vector<512x256xf32> -> vector<512x256xf32>
    %add3A_843 = arith.addf %add3A_829, %dot_general3A_842 : vector<512x256xf32>
    %get3A_844 = arith.constant 0 : index
    %get3A_845 = arith.constant 0 : index
    %get3A_846 = arith.constant 1 : index
    %get3A_847 = arith.constant 0 : index
    %get3A_848 = arith.constant 0 : index
    %get3A_849 = vector.load %arg43[%get3A_844, %get3A_845, %get3A_846, %get3A_847, %get3A_848] : memref<2x8x10x8x256xf32, #tpu.memory_space<vmem>>, vector<1x8x8x8x256xf32>
    %get3A_850 = vector.shape_cast %get3A_849 : vector<1x8x8x8x256xf32> to vector<8x8x8x256xf32>
    %reshape3A_851 = vector.shape_cast %get3A_850 : vector<8x8x8x256xf32> to vector<512x256xf32>
    %get3A_852 = arith.constant 4 : index
    %get3A_853 = arith.constant 0 : index
    %get3A_854 = arith.constant 0 : index
    %get3A_855 = vector.load %arg16[%get3A_852, %get3A_853, %get3A_854] : memref<9x256x256xf32, #tpu.memory_space<vmem>>, vector<1x256x256xf32>
    %get3A_856 = vector.shape_cast %get3A_855 : vector<1x256x256xf32> to vector<256x256xf32>
    %dot_general3A_857 = arith.constant dense<0.000000e+00> : vector<512x256xf32>
    %dot_general3A_858 = tpu.matmul %reshape3A_851, %get3A_856, %dot_general3A_857 {dimension_numbers = #tpu.dot_dimension_numbers<[1], [1], [0], [0], [0, 0, 1, 0], [], []>, transpose_lhs_hint = false} : vector<512x256xf32>, vector<256x256xf32>, vector<512x256xf32> -> vector<512x256xf32>
    %add3A_859 = arith.addf %add3A_843, %dot_general3A_858 : vector<512x256xf32>
    %get3A_860 = arith.constant 1 : index
    %get3A_861 = arith.constant 0 : index
    %get3A_862 = arith.constant 1 : index
    %get3A_863 = arith.constant 0 : index
    %get3A_864 = arith.constant 0 : index
    %get3A_865 = vector.load %arg43[%get3A_860, %get3A_861, %get3A_862, %get3A_863, %get3A_864] : memref<2x8x10x8x256xf32, #tpu.memory_space<vmem>>, vector<1x8x8x8x256xf32>
    %get3A_866 = vector.shape_cast %get3A_865 : vector<1x8x8x8x256xf32> to vector<8x8x8x256xf32>
    %reshape3A_867 = vector.shape_cast %get3A_866 : vector<8x8x8x256xf32> to vector<512x256xf32>
    %get3A_868 = arith.constant 5 : index
    %get3A_869 = arith.constant 0 : index
    %get3A_870 = arith.constant 0 : index
    %get3A_871 = vector.load %arg16[%get3A_868, %get3A_869, %get3A_870] : memref<9x256x256xf32, #tpu.memory_space<vmem>>, vector<1x256x256xf32>
    %get3A_872 = vector.shape_cast %get3A_871 : vector<1x256x256xf32> to vector<256x256xf32>
    %dot_general3A_873 = arith.constant dense<0.000000e+00> : vector<512x256xf32>
    %dot_general3A_874 = tpu.matmul %reshape3A_867, %get3A_872, %dot_general3A_873 {dimension_numbers = #tpu.dot_dimension_numbers<[1], [1], [0], [0], [0, 0, 1, 0], [], []>, transpose_lhs_hint = false} : vector<512x256xf32>, vector<256x256xf32>, vector<512x256xf32> -> vector<512x256xf32>
    %add3A_875 = arith.addf %add3A_859, %dot_general3A_874 : vector<512x256xf32>
    %get3A_876 = arith.constant 0 : index
    %get3A_877 = arith.constant 2 : index
    %get3A_878 = arith.constant 0 : index
    %get3A_879 = arith.constant 0 : index
    %get3A_880 = vector.load %arg41[%get3A_876, %get3A_877, %get3A_878, %get3A_879] : memref<8x10x10x256xf32, #tpu.memory_space<vmem>>, vector<8x8x8x256xf32>
    %reshape3A_881 = vector.shape_cast %get3A_880 : vector<8x8x8x256xf32> to vector<512x256xf32>
    %get3A_882 = arith.constant 6 : index
    %get3A_883 = arith.constant 0 : index
    %get3A_884 = arith.constant 0 : index
    %get3A_885 = vector.load %arg16[%get3A_882, %get3A_883, %get3A_884] : memref<9x256x256xf32, #tpu.memory_space<vmem>>, vector<1x256x256xf32>
    %get3A_886 = vector.shape_cast %get3A_885 : vector<1x256x256xf32> to vector<256x256xf32>
    %dot_general3A_887 = arith.constant dense<0.000000e+00> : vector<512x256xf32>
    %dot_general3A_888 = tpu.matmul %reshape3A_881, %get3A_886, %dot_general3A_887 {dimension_numbers = #tpu.dot_dimension_numbers<[1], [1], [0], [0], [0, 0, 1, 0], [], []>, transpose_lhs_hint = false} : vector<512x256xf32>, vector<256x256xf32>, vector<512x256xf32> -> vector<512x256xf32>
    %add3A_889 = arith.addf %add3A_875, %dot_general3A_888 : vector<512x256xf32>
    %get3A_890 = arith.constant 0 : index
    %get3A_891 = arith.constant 0 : index
    %get3A_892 = arith.constant 2 : index
    %get3A_893 = arith.constant 0 : index
    %get3A_894 = arith.constant 0 : index
    %get3A_895 = vector.load %arg43[%get3A_890, %get3A_891, %get3A_892, %get3A_893, %get3A_894] : memref<2x8x10x8x256xf32, #tpu.memory_space<vmem>>, vector<1x8x8x8x256xf32>
    %get3A_896 = vector.shape_cast %get3A_895 : vector<1x8x8x8x256xf32> to vector<8x8x8x256xf32>
    %reshape3A_897 = vector.shape_cast %get3A_896 : vector<8x8x8x256xf32> to vector<512x256xf32>
    %get3A_898 = arith.constant 7 : index
    %get3A_899 = arith.constant 0 : index
    %get3A_900 = arith.constant 0 : index
    %get3A_901 = vector.load %arg16[%get3A_898, %get3A_899, %get3A_900] : memref<9x256x256xf32, #tpu.memory_space<vmem>>, vector<1x256x256xf32>
    %get3A_902 = vector.shape_cast %get3A_901 : vector<1x256x256xf32> to vector<256x256xf32>
    %dot_general3A_903 = arith.constant dense<0.000000e+00> : vector<512x256xf32>
    %dot_general3A_904 = tpu.matmul %reshape3A_897, %get3A_902, %dot_general3A_903 {dimension_numbers = #tpu.dot_dimension_numbers<[1], [1], [0], [0], [0, 0, 1, 0], [], []>, transpose_lhs_hint = false} : vector<512x256xf32>, vector<256x256xf32>, vector<512x256xf32> -> vector<512x256xf32>
    %add3A_905 = arith.addf %add3A_889, %dot_general3A_904 : vector<512x256xf32>
    %get3A_906 = arith.constant 1 : index
    %get3A_907 = arith.constant 0 : index
    %get3A_908 = arith.constant 2 : index
    %get3A_909 = arith.constant 0 : index
    %get3A_910 = arith.constant 0 : index
    %get3A_911 = vector.load %arg43[%get3A_906, %get3A_907, %get3A_908, %get3A_909, %get3A_910] : memref<2x8x10x8x256xf32, #tpu.memory_space<vmem>>, vector<1x8x8x8x256xf32>
    %get3A_912 = vector.shape_cast %get3A_911 : vector<1x8x8x8x256xf32> to vector<8x8x8x256xf32>
    %reshape3A_913 = vector.shape_cast %get3A_912 : vector<8x8x8x256xf32> to vector<512x256xf32>
    %get3A_914 = arith.constant 8 : index
    %get3A_915 = arith.constant 0 : index
    %get3A_916 = arith.constant 0 : index
    %get3A_917 = vector.load %arg16[%get3A_914, %get3A_915, %get3A_916] : memref<9x256x256xf32, #tpu.memory_space<vmem>>, vector<1x256x256xf32>
    %get3A_918 = vector.shape_cast %get3A_917 : vector<1x256x256xf32> to vector<256x256xf32>
    %dot_general3A_919 = arith.constant dense<0.000000e+00> : vector<512x256xf32>
    %dot_general3A_920 = tpu.matmul %reshape3A_913, %get3A_918, %dot_general3A_919 {dimension_numbers = #tpu.dot_dimension_numbers<[1], [1], [0], [0], [0, 0, 1, 0], [], []>, transpose_lhs_hint = false} : vector<512x256xf32>, vector<256x256xf32>, vector<512x256xf32> -> vector<512x256xf32>
    %add3A_921 = arith.addf %add3A_905, %dot_general3A_920 : vector<512x256xf32>
    %get3A_922 = arith.constant 0 : index
    %get3A_923 = arith.constant 0 : index
    %get3A_924 = vector.load %arg17[%get3A_922, %get3A_923] : memref<1x256xf32, #tpu.memory_space<vmem>>, vector<1x256xf32>
    %add3A_925 = vector.broadcast %get3A_924 : vector<1x256xf32> to vector<512x256xf32>
    %add3A_926 = arith.addf %add3A_921, %add3A_925 : vector<512x256xf32>
    %max3A_927 = arith.constant 0.000000e+00 : f32
    %max3A_928 = vector.broadcast %max3A_927 : f32 to vector<512x256xf32>
    %max3A_929 = arith.maximumf %add3A_926, %max3A_928 : vector<512x256xf32>
    %broadcast_in_dim3A_930 = arith.constant 0.000000e+00 : f32
    %broadcast_in_dim3A_931 = vector.broadcast %broadcast_in_dim3A_930 : f32 to vector<8x10x10x256xf32>
    %swap3A_932 = arith.constant 0 : index
    %swap3A_933 = arith.constant 0 : index
    %swap3A_934 = arith.constant 0 : index
    %swap3A_935 = arith.constant 0 : index
    %swap3A_936 = vector.load %arg45[%swap3A_932, %swap3A_933, %swap3A_934, %swap3A_935] : memref<8x10x10x256xf32, #tpu.memory_space<vmem>>, vector<8x10x10x256xf32>
    tpu.vector_store %arg45[%swap3A_932, %swap3A_933, %swap3A_934, %swap3A_935], %broadcast_in_dim3A_931 {strides = array<i32>} : memref<8x10x10x256xf32, #tpu.memory_space<vmem>>, vector<8x10x10x256xf32>,
    %reshape3A_937 = vector.shape_cast %max3A_929 : vector<512x256xf32> to vector<8x8x8x256xf32>
    %swap3A_938 = arith.constant 0 : index
    %swap3A_939 = arith.constant 1 : index
    %swap3A_940 = arith.constant 1 : index
    %swap3A_941 = arith.constant 0 : index
    %swap3A_942 = vector.load %arg45[%swap3A_938, %swap3A_939, %swap3A_940, %swap3A_941] : memref<8x10x10x256xf32, #tpu.memory_space<vmem>>, vector<8x8x8x256xf32>
    tpu.vector_store %arg45[%swap3A_938, %swap3A_939, %swap3A_940, %swap3A_941], %reshape3A_937 {strides = array<i32>} : memref<8x10x10x256xf32, #tpu.memory_space<vmem>>, vector<8x8x8x256xf32>,
    %get3A_943 = arith.constant 0 : index
    %get3A_944 = arith.constant 0 : index
    %get3A_945 = arith.constant 1 : index
    %get3A_946 = arith.constant 0 : index
    %get3A_947 = vector.load %arg45[%get3A_943, %get3A_944, %get3A_945, %get3A_946] : memref<8x10x10x256xf32, #tpu.memory_space<vmem>>, vector<8x10x8x256xf32>
    %swap3A_948 = arith.constant 0 : index
    %swap3A_949 = arith.constant 0 : index
    %swap3A_950 = arith.constant 0 : index
    %swap3A_951 = arith.constant 0 : index
    %swap3A_952 = arith.constant 0 : index
    %swap3A_953 = vector.load %arg44[%swap3A_948, %swap3A_949, %swap3A_950, %swap3A_951, %swap3A_952] : memref<2x8x10x8x256xf32, #tpu.memory_space<vmem>>, vector<1x8x10x8x256xf32>
    %swap3A_954 = vector.shape_cast %swap3A_953 : vector<1x8x10x8x256xf32> to vector<8x10x8x256xf32>
    %swap3A_955 = vector.shape_cast %get3A_947 : vector<8x10x8x256xf32> to vector<1x8x10x8x256xf32>
    tpu.vector_store %arg44[%swap3A_948, %swap3A_949, %swap3A_950, %swap3A_951, %swap3A_952], %swap3A_955 {strides = array<i32>} : memref<2x8x10x8x256xf32, #tpu.memory_space<vmem>>, vector<1x8x10x8x256xf32>,
    %get3A_956 = arith.constant 0 : index
    %get3A_957 = arith.constant 0 : index
    %get3A_958 = arith.constant 2 : index
    %get3A_959 = arith.constant 0 : index
    %get3A_960 = vector.load %arg45[%get3A_956, %get3A_957, %get3A_958, %get3A_959] : memref<8x10x10x256xf32, #tpu.memory_space<vmem>>, vector<8x10x8x256xf32>
    %swap3A_961 = arith.constant 1 : index
    %swap3A_962 = arith.constant 0 : index
    %swap3A_963 = arith.constant 0 : index
    %swap3A_964 = arith.constant 0 : index
    %swap3A_965 = arith.constant 0 : index
    %swap3A_966 = vector.load %arg44[%swap3A_961, %swap3A_962, %swap3A_963, %swap3A_964, %swap3A_965] : memref<2x8x10x8x256xf32, #tpu.memory_space<vmem>>, vector<1x8x10x8x256xf32>
    %swap3A_967 = vector.shape_cast %swap3A_966 : vector<1x8x10x8x256xf32> to vector<8x10x8x256xf32>
    %swap3A_968 = vector.shape_cast %get3A_960 : vector<8x10x8x256xf32> to vector<1x8x10x8x256xf32>
    tpu.vector_store %arg44[%swap3A_961, %swap3A_962, %swap3A_963, %swap3A_964, %swap3A_965], %swap3A_968 {strides = array<i32>} : memref<2x8x10x8x256xf32, #tpu.memory_space<vmem>>, vector<1x8x10x8x256xf32>,
    %broadcast_in_dim3A_969 = arith.constant 0.000000e+00 : f32
    %broadcast_in_dim3A_970 = vector.broadcast %broadcast_in_dim3A_969 : f32 to vector<512x256xf32>
    %get3A_971 = arith.constant 0 : index
    %get3A_972 = arith.constant 0 : index
    %get3A_973 = arith.constant 0 : index
    %get3A_974 = arith.constant 0 : index
    %get3A_975 = vector.load %arg45[%get3A_971, %get3A_972, %get3A_973, %get3A_974] : memref<8x10x10x256xf32, #tpu.memory_space<vmem>>, vector<8x8x8x256xf32>
    %reshape3A_976 = vector.shape_cast %get3A_975 : vector<8x8x8x256xf32> to vector<512x256xf32>
    %get3A_977 = arith.constant 0 : index
    %get3A_978 = arith.constant 0 : index
    %get3A_979 = arith.constant 0 : index
    %get3A_980 = vector.load %arg18[%get3A_977, %get3A_978, %get3A_979] : memref<9x256x256xf32, #tpu.memory_space<vmem>>, vector<1x256x256xf32>
    %get3A_981 = vector.shape_cast %get3A_980 : vector<1x256x256xf32> to vector<256x256xf32>
    %dot_general3A_982 = arith.constant dense<0.000000e+00> : vector<512x256xf32>
    %dot_general3A_983 = tpu.matmul %reshape3A_976, %get3A_981, %dot_general3A_982 {dimension_numbers = #tpu.dot_dimension_numbers<[1], [1], [0], [0], [0, 0, 1, 0], [], []>, transpose_lhs_hint = false} : vector<512x256xf32>, vector<256x256xf32>, vector<512x256xf32> -> vector<512x256xf32>
    %add3A_984 = arith.addf %broadcast_in_dim3A_970, %dot_general3A_983 : vector<512x256xf32>
    %get3A_985 = arith.constant 0 : index
    %get3A_986 = arith.constant 0 : index
    %get3A_987 = arith.constant 0 : index
    %get3A_988 = arith.constant 0 : index
    %get3A_989 = arith.constant 0 : index
    %get3A_990 = vector.load %arg44[%get3A_985, %get3A_986, %get3A_987, %get3A_988, %get3A_989] : memref<2x8x10x8x256xf32, #tpu.memory_space<vmem>>, vector<1x8x8x8x256xf32>
    %get3A_991 = vector.shape_cast %get3A_990 : vector<1x8x8x8x256xf32> to vector<8x8x8x256xf32>
    %reshape3A_992 = vector.shape_cast %get3A_991 : vector<8x8x8x256xf32> to vector<512x256xf32>
    %get3A_993 = arith.constant 1 : index
    %get3A_994 = arith.constant 0 : index
    %get3A_995 = arith.constant 0 : index
    %get3A_996 = vector.load %arg18[%get3A_993, %get3A_994, %get3A_995] : memref<9x256x256xf32, #tpu.memory_space<vmem>>, vector<1x256x256xf32>
    %get3A_997 = vector.shape_cast %get3A_996 : vector<1x256x256xf32> to vector<256x256xf32>
    %dot_general3A_998 = arith.constant dense<0.000000e+00> : vector<512x256xf32>
    %dot_general3A_999 = tpu.matmul %reshape3A_992, %get3A_997, %dot_general3A_998 {dimension_numbers = #tpu.dot_dimension_numbers<[1], [1], [0], [0], [0, 0, 1, 0], [], []>, transpose_lhs_hint = false} : vector<512x256xf32>, vector<256x256xf32>, vector<512x256xf32> -> vector<512x256xf32>
    %add3A_1000 = arith.addf %add3A_984, %dot_general3A_999 : vector<512x256xf32>
    %get3A_1001 = arith.constant 1 : index
    %get3A_1002 = arith.constant 0 : index
    %get3A_1003 = arith.constant 0 : index
    %get3A_1004 = arith.constant 0 : index
    %get3A_1005 = arith.constant 0 : index
    %get3A_1006 = vector.load %arg44[%get3A_1001, %get3A_1002, %get3A_1003, %get3A_1004, %get3A_1005] : memref<2x8x10x8x256xf32, #tpu.memory_space<vmem>>, vector<1x8x8x8x256xf32>
    %get3A_1007 = vector.shape_cast %get3A_1006 : vector<1x8x8x8x256xf32> to vector<8x8x8x256xf32>
    %reshape3A_1008 = vector.shape_cast %get3A_1007 : vector<8x8x8x256xf32> to vector<512x256xf32>
    %get3A_1009 = arith.constant 2 : index
    %get3A_1010 = arith.constant 0 : index
    %get3A_1011 = arith.constant 0 : index
    %get3A_1012 = vector.load %arg18[%get3A_1009, %get3A_1010, %get3A_1011] : memref<9x256x256xf32, #tpu.memory_space<vmem>>, vector<1x256x256xf32>
    %get3A_1013 = vector.shape_cast %get3A_1012 : vector<1x256x256xf32> to vector<256x256xf32>
    %dot_general3A_1014 = arith.constant dense<0.000000e+00> : vector<512x256xf32>
    %dot_general3A_1015 = tpu.matmul %reshape3A_1008, %get3A_1013, %dot_general3A_1014 {dimension_numbers = #tpu.dot_dimension_numbers<[1], [1], [0], [0], [0, 0, 1, 0], [], []>, transpose_lhs_hint = false} : vector<512x256xf32>, vector<256x256xf32>, vector<512x256xf32> -> vector<512x256xf32>
    %add3A_1016 = arith.addf %add3A_1000, %dot_general3A_1015 : vector<512x256xf32>
    %get3A_1017 = arith.constant 0 : index
    %get3A_1018 = arith.constant 1 : index
    %get3A_1019 = arith.constant 0 : index
    %get3A_1020 = arith.constant 0 : index
    %get3A_1021 = vector.load %arg45[%get3A_1017, %get3A_1018, %get3A_1019, %get3A_1020] : memref<8x10x10x256xf32, #tpu.memory_space<vmem>>, vector<8x8x8x256xf32>
    %reshape3A_1022 = vector.shape_cast %get3A_1021 : vector<8x8x8x256xf32> to vector<512x256xf32>
    %get3A_1023 = arith.constant 3 : index
    %get3A_1024 = arith.constant 0 : index
    %get3A_1025 = arith.constant 0 : index
    %get3A_1026 = vector.load %arg18[%get3A_1023, %get3A_1024, %get3A_1025] : memref<9x256x256xf32, #tpu.memory_space<vmem>>, vector<1x256x256xf32>
    %get3A_1027 = vector.shape_cast %get3A_1026 : vector<1x256x256xf32> to vector<256x256xf32>
    %dot_general3A_1028 = arith.constant dense<0.000000e+00> : vector<512x256xf32>
    %dot_general3A_1029 = tpu.matmul %reshape3A_1022, %get3A_1027, %dot_general3A_1028 {dimension_numbers = #tpu.dot_dimension_numbers<[1], [1], [0], [0], [0, 0, 1, 0], [], []>, transpose_lhs_hint = false} : vector<512x256xf32>, vector<256x256xf32>, vector<512x256xf32> -> vector<512x256xf32>
    %add3A_1030 = arith.addf %add3A_1016, %dot_general3A_1029 : vector<512x256xf32>
    %get3A_1031 = arith.constant 0 : index
    %get3A_1032 = arith.constant 0 : index
    %get3A_1033 = arith.constant 1 : index
    %get3A_1034 = arith.constant 0 : index
    %get3A_1035 = arith.constant 0 : index
    %get3A_1036 = vector.load %arg44[%get3A_1031, %get3A_1032, %get3A_1033, %get3A_1034, %get3A_1035] : memref<2x8x10x8x256xf32, #tpu.memory_space<vmem>>, vector<1x8x8x8x256xf32>
    %get3A_1037 = vector.shape_cast %get3A_1036 : vector<1x8x8x8x256xf32> to vector<8x8x8x256xf32>
    %reshape3A_1038 = vector.shape_cast %get3A_1037 : vector<8x8x8x256xf32> to vector<512x256xf32>
    %get3A_1039 = arith.constant 4 : index
    %get3A_1040 = arith.constant 0 : index
    %get3A_1041 = arith.constant 0 : index
    %get3A_1042 = vector.load %arg18[%get3A_1039, %get3A_1040, %get3A_1041] : memref<9x256x256xf32, #tpu.memory_space<vmem>>, vector<1x256x256xf32>
    %get3A_1043 = vector.shape_cast %get3A_1042 : vector<1x256x256xf32> to vector<256x256xf32>
    %dot_general3A_1044 = arith.constant dense<0.000000e+00> : vector<512x256xf32>
    %dot_general3A_1045 = tpu.matmul %reshape3A_1038, %get3A_1043, %dot_general3A_1044 {dimension_numbers = #tpu.dot_dimension_numbers<[1], [1], [0], [0], [0, 0, 1, 0], [], []>, transpose_lhs_hint = false} : vector<512x256xf32>, vector<256x256xf32>, vector<512x256xf32> -> vector<512x256xf32>
    %add3A_1046 = arith.addf %add3A_1030, %dot_general3A_1045 : vector<512x256xf32>
    %get3A_1047 = arith.constant 1 : index
    %get3A_1048 = arith.constant 0 : index
    %get3A_1049 = arith.constant 1 : index
    %get3A_1050 = arith.constant 0 : index
    %get3A_1051 = arith.constant 0 : index
    %get3A_1052 = vector.load %arg44[%get3A_1047, %get3A_1048, %get3A_1049, %get3A_1050, %get3A_1051] : memref<2x8x10x8x256xf32, #tpu.memory_space<vmem>>, vector<1x8x8x8x256xf32>
    %get3A_1053 = vector.shape_cast %get3A_1052 : vector<1x8x8x8x256xf32> to vector<8x8x8x256xf32>
    %reshape3A_1054 = vector.shape_cast %get3A_1053 : vector<8x8x8x256xf32> to vector<512x256xf32>
    %get3A_1055 = arith.constant 5 : index
    %get3A_1056 = arith.constant 0 : index
    %get3A_1057 = arith.constant 0 : index
    %get3A_1058 = vector.load %arg18[%get3A_1055, %get3A_1056, %get3A_1057] : memref<9x256x256xf32, #tpu.memory_space<vmem>>, vector<1x256x256xf32>
    %get3A_1059 = vector.shape_cast %get3A_1058 : vector<1x256x256xf32> to vector<256x256xf32>
    %dot_general3A_1060 = arith.constant dense<0.000000e+00> : vector<512x256xf32>
    %dot_general3A_1061 = tpu.matmul %reshape3A_1054, %get3A_1059, %dot_general3A_1060 {dimension_numbers = #tpu.dot_dimension_numbers<[1], [1], [0], [0], [0, 0, 1, 0], [], []>, transpose_lhs_hint = false} : vector<512x256xf32>, vector<256x256xf32>, vector<512x256xf32> -> vector<512x256xf32>
    %add3A_1062 = arith.addf %add3A_1046, %dot_general3A_1061 : vector<512x256xf32>
    %get3A_1063 = arith.constant 0 : index
    %get3A_1064 = arith.constant 2 : index
    %get3A_1065 = arith.constant 0 : index
    %get3A_1066 = arith.constant 0 : index
    %get3A_1067 = vector.load %arg45[%get3A_1063, %get3A_1064, %get3A_1065, %get3A_1066] : memref<8x10x10x256xf32, #tpu.memory_space<vmem>>, vector<8x8x8x256xf32>
    %reshape3A_1068 = vector.shape_cast %get3A_1067 : vector<8x8x8x256xf32> to vector<512x256xf32>
    %get3A_1069 = arith.constant 6 : index
    %get3A_1070 = arith.constant 0 : index
    %get3A_1071 = arith.constant 0 : index
    %get3A_1072 = vector.load %arg18[%get3A_1069, %get3A_1070, %get3A_1071] : memref<9x256x256xf32, #tpu.memory_space<vmem>>, vector<1x256x256xf32>
    %get3A_1073 = vector.shape_cast %get3A_1072 : vector<1x256x256xf32> to vector<256x256xf32>
    %dot_general3A_1074 = arith.constant dense<0.000000e+00> : vector<512x256xf32>
    %dot_general3A_1075 = tpu.matmul %reshape3A_1068, %get3A_1073, %dot_general3A_1074 {dimension_numbers = #tpu.dot_dimension_numbers<[1], [1], [0], [0], [0, 0, 1, 0], [], []>, transpose_lhs_hint = false} : vector<512x256xf32>, vector<256x256xf32>, vector<512x256xf32> -> vector<512x256xf32>
    %add3A_1076 = arith.addf %add3A_1062, %dot_general3A_1075 : vector<512x256xf32>
    %get3A_1077 = arith.constant 0 : index
    %get3A_1078 = arith.constant 0 : index
    %get3A_1079 = arith.constant 2 : index
    %get3A_1080 = arith.constant 0 : index
    %get3A_1081 = arith.constant 0 : index
    %get3A_1082 = vector.load %arg44[%get3A_1077, %get3A_1078, %get3A_1079, %get3A_1080, %get3A_1081] : memref<2x8x10x8x256xf32, #tpu.memory_space<vmem>>, vector<1x8x8x8x256xf32>
    %get3A_1083 = vector.shape_cast %get3A_1082 : vector<1x8x8x8x256xf32> to vector<8x8x8x256xf32>
    %reshape3A_1084 = vector.shape_cast %get3A_1083 : vector<8x8x8x256xf32> to vector<512x256xf32>
    %get3A_1085 = arith.constant 7 : index
    %get3A_1086 = arith.constant 0 : index
    %get3A_1087 = arith.constant 0 : index
    %get3A_1088 = vector.load %arg18[%get3A_1085, %get3A_1086, %get3A_1087] : memref<9x256x256xf32, #tpu.memory_space<vmem>>, vector<1x256x256xf32>
    %get3A_1089 = vector.shape_cast %get3A_1088 : vector<1x256x256xf32> to vector<256x256xf32>
    %dot_general3A_1090 = arith.constant dense<0.000000e+00> : vector<512x256xf32>
    %dot_general3A_1091 = tpu.matmul %reshape3A_1084, %get3A_1089, %dot_general3A_1090 {dimension_numbers = #tpu.dot_dimension_numbers<[1], [1], [0], [0], [0, 0, 1, 0], [], []>, transpose_lhs_hint = false} : vector<512x256xf32>, vector<256x256xf32>, vector<512x256xf32> -> vector<512x256xf32>
    %add3A_1092 = arith.addf %add3A_1076, %dot_general3A_1091 : vector<512x256xf32>
    %get3A_1093 = arith.constant 1 : index
    %get3A_1094 = arith.constant 0 : index
    %get3A_1095 = arith.constant 2 : index
    %get3A_1096 = arith.constant 0 : index
    %get3A_1097 = arith.constant 0 : index
    %get3A_1098 = vector.load %arg44[%get3A_1093, %get3A_1094, %get3A_1095, %get3A_1096, %get3A_1097] : memref<2x8x10x8x256xf32, #tpu.memory_space<vmem>>, vector<1x8x8x8x256xf32>
    %get3A_1099 = vector.shape_cast %get3A_1098 : vector<1x8x8x8x256xf32> to vector<8x8x8x256xf32>
    %reshape3A_1100 = vector.shape_cast %get3A_1099 : vector<8x8x8x256xf32> to vector<512x256xf32>
    %get3A_1101 = arith.constant 8 : index
    %get3A_1102 = arith.constant 0 : index
    %get3A_1103 = arith.constant 0 : index
    %get3A_1104 = vector.load %arg18[%get3A_1101, %get3A_1102, %get3A_1103] : memref<9x256x256xf32, #tpu.memory_space<vmem>>, vector<1x256x256xf32>
    %get3A_1105 = vector.shape_cast %get3A_1104 : vector<1x256x256xf32> to vector<256x256xf32>
    %dot_general3A_1106 = arith.constant dense<0.000000e+00> : vector<512x256xf32>
    %dot_general3A_1107 = tpu.matmul %reshape3A_1100, %get3A_1105, %dot_general3A_1106 {dimension_numbers = #tpu.dot_dimension_numbers<[1], [1], [0], [0], [0, 0, 1, 0], [], []>, transpose_lhs_hint = false} : vector<512x256xf32>, vector<256x256xf32>, vector<512x256xf32> -> vector<512x256xf32>
    %add3A_1108 = arith.addf %add3A_1092, %dot_general3A_1107 : vector<512x256xf32>
    %get3A_1109 = arith.constant 0 : index
    %get3A_1110 = arith.constant 0 : index
    %get3A_1111 = vector.load %arg19[%get3A_1109, %get3A_1110] : memref<1x256xf32, #tpu.memory_space<vmem>>, vector<1x256xf32>
    %add3A_1112 = vector.broadcast %get3A_1111 : vector<1x256xf32> to vector<512x256xf32>
    %add3A_1113 = arith.addf %add3A_1108, %add3A_1112 : vector<512x256xf32>
    %reshape3A_1114 = vector.shape_cast %add3A_1113 : vector<512x256xf32> to vector<8x64x256xf32>
    %reduce_sum3A_1115 = arith.constant dense<0.000000e+00> : vector<8x256xf32>
    %reduce_sum3A_1116 = vector.multi_reduction <add>, %reshape3A_1114, %reduce_sum3A_1115 [1] : vector<8x64x256xf32> to vector<8x256xf32>
    %div3A_1117 = arith.constant 6.400000e+01 : f32
    %div3A_1118 = vector.broadcast %div3A_1117 : f32 to vector<8x256xf32>
    %div3A_1119 = arith.divf %reduce_sum3A_1116, %div3A_1118 : vector<8x256xf32>
    %get3A_1120 = arith.constant 0 : index
    %get3A_1121 = arith.constant 0 : index
    %get3A_1122 = vector.load %arg20[%get3A_1120, %get3A_1121] : memref<16x256xf32, #tpu.memory_space<vmem>>, vector<16x256xf32>
    %dot_general3A_1123 = arith.constant dense<0.000000e+00> : vector<8x16xf32>
    %dot_general3A_1124 = tpu.matmul %div3A_1119, %get3A_1122, %dot_general3A_1123 {dimension_numbers = #tpu.dot_dimension_numbers<[1], [1], [0], [0], [0, 0, 1, 0], [], []>, transpose_lhs_hint = false} : vector<8x256xf32>, vector<16x256xf32>, vector<8x16xf32> -> vector<8x16xf32>
    %max3A_1125 = arith.constant 0.000000e+00 : f32
    %max3A_1126 = vector.broadcast %max3A_1125 : f32 to vector<8x16xf32>
    %max3A_1127 = arith.maximumf %dot_general3A_1124, %max3A_1126 : vector<8x16xf32>
    %get3A_1128 = arith.constant 0 : index
    %get3A_1129 = arith.constant 0 : index
    %get3A_1130 = vector.load %arg21[%get3A_1128, %get3A_1129] : memref<256x16xf32, #tpu.memory_space<vmem>>, vector<256x16xf32>
    %dot_general3A_1131 = arith.constant dense<0.000000e+00> : vector<8x256xf32>
    %dot_general3A_1132 = tpu.matmul %max3A_1127, %get3A_1130, %dot_general3A_1131 {dimension_numbers = #tpu.dot_dimension_numbers<[1], [1], [0], [0], [0, 0, 1, 0], [], []>, transpose_lhs_hint = false} : vector<8x16xf32>, vector<256x16xf32>, vector<8x256xf32> -> vector<8x256xf32>
    %logistic3A_1133 = arith.negf %dot_general3A_1132 : vector<8x256xf32>
    %logistic3A_1134 = math.exp %logistic3A_1133 : vector<8x256xf32>
    %logistic3A_1135 = arith.constant 1.000000e+00 : f32
    %logistic3A_1136 = vector.broadcast %logistic3A_1135 : f32 to vector<8x256xf32>
    %logistic3A_1137 = arith.addf %logistic3A_1136, %logistic3A_1134 : vector<8x256xf32>
    %logistic3A_1138 = arith.divf %logistic3A_1136, %logistic3A_1137 : vector<8x256xf32>
    %reshape3A_1139 = vector.shape_cast %add3A_1113 : vector<512x256xf32> to vector<8x64x256xf32>
    %broadcast_in_dim3A_1140 = vector.shape_cast %logistic3A_1138 : vector<8x256xf32> to vector<8x1x256xf32>
    %mul3A_1141 = vector.broadcast %broadcast_in_dim3A_1140 : vector<8x1x256xf32> to vector<8x64x256xf32>
    %mul3A_1142 = arith.mulf %reshape3A_1139, %mul3A_1141 : vector<8x64x256xf32>
    %get3A_1143 = arith.constant 0 : index
    %get3A_1144 = arith.constant 0 : index
    %get3A_1145 = arith.constant 1 : index
    %get3A_1146 = arith.constant 0 : index
    %get3A_1147 = arith.constant 0 : index
    %get3A_1148 = vector.load %arg43[%get3A_1143, %get3A_1144, %get3A_1145, %get3A_1146, %get3A_1147] : memref<2x8x10x8x256xf32, #tpu.memory_space<vmem>>, vector<1x8x8x8x256xf32>
    %get3A_1149 = vector.shape_cast %get3A_1148 : vector<1x8x8x8x256xf32> to vector<8x8x8x256xf32>
    %reshape3A_1150 = vector.shape_cast %get3A_1149 : vector<8x8x8x256xf32> to vector<8x64x256xf32>
    %add3A_1151 = arith.addf %mul3A_1142, %reshape3A_1150 : vector<8x64x256xf32>
    %max3A_1152 = arith.constant 0.000000e+00 : f32
    %max3A_1153 = vector.broadcast %max3A_1152 : f32 to vector<8x64x256xf32>
    %max3A_1154 = arith.maximumf %add3A_1151, %max3A_1153 : vector<8x64x256xf32>
    %reshape3A_1155 = vector.shape_cast %max3A_1154 : vector<8x64x256xf32> to vector<8x8x8x256xf32>
    %broadcast_in_dim3A_1156 = arith.constant 0.000000e+00 : f32
    %broadcast_in_dim3A_1157 = vector.broadcast %broadcast_in_dim3A_1156 : f32 to vector<8x10x10x256xf32>
    %swap3A_1158 = arith.constant 0 : index
    %swap3A_1159 = arith.constant 0 : index
    %swap3A_1160 = arith.constant 0 : index
    %swap3A_1161 = arith.constant 0 : index
    %swap3A_1162 = vector.load %arg42[%swap3A_1158, %swap3A_1159, %swap3A_1160, %swap3A_1161] : memref<8x10x10x256xf32, #tpu.memory_space<vmem>>, vector<8x10x10x256xf32>
    tpu.vector_store %arg42[%swap3A_1158, %swap3A_1159, %swap3A_1160, %swap3A_1161], %broadcast_in_dim3A_1157 {strides = array<i32>} : memref<8x10x10x256xf32, #tpu.memory_space<vmem>>, vector<8x10x10x256xf32>,
    %swap3A_1163 = arith.constant 0 : index
    %swap3A_1164 = arith.constant 1 : index
    %swap3A_1165 = arith.constant 1 : index
    %swap3A_1166 = arith.constant 0 : index
    %swap3A_1167 = vector.load %arg42[%swap3A_1163, %swap3A_1164, %swap3A_1165, %swap3A_1166] : memref<8x10x10x256xf32, #tpu.memory_space<vmem>>, vector<8x8x8x256xf32>
    tpu.vector_store %arg42[%swap3A_1163, %swap3A_1164, %swap3A_1165, %swap3A_1166], %reshape3A_1155 {strides = array<i32>} : memref<8x10x10x256xf32, #tpu.memory_space<vmem>>, vector<8x8x8x256xf32>,
    %broadcast_in_dim3A_1168 = arith.constant 0.000000e+00 : f32
    %broadcast_in_dim3A_1169 = vector.broadcast %broadcast_in_dim3A_1168 : f32 to vector<128x384xf32>
    %get3A_1170 = arith.constant 0 : index
    %get3A_1171 = arith.constant 0 : index
    %get3A_1172 = arith.constant 0 : index
    %get3A_1173 = arith.constant 0 : index
    %get3A_1174 = vector.load %arg42[%get3A_1170, %get3A_1171, %get3A_1172, %get3A_1173] : memref<8x10x10x256xf32, #tpu.memory_space<vmem>>, vector<8x10x10x256xf32>
    %reshape3A_1175 = vector.shape_cast %get3A_1174 : vector<8x10x10x256xf32> to vector<8x5x2x5x2x256xf32>
    %slice3A_1176 = vector.extract_strided_slice %reshape3A_1175 {offsets = [0, 0, 0, 0, 0, 0], sizes = [8, 5, 1, 5, 1, 256], strides = [1, 1, 1, 1, 1, 1]} : vector<8x5x2x5x2x256xf32> to vector<8x5x1x5x1x256xf32>
    %squeeze3A_1177 = vector.shape_cast %slice3A_1176 : vector<8x5x1x5x1x256xf32> to vector<8x5x5x256xf32>
    %slice3A_1178 = vector.extract_strided_slice %reshape3A_1175 {offsets = [0, 0, 0, 0, 1, 0], sizes = [8, 5, 1, 5, 1, 256], strides = [1, 1, 1, 1, 1, 1]} : vector<8x5x2x5x2x256xf32> to vector<8x5x1x5x1x256xf32>
    %squeeze3A_1179 = vector.shape_cast %slice3A_1178 : vector<8x5x1x5x1x256xf32> to vector<8x5x5x256xf32>
    %slice3A_1180 = vector.extract_strided_slice %reshape3A_1175 {offsets = [0, 0, 1, 0, 0, 0], sizes = [8, 5, 1, 5, 1, 256], strides = [1, 1, 1, 1, 1, 1]} : vector<8x5x2x5x2x256xf32> to vector<8x5x1x5x1x256xf32>
    %squeeze3A_1181 = vector.shape_cast %slice3A_1180 : vector<8x5x1x5x1x256xf32> to vector<8x5x5x256xf32>
    %slice3A_1182 = vector.extract_strided_slice %reshape3A_1175 {offsets = [0, 0, 1, 0, 1, 0], sizes = [8, 5, 1, 5, 1, 256], strides = [1, 1, 1, 1, 1, 1]} : vector<8x5x2x5x2x256xf32> to vector<8x5x1x5x1x256xf32>
    %squeeze3A_1183 = vector.shape_cast %slice3A_1182 : vector<8x5x1x5x1x256xf32> to vector<8x5x5x256xf32>
    %slice3A_1184 = vector.extract_strided_slice %squeeze3A_1177 {offsets = [0, 0, 0, 0], sizes = [8, 4, 4, 256], strides = [1, 1, 1, 1]} : vector<8x5x5x256xf32> to vector<8x4x4x256xf32>
    %reshape3A_1185 = vector.shape_cast %slice3A_1184 : vector<8x4x4x256xf32> to vector<128x256xf32>
    %get3A_1186 = arith.constant 0 : index
    %get3A_1187 = arith.constant 0 : index
    %get3A_1188 = arith.constant 0 : index
    %get3A_1189 = vector.load %arg22[%get3A_1186, %get3A_1187, %get3A_1188] : memref<9x384x256xf32, #tpu.memory_space<vmem>>, vector<1x384x256xf32>
    %get3A_1190 = vector.shape_cast %get3A_1189 : vector<1x384x256xf32> to vector<384x256xf32>
    %dot_general3A_1191 = arith.constant dense<0.000000e+00> : vector<128x384xf32>
    %dot_general3A_1192 = tpu.matmul %reshape3A_1185, %get3A_1190, %dot_general3A_1191 {dimension_numbers = #tpu.dot_dimension_numbers<[1], [1], [0], [0], [0, 0, 1, 0], [], []>, transpose_lhs_hint = false} : vector<128x256xf32>, vector<384x256xf32>, vector<128x384xf32> -> vector<128x384xf32>
    %add3A_1193 = arith.addf %broadcast_in_dim3A_1169, %dot_general3A_1192 : vector<128x384xf32>
    %slice3A_1194 = vector.extract_strided_slice %squeeze3A_1179 {offsets = [0, 0, 0, 0], sizes = [8, 4, 4, 256], strides = [1, 1, 1, 1]} : vector<8x5x5x256xf32> to vector<8x4x4x256xf32>
    %reshape3A_1195 = vector.shape_cast %slice3A_1194 : vector<8x4x4x256xf32> to vector<128x256xf32>
    %get3A_1196 = arith.constant 1 : index
    %get3A_1197 = arith.constant 0 : index
    %get3A_1198 = arith.constant 0 : index
    %get3A_1199 = vector.load %arg22[%get3A_1196, %get3A_1197, %get3A_1198] : memref<9x384x256xf32, #tpu.memory_space<vmem>>, vector<1x384x256xf32>
    %get3A_1200 = vector.shape_cast %get3A_1199 : vector<1x384x256xf32> to vector<384x256xf32>
    %dot_general3A_1201 = arith.constant dense<0.000000e+00> : vector<128x384xf32>
    %dot_general3A_1202 = tpu.matmul %reshape3A_1195, %get3A_1200, %dot_general3A_1201 {dimension_numbers = #tpu.dot_dimension_numbers<[1], [1], [0], [0], [0, 0, 1, 0], [], []>, transpose_lhs_hint = false} : vector<128x256xf32>, vector<384x256xf32>, vector<128x384xf32> -> vector<128x384xf32>
    %add3A_1203 = arith.addf %add3A_1193, %dot_general3A_1202 : vector<128x384xf32>
    %slice3A_1204 = vector.extract_strided_slice %squeeze3A_1177 {offsets = [0, 0, 1, 0], sizes = [8, 4, 4, 256], strides = [1, 1, 1, 1]} : vector<8x5x5x256xf32> to vector<8x4x4x256xf32>
    %reshape3A_1205 = vector.shape_cast %slice3A_1204 : vector<8x4x4x256xf32> to vector<128x256xf32>
    %get3A_1206 = arith.constant 2 : index
    %get3A_1207 = arith.constant 0 : index
    %get3A_1208 = arith.constant 0 : index
    %get3A_1209 = vector.load %arg22[%get3A_1206, %get3A_1207, %get3A_1208] : memref<9x384x256xf32, #tpu.memory_space<vmem>>, vector<1x384x256xf32>
    %get3A_1210 = vector.shape_cast %get3A_1209 : vector<1x384x256xf32> to vector<384x256xf32>
    %dot_general3A_1211 = arith.constant dense<0.000000e+00> : vector<128x384xf32>
    %dot_general3A_1212 = tpu.matmul %reshape3A_1205, %get3A_1210, %dot_general3A_1211 {dimension_numbers = #tpu.dot_dimension_numbers<[1], [1], [0], [0], [0, 0, 1, 0], [], []>, transpose_lhs_hint = false} : vector<128x256xf32>, vector<384x256xf32>, vector<128x384xf32> -> vector<128x384xf32>
    %add3A_1213 = arith.addf %add3A_1203, %dot_general3A_1212 : vector<128x384xf32>
    %slice3A_1214 = vector.extract_strided_slice %squeeze3A_1181 {offsets = [0, 0, 0, 0], sizes = [8, 4, 4, 256], strides = [1, 1, 1, 1]} : vector<8x5x5x256xf32> to vector<8x4x4x256xf32>
    %reshape3A_1215 = vector.shape_cast %slice3A_1214 : vector<8x4x4x256xf32> to vector<128x256xf32>
    %get3A_1216 = arith.constant 3 : index
    %get3A_1217 = arith.constant 0 : index
    %get3A_1218 = arith.constant 0 : index
    %get3A_1219 = vector.load %arg22[%get3A_1216, %get3A_1217, %get3A_1218] : memref<9x384x256xf32, #tpu.memory_space<vmem>>, vector<1x384x256xf32>
    %get3A_1220 = vector.shape_cast %get3A_1219 : vector<1x384x256xf32> to vector<384x256xf32>
    %dot_general3A_1221 = arith.constant dense<0.000000e+00> : vector<128x384xf32>
    %dot_general3A_1222 = tpu.matmul %reshape3A_1215, %get3A_1220, %dot_general3A_1221 {dimension_numbers = #tpu.dot_dimension_numbers<[1], [1], [0], [0], [0, 0, 1, 0], [], []>, transpose_lhs_hint = false} : vector<128x256xf32>, vector<384x256xf32>, vector<128x384xf32> -> vector<128x384xf32>
    %add3A_1223 = arith.addf %add3A_1213, %dot_general3A_1222 : vector<128x384xf32>
    %slice3A_1224 = vector.extract_strided_slice %squeeze3A_1183 {offsets = [0, 0, 0, 0], sizes = [8, 4, 4, 256], strides = [1, 1, 1, 1]} : vector<8x5x5x256xf32> to vector<8x4x4x256xf32>
    %reshape3A_1225 = vector.shape_cast %slice3A_1224 : vector<8x4x4x256xf32> to vector<128x256xf32>
    %get3A_1226 = arith.constant 4 : index
    %get3A_1227 = arith.constant 0 : index
    %get3A_1228 = arith.constant 0 : index
    %get3A_1229 = vector.load %arg22[%get3A_1226, %get3A_1227, %get3A_1228] : memref<9x384x256xf32, #tpu.memory_space<vmem>>, vector<1x384x256xf32>
    %get3A_1230 = vector.shape_cast %get3A_1229 : vector<1x384x256xf32> to vector<384x256xf32>
    %dot_general3A_1231 = arith.constant dense<0.000000e+00> : vector<128x384xf32>
    %dot_general3A_1232 = tpu.matmul %reshape3A_1225, %get3A_1230, %dot_general3A_1231 {dimension_numbers = #tpu.dot_dimension_numbers<[1], [1], [0], [0], [0, 0, 1, 0], [], []>, transpose_lhs_hint = false} : vector<128x256xf32>, vector<384x256xf32>, vector<128x384xf32> -> vector<128x384xf32>
    %add3A_1233 = arith.addf %add3A_1223, %dot_general3A_1232 : vector<128x384xf32>
    %slice3A_1234 = vector.extract_strided_slice %squeeze3A_1181 {offsets = [0, 0, 1, 0], sizes = [8, 4, 4, 256], strides = [1, 1, 1, 1]} : vector<8x5x5x256xf32> to vector<8x4x4x256xf32>
    %reshape3A_1235 = vector.shape_cast %slice3A_1234 : vector<8x4x4x256xf32> to vector<128x256xf32>
    %get3A_1236 = arith.constant 5 : index
    %get3A_1237 = arith.constant 0 : index
    %get3A_1238 = arith.constant 0 : index
    %get3A_1239 = vector.load %arg22[%get3A_1236, %get3A_1237, %get3A_1238] : memref<9x384x256xf32, #tpu.memory_space<vmem>>, vector<1x384x256xf32>
    %get3A_1240 = vector.shape_cast %get3A_1239 : vector<1x384x256xf32> to vector<384x256xf32>
    %dot_general3A_1241 = arith.constant dense<0.000000e+00> : vector<128x384xf32>
    %dot_general3A_1242 = tpu.matmul %reshape3A_1235, %get3A_1240, %dot_general3A_1241 {dimension_numbers = #tpu.dot_dimension_numbers<[1], [1], [0], [0], [0, 0, 1, 0], [], []>, transpose_lhs_hint = false} : vector<128x256xf32>, vector<384x256xf32>, vector<128x384xf32> -> vector<128x384xf32>
    %add3A_1243 = arith.addf %add3A_1233, %dot_general3A_1242 : vector<128x384xf32>
    %slice3A_1244 = vector.extract_strided_slice %squeeze3A_1177 {offsets = [0, 1, 0, 0], sizes = [8, 4, 4, 256], strides = [1, 1, 1, 1]} : vector<8x5x5x256xf32> to vector<8x4x4x256xf32>
    %reshape3A_1245 = vector.shape_cast %slice3A_1244 : vector<8x4x4x256xf32> to vector<128x256xf32>
    %get3A_1246 = arith.constant 6 : index
    %get3A_1247 = arith.constant 0 : index
    %get3A_1248 = arith.constant 0 : index
    %get3A_1249 = vector.load %arg22[%get3A_1246, %get3A_1247, %get3A_1248] : memref<9x384x256xf32, #tpu.memory_space<vmem>>, vector<1x384x256xf32>
    %get3A_1250 = vector.shape_cast %get3A_1249 : vector<1x384x256xf32> to vector<384x256xf32>
    %dot_general3A_1251 = arith.constant dense<0.000000e+00> : vector<128x384xf32>
    %dot_general3A_1252 = tpu.matmul %reshape3A_1245, %get3A_1250, %dot_general3A_1251 {dimension_numbers = #tpu.dot_dimension_numbers<[1], [1], [0], [0], [0, 0, 1, 0], [], []>, transpose_lhs_hint = false} : vector<128x256xf32>, vector<384x256xf32>, vector<128x384xf32> -> vector<128x384xf32>
    %add3A_1253 = arith.addf %add3A_1243, %dot_general3A_1252 : vector<128x384xf32>
    %slice3A_1254 = vector.extract_strided_slice %squeeze3A_1179 {offsets = [0, 1, 0, 0], sizes = [8, 4, 4, 256], strides = [1, 1, 1, 1]} : vector<8x5x5x256xf32> to vector<8x4x4x256xf32>
    %reshape3A_1255 = vector.shape_cast %slice3A_1254 : vector<8x4x4x256xf32> to vector<128x256xf32>
    %get3A_1256 = arith.constant 7 : index
    %get3A_1257 = arith.constant 0 : index
    %get3A_1258 = arith.constant 0 : index
    %get3A_1259 = vector.load %arg22[%get3A_1256, %get3A_1257, %get3A_1258] : memref<9x384x256xf32, #tpu.memory_space<vmem>>, vector<1x384x256xf32>
    %get3A_1260 = vector.shape_cast %get3A_1259 : vector<1x384x256xf32> to vector<384x256xf32>
    %dot_general3A_1261 = arith.constant dense<0.000000e+00> : vector<128x384xf32>
    %dot_general3A_1262 = tpu.matmul %reshape3A_1255, %get3A_1260, %dot_general3A_1261 {dimension_numbers = #tpu.dot_dimension_numbers<[1], [1], [0], [0], [0, 0, 1, 0], [], []>, transpose_lhs_hint = false} : vector<128x256xf32>, vector<384x256xf32>, vector<128x384xf32> -> vector<128x384xf32>
    %add3A_1263 = arith.addf %add3A_1253, %dot_general3A_1262 : vector<128x384xf32>
    %slice3A_1264 = vector.extract_strided_slice %squeeze3A_1177 {offsets = [0, 1, 1, 0], sizes = [8, 4, 4, 256], strides = [1, 1, 1, 1]} : vector<8x5x5x256xf32> to vector<8x4x4x256xf32>
    %reshape3A_1265 = vector.shape_cast %slice3A_1264 : vector<8x4x4x256xf32> to vector<128x256xf32>
    %get3A_1266 = arith.constant 8 : index
    %get3A_1267 = arith.constant 0 : index
    %get3A_1268 = arith.constant 0 : index
    %get3A_1269 = vector.load %arg22[%get3A_1266, %get3A_1267, %get3A_1268] : memref<9x384x256xf32, #tpu.memory_space<vmem>>, vector<1x384x256xf32>
    %get3A_1270 = vector.shape_cast %get3A_1269 : vector<1x384x256xf32> to vector<384x256xf32>
    %dot_general3A_1271 = arith.constant dense<0.000000e+00> : vector<128x384xf32>
    %dot_general3A_1272 = tpu.matmul %reshape3A_1265, %get3A_1270, %dot_general3A_1271 {dimension_numbers = #tpu.dot_dimension_numbers<[1], [1], [0], [0], [0, 0, 1, 0], [], []>, transpose_lhs_hint = false} : vector<128x256xf32>, vector<384x256xf32>, vector<128x384xf32> -> vector<128x384xf32>
    %add3A_1273 = arith.addf %add3A_1263, %dot_general3A_1272 : vector<128x384xf32>
    %get3A_1274 = arith.constant 0 : index
    %get3A_1275 = arith.constant 0 : index
    %get3A_1276 = vector.load %arg23[%get3A_1274, %get3A_1275] : memref<1x384xf32, #tpu.memory_space<vmem>>, vector<1x384xf32>
    %add3A_1277 = vector.broadcast %get3A_1276 : vector<1x384xf32> to vector<128x384xf32>
    %add3A_1278 = arith.addf %add3A_1273, %add3A_1277 : vector<128x384xf32>
    %max3A_1279 = arith.constant 0.000000e+00 : f32
    %max3A_1280 = vector.broadcast %max3A_1279 : f32 to vector<128x384xf32>
    %max3A_1281 = arith.maximumf %add3A_1278, %max3A_1280 : vector<128x384xf32>
    %broadcast_in_dim3A_1282 = arith.constant 0.000000e+00 : f32
    %broadcast_in_dim3A_1283 = vector.broadcast %broadcast_in_dim3A_1282 : f32 to vector<8x6x6x384xf32>
    %swap3A_1284 = arith.constant 0 : index
    %swap3A_1285 = arith.constant 0 : index
    %swap3A_1286 = arith.constant 0 : index
    %swap3A_1287 = arith.constant 0 : index
    %swap3A_1288 = vector.load %arg49[%swap3A_1284, %swap3A_1285, %swap3A_1286, %swap3A_1287] : memref<8x6x6x384xf32, #tpu.memory_space<vmem>>, vector<8x6x6x384xf32>
    tpu.vector_store %arg49[%swap3A_1284, %swap3A_1285, %swap3A_1286, %swap3A_1287], %broadcast_in_dim3A_1283 {strides = array<i32>} : memref<8x6x6x384xf32, #tpu.memory_space<vmem>>, vector<8x6x6x384xf32>,
    %reshape3A_1289 = vector.shape_cast %max3A_1281 : vector<128x384xf32> to vector<8x4x4x384xf32>
    %swap3A_1290 = arith.constant 0 : index
    %swap3A_1291 = arith.constant 1 : index
    %swap3A_1292 = arith.constant 1 : index
    %swap3A_1293 = arith.constant 0 : index
    %swap3A_1294 = vector.load %arg49[%swap3A_1290, %swap3A_1291, %swap3A_1292, %swap3A_1293] : memref<8x6x6x384xf32, #tpu.memory_space<vmem>>, vector<8x4x4x384xf32>
    tpu.vector_store %arg49[%swap3A_1290, %swap3A_1291, %swap3A_1292, %swap3A_1293], %reshape3A_1289 {strides = array<i32>} : memref<8x6x6x384xf32, #tpu.memory_space<vmem>>, vector<8x4x4x384xf32>,
    %get3A_1295 = arith.constant 0 : index
    %get3A_1296 = arith.constant 0 : index
    %get3A_1297 = arith.constant 1 : index
    %get3A_1298 = arith.constant 0 : index
    %get3A_1299 = vector.load %arg49[%get3A_1295, %get3A_1296, %get3A_1297, %get3A_1298] : memref<8x6x6x384xf32, #tpu.memory_space<vmem>>, vector<8x6x4x384xf32>
    %swap3A_1300 = arith.constant 0 : index
    %swap3A_1301 = arith.constant 0 : index
    %swap3A_1302 = arith.constant 0 : index
    %swap3A_1303 = arith.constant 0 : index
    %swap3A_1304 = arith.constant 0 : index
    %swap3A_1305 = vector.load %arg48[%swap3A_1300, %swap3A_1301, %swap3A_1302, %swap3A_1303, %swap3A_1304] : memref<2x8x6x4x384xf32, #tpu.memory_space<vmem>>, vector<1x8x6x4x384xf32>
    %swap3A_1306 = vector.shape_cast %swap3A_1305 : vector<1x8x6x4x384xf32> to vector<8x6x4x384xf32>
    %swap3A_1307 = vector.shape_cast %get3A_1299 : vector<8x6x4x384xf32> to vector<1x8x6x4x384xf32>
    tpu.vector_store %arg48[%swap3A_1300, %swap3A_1301, %swap3A_1302, %swap3A_1303, %swap3A_1304], %swap3A_1307 {strides = array<i32>} : memref<2x8x6x4x384xf32, #tpu.memory_space<vmem>>, vector<1x8x6x4x384xf32>,
    %get3A_1308 = arith.constant 0 : index
    %get3A_1309 = arith.constant 0 : index
    %get3A_1310 = arith.constant 2 : index
    %get3A_1311 = arith.constant 0 : index
    %get3A_1312 = vector.load %arg49[%get3A_1308, %get3A_1309, %get3A_1310, %get3A_1311] : memref<8x6x6x384xf32, #tpu.memory_space<vmem>>, vector<8x6x4x384xf32>
    %swap3A_1313 = arith.constant 1 : index
    %swap3A_1314 = arith.constant 0 : index
    %swap3A_1315 = arith.constant 0 : index
    %swap3A_1316 = arith.constant 0 : index
    %swap3A_1317 = arith.constant 0 : index
    %swap3A_1318 = vector.load %arg48[%swap3A_1313, %swap3A_1314, %swap3A_1315, %swap3A_1316, %swap3A_1317] : memref<2x8x6x4x384xf32, #tpu.memory_space<vmem>>, vector<1x8x6x4x384xf32>
    %swap3A_1319 = vector.shape_cast %swap3A_1318 : vector<1x8x6x4x384xf32> to vector<8x6x4x384xf32>
    %swap3A_1320 = vector.shape_cast %get3A_1312 : vector<8x6x4x384xf32> to vector<1x8x6x4x384xf32>
    tpu.vector_store %arg48[%swap3A_1313, %swap3A_1314, %swap3A_1315, %swap3A_1316, %swap3A_1317], %swap3A_1320 {strides = array<i32>} : memref<2x8x6x4x384xf32, #tpu.memory_space<vmem>>, vector<1x8x6x4x384xf32>,
    %broadcast_in_dim3A_1321 = arith.constant 0.000000e+00 : f32
    %broadcast_in_dim3A_1322 = vector.broadcast %broadcast_in_dim3A_1321 : f32 to vector<128x384xf32>
    %get3A_1323 = arith.constant 0 : index
    %get3A_1324 = arith.constant 0 : index
    %get3A_1325 = arith.constant 0 : index
    %get3A_1326 = arith.constant 0 : index
    %get3A_1327 = vector.load %arg49[%get3A_1323, %get3A_1324, %get3A_1325, %get3A_1326] : memref<8x6x6x384xf32, #tpu.memory_space<vmem>>, vector<8x4x4x384xf32>
    %reshape3A_1328 = vector.shape_cast %get3A_1327 : vector<8x4x4x384xf32> to vector<128x384xf32>
    %get3A_1329 = arith.constant 0 : index
    %get3A_1330 = arith.constant 0 : index
    %get3A_1331 = arith.constant 0 : index
    %get3A_1332 = vector.load %arg24[%get3A_1329, %get3A_1330, %get3A_1331] : memref<9x384x384xf32, #tpu.memory_space<vmem>>, vector<1x384x384xf32>
    %get3A_1333 = vector.shape_cast %get3A_1332 : vector<1x384x384xf32> to vector<384x384xf32>
    %dot_general3A_1334 = arith.constant dense<0.000000e+00> : vector<128x384xf32>
    %dot_general3A_1335 = tpu.matmul %reshape3A_1328, %get3A_1333, %dot_general3A_1334 {dimension_numbers = #tpu.dot_dimension_numbers<[1], [1], [0], [0], [0, 0, 1, 0], [], []>, transpose_lhs_hint = false} : vector<128x384xf32>, vector<384x384xf32>, vector<128x384xf32> -> vector<128x384xf32>
    %add3A_1336 = arith.addf %broadcast_in_dim3A_1322, %dot_general3A_1335 : vector<128x384xf32>
    %get3A_1337 = arith.constant 0 : index
    %get3A_1338 = arith.constant 0 : index
    %get3A_1339 = arith.constant 0 : index
    %get3A_1340 = arith.constant 0 : index
    %get3A_1341 = arith.constant 0 : index
    %get3A_1342 = vector.load %arg48[%get3A_1337, %get3A_1338, %get3A_1339, %get3A_1340, %get3A_1341] : memref<2x8x6x4x384xf32, #tpu.memory_space<vmem>>, vector<1x8x4x4x384xf32>
    %get3A_1343 = vector.shape_cast %get3A_1342 : vector<1x8x4x4x384xf32> to vector<8x4x4x384xf32>
    %reshape3A_1344 = vector.shape_cast %get3A_1343 : vector<8x4x4x384xf32> to vector<128x384xf32>
    %get3A_1345 = arith.constant 1 : index
    %get3A_1346 = arith.constant 0 : index
    %get3A_1347 = arith.constant 0 : index
    %get3A_1348 = vector.load %arg24[%get3A_1345, %get3A_1346, %get3A_1347] : memref<9x384x384xf32, #tpu.memory_space<vmem>>, vector<1x384x384xf32>
    %get3A_1349 = vector.shape_cast %get3A_1348 : vector<1x384x384xf32> to vector<384x384xf32>
    %dot_general3A_1350 = arith.constant dense<0.000000e+00> : vector<128x384xf32>
    %dot_general3A_1351 = tpu.matmul %reshape3A_1344, %get3A_1349, %dot_general3A_1350 {dimension_numbers = #tpu.dot_dimension_numbers<[1], [1], [0], [0], [0, 0, 1, 0], [], []>, transpose_lhs_hint = false} : vector<128x384xf32>, vector<384x384xf32>, vector<128x384xf32> -> vector<128x384xf32>
    %add3A_1352 = arith.addf %add3A_1336, %dot_general3A_1351 : vector<128x384xf32>
    %get3A_1353 = arith.constant 1 : index
    %get3A_1354 = arith.constant 0 : index
    %get3A_1355 = arith.constant 0 : index
    %get3A_1356 = arith.constant 0 : index
    %get3A_1357 = arith.constant 0 : index
    %get3A_1358 = vector.load %arg48[%get3A_1353, %get3A_1354, %get3A_1355, %get3A_1356, %get3A_1357] : memref<2x8x6x4x384xf32, #tpu.memory_space<vmem>>, vector<1x8x4x4x384xf32>
    %get3A_1359 = vector.shape_cast %get3A_1358 : vector<1x8x4x4x384xf32> to vector<8x4x4x384xf32>
    %reshape3A_1360 = vector.shape_cast %get3A_1359 : vector<8x4x4x384xf32> to vector<128x384xf32>
    %get3A_1361 = arith.constant 2 : index
    %get3A_1362 = arith.constant 0 : index
    %get3A_1363 = arith.constant 0 : index
    %get3A_1364 = vector.load %arg24[%get3A_1361, %get3A_1362, %get3A_1363] : memref<9x384x384xf32, #tpu.memory_space<vmem>>, vector<1x384x384xf32>
    %get3A_1365 = vector.shape_cast %get3A_1364 : vector<1x384x384xf32> to vector<384x384xf32>
    %dot_general3A_1366 = arith.constant dense<0.000000e+00> : vector<128x384xf32>
    %dot_general3A_1367 = tpu.matmul %reshape3A_1360, %get3A_1365, %dot_general3A_1366 {dimension_numbers = #tpu.dot_dimension_numbers<[1], [1], [0], [0], [0, 0, 1, 0], [], []>, transpose_lhs_hint = false} : vector<128x384xf32>, vector<384x384xf32>, vector<128x384xf32> -> vector<128x384xf32>
    %add3A_1368 = arith.addf %add3A_1352, %dot_general3A_1367 : vector<128x384xf32>
    %get3A_1369 = arith.constant 0 : index
    %get3A_1370 = arith.constant 1 : index
    %get3A_1371 = arith.constant 0 : index
    %get3A_1372 = arith.constant 0 : index
    %get3A_1373 = vector.load %arg49[%get3A_1369, %get3A_1370, %get3A_1371, %get3A_1372] : memref<8x6x6x384xf32, #tpu.memory_space<vmem>>, vector<8x4x4x384xf32>
    %reshape3A_1374 = vector.shape_cast %get3A_1373 : vector<8x4x4x384xf32> to vector<128x384xf32>
    %get3A_1375 = arith.constant 3 : index
    %get3A_1376 = arith.constant 0 : index
    %get3A_1377 = arith.constant 0 : index
    %get3A_1378 = vector.load %arg24[%get3A_1375, %get3A_1376, %get3A_1377] : memref<9x384x384xf32, #tpu.memory_space<vmem>>, vector<1x384x384xf32>
    %get3A_1379 = vector.shape_cast %get3A_1378 : vector<1x384x384xf32> to vector<384x384xf32>
    %dot_general3A_1380 = arith.constant dense<0.000000e+00> : vector<128x384xf32>
    %dot_general3A_1381 = tpu.matmul %reshape3A_1374, %get3A_1379, %dot_general3A_1380 {dimension_numbers = #tpu.dot_dimension_numbers<[1], [1], [0], [0], [0, 0, 1, 0], [], []>, transpose_lhs_hint = false} : vector<128x384xf32>, vector<384x384xf32>, vector<128x384xf32> -> vector<128x384xf32>
    %add3A_1382 = arith.addf %add3A_1368, %dot_general3A_1381 : vector<128x384xf32>
    %get3A_1383 = arith.constant 0 : index
    %get3A_1384 = arith.constant 0 : index
    %get3A_1385 = arith.constant 1 : index
    %get3A_1386 = arith.constant 0 : index
    %get3A_1387 = arith.constant 0 : index
    %get3A_1388 = vector.load %arg48[%get3A_1383, %get3A_1384, %get3A_1385, %get3A_1386, %get3A_1387] : memref<2x8x6x4x384xf32, #tpu.memory_space<vmem>>, vector<1x8x4x4x384xf32>
    %get3A_1389 = vector.shape_cast %get3A_1388 : vector<1x8x4x4x384xf32> to vector<8x4x4x384xf32>
    %reshape3A_1390 = vector.shape_cast %get3A_1389 : vector<8x4x4x384xf32> to vector<128x384xf32>
    %get3A_1391 = arith.constant 4 : index
    %get3A_1392 = arith.constant 0 : index
    %get3A_1393 = arith.constant 0 : index
    %get3A_1394 = vector.load %arg24[%get3A_1391, %get3A_1392, %get3A_1393] : memref<9x384x384xf32, #tpu.memory_space<vmem>>, vector<1x384x384xf32>
    %get3A_1395 = vector.shape_cast %get3A_1394 : vector<1x384x384xf32> to vector<384x384xf32>
    %dot_general3A_1396 = arith.constant dense<0.000000e+00> : vector<128x384xf32>
    %dot_general3A_1397 = tpu.matmul %reshape3A_1390, %get3A_1395, %dot_general3A_1396 {dimension_numbers = #tpu.dot_dimension_numbers<[1], [1], [0], [0], [0, 0, 1, 0], [], []>, transpose_lhs_hint = false} : vector<128x384xf32>, vector<384x384xf32>, vector<128x384xf32> -> vector<128x384xf32>
    %add3A_1398 = arith.addf %add3A_1382, %dot_general3A_1397 : vector<128x384xf32>
    %get3A_1399 = arith.constant 1 : index
    %get3A_1400 = arith.constant 0 : index
    %get3A_1401 = arith.constant 1 : index
    %get3A_1402 = arith.constant 0 : index
    %get3A_1403 = arith.constant 0 : index
    %get3A_1404 = vector.load %arg48[%get3A_1399, %get3A_1400, %get3A_1401, %get3A_1402, %get3A_1403] : memref<2x8x6x4x384xf32, #tpu.memory_space<vmem>>, vector<1x8x4x4x384xf32>
    %get3A_1405 = vector.shape_cast %get3A_1404 : vector<1x8x4x4x384xf32> to vector<8x4x4x384xf32>
    %reshape3A_1406 = vector.shape_cast %get3A_1405 : vector<8x4x4x384xf32> to vector<128x384xf32>
    %get3A_1407 = arith.constant 5 : index
    %get3A_1408 = arith.constant 0 : index
    %get3A_1409 = arith.constant 0 : index
    %get3A_1410 = vector.load %arg24[%get3A_1407, %get3A_1408, %get3A_1409] : memref<9x384x384xf32, #tpu.memory_space<vmem>>, vector<1x384x384xf32>
    %get3A_1411 = vector.shape_cast %get3A_1410 : vector<1x384x384xf32> to vector<384x384xf32>
    %dot_general3A_1412 = arith.constant dense<0.000000e+00> : vector<128x384xf32>
    %dot_general3A_1413 = tpu.matmul %reshape3A_1406, %get3A_1411, %dot_general3A_1412 {dimension_numbers = #tpu.dot_dimension_numbers<[1], [1], [0], [0], [0, 0, 1, 0], [], []>, transpose_lhs_hint = false} : vector<128x384xf32>, vector<384x384xf32>, vector<128x384xf32> -> vector<128x384xf32>
    %add3A_1414 = arith.addf %add3A_1398, %dot_general3A_1413 : vector<128x384xf32>
    %get3A_1415 = arith.constant 0 : index
    %get3A_1416 = arith.constant 2 : index
    %get3A_1417 = arith.constant 0 : index
    %get3A_1418 = arith.constant 0 : index
    %get3A_1419 = vector.load %arg49[%get3A_1415, %get3A_1416, %get3A_1417, %get3A_1418] : memref<8x6x6x384xf32, #tpu.memory_space<vmem>>, vector<8x4x4x384xf32>
    %reshape3A_1420 = vector.shape_cast %get3A_1419 : vector<8x4x4x384xf32> to vector<128x384xf32>
    %get3A_1421 = arith.constant 6 : index
    %get3A_1422 = arith.constant 0 : index
    %get3A_1423 = arith.constant 0 : index
    %get3A_1424 = vector.load %arg24[%get3A_1421, %get3A_1422, %get3A_1423] : memref<9x384x384xf32, #tpu.memory_space<vmem>>, vector<1x384x384xf32>
    %get3A_1425 = vector.shape_cast %get3A_1424 : vector<1x384x384xf32> to vector<384x384xf32>
    %dot_general3A_1426 = arith.constant dense<0.000000e+00> : vector<128x384xf32>
    %dot_general3A_1427 = tpu.matmul %reshape3A_1420, %get3A_1425, %dot_general3A_1426 {dimension_numbers = #tpu.dot_dimension_numbers<[1], [1], [0], [0], [0, 0, 1, 0], [], []>, transpose_lhs_hint = false} : vector<128x384xf32>, vector<384x384xf32>, vector<128x384xf32> -> vector<128x384xf32>
    %add3A_1428 = arith.addf %add3A_1414, %dot_general3A_1427 : vector<128x384xf32>
    %get3A_1429 = arith.constant 0 : index
    %get3A_1430 = arith.constant 0 : index
    %get3A_1431 = arith.constant 2 : index
    %get3A_1432 = arith.constant 0 : index
    %get3A_1433 = arith.constant 0 : index
    %get3A_1434 = vector.load %arg48[%get3A_1429, %get3A_1430, %get3A_1431, %get3A_1432, %get3A_1433] : memref<2x8x6x4x384xf32, #tpu.memory_space<vmem>>, vector<1x8x4x4x384xf32>
    %get3A_1435 = vector.shape_cast %get3A_1434 : vector<1x8x4x4x384xf32> to vector<8x4x4x384xf32>
    %reshape3A_1436 = vector.shape_cast %get3A_1435 : vector<8x4x4x384xf32> to vector<128x384xf32>
    %get3A_1437 = arith.constant 7 : index
    %get3A_1438 = arith.constant 0 : index
    %get3A_1439 = arith.constant 0 : index
    %get3A_1440 = vector.load %arg24[%get3A_1437, %get3A_1438, %get3A_1439] : memref<9x384x384xf32, #tpu.memory_space<vmem>>, vector<1x384x384xf32>
    %get3A_1441 = vector.shape_cast %get3A_1440 : vector<1x384x384xf32> to vector<384x384xf32>
    %dot_general3A_1442 = arith.constant dense<0.000000e+00> : vector<128x384xf32>
    %dot_general3A_1443 = tpu.matmul %reshape3A_1436, %get3A_1441, %dot_general3A_1442 {dimension_numbers = #tpu.dot_dimension_numbers<[1], [1], [0], [0], [0, 0, 1, 0], [], []>, transpose_lhs_hint = false} : vector<128x384xf32>, vector<384x384xf32>, vector<128x384xf32> -> vector<128x384xf32>
    %add3A_1444 = arith.addf %add3A_1428, %dot_general3A_1443 : vector<128x384xf32>
    %get3A_1445 = arith.constant 1 : index
    %get3A_1446 = arith.constant 0 : index
    %get3A_1447 = arith.constant 2 : index
    %get3A_1448 = arith.constant 0 : index
    %get3A_1449 = arith.constant 0 : index
    %get3A_1450 = vector.load %arg48[%get3A_1445, %get3A_1446, %get3A_1447, %get3A_1448, %get3A_1449] : memref<2x8x6x4x384xf32, #tpu.memory_space<vmem>>, vector<1x8x4x4x384xf32>
    %get3A_1451 = vector.shape_cast %get3A_1450 : vector<1x8x4x4x384xf32> to vector<8x4x4x384xf32>
    %reshape3A_1452 = vector.shape_cast %get3A_1451 : vector<8x4x4x384xf32> to vector<128x384xf32>
    %get3A_1453 = arith.constant 8 : index
    %get3A_1454 = arith.constant 0 : index
    %get3A_1455 = arith.constant 0 : index
    %get3A_1456 = vector.load %arg24[%get3A_1453, %get3A_1454, %get3A_1455] : memref<9x384x384xf32, #tpu.memory_space<vmem>>, vector<1x384x384xf32>
    %get3A_1457 = vector.shape_cast %get3A_1456 : vector<1x384x384xf32> to vector<384x384xf32>
    %dot_general3A_1458 = arith.constant dense<0.000000e+00> : vector<128x384xf32>
    %dot_general3A_1459 = tpu.matmul %reshape3A_1452, %get3A_1457, %dot_general3A_1458 {dimension_numbers = #tpu.dot_dimension_numbers<[1], [1], [0], [0], [0, 0, 1, 0], [], []>, transpose_lhs_hint = false} : vector<128x384xf32>, vector<384x384xf32>, vector<128x384xf32> -> vector<128x384xf32>
    %add3A_1460 = arith.addf %add3A_1444, %dot_general3A_1459 : vector<128x384xf32>
    %get3A_1461 = arith.constant 0 : index
    %get3A_1462 = arith.constant 0 : index
    %get3A_1463 = vector.load %arg25[%get3A_1461, %get3A_1462] : memref<1x384xf32, #tpu.memory_space<vmem>>, vector<1x384xf32>
    %add3A_1464 = vector.broadcast %get3A_1463 : vector<1x384xf32> to vector<128x384xf32>
    %add3A_1465 = arith.addf %add3A_1460, %add3A_1464 : vector<128x384xf32>
    %reshape3A_1466 = vector.shape_cast %add3A_1465 : vector<128x384xf32> to vector<8x16x384xf32>
    %reduce_sum3A_1467 = arith.constant dense<0.000000e+00> : vector<8x384xf32>
    %reduce_sum3A_1468 = vector.multi_reduction <add>, %reshape3A_1466, %reduce_sum3A_1467 [1] : vector<8x16x384xf32> to vector<8x384xf32>
    %div3A_1469 = arith.constant 1.600000e+01 : f32
    %div3A_1470 = vector.broadcast %div3A_1469 : f32 to vector<8x384xf32>
    %div3A_1471 = arith.divf %reduce_sum3A_1468, %div3A_1470 : vector<8x384xf32>
    %get3A_1472 = arith.constant 0 : index
    %get3A_1473 = arith.constant 0 : index
    %get3A_1474 = vector.load %arg26[%get3A_1472, %get3A_1473] : memref<24x384xf32, #tpu.memory_space<vmem>>, vector<24x384xf32>
    %dot_general3A_1475 = arith.constant dense<0.000000e+00> : vector<8x24xf32>
    %dot_general3A_1476 = tpu.matmul %div3A_1471, %get3A_1474, %dot_general3A_1475 {dimension_numbers = #tpu.dot_dimension_numbers<[1], [1], [0], [0], [0, 0, 1, 0], [], []>, transpose_lhs_hint = false} : vector<8x384xf32>, vector<24x384xf32>, vector<8x24xf32> -> vector<8x24xf32>
    %max3A_1477 = arith.constant 0.000000e+00 : f32
    %max3A_1478 = vector.broadcast %max3A_1477 : f32 to vector<8x24xf32>
    %max3A_1479 = arith.maximumf %dot_general3A_1476, %max3A_1478 : vector<8x24xf32>
    %get3A_1480 = arith.constant 0 : index
    %get3A_1481 = arith.constant 0 : index
    %get3A_1482 = vector.load %arg27[%get3A_1480, %get3A_1481] : memref<384x24xf32, #tpu.memory_space<vmem>>, vector<384x24xf32>
    %dot_general3A_1483 = arith.constant dense<0.000000e+00> : vector<8x384xf32>
    %dot_general3A_1484 = tpu.matmul %max3A_1479, %get3A_1482, %dot_general3A_1483 {dimension_numbers = #tpu.dot_dimension_numbers<[1], [1], [0], [0], [0, 0, 1, 0], [], []>, transpose_lhs_hint = false} : vector<8x24xf32>, vector<384x24xf32>, vector<8x384xf32> -> vector<8x384xf32>
    %logistic3A_1485 = arith.negf %dot_general3A_1484 : vector<8x384xf32>
    %logistic3A_1486 = math.exp %logistic3A_1485 : vector<8x384xf32>
    %logistic3A_1487 = arith.constant 1.000000e+00 : f32
    %logistic3A_1488 = vector.broadcast %logistic3A_1487 : f32 to vector<8x384xf32>
    %logistic3A_1489 = arith.addf %logistic3A_1488, %logistic3A_1486 : vector<8x384xf32>
    %logistic3A_1490 = arith.divf %logistic3A_1488, %logistic3A_1489 : vector<8x384xf32>
    %reshape3A_1491 = vector.shape_cast %add3A_1465 : vector<128x384xf32> to vector<8x16x384xf32>
    %broadcast_in_dim3A_1492 = vector.shape_cast %logistic3A_1490 : vector<8x384xf32> to vector<8x1x384xf32>
    %mul3A_1493 = vector.broadcast %broadcast_in_dim3A_1492 : vector<8x1x384xf32> to vector<8x16x384xf32>
    %mul3A_1494 = arith.mulf %reshape3A_1491, %mul3A_1493 : vector<8x16x384xf32>
    %slice3A_1495 = vector.extract_strided_slice %squeeze3A_1183 {offsets = [0, 0, 0, 0], sizes = [8, 4, 4, 256], strides = [1, 1, 1, 1]} : vector<8x5x5x256xf32> to vector<8x4x4x256xf32>
    %reshape3A_1496 = vector.shape_cast %slice3A_1495 : vector<8x4x4x256xf32> to vector<128x256xf32>
    %get3A_1497 = arith.constant 0 : index
    %get3A_1498 = arith.constant 0 : index
    %get3A_1499 = vector.load %arg28[%get3A_1497, %get3A_1498] : memref<384x256xf32, #tpu.memory_space<vmem>>, vector<384x256xf32>
    %dot_general3A_1500 = arith.constant dense<0.000000e+00> : vector<128x384xf32>
    %dot_general3A_1501 = tpu.matmul %reshape3A_1496, %get3A_1499, %dot_general3A_1500 {dimension_numbers = #tpu.dot_dimension_numbers<[1], [1], [0], [0], [0, 0, 1, 0], [], []>, transpose_lhs_hint = false} : vector<128x256xf32>, vector<384x256xf32>, vector<128x384xf32> -> vector<128x384xf32>
    %get3A_1502 = arith.constant 0 : index
    %get3A_1503 = arith.constant 0 : index
    %get3A_1504 = vector.load %arg29[%get3A_1502, %get3A_1503] : memref<1x384xf32, #tpu.memory_space<vmem>>, vector<1x384xf32>
    %add3A_1505 = vector.broadcast %get3A_1504 : vector<1x384xf32> to vector<128x384xf32>
    %add3A_1506 = arith.addf %dot_general3A_1501, %add3A_1505 : vector<128x384xf32>
    %reshape3A_1507 = vector.shape_cast %add3A_1506 : vector<128x384xf32> to vector<8x16x384xf32>
    %add3A_1508 = arith.addf %mul3A_1494, %reshape3A_1507 : vector<8x16x384xf32>
    %max3A_1509 = arith.constant 0.000000e+00 : f32
    %max3A_1510 = vector.broadcast %max3A_1509 : f32 to vector<8x16x384xf32>
    %max3A_1511 = arith.maximumf %add3A_1508, %max3A_1510 : vector<8x16x384xf32>
    %reshape3A_1512 = vector.shape_cast %max3A_1511 : vector<8x16x384xf32> to vector<8x4x4x384xf32>
    %broadcast_in_dim3A_1513 = arith.constant 0.000000e+00 : f32
    %broadcast_in_dim3A_1514 = vector.broadcast %broadcast_in_dim3A_1513 : f32 to vector<8x6x6x384xf32>
    %swap3A_1515 = arith.constant 0 : index
    %swap3A_1516 = arith.constant 0 : index
    %swap3A_1517 = arith.constant 0 : index
    %swap3A_1518 = arith.constant 0 : index
    %swap3A_1519 = vector.load %arg46[%swap3A_1515, %swap3A_1516, %swap3A_1517, %swap3A_1518] : memref<8x6x6x384xf32, #tpu.memory_space<vmem>>, vector<8x6x6x384xf32>
    tpu.vector_store %arg46[%swap3A_1515, %swap3A_1516, %swap3A_1517, %swap3A_1518], %broadcast_in_dim3A_1514 {strides = array<i32>} : memref<8x6x6x384xf32, #tpu.memory_space<vmem>>, vector<8x6x6x384xf32>,
    %swap3A_1520 = arith.constant 0 : index
    %swap3A_1521 = arith.constant 1 : index
    %swap3A_1522 = arith.constant 1 : index
    %swap3A_1523 = arith.constant 0 : index
    %swap3A_1524 = vector.load %arg46[%swap3A_1520, %swap3A_1521, %swap3A_1522, %swap3A_1523] : memref<8x6x6x384xf32, #tpu.memory_space<vmem>>, vector<8x4x4x384xf32>
    tpu.vector_store %arg46[%swap3A_1520, %swap3A_1521, %swap3A_1522, %swap3A_1523], %reshape3A_1512 {strides = array<i32>} : memref<8x6x6x384xf32, #tpu.memory_space<vmem>>, vector<8x4x4x384xf32>,
    %broadcast_in_dim3A_1525 = arith.constant 0.000000e+00 : f32
    %broadcast_in_dim3A_1526 = vector.broadcast %broadcast_in_dim3A_1525 : f32 to vector<128x384xf32>
    %get3A_1527 = arith.constant 0 : index
    %get3A_1528 = arith.constant 0 : index
    %get3A_1529 = arith.constant 1 : index
    %get3A_1530 = arith.constant 0 : index
    %get3A_1531 = vector.load %arg46[%get3A_1527, %get3A_1528, %get3A_1529, %get3A_1530] : memref<8x6x6x384xf32, #tpu.memory_space<vmem>>, vector<8x6x4x384xf32>
    %swap3A_1532 = arith.constant 0 : index
    %swap3A_1533 = arith.constant 0 : index
    %swap3A_1534 = arith.constant 0 : index
    %swap3A_1535 = arith.constant 0 : index
    %swap3A_1536 = arith.constant 0 : index
    %swap3A_1537 = vector.load %arg47[%swap3A_1532, %swap3A_1533, %swap3A_1534, %swap3A_1535, %swap3A_1536] : memref<2x8x6x4x384xf32, #tpu.memory_space<vmem>>, vector<1x8x6x4x384xf32>
    %swap3A_1538 = vector.shape_cast %swap3A_1537 : vector<1x8x6x4x384xf32> to vector<8x6x4x384xf32>
    %swap3A_1539 = vector.shape_cast %get3A_1531 : vector<8x6x4x384xf32> to vector<1x8x6x4x384xf32>
    tpu.vector_store %arg47[%swap3A_1532, %swap3A_1533, %swap3A_1534, %swap3A_1535, %swap3A_1536], %swap3A_1539 {strides = array<i32>} : memref<2x8x6x4x384xf32, #tpu.memory_space<vmem>>, vector<1x8x6x4x384xf32>,
    %get3A_1540 = arith.constant 0 : index
    %get3A_1541 = arith.constant 0 : index
    %get3A_1542 = arith.constant 2 : index
    %get3A_1543 = arith.constant 0 : index
    %get3A_1544 = vector.load %arg46[%get3A_1540, %get3A_1541, %get3A_1542, %get3A_1543] : memref<8x6x6x384xf32, #tpu.memory_space<vmem>>, vector<8x6x4x384xf32>
    %swap3A_1545 = arith.constant 1 : index
    %swap3A_1546 = arith.constant 0 : index
    %swap3A_1547 = arith.constant 0 : index
    %swap3A_1548 = arith.constant 0 : index
    %swap3A_1549 = arith.constant 0 : index
    %swap3A_1550 = vector.load %arg47[%swap3A_1545, %swap3A_1546, %swap3A_1547, %swap3A_1548, %swap3A_1549] : memref<2x8x6x4x384xf32, #tpu.memory_space<vmem>>, vector<1x8x6x4x384xf32>
    %swap3A_1551 = vector.shape_cast %swap3A_1550 : vector<1x8x6x4x384xf32> to vector<8x6x4x384xf32>
    %swap3A_1552 = vector.shape_cast %get3A_1544 : vector<8x6x4x384xf32> to vector<1x8x6x4x384xf32>
    tpu.vector_store %arg47[%swap3A_1545, %swap3A_1546, %swap3A_1547, %swap3A_1548, %swap3A_1549], %swap3A_1552 {strides = array<i32>} : memref<2x8x6x4x384xf32, #tpu.memory_space<vmem>>, vector<1x8x6x4x384xf32>,
    %get3A_1553 = arith.constant 0 : index
    %get3A_1554 = arith.constant 0 : index
    %get3A_1555 = arith.constant 0 : index
    %get3A_1556 = arith.constant 0 : index
    %get3A_1557 = vector.load %arg46[%get3A_1553, %get3A_1554, %get3A_1555, %get3A_1556] : memref<8x6x6x384xf32, #tpu.memory_space<vmem>>, vector<8x4x4x384xf32>
    %reshape3A_1558 = vector.shape_cast %get3A_1557 : vector<8x4x4x384xf32> to vector<128x384xf32>
    %get3A_1559 = arith.constant 0 : index
    %get3A_1560 = arith.constant 0 : index
    %get3A_1561 = arith.constant 0 : index
    %get3A_1562 = vector.load %arg30[%get3A_1559, %get3A_1560, %get3A_1561] : memref<9x384x384xf32, #tpu.memory_space<vmem>>, vector<1x384x384xf32>
    %get3A_1563 = vector.shape_cast %get3A_1562 : vector<1x384x384xf32> to vector<384x384xf32>
    %dot_general3A_1564 = arith.constant dense<0.000000e+00> : vector<128x384xf32>
    %dot_general3A_1565 = tpu.matmul %reshape3A_1558, %get3A_1563, %dot_general3A_1564 {dimension_numbers = #tpu.dot_dimension_numbers<[1], [1], [0], [0], [0, 0, 1, 0], [], []>, transpose_lhs_hint = false} : vector<128x384xf32>, vector<384x384xf32>, vector<128x384xf32> -> vector<128x384xf32>
    %add3A_1566 = arith.addf %broadcast_in_dim3A_1526, %dot_general3A_1565 : vector<128x384xf32>
    %get3A_1567 = arith.constant 0 : index
    %get3A_1568 = arith.constant 0 : index
    %get3A_1569 = arith.constant 0 : index
    %get3A_1570 = arith.constant 0 : index
    %get3A_1571 = arith.constant 0 : index
    %get3A_1572 = vector.load %arg47[%get3A_1567, %get3A_1568, %get3A_1569, %get3A_1570, %get3A_1571] : memref<2x8x6x4x384xf32, #tpu.memory_space<vmem>>, vector<1x8x4x4x384xf32>
    %get3A_1573 = vector.shape_cast %get3A_1572 : vector<1x8x4x4x384xf32> to vector<8x4x4x384xf32>
    %reshape3A_1574 = vector.shape_cast %get3A_1573 : vector<8x4x4x384xf32> to vector<128x384xf32>
    %get3A_1575 = arith.constant 1 : index
    %get3A_1576 = arith.constant 0 : index
    %get3A_1577 = arith.constant 0 : index
    %get3A_1578 = vector.load %arg30[%get3A_1575, %get3A_1576, %get3A_1577] : memref<9x384x384xf32, #tpu.memory_space<vmem>>, vector<1x384x384xf32>
    %get3A_1579 = vector.shape_cast %get3A_1578 : vector<1x384x384xf32> to vector<384x384xf32>
    %dot_general3A_1580 = arith.constant dense<0.000000e+00> : vector<128x384xf32>
    %dot_general3A_1581 = tpu.matmul %reshape3A_1574, %get3A_1579, %dot_general3A_1580 {dimension_numbers = #tpu.dot_dimension_numbers<[1], [1], [0], [0], [0, 0, 1, 0], [], []>, transpose_lhs_hint = false} : vector<128x384xf32>, vector<384x384xf32>, vector<128x384xf32> -> vector<128x384xf32>
    %add3A_1582 = arith.addf %add3A_1566, %dot_general3A_1581 : vector<128x384xf32>
    %get3A_1583 = arith.constant 1 : index
    %get3A_1584 = arith.constant 0 : index
    %get3A_1585 = arith.constant 0 : index
    %get3A_1586 = arith.constant 0 : index
    %get3A_1587 = arith.constant 0 : index
    %get3A_1588 = vector.load %arg47[%get3A_1583, %get3A_1584, %get3A_1585, %get3A_1586, %get3A_1587] : memref<2x8x6x4x384xf32, #tpu.memory_space<vmem>>, vector<1x8x4x4x384xf32>
    %get3A_1589 = vector.shape_cast %get3A_1588 : vector<1x8x4x4x384xf32> to vector<8x4x4x384xf32>
    %reshape3A_1590 = vector.shape_cast %get3A_1589 : vector<8x4x4x384xf32> to vector<128x384xf32>
    %get3A_1591 = arith.constant 2 : index
    %get3A_1592 = arith.constant 0 : index
    %get3A_1593 = arith.constant 0 : index
    %get3A_1594 = vector.load %arg30[%get3A_1591, %get3A_1592, %get3A_1593] : memref<9x384x384xf32, #tpu.memory_space<vmem>>, vector<1x384x384xf32>
    %get3A_1595 = vector.shape_cast %get3A_1594 : vector<1x384x384xf32> to vector<384x384xf32>
    %dot_general3A_1596 = arith.constant dense<0.000000e+00> : vector<128x384xf32>
    %dot_general3A_1597 = tpu.matmul %reshape3A_1590, %get3A_1595, %dot_general3A_1596 {dimension_numbers = #tpu.dot_dimension_numbers<[1], [1], [0], [0], [0, 0, 1, 0], [], []>, transpose_lhs_hint = false} : vector<128x384xf32>, vector<384x384xf32>, vector<128x384xf32> -> vector<128x384xf32>
    %add3A_1598 = arith.addf %add3A_1582, %dot_general3A_1597 : vector<128x384xf32>
    %get3A_1599 = arith.constant 0 : index
    %get3A_1600 = arith.constant 1 : index
    %get3A_1601 = arith.constant 0 : index
    %get3A_1602 = arith.constant 0 : index
    %get3A_1603 = vector.load %arg46[%get3A_1599, %get3A_1600, %get3A_1601, %get3A_1602] : memref<8x6x6x384xf32, #tpu.memory_space<vmem>>, vector<8x4x4x384xf32>
    %reshape3A_1604 = vector.shape_cast %get3A_1603 : vector<8x4x4x384xf32> to vector<128x384xf32>
    %get3A_1605 = arith.constant 3 : index
    %get3A_1606 = arith.constant 0 : index
    %get3A_1607 = arith.constant 0 : index
    %get3A_1608 = vector.load %arg30[%get3A_1605, %get3A_1606, %get3A_1607] : memref<9x384x384xf32, #tpu.memory_space<vmem>>, vector<1x384x384xf32>
    %get3A_1609 = vector.shape_cast %get3A_1608 : vector<1x384x384xf32> to vector<384x384xf32>
    %dot_general3A_1610 = arith.constant dense<0.000000e+00> : vector<128x384xf32>
    %dot_general3A_1611 = tpu.matmul %reshape3A_1604, %get3A_1609, %dot_general3A_1610 {dimension_numbers = #tpu.dot_dimension_numbers<[1], [1], [0], [0], [0, 0, 1, 0], [], []>, transpose_lhs_hint = false} : vector<128x384xf32>, vector<384x384xf32>, vector<128x384xf32> -> vector<128x384xf32>
    %add3A_1612 = arith.addf %add3A_1598, %dot_general3A_1611 : vector<128x384xf32>
    %get3A_1613 = arith.constant 0 : index
    %get3A_1614 = arith.constant 0 : index
    %get3A_1615 = arith.constant 1 : index
    %get3A_1616 = arith.constant 0 : index
    %get3A_1617 = arith.constant 0 : index
    %get3A_1618 = vector.load %arg47[%get3A_1613, %get3A_1614, %get3A_1615, %get3A_1616, %get3A_1617] : memref<2x8x6x4x384xf32, #tpu.memory_space<vmem>>, vector<1x8x4x4x384xf32>
    %get3A_1619 = vector.shape_cast %get3A_1618 : vector<1x8x4x4x384xf32> to vector<8x4x4x384xf32>
    %reshape3A_1620 = vector.shape_cast %get3A_1619 : vector<8x4x4x384xf32> to vector<128x384xf32>
    %get3A_1621 = arith.constant 4 : index
    %get3A_1622 = arith.constant 0 : index
    %get3A_1623 = arith.constant 0 : index
    %get3A_1624 = vector.load %arg30[%get3A_1621, %get3A_1622, %get3A_1623] : memref<9x384x384xf32, #tpu.memory_space<vmem>>, vector<1x384x384xf32>
    %get3A_1625 = vector.shape_cast %get3A_1624 : vector<1x384x384xf32> to vector<384x384xf32>
    %dot_general3A_1626 = arith.constant dense<0.000000e+00> : vector<128x384xf32>
    %dot_general3A_1627 = tpu.matmul %reshape3A_1620, %get3A_1625, %dot_general3A_1626 {dimension_numbers = #tpu.dot_dimension_numbers<[1], [1], [0], [0], [0, 0, 1, 0], [], []>, transpose_lhs_hint = false} : vector<128x384xf32>, vector<384x384xf32>, vector<128x384xf32> -> vector<128x384xf32>
    %add3A_1628 = arith.addf %add3A_1612, %dot_general3A_1627 : vector<128x384xf32>
    %get3A_1629 = arith.constant 1 : index
    %get3A_1630 = arith.constant 0 : index
    %get3A_1631 = arith.constant 1 : index
    %get3A_1632 = arith.constant 0 : index
    %get3A_1633 = arith.constant 0 : index
    %get3A_1634 = vector.load %arg47[%get3A_1629, %get3A_1630, %get3A_1631, %get3A_1632, %get3A_1633] : memref<2x8x6x4x384xf32, #tpu.memory_space<vmem>>, vector<1x8x4x4x384xf32>
    %get3A_1635 = vector.shape_cast %get3A_1634 : vector<1x8x4x4x384xf32> to vector<8x4x4x384xf32>
    %reshape3A_1636 = vector.shape_cast %get3A_1635 : vector<8x4x4x384xf32> to vector<128x384xf32>
    %get3A_1637 = arith.constant 5 : index
    %get3A_1638 = arith.constant 0 : index
    %get3A_1639 = arith.constant 0 : index
    %get3A_1640 = vector.load %arg30[%get3A_1637, %get3A_1638, %get3A_1639] : memref<9x384x384xf32, #tpu.memory_space<vmem>>, vector<1x384x384xf32>
    %get3A_1641 = vector.shape_cast %get3A_1640 : vector<1x384x384xf32> to vector<384x384xf32>
    %dot_general3A_1642 = arith.constant dense<0.000000e+00> : vector<128x384xf32>
    %dot_general3A_1643 = tpu.matmul %reshape3A_1636, %get3A_1641, %dot_general3A_1642 {dimension_numbers = #tpu.dot_dimension_numbers<[1], [1], [0], [0], [0, 0, 1, 0], [], []>, transpose_lhs_hint = false} : vector<128x384xf32>, vector<384x384xf32>, vector<128x384xf32> -> vector<128x384xf32>
    %add3A_1644 = arith.addf %add3A_1628, %dot_general3A_1643 : vector<128x384xf32>
    %get3A_1645 = arith.constant 0 : index
    %get3A_1646 = arith.constant 2 : index
    %get3A_1647 = arith.constant 0 : index
    %get3A_1648 = arith.constant 0 : index
    %get3A_1649 = vector.load %arg46[%get3A_1645, %get3A_1646, %get3A_1647, %get3A_1648] : memref<8x6x6x384xf32, #tpu.memory_space<vmem>>, vector<8x4x4x384xf32>
    %reshape3A_1650 = vector.shape_cast %get3A_1649 : vector<8x4x4x384xf32> to vector<128x384xf32>
    %get3A_1651 = arith.constant 6 : index
    %get3A_1652 = arith.constant 0 : index
    %get3A_1653 = arith.constant 0 : index
    %get3A_1654 = vector.load %arg30[%get3A_1651, %get3A_1652, %get3A_1653] : memref<9x384x384xf32, #tpu.memory_space<vmem>>, vector<1x384x384xf32>
    %get3A_1655 = vector.shape_cast %get3A_1654 : vector<1x384x384xf32> to vector<384x384xf32>
    %dot_general3A_1656 = arith.constant dense<0.000000e+00> : vector<128x384xf32>
    %dot_general3A_1657 = tpu.matmul %reshape3A_1650, %get3A_1655, %dot_general3A_1656 {dimension_numbers = #tpu.dot_dimension_numbers<[1], [1], [0], [0], [0, 0, 1, 0], [], []>, transpose_lhs_hint = false} : vector<128x384xf32>, vector<384x384xf32>, vector<128x384xf32> -> vector<128x384xf32>
    %add3A_1658 = arith.addf %add3A_1644, %dot_general3A_1657 : vector<128x384xf32>
    %get3A_1659 = arith.constant 0 : index
    %get3A_1660 = arith.constant 0 : index
    %get3A_1661 = arith.constant 2 : index
    %get3A_1662 = arith.constant 0 : index
    %get3A_1663 = arith.constant 0 : index
    %get3A_1664 = vector.load %arg47[%get3A_1659, %get3A_1660, %get3A_1661, %get3A_1662, %get3A_1663] : memref<2x8x6x4x384xf32, #tpu.memory_space<vmem>>, vector<1x8x4x4x384xf32>
    %get3A_1665 = vector.shape_cast %get3A_1664 : vector<1x8x4x4x384xf32> to vector<8x4x4x384xf32>
    %reshape3A_1666 = vector.shape_cast %get3A_1665 : vector<8x4x4x384xf32> to vector<128x384xf32>
    %get3A_1667 = arith.constant 7 : index
    %get3A_1668 = arith.constant 0 : index
    %get3A_1669 = arith.constant 0 : index
    %get3A_1670 = vector.load %arg30[%get3A_1667, %get3A_1668, %get3A_1669] : memref<9x384x384xf32, #tpu.memory_space<vmem>>, vector<1x384x384xf32>
    %get3A_1671 = vector.shape_cast %get3A_1670 : vector<1x384x384xf32> to vector<384x384xf32>
    %dot_general3A_1672 = arith.constant dense<0.000000e+00> : vector<128x384xf32>
    %dot_general3A_1673 = tpu.matmul %reshape3A_1666, %get3A_1671, %dot_general3A_1672 {dimension_numbers = #tpu.dot_dimension_numbers<[1], [1], [0], [0], [0, 0, 1, 0], [], []>, transpose_lhs_hint = false} : vector<128x384xf32>, vector<384x384xf32>, vector<128x384xf32> -> vector<128x384xf32>
    %add3A_1674 = arith.addf %add3A_1658, %dot_general3A_1673 : vector<128x384xf32>
    %get3A_1675 = arith.constant 1 : index
    %get3A_1676 = arith.constant 0 : index
    %get3A_1677 = arith.constant 2 : index
    %get3A_1678 = arith.constant 0 : index
    %get3A_1679 = arith.constant 0 : index
    %get3A_1680 = vector.load %arg47[%get3A_1675, %get3A_1676, %get3A_1677, %get3A_1678, %get3A_1679] : memref<2x8x6x4x384xf32, #tpu.memory_space<vmem>>, vector<1x8x4x4x384xf32>
    %get3A_1681 = vector.shape_cast %get3A_1680 : vector<1x8x4x4x384xf32> to vector<8x4x4x384xf32>
    %reshape3A_1682 = vector.shape_cast %get3A_1681 : vector<8x4x4x384xf32> to vector<128x384xf32>
    %get3A_1683 = arith.constant 8 : index
    %get3A_1684 = arith.constant 0 : index
    %get3A_1685 = arith.constant 0 : index
    %get3A_1686 = vector.load %arg30[%get3A_1683, %get3A_1684, %get3A_1685] : memref<9x384x384xf32, #tpu.memory_space<vmem>>, vector<1x384x384xf32>
    %get3A_1687 = vector.shape_cast %get3A_1686 : vector<1x384x384xf32> to vector<384x384xf32>
    %dot_general3A_1688 = arith.constant dense<0.000000e+00> : vector<128x384xf32>
    %dot_general3A_1689 = tpu.matmul %reshape3A_1682, %get3A_1687, %dot_general3A_1688 {dimension_numbers = #tpu.dot_dimension_numbers<[1], [1], [0], [0], [0, 0, 1, 0], [], []>, transpose_lhs_hint = false} : vector<128x384xf32>, vector<384x384xf32>, vector<128x384xf32> -> vector<128x384xf32>
    %add3A_1690 = arith.addf %add3A_1674, %dot_general3A_1689 : vector<128x384xf32>
    %get3A_1691 = arith.constant 0 : index
    %get3A_1692 = arith.constant 0 : index
    %get3A_1693 = vector.load %arg31[%get3A_1691, %get3A_1692] : memref<1x384xf32, #tpu.memory_space<vmem>>, vector<1x384xf32>
    %add3A_1694 = vector.broadcast %get3A_1693 : vector<1x384xf32> to vector<128x384xf32>
    %add3A_1695 = arith.addf %add3A_1690, %add3A_1694 : vector<128x384xf32>
    %max3A_1696 = arith.constant 0.000000e+00 : f32
    %max3A_1697 = vector.broadcast %max3A_1696 : f32 to vector<128x384xf32>
    %max3A_1698 = arith.maximumf %add3A_1695, %max3A_1697 : vector<128x384xf32>
    %broadcast_in_dim3A_1699 = arith.constant 0.000000e+00 : f32
    %broadcast_in_dim3A_1700 = vector.broadcast %broadcast_in_dim3A_1699 : f32 to vector<8x6x6x384xf32>
    %swap3A_1701 = arith.constant 0 : index
    %swap3A_1702 = arith.constant 0 : index
    %swap3A_1703 = arith.constant 0 : index
    %swap3A_1704 = arith.constant 0 : index
    %swap3A_1705 = vector.load %arg49[%swap3A_1701, %swap3A_1702, %swap3A_1703, %swap3A_1704] : memref<8x6x6x384xf32, #tpu.memory_space<vmem>>, vector<8x6x6x384xf32>
    tpu.vector_store %arg49[%swap3A_1701, %swap3A_1702, %swap3A_1703, %swap3A_1704], %broadcast_in_dim3A_1700 {strides = array<i32>} : memref<8x6x6x384xf32, #tpu.memory_space<vmem>>, vector<8x6x6x384xf32>,
    %reshape3A_1706 = vector.shape_cast %max3A_1698 : vector<128x384xf32> to vector<8x4x4x384xf32>
    %swap3A_1707 = arith.constant 0 : index
    %swap3A_1708 = arith.constant 1 : index
    %swap3A_1709 = arith.constant 1 : index
    %swap3A_1710 = arith.constant 0 : index
    %swap3A_1711 = vector.load %arg49[%swap3A_1707, %swap3A_1708, %swap3A_1709, %swap3A_1710] : memref<8x6x6x384xf32, #tpu.memory_space<vmem>>, vector<8x4x4x384xf32>
    tpu.vector_store %arg49[%swap3A_1707, %swap3A_1708, %swap3A_1709, %swap3A_1710], %reshape3A_1706 {strides = array<i32>} : memref<8x6x6x384xf32, #tpu.memory_space<vmem>>, vector<8x4x4x384xf32>,
    %get3A_1712 = arith.constant 0 : index
    %get3A_1713 = arith.constant 0 : index
    %get3A_1714 = arith.constant 1 : index
    %get3A_1715 = arith.constant 0 : index
    %get3A_1716 = vector.load %arg49[%get3A_1712, %get3A_1713, %get3A_1714, %get3A_1715] : memref<8x6x6x384xf32, #tpu.memory_space<vmem>>, vector<8x6x4x384xf32>
    %swap3A_1717 = arith.constant 0 : index
    %swap3A_1718 = arith.constant 0 : index
    %swap3A_1719 = arith.constant 0 : index
    %swap3A_1720 = arith.constant 0 : index
    %swap3A_1721 = arith.constant 0 : index
    %swap3A_1722 = vector.load %arg48[%swap3A_1717, %swap3A_1718, %swap3A_1719, %swap3A_1720, %swap3A_1721] : memref<2x8x6x4x384xf32, #tpu.memory_space<vmem>>, vector<1x8x6x4x384xf32>
    %swap3A_1723 = vector.shape_cast %swap3A_1722 : vector<1x8x6x4x384xf32> to vector<8x6x4x384xf32>
    %swap3A_1724 = vector.shape_cast %get3A_1716 : vector<8x6x4x384xf32> to vector<1x8x6x4x384xf32>
    tpu.vector_store %arg48[%swap3A_1717, %swap3A_1718, %swap3A_1719, %swap3A_1720, %swap3A_1721], %swap3A_1724 {strides = array<i32>} : memref<2x8x6x4x384xf32, #tpu.memory_space<vmem>>, vector<1x8x6x4x384xf32>,
    %get3A_1725 = arith.constant 0 : index
    %get3A_1726 = arith.constant 0 : index
    %get3A_1727 = arith.constant 2 : index
    %get3A_1728 = arith.constant 0 : index
    %get3A_1729 = vector.load %arg49[%get3A_1725, %get3A_1726, %get3A_1727, %get3A_1728] : memref<8x6x6x384xf32, #tpu.memory_space<vmem>>, vector<8x6x4x384xf32>
    %swap3A_1730 = arith.constant 1 : index
    %swap3A_1731 = arith.constant 0 : index
    %swap3A_1732 = arith.constant 0 : index
    %swap3A_1733 = arith.constant 0 : index
    %swap3A_1734 = arith.constant 0 : index
    %swap3A_1735 = vector.load %arg48[%swap3A_1730, %swap3A_1731, %swap3A_1732, %swap3A_1733, %swap3A_1734] : memref<2x8x6x4x384xf32, #tpu.memory_space<vmem>>, vector<1x8x6x4x384xf32>
    %swap3A_1736 = vector.shape_cast %swap3A_1735 : vector<1x8x6x4x384xf32> to vector<8x6x4x384xf32>
    %swap3A_1737 = vector.shape_cast %get3A_1729 : vector<8x6x4x384xf32> to vector<1x8x6x4x384xf32>
    tpu.vector_store %arg48[%swap3A_1730, %swap3A_1731, %swap3A_1732, %swap3A_1733, %swap3A_1734], %swap3A_1737 {strides = array<i32>} : memref<2x8x6x4x384xf32, #tpu.memory_space<vmem>>, vector<1x8x6x4x384xf32>,
    %broadcast_in_dim3A_1738 = arith.constant 0.000000e+00 : f32
    %broadcast_in_dim3A_1739 = vector.broadcast %broadcast_in_dim3A_1738 : f32 to vector<128x384xf32>
    %get3A_1740 = arith.constant 0 : index
    %get3A_1741 = arith.constant 0 : index
    %get3A_1742 = arith.constant 0 : index
    %get3A_1743 = arith.constant 0 : index
    %get3A_1744 = vector.load %arg49[%get3A_1740, %get3A_1741, %get3A_1742, %get3A_1743] : memref<8x6x6x384xf32, #tpu.memory_space<vmem>>, vector<8x4x4x384xf32>
    %reshape3A_1745 = vector.shape_cast %get3A_1744 : vector<8x4x4x384xf32> to vector<128x384xf32>
    %get3A_1746 = arith.constant 0 : index
    %get3A_1747 = arith.constant 0 : index
    %get3A_1748 = arith.constant 0 : index
    %get3A_1749 = vector.load %arg32[%get3A_1746, %get3A_1747, %get3A_1748] : memref<9x384x384xf32, #tpu.memory_space<vmem>>, vector<1x384x384xf32>
    %get3A_1750 = vector.shape_cast %get3A_1749 : vector<1x384x384xf32> to vector<384x384xf32>
    %dot_general3A_1751 = arith.constant dense<0.000000e+00> : vector<128x384xf32>
    %dot_general3A_1752 = tpu.matmul %reshape3A_1745, %get3A_1750, %dot_general3A_1751 {dimension_numbers = #tpu.dot_dimension_numbers<[1], [1], [0], [0], [0, 0, 1, 0], [], []>, transpose_lhs_hint = false} : vector<128x384xf32>, vector<384x384xf32>, vector<128x384xf32> -> vector<128x384xf32>
    %add3A_1753 = arith.addf %broadcast_in_dim3A_1739, %dot_general3A_1752 : vector<128x384xf32>
    %get3A_1754 = arith.constant 0 : index
    %get3A_1755 = arith.constant 0 : index
    %get3A_1756 = arith.constant 0 : index
    %get3A_1757 = arith.constant 0 : index
    %get3A_1758 = arith.constant 0 : index
    %get3A_1759 = vector.load %arg48[%get3A_1754, %get3A_1755, %get3A_1756, %get3A_1757, %get3A_1758] : memref<2x8x6x4x384xf32, #tpu.memory_space<vmem>>, vector<1x8x4x4x384xf32>
    %get3A_1760 = vector.shape_cast %get3A_1759 : vector<1x8x4x4x384xf32> to vector<8x4x4x384xf32>
    %reshape3A_1761 = vector.shape_cast %get3A_1760 : vector<8x4x4x384xf32> to vector<128x384xf32>
    %get3A_1762 = arith.constant 1 : index
    %get3A_1763 = arith.constant 0 : index
    %get3A_1764 = arith.constant 0 : index
    %get3A_1765 = vector.load %arg32[%get3A_1762, %get3A_1763, %get3A_1764] : memref<9x384x384xf32, #tpu.memory_space<vmem>>, vector<1x384x384xf32>
    %get3A_1766 = vector.shape_cast %get3A_1765 : vector<1x384x384xf32> to vector<384x384xf32>
    %dot_general3A_1767 = arith.constant dense<0.000000e+00> : vector<128x384xf32>
    %dot_general3A_1768 = tpu.matmul %reshape3A_1761, %get3A_1766, %dot_general3A_1767 {dimension_numbers = #tpu.dot_dimension_numbers<[1], [1], [0], [0], [0, 0, 1, 0], [], []>, transpose_lhs_hint = false} : vector<128x384xf32>, vector<384x384xf32>, vector<128x384xf32> -> vector<128x384xf32>
    %add3A_1769 = arith.addf %add3A_1753, %dot_general3A_1768 : vector<128x384xf32>
    %get3A_1770 = arith.constant 1 : index
    %get3A_1771 = arith.constant 0 : index
    %get3A_1772 = arith.constant 0 : index
    %get3A_1773 = arith.constant 0 : index
    %get3A_1774 = arith.constant 0 : index
    %get3A_1775 = vector.load %arg48[%get3A_1770, %get3A_1771, %get3A_1772, %get3A_1773, %get3A_1774] : memref<2x8x6x4x384xf32, #tpu.memory_space<vmem>>, vector<1x8x4x4x384xf32>
    %get3A_1776 = vector.shape_cast %get3A_1775 : vector<1x8x4x4x384xf32> to vector<8x4x4x384xf32>
    %reshape3A_1777 = vector.shape_cast %get3A_1776 : vector<8x4x4x384xf32> to vector<128x384xf32>
    %get3A_1778 = arith.constant 2 : index
    %get3A_1779 = arith.constant 0 : index
    %get3A_1780 = arith.constant 0 : index
    %get3A_1781 = vector.load %arg32[%get3A_1778, %get3A_1779, %get3A_1780] : memref<9x384x384xf32, #tpu.memory_space<vmem>>, vector<1x384x384xf32>
    %get3A_1782 = vector.shape_cast %get3A_1781 : vector<1x384x384xf32> to vector<384x384xf32>
    %dot_general3A_1783 = arith.constant dense<0.000000e+00> : vector<128x384xf32>
    %dot_general3A_1784 = tpu.matmul %reshape3A_1777, %get3A_1782, %dot_general3A_1783 {dimension_numbers = #tpu.dot_dimension_numbers<[1], [1], [0], [0], [0, 0, 1, 0], [], []>, transpose_lhs_hint = false} : vector<128x384xf32>, vector<384x384xf32>, vector<128x384xf32> -> vector<128x384xf32>
    %add3A_1785 = arith.addf %add3A_1769, %dot_general3A_1784 : vector<128x384xf32>
    %get3A_1786 = arith.constant 0 : index
    %get3A_1787 = arith.constant 1 : index
    %get3A_1788 = arith.constant 0 : index
    %get3A_1789 = arith.constant 0 : index
    %get3A_1790 = vector.load %arg49[%get3A_1786, %get3A_1787, %get3A_1788, %get3A_1789] : memref<8x6x6x384xf32, #tpu.memory_space<vmem>>, vector<8x4x4x384xf32>
    %reshape3A_1791 = vector.shape_cast %get3A_1790 : vector<8x4x4x384xf32> to vector<128x384xf32>
    %get3A_1792 = arith.constant 3 : index
    %get3A_1793 = arith.constant 0 : index
    %get3A_1794 = arith.constant 0 : index
    %get3A_1795 = vector.load %arg32[%get3A_1792, %get3A_1793, %get3A_1794] : memref<9x384x384xf32, #tpu.memory_space<vmem>>, vector<1x384x384xf32>
    %get3A_1796 = vector.shape_cast %get3A_1795 : vector<1x384x384xf32> to vector<384x384xf32>
    %dot_general3A_1797 = arith.constant dense<0.000000e+00> : vector<128x384xf32>
    %dot_general3A_1798 = tpu.matmul %reshape3A_1791, %get3A_1796, %dot_general3A_1797 {dimension_numbers = #tpu.dot_dimension_numbers<[1], [1], [0], [0], [0, 0, 1, 0], [], []>, transpose_lhs_hint = false} : vector<128x384xf32>, vector<384x384xf32>, vector<128x384xf32> -> vector<128x384xf32>
    %add3A_1799 = arith.addf %add3A_1785, %dot_general3A_1798 : vector<128x384xf32>
    %get3A_1800 = arith.constant 0 : index
    %get3A_1801 = arith.constant 0 : index
    %get3A_1802 = arith.constant 1 : index
    %get3A_1803 = arith.constant 0 : index
    %get3A_1804 = arith.constant 0 : index
    %get3A_1805 = vector.load %arg48[%get3A_1800, %get3A_1801, %get3A_1802, %get3A_1803, %get3A_1804] : memref<2x8x6x4x384xf32, #tpu.memory_space<vmem>>, vector<1x8x4x4x384xf32>
    %get3A_1806 = vector.shape_cast %get3A_1805 : vector<1x8x4x4x384xf32> to vector<8x4x4x384xf32>
    %reshape3A_1807 = vector.shape_cast %get3A_1806 : vector<8x4x4x384xf32> to vector<128x384xf32>
    %get3A_1808 = arith.constant 4 : index
    %get3A_1809 = arith.constant 0 : index
    %get3A_1810 = arith.constant 0 : index
    %get3A_1811 = vector.load %arg32[%get3A_1808, %get3A_1809, %get3A_1810] : memref<9x384x384xf32, #tpu.memory_space<vmem>>, vector<1x384x384xf32>
    %get3A_1812 = vector.shape_cast %get3A_1811 : vector<1x384x384xf32> to vector<384x384xf32>
    %dot_general3A_1813 = arith.constant dense<0.000000e+00> : vector<128x384xf32>
    %dot_general3A_1814 = tpu.matmul %reshape3A_1807, %get3A_1812, %dot_general3A_1813 {dimension_numbers = #tpu.dot_dimension_numbers<[1], [1], [0], [0], [0, 0, 1, 0], [], []>, transpose_lhs_hint = false} : vector<128x384xf32>, vector<384x384xf32>, vector<128x384xf32> -> vector<128x384xf32>
    %add3A_1815 = arith.addf %add3A_1799, %dot_general3A_1814 : vector<128x384xf32>
    %get3A_1816 = arith.constant 1 : index
    %get3A_1817 = arith.constant 0 : index
    %get3A_1818 = arith.constant 1 : index
    %get3A_1819 = arith.constant 0 : index
    %get3A_1820 = arith.constant 0 : index
    %get3A_1821 = vector.load %arg48[%get3A_1816, %get3A_1817, %get3A_1818, %get3A_1819, %get3A_1820] : memref<2x8x6x4x384xf32, #tpu.memory_space<vmem>>, vector<1x8x4x4x384xf32>
    %get3A_1822 = vector.shape_cast %get3A_1821 : vector<1x8x4x4x384xf32> to vector<8x4x4x384xf32>
    %reshape3A_1823 = vector.shape_cast %get3A_1822 : vector<8x4x4x384xf32> to vector<128x384xf32>
    %get3A_1824 = arith.constant 5 : index
    %get3A_1825 = arith.constant 0 : index
    %get3A_1826 = arith.constant 0 : index
    %get3A_1827 = vector.load %arg32[%get3A_1824, %get3A_1825, %get3A_1826] : memref<9x384x384xf32, #tpu.memory_space<vmem>>, vector<1x384x384xf32>
    %get3A_1828 = vector.shape_cast %get3A_1827 : vector<1x384x384xf32> to vector<384x384xf32>
    %dot_general3A_1829 = arith.constant dense<0.000000e+00> : vector<128x384xf32>
    %dot_general3A_1830 = tpu.matmul %reshape3A_1823, %get3A_1828, %dot_general3A_1829 {dimension_numbers = #tpu.dot_dimension_numbers<[1], [1], [0], [0], [0, 0, 1, 0], [], []>, transpose_lhs_hint = false} : vector<128x384xf32>, vector<384x384xf32>, vector<128x384xf32> -> vector<128x384xf32>
    %add3A_1831 = arith.addf %add3A_1815, %dot_general3A_1830 : vector<128x384xf32>
    %get3A_1832 = arith.constant 0 : index
    %get3A_1833 = arith.constant 2 : index
    %get3A_1834 = arith.constant 0 : index
    %get3A_1835 = arith.constant 0 : index
    %get3A_1836 = vector.load %arg49[%get3A_1832, %get3A_1833, %get3A_1834, %get3A_1835] : memref<8x6x6x384xf32, #tpu.memory_space<vmem>>, vector<8x4x4x384xf32>
    %reshape3A_1837 = vector.shape_cast %get3A_1836 : vector<8x4x4x384xf32> to vector<128x384xf32>
    %get3A_1838 = arith.constant 6 : index
    %get3A_1839 = arith.constant 0 : index
    %get3A_1840 = arith.constant 0 : index
    %get3A_1841 = vector.load %arg32[%get3A_1838, %get3A_1839, %get3A_1840] : memref<9x384x384xf32, #tpu.memory_space<vmem>>, vector<1x384x384xf32>
    %get3A_1842 = vector.shape_cast %get3A_1841 : vector<1x384x384xf32> to vector<384x384xf32>
    %dot_general3A_1843 = arith.constant dense<0.000000e+00> : vector<128x384xf32>
    %dot_general3A_1844 = tpu.matmul %reshape3A_1837, %get3A_1842, %dot_general3A_1843 {dimension_numbers = #tpu.dot_dimension_numbers<[1], [1], [0], [0], [0, 0, 1, 0], [], []>, transpose_lhs_hint = false} : vector<128x384xf32>, vector<384x384xf32>, vector<128x384xf32> -> vector<128x384xf32>
    %add3A_1845 = arith.addf %add3A_1831, %dot_general3A_1844 : vector<128x384xf32>
    %get3A_1846 = arith.constant 0 : index
    %get3A_1847 = arith.constant 0 : index
    %get3A_1848 = arith.constant 2 : index
    %get3A_1849 = arith.constant 0 : index
    %get3A_1850 = arith.constant 0 : index
    %get3A_1851 = vector.load %arg48[%get3A_1846, %get3A_1847, %get3A_1848, %get3A_1849, %get3A_1850] : memref<2x8x6x4x384xf32, #tpu.memory_space<vmem>>, vector<1x8x4x4x384xf32>
    %get3A_1852 = vector.shape_cast %get3A_1851 : vector<1x8x4x4x384xf32> to vector<8x4x4x384xf32>
    %reshape3A_1853 = vector.shape_cast %get3A_1852 : vector<8x4x4x384xf32> to vector<128x384xf32>
    %get3A_1854 = arith.constant 7 : index
    %get3A_1855 = arith.constant 0 : index
    %get3A_1856 = arith.constant 0 : index
    %get3A_1857 = vector.load %arg32[%get3A_1854, %get3A_1855, %get3A_1856] : memref<9x384x384xf32, #tpu.memory_space<vmem>>, vector<1x384x384xf32>
    %get3A_1858 = vector.shape_cast %get3A_1857 : vector<1x384x384xf32> to vector<384x384xf32>
    %dot_general3A_1859 = arith.constant dense<0.000000e+00> : vector<128x384xf32>
    %dot_general3A_1860 = tpu.matmul %reshape3A_1853, %get3A_1858, %dot_general3A_1859 {dimension_numbers = #tpu.dot_dimension_numbers<[1], [1], [0], [0], [0, 0, 1, 0], [], []>, transpose_lhs_hint = false} : vector<128x384xf32>, vector<384x384xf32>, vector<128x384xf32> -> vector<128x384xf32>
    %add3A_1861 = arith.addf %add3A_1845, %dot_general3A_1860 : vector<128x384xf32>
    %get3A_1862 = arith.constant 1 : index
    %get3A_1863 = arith.constant 0 : index
    %get3A_1864 = arith.constant 2 : index
    %get3A_1865 = arith.constant 0 : index
    %get3A_1866 = arith.constant 0 : index
    %get3A_1867 = vector.load %arg48[%get3A_1862, %get3A_1863, %get3A_1864, %get3A_1865, %get3A_1866] : memref<2x8x6x4x384xf32, #tpu.memory_space<vmem>>, vector<1x8x4x4x384xf32>
    %get3A_1868 = vector.shape_cast %get3A_1867 : vector<1x8x4x4x384xf32> to vector<8x4x4x384xf32>
    %reshape3A_1869 = vector.shape_cast %get3A_1868 : vector<8x4x4x384xf32> to vector<128x384xf32>
    %get3A_1870 = arith.constant 8 : index
    %get3A_1871 = arith.constant 0 : index
    %get3A_1872 = arith.constant 0 : index
    %get3A_1873 = vector.load %arg32[%get3A_1870, %get3A_1871, %get3A_1872] : memref<9x384x384xf32, #tpu.memory_space<vmem>>, vector<1x384x384xf32>
    %get3A_1874 = vector.shape_cast %get3A_1873 : vector<1x384x384xf32> to vector<384x384xf32>
    %dot_general3A_1875 = arith.constant dense<0.000000e+00> : vector<128x384xf32>
    %dot_general3A_1876 = tpu.matmul %reshape3A_1869, %get3A_1874, %dot_general3A_1875 {dimension_numbers = #tpu.dot_dimension_numbers<[1], [1], [0], [0], [0, 0, 1, 0], [], []>, transpose_lhs_hint = false} : vector<128x384xf32>, vector<384x384xf32>, vector<128x384xf32> -> vector<128x384xf32>
    %add3A_1877 = arith.addf %add3A_1861, %dot_general3A_1876 : vector<128x384xf32>
    %get3A_1878 = arith.constant 0 : index
    %get3A_1879 = arith.constant 0 : index
    %get3A_1880 = vector.load %arg33[%get3A_1878, %get3A_1879] : memref<1x384xf32, #tpu.memory_space<vmem>>, vector<1x384xf32>
    %add3A_1881 = vector.broadcast %get3A_1880 : vector<1x384xf32> to vector<128x384xf32>
    %add3A_1882 = arith.addf %add3A_1877, %add3A_1881 : vector<128x384xf32>
    %reshape3A_1883 = vector.shape_cast %add3A_1882 : vector<128x384xf32> to vector<8x16x384xf32>
    %reduce_sum3A_1884 = arith.constant dense<0.000000e+00> : vector<8x384xf32>
    %reduce_sum3A_1885 = vector.multi_reduction <add>, %reshape3A_1883, %reduce_sum3A_1884 [1] : vector<8x16x384xf32> to vector<8x384xf32>
    %div3A_1886 = arith.constant 1.600000e+01 : f32
    %div3A_1887 = vector.broadcast %div3A_1886 : f32 to vector<8x384xf32>
    %div3A_1888 = arith.divf %reduce_sum3A_1885, %div3A_1887 : vector<8x384xf32>
    %get3A_1889 = arith.constant 0 : index
    %get3A_1890 = arith.constant 0 : index
    %get3A_1891 = vector.load %arg34[%get3A_1889, %get3A_1890] : memref<24x384xf32, #tpu.memory_space<vmem>>, vector<24x384xf32>
    %dot_general3A_1892 = arith.constant dense<0.000000e+00> : vector<8x24xf32>
    %dot_general3A_1893 = tpu.matmul %div3A_1888, %get3A_1891, %dot_general3A_1892 {dimension_numbers = #tpu.dot_dimension_numbers<[1], [1], [0], [0], [0, 0, 1, 0], [], []>, transpose_lhs_hint = false} : vector<8x384xf32>, vector<24x384xf32>, vector<8x24xf32> -> vector<8x24xf32>
    %max3A_1894 = arith.constant 0.000000e+00 : f32
    %max3A_1895 = vector.broadcast %max3A_1894 : f32 to vector<8x24xf32>
    %max3A_1896 = arith.maximumf %dot_general3A_1893, %max3A_1895 : vector<8x24xf32>
    %get3A_1897 = arith.constant 0 : index
    %get3A_1898 = arith.constant 0 : index
    %get3A_1899 = vector.load %arg35[%get3A_1897, %get3A_1898] : memref<384x24xf32, #tpu.memory_space<vmem>>, vector<384x24xf32>
    %dot_general3A_1900 = arith.constant dense<0.000000e+00> : vector<8x384xf32>
    %dot_general3A_1901 = tpu.matmul %max3A_1896, %get3A_1899, %dot_general3A_1900 {dimension_numbers = #tpu.dot_dimension_numbers<[1], [1], [0], [0], [0, 0, 1, 0], [], []>, transpose_lhs_hint = false} : vector<8x24xf32>, vector<384x24xf32>, vector<8x384xf32> -> vector<8x384xf32>
    %logistic3A_1902 = arith.negf %dot_general3A_1901 : vector<8x384xf32>
    %logistic3A_1903 = math.exp %logistic3A_1902 : vector<8x384xf32>
    %logistic3A_1904 = arith.constant 1.000000e+00 : f32
    %logistic3A_1905 = vector.broadcast %logistic3A_1904 : f32 to vector<8x384xf32>
    %logistic3A_1906 = arith.addf %logistic3A_1905, %logistic3A_1903 : vector<8x384xf32>
    %logistic3A_1907 = arith.divf %logistic3A_1905, %logistic3A_1906 : vector<8x384xf32>
    %reshape3A_1908 = vector.shape_cast %add3A_1882 : vector<128x384xf32> to vector<8x16x384xf32>
    %broadcast_in_dim3A_1909 = vector.shape_cast %logistic3A_1907 : vector<8x384xf32> to vector<8x1x384xf32>
    %mul3A_1910 = vector.broadcast %broadcast_in_dim3A_1909 : vector<8x1x384xf32> to vector<8x16x384xf32>
    %mul3A_1911 = arith.mulf %reshape3A_1908, %mul3A_1910 : vector<8x16x384xf32>
    %get3A_1912 = arith.constant 0 : index
    %get3A_1913 = arith.constant 0 : index
    %get3A_1914 = arith.constant 1 : index
    %get3A_1915 = arith.constant 0 : index
    %get3A_1916 = arith.constant 0 : index
    %get3A_1917 = vector.load %arg47[%get3A_1912, %get3A_1913, %get3A_1914, %get3A_1915, %get3A_1916] : memref<2x8x6x4x384xf32, #tpu.memory_space<vmem>>, vector<1x8x4x4x384xf32>
    %get3A_1918 = vector.shape_cast %get3A_1917 : vector<1x8x4x4x384xf32> to vector<8x4x4x384xf32>
    %reshape3A_1919 = vector.shape_cast %get3A_1918 : vector<8x4x4x384xf32> to vector<8x16x384xf32>
    %add3A_1920 = arith.addf %mul3A_1911, %reshape3A_1919 : vector<8x16x384xf32>
    %max3A_1921 = arith.constant 0.000000e+00 : f32
    %max3A_1922 = vector.broadcast %max3A_1921 : f32 to vector<8x16x384xf32>
    %max3A_1923 = arith.maximumf %add3A_1920, %max3A_1922 : vector<8x16x384xf32>
    %reshape3A_1924 = vector.shape_cast %max3A_1923 : vector<8x16x384xf32> to vector<8x4x4x384xf32>
    %broadcast_in_dim3A_1925 = arith.constant 0.000000e+00 : f32
    %broadcast_in_dim3A_1926 = vector.broadcast %broadcast_in_dim3A_1925 : f32 to vector<8x6x6x384xf32>
    %swap3A_1927 = arith.constant 0 : index
    %swap3A_1928 = arith.constant 0 : index
    %swap3A_1929 = arith.constant 0 : index
    %swap3A_1930 = arith.constant 0 : index
    %swap3A_1931 = vector.load %arg36[%swap3A_1927, %swap3A_1928, %swap3A_1929, %swap3A_1930] : memref<8x6x6x384xf32, #tpu.memory_space<vmem>>, vector<8x6x6x384xf32>
    tpu.vector_store %arg36[%swap3A_1927, %swap3A_1928, %swap3A_1929, %swap3A_1930], %broadcast_in_dim3A_1926 {strides = array<i32>} : memref<8x6x6x384xf32, #tpu.memory_space<vmem>>, vector<8x6x6x384xf32>,
    %swap3A_1932 = arith.constant 0 : index
    %swap3A_1933 = arith.constant 1 : index
    %swap3A_1934 = arith.constant 1 : index
    %swap3A_1935 = arith.constant 0 : index
    %swap3A_1936 = vector.load %arg36[%swap3A_1932, %swap3A_1933, %swap3A_1934, %swap3A_1935] : memref<8x6x6x384xf32, #tpu.memory_space<vmem>>, vector<8x4x4x384xf32>
    tpu.vector_store %arg36[%swap3A_1932, %swap3A_1933, %swap3A_1934, %swap3A_1935], %reshape3A_1924 {strides = array<i32>} : memref<8x6x6x384xf32, #tpu.memory_space<vmem>>, vector<8x4x4x384xf32>,
    return
  }
  func.func @transform_0(%arg0: i32) -> (i32, i32, i32, i32) {
    %c0_i32 = arith.constant 0 : i32
    %c0_i32_0 = arith.constant 0 : i32
    %c0_i32_1 = arith.constant 0 : i32
    %c0_i32_2 = arith.constant 0 : i32
    return %arg0, %c0_i32, %c0_i32_0, %c0_i32_1 : i32, i32, i32, i32
  }
  func.func @transform_1(%arg0: i32) -> (i32, i32, i32) {
    %c0_i32 = arith.constant 0 : i32
    %c0_i32_0 = arith.constant 0 : i32
    %c0_i32_1 = arith.constant 0 : i32
    %c0_i32_2 = arith.constant 0 : i32
    return %c0_i32, %c0_i32_0, %c0_i32_1 : i32, i32, i32
  }
  func.func @transform_2(%arg0: i32) -> (i32, i32) {
    %c0_i32 = arith.constant 0 : i32
    %c0_i32_0 = arith.constant 0 : i32
    %c0_i32_1 = arith.constant 0 : i32
    return %c0_i32, %c0_i32_0 : i32, i32
  }
  func.func @transform_3(%arg0: i32) -> (i32, i32, i32) {
    %c0_i32 = arith.constant 0 : i32
    %c0_i32_0 = arith.constant 0 : i32
    %c0_i32_1 = arith.constant 0 : i32
    %c0_i32_2 = arith.constant 0 : i32
    return %c0_i32, %c0_i32_0, %c0_i32_1 : i32, i32, i32
  }
  func.func @transform_4(%arg0: i32) -> (i32, i32) {
    %c0_i32 = arith.constant 0 : i32
    %c0_i32_0 = arith.constant 0 : i32
    %c0_i32_1 = arith.constant 0 : i32
    return %c0_i32, %c0_i32_0 : i32, i32
  }
  func.func @transform_5(%arg0: i32) -> (i32, i32) {
    %c0_i32 = arith.constant 0 : i32
    %c0_i32_0 = arith.constant 0 : i32
    %c0_i32_1 = arith.constant 0 : i32
    return %c0_i32, %c0_i32_0 : i32, i32
  }
  func.func @transform_6(%arg0: i32) -> (i32, i32) {
    %c0_i32 = arith.constant 0 : i32
    %c0_i32_0 = arith.constant 0 : i32
    %c0_i32_1 = arith.constant 0 : i32
    return %c0_i32, %c0_i32_0 : i32, i32
  }
  func.func @transform_7(%arg0: i32) -> (i32, i32, i32) {
    %c0_i32 = arith.constant 0 : i32
    %c0_i32_0 = arith.constant 0 : i32
    %c0_i32_1 = arith.constant 0 : i32
    %c0_i32_2 = arith.constant 0 : i32
    return %c0_i32, %c0_i32_0, %c0_i32_1 : i32, i32, i32
  }
  func.func @transform_8(%arg0: i32) -> (i32, i32) {
    %c0_i32 = arith.constant 0 : i32
    %c0_i32_0 = arith.constant 0 : i32
    %c0_i32_1 = arith.constant 0 : i32
    return %c0_i32, %c0_i32_0 : i32, i32
  }
  func.func @transform_9(%arg0: i32) -> (i32, i32, i32) {
    %c0_i32 = arith.constant 0 : i32
    %c0_i32_0 = arith.constant 0 : i32
    %c0_i32_1 = arith.constant 0 : i32
    %c0_i32_2 = arith.constant 0 : i32
    return %c0_i32, %c0_i32_0, %c0_i32_1 : i32, i32, i32
  }
  func.func @transform_10(%arg0: i32) -> (i32, i32) {
    %c0_i32 = arith.constant 0 : i32
    %c0_i32_0 = arith.constant 0 : i32
    %c0_i32_1 = arith.constant 0 : i32
    return %c0_i32, %c0_i32_0 : i32, i32
  }
  func.func @transform_11(%arg0: i32) -> (i32, i32) {
    %c0_i32 = arith.constant 0 : i32
    %c0_i32_0 = arith.constant 0 : i32
    %c0_i32_1 = arith.constant 0 : i32
    return %c0_i32, %c0_i32_0 : i32, i32
  }
  func.func @transform_12(%arg0: i32) -> (i32, i32) {
    %c0_i32 = arith.constant 0 : i32
    %c0_i32_0 = arith.constant 0 : i32
    %c0_i32_1 = arith.constant 0 : i32
    return %c0_i32, %c0_i32_0 : i32, i32
  }
  func.func @transform_13(%arg0: i32) -> (i32, i32) {
    %c0_i32 = arith.constant 0 : i32
    %c0_i32_0 = arith.constant 0 : i32
    %c0_i32_1 = arith.constant 0 : i32
    return %c0_i32, %c0_i32_0 : i32, i32
  }
  func.func @transform_14(%arg0: i32) -> (i32, i32) {
    %c0_i32 = arith.constant 0 : i32
    %c0_i32_0 = arith.constant 0 : i32
    %c0_i32_1 = arith.constant 0 : i32
    return %c0_i32, %c0_i32_0 : i32, i32
  }
  func.func @transform_15(%arg0: i32) -> (i32, i32, i32) {
    %c0_i32 = arith.constant 0 : i32
    %c0_i32_0 = arith.constant 0 : i32
    %c0_i32_1 = arith.constant 0 : i32
    %c0_i32_2 = arith.constant 0 : i32
    return %c0_i32, %c0_i32_0, %c0_i32_1 : i32, i32, i32
  }
  func.func @transform_16(%arg0: i32) -> (i32, i32) {
    %c0_i32 = arith.constant 0 : i32
    %c0_i32_0 = arith.constant 0 : i32
    %c0_i32_1 = arith.constant 0 : i32
    return %c0_i32, %c0_i32_0 : i32, i32
  }
  func.func @transform_17(%arg0: i32) -> (i32, i32, i32) {
    %c0_i32 = arith.constant 0 : i32
    %c0_i32_0 = arith.constant 0 : i32
    %c0_i32_1 = arith.constant 0 : i32
    %c0_i32_2 = arith.constant 0 : i32
    return %c0_i32, %c0_i32_0, %c0_i32_1 : i32, i32, i32
  }
  func.func @transform_18(%arg0: i32) -> (i32, i32) {
    %c0_i32 = arith.constant 0 : i32
    %c0_i32_0 = arith.constant 0 : i32
    %c0_i32_1 = arith.constant 0 : i32
    return %c0_i32, %c0_i32_0 : i32, i32
  }
  func.func @transform_19(%arg0: i32) -> (i32, i32) {
    %c0_i32 = arith.constant 0 : i32
    %c0_i32_0 = arith.constant 0 : i32
    %c0_i32_1 = arith.constant 0 : i32
    return %c0_i32, %c0_i32_0 : i32, i32
  }
  func.func @transform_20(%arg0: i32) -> (i32, i32) {
    %c0_i32 = arith.constant 0 : i32
    %c0_i32_0 = arith.constant 0 : i32
    %c0_i32_1 = arith.constant 0 : i32
    return %c0_i32, %c0_i32_0 : i32, i32
  }
  func.func @transform_21(%arg0: i32) -> (i32, i32, i32) {
    %c0_i32 = arith.constant 0 : i32
    %c0_i32_0 = arith.constant 0 : i32
    %c0_i32_1 = arith.constant 0 : i32
    %c0_i32_2 = arith.constant 0 : i32
    return %c0_i32, %c0_i32_0, %c0_i32_1 : i32, i32, i32
  }
  func.func @transform_22(%arg0: i32) -> (i32, i32) {
    %c0_i32 = arith.constant 0 : i32
    %c0_i32_0 = arith.constant 0 : i32
    %c0_i32_1 = arith.constant 0 : i32
    return %c0_i32, %c0_i32_0 : i32, i32
  }
  func.func @transform_23(%arg0: i32) -> (i32, i32, i32) {
    %c0_i32 = arith.constant 0 : i32
    %c0_i32_0 = arith.constant 0 : i32
    %c0_i32_1 = arith.constant 0 : i32
    %c0_i32_2 = arith.constant 0 : i32
    return %c0_i32, %c0_i32_0, %c0_i32_1 : i32, i32, i32
  }
  func.func @transform_24(%arg0: i32) -> (i32, i32) {
    %c0_i32 = arith.constant 0 : i32
    %c0_i32_0 = arith.constant 0 : i32
    %c0_i32_1 = arith.constant 0 : i32
    return %c0_i32, %c0_i32_0 : i32, i32
  }
  func.func @transform_25(%arg0: i32) -> (i32, i32) {
    %c0_i32 = arith.constant 0 : i32
    %c0_i32_0 = arith.constant 0 : i32
    %c0_i32_1 = arith.constant 0 : i32
    return %c0_i32, %c0_i32_0 : i32, i32
  }
  func.func @transform_26(%arg0: i32) -> (i32, i32) {
    %c0_i32 = arith.constant 0 : i32
    %c0_i32_0 = arith.constant 0 : i32
    %c0_i32_1 = arith.constant 0 : i32
    return %c0_i32, %c0_i32_0 : i32, i32
  }
  func.func @transform_27(%arg0: i32) -> (i32, i32) {
    %c0_i32 = arith.constant 0 : i32
    %c0_i32_0 = arith.constant 0 : i32
    %c0_i32_1 = arith.constant 0 : i32
    return %c0_i32, %c0_i32_0 : i32, i32
  }
  func.func @transform_28(%arg0: i32) -> (i32, i32) {
    %c0_i32 = arith.constant 0 : i32
    %c0_i32_0 = arith.constant 0 : i32
    %c0_i32_1 = arith.constant 0 : i32
    return %c0_i32, %c0_i32_0 : i32, i32
  }
  func.func @transform_29(%arg0: i32) -> (i32, i32, i32) {
    %c0_i32 = arith.constant 0 : i32
    %c0_i32_0 = arith.constant 0 : i32
    %c0_i32_1 = arith.constant 0 : i32
    %c0_i32_2 = arith.constant 0 : i32
    return %c0_i32, %c0_i32_0, %c0_i32_1 : i32, i32, i32
  }
  func.func @transform_30(%arg0: i32) -> (i32, i32) {
    %c0_i32 = arith.constant 0 : i32
    %c0_i32_0 = arith.constant 0 : i32
    %c0_i32_1 = arith.constant 0 : i32
    return %c0_i32, %c0_i32_0 : i32, i32
  }
  func.func @transform_31(%arg0: i32) -> (i32, i32, i32) {
    %c0_i32 = arith.constant 0 : i32
    %c0_i32_0 = arith.constant 0 : i32
    %c0_i32_1 = arith.constant 0 : i32
    %c0_i32_2 = arith.constant 0 : i32
    return %c0_i32, %c0_i32_0, %c0_i32_1 : i32, i32, i32
  }
  func.func @transform_32(%arg0: i32) -> (i32, i32) {
    %c0_i32 = arith.constant 0 : i32
    %c0_i32_0 = arith.constant 0 : i32
    %c0_i32_1 = arith.constant 0 : i32
    return %c0_i32, %c0_i32_0 : i32, i32
  }
  func.func @transform_33(%arg0: i32) -> (i32, i32) {
    %c0_i32 = arith.constant 0 : i32
    %c0_i32_0 = arith.constant 0 : i32
    %c0_i32_1 = arith.constant 0 : i32
    return %c0_i32, %c0_i32_0 : i32, i32
  }
  func.func @transform_34(%arg0: i32) -> (i32, i32) {
    %c0_i32 = arith.constant 0 : i32
    %c0_i32_0 = arith.constant 0 : i32
    %c0_i32_1 = arith.constant 0 : i32
    return %c0_i32, %c0_i32_0 : i32, i32
  }
  func.func @transform_35(%arg0: i32) -> (i32, i32, i32, i32) {
    %c0_i32 = arith.constant 0 : i32
    %c0_i32_0 = arith.constant 0 : i32
    %c0_i32_1 = arith.constant 0 : i32
    %c0_i32_2 = arith.constant 0 : i32
    return %arg0, %c0_i32, %c0_i32_0, %c0_i32_1 : i32, i32, i32, i32
  }
}

module attributes {stable_mosaic.version = 14 : i64} {
  func.func @_head_body(%arg0: memref<64x6x6x384xf32, #tpu.memory_space<vmem>>, %arg1: memref<512x1536xf32, #tpu.memory_space<vmem>>, %arg2: memref<1x512xf32, #tpu.memory_space<vmem>>, %arg3: memref<256x512xf32, #tpu.memory_space<vmem>>, %arg4: memref<1x256xf32, #tpu.memory_space<vmem>>, %arg5: memref<128x256xf32, #tpu.memory_space<vmem>>, %arg6: memref<1x128xf32, #tpu.memory_space<vmem>>, %arg7: memref<8x256x256xf32, #tpu.memory_space<vmem>>, %arg8: memref<8x1x256xf32, #tpu.memory_space<vmem>>, %arg9: memref<8x1x256xf32, #tpu.memory_space<vmem>>, %arg10: memref<8x1x256xf32, #tpu.memory_space<vmem>>, %arg11: memref<8x128x256xf32, #tpu.memory_space<vmem>>, %arg12: memref<8x1x128xf32, #tpu.memory_space<vmem>>, %arg13: memref<8x1x128xf32, #tpu.memory_space<vmem>>, %arg14: memref<8x1x128xf32, #tpu.memory_space<vmem>>, %arg15: memref<8x128x128xf32, #tpu.memory_space<vmem>>, %arg16: memref<8x1x128xf32, #tpu.memory_space<vmem>>, %arg17: memref<64x128xf32, #tpu.memory_space<vmem>>) attributes {dimension_semantics = [], scalar_prefetch = 0 : i64, scratch_operands = 0 : i64, tpu.core_type = #tpu.core_type<tc>} {
    %get3A = arith.constant 0 : index
    %get3A_0 = arith.constant 1 : index
    %get3A_1 = arith.constant 1 : index
    %get3A_2 = arith.constant 0 : index
    %get3A_3 = vector.load %arg0[%get3A, %get3A_0, %get3A_1, %get3A_2] : memref<64x6x6x384xf32, #tpu.memory_space<vmem>>, vector<64x4x4x384xf32>
    %reshape3A = vector.shape_cast %get3A_3 : vector<64x4x4x384xf32> to vector<64x2x2x2x2x384xf32>
    %reduce_sum3A = arith.constant dense<0.000000e+00> : vector<64x2x2x384xf32>
    %reduce_sum3A_4 = vector.multi_reduction <add>, %reshape3A, %reduce_sum3A [2, 4] : vector<64x2x2x2x2x384xf32> to vector<64x2x2x384xf32>
    %div3A = arith.constant 4.000000e+00 : f32
    %div3A_5 = vector.broadcast %div3A : f32 to vector<64x2x2x384xf32>
    %div3A_6 = arith.divf %reduce_sum3A_4, %div3A_5 : vector<64x2x2x384xf32>
    %reshape3A_7 = vector.shape_cast %div3A_6 : vector<64x2x2x384xf32> to vector<64x1536xf32>
    %get3A_8 = arith.constant 0 : index
    %get3A_9 = arith.constant 0 : index
    %get3A_10 = vector.load %arg1[%get3A_8, %get3A_9] : memref<512x1536xf32, #tpu.memory_space<vmem>>, vector<512x1536xf32>
    %dot_general3A = arith.constant dense<0.000000e+00> : vector<64x512xf32>
    %dot_general3A_11 = tpu.matmul %reshape3A_7, %get3A_10, %dot_general3A {dimension_numbers = #tpu.dot_dimension_numbers<[1], [1], [0], [0], [0, 0, 1, 0], [], []>, transpose_lhs_hint = false} : vector<64x1536xf32>, vector<512x1536xf32>, vector<64x512xf32> -> vector<64x512xf32>
    %get3A_12 = arith.constant 0 : index
    %get3A_13 = arith.constant 0 : index
    %get3A_14 = vector.load %arg2[%get3A_12, %get3A_13] : memref<1x512xf32, #tpu.memory_space<vmem>>, vector<1x512xf32>
    %add3A = vector.broadcast %get3A_14 : vector<1x512xf32> to vector<64x512xf32>
    %add3A_15 = arith.addf %dot_general3A_11, %add3A : vector<64x512xf32>
    %max3A = arith.constant 0.000000e+00 : f32
    %max3A_16 = vector.broadcast %max3A : f32 to vector<64x512xf32>
    %max3A_17 = arith.maximumf %add3A_15, %max3A_16 : vector<64x512xf32>
    %get3A_18 = arith.constant 0 : index
    %get3A_19 = arith.constant 0 : index
    %get3A_20 = vector.load %arg3[%get3A_18, %get3A_19] : memref<256x512xf32, #tpu.memory_space<vmem>>, vector<256x512xf32>
    %dot_general3A_21 = arith.constant dense<0.000000e+00> : vector<64x256xf32>
    %dot_general3A_22 = tpu.matmul %max3A_17, %get3A_20, %dot_general3A_21 {dimension_numbers = #tpu.dot_dimension_numbers<[1], [1], [0], [0], [0, 0, 1, 0], [], []>, transpose_lhs_hint = false} : vector<64x512xf32>, vector<256x512xf32>, vector<64x256xf32> -> vector<64x256xf32>
    %get3A_23 = arith.constant 0 : index
    %get3A_24 = arith.constant 0 : index
    %get3A_25 = vector.load %arg4[%get3A_23, %get3A_24] : memref<1x256xf32, #tpu.memory_space<vmem>>, vector<1x256xf32>
    %add3A_26 = vector.broadcast %get3A_25 : vector<1x256xf32> to vector<64x256xf32>
    %add3A_27 = arith.addf %dot_general3A_22, %add3A_26 : vector<64x256xf32>
    %get3A_28 = arith.constant 0 : index
    %get3A_29 = arith.constant 0 : index
    %get3A_30 = vector.load %arg5[%get3A_28, %get3A_29] : memref<128x256xf32, #tpu.memory_space<vmem>>, vector<128x256xf32>
    %dot_general3A_31 = arith.constant dense<0.000000e+00> : vector<64x128xf32>
    %dot_general3A_32 = tpu.matmul %add3A_27, %get3A_30, %dot_general3A_31 {dimension_numbers = #tpu.dot_dimension_numbers<[1], [1], [0], [0], [0, 0, 1, 0], [], []>, transpose_lhs_hint = false} : vector<64x256xf32>, vector<128x256xf32>, vector<64x128xf32> -> vector<64x128xf32>
    %get3A_33 = arith.constant 0 : index
    %get3A_34 = arith.constant 0 : index
    %get3A_35 = vector.load %arg6[%get3A_33, %get3A_34] : memref<1x128xf32, #tpu.memory_space<vmem>>, vector<1x128xf32>
    %add3A_36 = vector.broadcast %get3A_35 : vector<1x128xf32> to vector<64x128xf32>
    %add3A_37 = arith.addf %dot_general3A_32, %add3A_36 : vector<64x128xf32>
    %iota3A = tpu.iota {dimensions = array<i32: 1>} : vector<64x128xi32>
    %lt3A = arith.constant 8 : i32
    %lt3A_38 = vector.broadcast %lt3A : i32 to vector<64x128xi32>
    %lt3A_39 = arith.cmpi slt, %iota3A, %lt3A_38 : vector<64x128xi32>
    %jit3A = arith.constant -1.000000e+30 : f32
    %broadcast_in_dim3A = vector.broadcast %jit3A : f32 to vector<64x128xf32>
    %select_n3A = arith.select %lt3A_39, %add3A_37, %broadcast_in_dim3A : vector<64x128xi1>, vector<64x128xf32>
    %reduce_max3A = arith.constant dense<0xFF800000> : vector<64xf32>
    %reduce_max3A_40 = vector.multi_reduction <maximumf>, %select_n3A, %reduce_max3A [1] : vector<64x128xf32> to vector<64xf32>
    %broadcast_in_dim3A_41 = vector.shape_cast %reduce_max3A_40 : vector<64xf32> to vector<64x1xf32>
    %sub3A = vector.broadcast %broadcast_in_dim3A_41 : vector<64x1xf32> to vector<64x128xf32>
    %sub3A_42 = arith.subf %select_n3A, %sub3A : vector<64x128xf32>
    %exp3A = math.exp %sub3A_42 : vector<64x128xf32>
    %reduce_sum3A_43 = arith.constant dense<0.000000e+00> : vector<64xf32>
    %reduce_sum3A_44 = vector.multi_reduction <add>, %exp3A, %reduce_sum3A_43 [1] : vector<64x128xf32> to vector<64xf32>
    %broadcast_in_dim3A_45 = vector.shape_cast %reduce_sum3A_44 : vector<64xf32> to vector<64x1xf32>
    %div3A_46 = vector.broadcast %broadcast_in_dim3A_45 : vector<64x1xf32> to vector<64x128xf32>
    %div3A_47 = arith.divf %exp3A, %div3A_46 : vector<64x128xf32>
    %reduce_max3A_48 = arith.constant dense<0xFF800000> : vector<64xf32>
    %reduce_max3A_49 = vector.multi_reduction <maximumf>, %div3A_47, %reduce_max3A_48 [1] : vector<64x128xf32> to vector<64xf32>
    %broadcast_in_dim3A_50 = vector.shape_cast %reduce_max3A_49 : vector<64xf32> to vector<64x1xf32>
    %eq3A = vector.broadcast %broadcast_in_dim3A_50 : vector<64x1xf32> to vector<64x128xf32>
    %eq3A_51 = arith.cmpf oeq, %div3A_47, %eq3A : vector<64x128xf32>
    %jit3A_52 = arith.constant 128 : i32
    %broadcast_in_dim3A_53 = vector.broadcast %jit3A_52 : i32 to vector<64x128xi32>
    %select_n3A_54 = arith.select %eq3A_51, %iota3A, %broadcast_in_dim3A_53 : vector<64x128xi1>, vector<64x128xi32>
    %reduce_min3A = arith.constant dense<2147483647> : vector<64xi32>
    %reduce_min3A_55 = vector.multi_reduction <minsi>, %select_n3A_54, %reduce_min3A [1] : vector<64x128xi32> to vector<64xi32>
    %broadcast_in_dim3A_56 = vector.shape_cast %reduce_min3A_55 : vector<64xi32> to vector<64x1xi32>
    %eq3A_57 = vector.broadcast %broadcast_in_dim3A_56 : vector<64x1xi32> to vector<64x128xi32>
    %eq3A_58 = arith.cmpi eq, %iota3A, %eq3A_57 : vector<64x128xi32>
    %jit3A_59 = arith.constant -1.000000e+00 : f32
    %broadcast_in_dim3A_60 = vector.broadcast %jit3A_59 : f32 to vector<64x128xf32>
    %select_n3A_61 = arith.select %eq3A_58, %broadcast_in_dim3A_60, %div3A_47 : vector<64x128xi1>, vector<64x128xf32>
    %reduce_max3A_62 = arith.constant dense<0xFF800000> : vector<64xf32>
    %reduce_max3A_63 = vector.multi_reduction <maximumf>, %select_n3A_61, %reduce_max3A_62 [1] : vector<64x128xf32> to vector<64xf32>
    %broadcast_in_dim3A_64 = vector.shape_cast %reduce_max3A_63 : vector<64xf32> to vector<64x1xf32>
    %eq3A_65 = vector.broadcast %broadcast_in_dim3A_64 : vector<64x1xf32> to vector<64x128xf32>
    %eq3A_66 = arith.cmpf oeq, %select_n3A_61, %eq3A_65 : vector<64x128xf32>
    %jit3A_67 = arith.constant 128 : i32
    %broadcast_in_dim3A_68 = vector.broadcast %jit3A_67 : i32 to vector<64x128xi32>
    %select_n3A_69 = arith.select %eq3A_66, %iota3A, %broadcast_in_dim3A_68 : vector<64x128xi1>, vector<64x128xi32>
    %reduce_min3A_70 = arith.constant dense<2147483647> : vector<64xi32>
    %reduce_min3A_71 = vector.multi_reduction <minsi>, %select_n3A_69, %reduce_min3A_70 [1] : vector<64x128xi32> to vector<64xi32>
    %broadcast_in_dim3A_72 = vector.shape_cast %reduce_min3A_71 : vector<64xi32> to vector<64x1xi32>
    %add3A_73 = arith.addf %broadcast_in_dim3A_50, %broadcast_in_dim3A_64 : vector<64x1xf32>
    %div3A_74 = arith.divf %broadcast_in_dim3A_50, %add3A_73 : vector<64x1xf32>
    %div3A_75 = arith.divf %broadcast_in_dim3A_64, %add3A_73 : vector<64x1xf32>
    %broadcast_in_dim3A_76 = arith.constant 0.000000e+00 : f32
    %broadcast_in_dim3A_77 = vector.broadcast %broadcast_in_dim3A_76 : f32 to vector<64x128xf32>
    %get3A_78 = arith.constant 0 : index
    %get3A_79 = arith.constant 0 : index
    %get3A_80 = arith.constant 0 : index
    %get3A_81 = vector.load %arg7[%get3A_78, %get3A_79, %get3A_80] : memref<8x256x256xf32, #tpu.memory_space<vmem>>, vector<1x256x256xf32>
    %get3A_82 = vector.shape_cast %get3A_81 : vector<1x256x256xf32> to vector<256x256xf32>
    %dot_general3A_83 = arith.constant dense<0.000000e+00> : vector<64x256xf32>
    %dot_general3A_84 = tpu.matmul %add3A_27, %get3A_82, %dot_general3A_83 {dimension_numbers = #tpu.dot_dimension_numbers<[1], [1], [0], [0], [0, 0, 1, 0], [], []>, transpose_lhs_hint = false} : vector<64x256xf32>, vector<256x256xf32>, vector<64x256xf32> -> vector<64x256xf32>
    %get3A_85 = arith.constant 0 : index
    %get3A_86 = arith.constant 0 : index
    %get3A_87 = arith.constant 0 : index
    %get3A_88 = vector.load %arg8[%get3A_85, %get3A_86, %get3A_87] : memref<8x1x256xf32, #tpu.memory_space<vmem>>, vector<1x1x256xf32>
    %get3A_89 = vector.shape_cast %get3A_88 : vector<1x1x256xf32> to vector<1x256xf32>
    %add3A_90 = vector.broadcast %get3A_89 : vector<1x256xf32> to vector<64x256xf32>
    %add3A_91 = arith.addf %dot_general3A_84, %add3A_90 : vector<64x256xf32>
    %get3A_92 = arith.constant 0 : index
    %get3A_93 = arith.constant 0 : index
    %get3A_94 = arith.constant 0 : index
    %get3A_95 = vector.load %arg9[%get3A_92, %get3A_93, %get3A_94] : memref<8x1x256xf32, #tpu.memory_space<vmem>>, vector<1x1x256xf32>
    %get3A_96 = vector.shape_cast %get3A_95 : vector<1x1x256xf32> to vector<1x256xf32>
    %get3A_97 = arith.constant 0 : index
    %get3A_98 = arith.constant 0 : index
    %get3A_99 = arith.constant 0 : index
    %get3A_100 = vector.load %arg10[%get3A_97, %get3A_98, %get3A_99] : memref<8x1x256xf32, #tpu.memory_space<vmem>>, vector<1x1x256xf32>
    %get3A_101 = vector.shape_cast %get3A_100 : vector<1x1x256xf32> to vector<1x256xf32>
    %reduce_sum3A_102 = arith.constant dense<0.000000e+00> : vector<64xf32>
    %reduce_sum3A_103 = vector.multi_reduction <add>, %add3A_91, %reduce_sum3A_102 [1] : vector<64x256xf32> to vector<64xf32>
    %broadcast_in_dim3A_104 = vector.shape_cast %reduce_sum3A_103 : vector<64xf32> to vector<64x1xf32>
    %div3A_105 = arith.constant 2.560000e+02 : f32
    %div3A_106 = vector.broadcast %div3A_105 : f32 to vector<64x1xf32>
    %div3A_107 = arith.divf %broadcast_in_dim3A_104, %div3A_106 : vector<64x1xf32>
    %sub3A_108 = vector.broadcast %div3A_107 : vector<64x1xf32> to vector<64x256xf32>
    %sub3A_109 = arith.subf %add3A_91, %sub3A_108 : vector<64x256xf32>
    %integer_pow3A = arith.mulf %sub3A_109, %sub3A_109 : vector<64x256xf32>
    %reduce_sum3A_110 = arith.constant dense<0.000000e+00> : vector<64xf32>
    %reduce_sum3A_111 = vector.multi_reduction <add>, %integer_pow3A, %reduce_sum3A_110 [1] : vector<64x256xf32> to vector<64xf32>
    %broadcast_in_dim3A_112 = vector.shape_cast %reduce_sum3A_111 : vector<64xf32> to vector<64x1xf32>
    %div3A_113 = arith.constant 2.560000e+02 : f32
    %div3A_114 = vector.broadcast %div3A_113 : f32 to vector<64x1xf32>
    %div3A_115 = arith.divf %broadcast_in_dim3A_112, %div3A_114 : vector<64x1xf32>
    %sub3A_116 = vector.broadcast %div3A_107 : vector<64x1xf32> to vector<64x256xf32>
    %sub3A_117 = arith.subf %add3A_91, %sub3A_116 : vector<64x256xf32>
    %add3A_118 = arith.constant 9.99999974E-6 : f32
    %add3A_119 = vector.broadcast %add3A_118 : f32 to vector<64x1xf32>
    %add3A_120 = arith.addf %div3A_115, %add3A_119 : vector<64x1xf32>
    %sqrt3A = math.sqrt %add3A_120 : vector<64x1xf32>
    %div3A_121 = vector.broadcast %sqrt3A : vector<64x1xf32> to vector<64x256xf32>
    %div3A_122 = arith.divf %sub3A_117, %div3A_121 : vector<64x256xf32>
    %mul3A = vector.broadcast %get3A_96 : vector<1x256xf32> to vector<64x256xf32>
    %mul3A_123 = arith.mulf %div3A_122, %mul3A : vector<64x256xf32>
    %add3A_124 = vector.broadcast %get3A_101 : vector<1x256xf32> to vector<64x256xf32>
    %add3A_125 = arith.addf %mul3A_123, %add3A_124 : vector<64x256xf32>
    %mul3A_126 = arith.constant 5.000000e-01 : f32
    %mul3A_127 = vector.broadcast %mul3A_126 : f32 to vector<64x256xf32>
    %mul3A_128 = arith.mulf %mul3A_127, %add3A_125 : vector<64x256xf32>
    %mul3A_129 = arith.constant 0.707106769 : f32
    %mul3A_130 = vector.broadcast %mul3A_129 : f32 to vector<64x256xf32>
    %mul3A_131 = arith.mulf %add3A_125, %mul3A_130 : vector<64x256xf32>
    %erf3A = math.erf %mul3A_131 : vector<64x256xf32>
    %add3A_132 = arith.constant 1.000000e+00 : f32
    %add3A_133 = vector.broadcast %add3A_132 : f32 to vector<64x256xf32>
    %add3A_134 = arith.addf %add3A_133, %erf3A : vector<64x256xf32>
    %mul3A_135 = arith.mulf %mul3A_128, %add3A_134 : vector<64x256xf32>
    %get3A_136 = arith.constant 0 : index
    %get3A_137 = arith.constant 0 : index
    %get3A_138 = arith.constant 0 : index
    %get3A_139 = vector.load %arg11[%get3A_136, %get3A_137, %get3A_138] : memref<8x128x256xf32, #tpu.memory_space<vmem>>, vector<1x128x256xf32>
    %get3A_140 = vector.shape_cast %get3A_139 : vector<1x128x256xf32> to vector<128x256xf32>
    %dot_general3A_141 = arith.constant dense<0.000000e+00> : vector<64x128xf32>
    %dot_general3A_142 = tpu.matmul %mul3A_135, %get3A_140, %dot_general3A_141 {dimension_numbers = #tpu.dot_dimension_numbers<[1], [1], [0], [0], [0, 0, 1, 0], [], []>, transpose_lhs_hint = false} : vector<64x256xf32>, vector<128x256xf32>, vector<64x128xf32> -> vector<64x128xf32>
    %get3A_143 = arith.constant 0 : index
    %get3A_144 = arith.constant 0 : index
    %get3A_145 = arith.constant 0 : index
    %get3A_146 = vector.load %arg12[%get3A_143, %get3A_144, %get3A_145] : memref<8x1x128xf32, #tpu.memory_space<vmem>>, vector<1x1x128xf32>
    %get3A_147 = vector.shape_cast %get3A_146 : vector<1x1x128xf32> to vector<1x128xf32>
    %add3A_148 = vector.broadcast %get3A_147 : vector<1x128xf32> to vector<64x128xf32>
    %add3A_149 = arith.addf %dot_general3A_142, %add3A_148 : vector<64x128xf32>
    %get3A_150 = arith.constant 0 : index
    %get3A_151 = arith.constant 0 : index
    %get3A_152 = arith.constant 0 : index
    %get3A_153 = vector.load %arg13[%get3A_150, %get3A_151, %get3A_152] : memref<8x1x128xf32, #tpu.memory_space<vmem>>, vector<1x1x128xf32>
    %get3A_154 = vector.shape_cast %get3A_153 : vector<1x1x128xf32> to vector<1x128xf32>
    %get3A_155 = arith.constant 0 : index
    %get3A_156 = arith.constant 0 : index
    %get3A_157 = arith.constant 0 : index
    %get3A_158 = vector.load %arg14[%get3A_155, %get3A_156, %get3A_157] : memref<8x1x128xf32, #tpu.memory_space<vmem>>, vector<1x1x128xf32>
    %get3A_159 = vector.shape_cast %get3A_158 : vector<1x1x128xf32> to vector<1x128xf32>
    %reduce_sum3A_160 = arith.constant dense<0.000000e+00> : vector<64xf32>
    %reduce_sum3A_161 = vector.multi_reduction <add>, %add3A_149, %reduce_sum3A_160 [1] : vector<64x128xf32> to vector<64xf32>
    %broadcast_in_dim3A_162 = vector.shape_cast %reduce_sum3A_161 : vector<64xf32> to vector<64x1xf32>
    %div3A_163 = arith.constant 1.280000e+02 : f32
    %div3A_164 = vector.broadcast %div3A_163 : f32 to vector<64x1xf32>
    %div3A_165 = arith.divf %broadcast_in_dim3A_162, %div3A_164 : vector<64x1xf32>
    %sub3A_166 = vector.broadcast %div3A_165 : vector<64x1xf32> to vector<64x128xf32>
    %sub3A_167 = arith.subf %add3A_149, %sub3A_166 : vector<64x128xf32>
    %integer_pow3A_168 = arith.mulf %sub3A_167, %sub3A_167 : vector<64x128xf32>
    %reduce_sum3A_169 = arith.constant dense<0.000000e+00> : vector<64xf32>
    %reduce_sum3A_170 = vector.multi_reduction <add>, %integer_pow3A_168, %reduce_sum3A_169 [1] : vector<64x128xf32> to vector<64xf32>
    %broadcast_in_dim3A_171 = vector.shape_cast %reduce_sum3A_170 : vector<64xf32> to vector<64x1xf32>
    %div3A_172 = arith.constant 1.280000e+02 : f32
    %div3A_173 = vector.broadcast %div3A_172 : f32 to vector<64x1xf32>
    %div3A_174 = arith.divf %broadcast_in_dim3A_171, %div3A_173 : vector<64x1xf32>
    %sub3A_175 = vector.broadcast %div3A_165 : vector<64x1xf32> to vector<64x128xf32>
    %sub3A_176 = arith.subf %add3A_149, %sub3A_175 : vector<64x128xf32>
    %add3A_177 = arith.constant 9.99999974E-6 : f32
    %add3A_178 = vector.broadcast %add3A_177 : f32 to vector<64x1xf32>
    %add3A_179 = arith.addf %div3A_174, %add3A_178 : vector<64x1xf32>
    %sqrt3A_180 = math.sqrt %add3A_179 : vector<64x1xf32>
    %div3A_181 = vector.broadcast %sqrt3A_180 : vector<64x1xf32> to vector<64x128xf32>
    %div3A_182 = arith.divf %sub3A_176, %div3A_181 : vector<64x128xf32>
    %mul3A_183 = vector.broadcast %get3A_154 : vector<1x128xf32> to vector<64x128xf32>
    %mul3A_184 = arith.mulf %div3A_182, %mul3A_183 : vector<64x128xf32>
    %add3A_185 = vector.broadcast %get3A_159 : vector<1x128xf32> to vector<64x128xf32>
    %add3A_186 = arith.addf %mul3A_184, %add3A_185 : vector<64x128xf32>
    %mul3A_187 = arith.constant 5.000000e-01 : f32
    %mul3A_188 = vector.broadcast %mul3A_187 : f32 to vector<64x128xf32>
    %mul3A_189 = arith.mulf %mul3A_188, %add3A_186 : vector<64x128xf32>
    %mul3A_190 = arith.constant 0.707106769 : f32
    %mul3A_191 = vector.broadcast %mul3A_190 : f32 to vector<64x128xf32>
    %mul3A_192 = arith.mulf %add3A_186, %mul3A_191 : vector<64x128xf32>
    %erf3A_193 = math.erf %mul3A_192 : vector<64x128xf32>
    %add3A_194 = arith.constant 1.000000e+00 : f32
    %add3A_195 = vector.broadcast %add3A_194 : f32 to vector<64x128xf32>
    %add3A_196 = arith.addf %add3A_195, %erf3A_193 : vector<64x128xf32>
    %mul3A_197 = arith.mulf %mul3A_189, %add3A_196 : vector<64x128xf32>
    %get3A_198 = arith.constant 0 : index
    %get3A_199 = arith.constant 0 : index
    %get3A_200 = arith.constant 0 : index
    %get3A_201 = vector.load %arg15[%get3A_198, %get3A_199, %get3A_200] : memref<8x128x128xf32, #tpu.memory_space<vmem>>, vector<1x128x128xf32>
    %get3A_202 = vector.shape_cast %get3A_201 : vector<1x128x128xf32> to vector<128x128xf32>
    %dot_general3A_203 = arith.constant dense<0.000000e+00> : vector<64x128xf32>
    %dot_general3A_204 = tpu.matmul %mul3A_197, %get3A_202, %dot_general3A_203 {dimension_numbers = #tpu.dot_dimension_numbers<[1], [1], [0], [0], [0, 0, 1, 0], [], []>, transpose_lhs_hint = false} : vector<64x128xf32>, vector<128x128xf32>, vector<64x128xf32> -> vector<64x128xf32>
    %get3A_205 = arith.constant 0 : index
    %get3A_206 = arith.constant 0 : index
    %get3A_207 = arith.constant 0 : index
    %get3A_208 = vector.load %arg16[%get3A_205, %get3A_206, %get3A_207] : memref<8x1x128xf32, #tpu.memory_space<vmem>>, vector<1x1x128xf32>
    %get3A_209 = vector.shape_cast %get3A_208 : vector<1x1x128xf32> to vector<1x128xf32>
    %add3A_210 = vector.broadcast %get3A_209 : vector<1x128xf32> to vector<64x128xf32>
    %add3A_211 = arith.addf %dot_general3A_204, %add3A_210 : vector<64x128xf32>
    %eq3A_212 = arith.constant 0 : i32
    %eq3A_213 = vector.broadcast %eq3A_212 : i32 to vector<64x1xi32>
    %eq3A_214 = arith.cmpi eq, %broadcast_in_dim3A_56, %eq3A_213 : vector<64x1xi32>
    %jit3A_215 = arith.constant 0.000000e+00 : f32
    %broadcast_in_dim3A_216 = vector.broadcast %jit3A_215 : f32 to vector<64x1xf32>
    %select_n3A_217 = arith.select %eq3A_214, %div3A_74, %broadcast_in_dim3A_216 : vector<64x1xi1>, vector<64x1xf32>
    %eq3A_218 = arith.constant 0 : i32
    %eq3A_219 = vector.broadcast %eq3A_218 : i32 to vector<64x1xi32>
    %eq3A_220 = arith.cmpi eq, %broadcast_in_dim3A_72, %eq3A_219 : vector<64x1xi32>
    %jit3A_221 = arith.constant 0.000000e+00 : f32
    %broadcast_in_dim3A_222 = vector.broadcast %jit3A_221 : f32 to vector<64x1xf32>
    %select_n3A_223 = arith.select %eq3A_220, %div3A_75, %broadcast_in_dim3A_222 : vector<64x1xi1>, vector<64x1xf32>
    %add3A_224 = arith.addf %select_n3A_217, %select_n3A_223 : vector<64x1xf32>
    %mul3A_225 = vector.broadcast %add3A_224 : vector<64x1xf32> to vector<64x128xf32>
    %mul3A_226 = arith.mulf %mul3A_225, %add3A_211 : vector<64x128xf32>
    %add3A_227 = arith.addf %broadcast_in_dim3A_77, %mul3A_226 : vector<64x128xf32>
    %get3A_228 = arith.constant 1 : index
    %get3A_229 = arith.constant 0 : index
    %get3A_230 = arith.constant 0 : index
    %get3A_231 = vector.load %arg7[%get3A_228, %get3A_229, %get3A_230] : memref<8x256x256xf32, #tpu.memory_space<vmem>>, vector<1x256x256xf32>
    %get3A_232 = vector.shape_cast %get3A_231 : vector<1x256x256xf32> to vector<256x256xf32>
    %dot_general3A_233 = arith.constant dense<0.000000e+00> : vector<64x256xf32>
    %dot_general3A_234 = tpu.matmul %add3A_27, %get3A_232, %dot_general3A_233 {dimension_numbers = #tpu.dot_dimension_numbers<[1], [1], [0], [0], [0, 0, 1, 0], [], []>, transpose_lhs_hint = false} : vector<64x256xf32>, vector<256x256xf32>, vector<64x256xf32> -> vector<64x256xf32>
    %get3A_235 = arith.constant 1 : index
    %get3A_236 = arith.constant 0 : index
    %get3A_237 = arith.constant 0 : index
    %get3A_238 = vector.load %arg8[%get3A_235, %get3A_236, %get3A_237] : memref<8x1x256xf32, #tpu.memory_space<vmem>>, vector<1x1x256xf32>
    %get3A_239 = vector.shape_cast %get3A_238 : vector<1x1x256xf32> to vector<1x256xf32>
    %add3A_240 = vector.broadcast %get3A_239 : vector<1x256xf32> to vector<64x256xf32>
    %add3A_241 = arith.addf %dot_general3A_234, %add3A_240 : vector<64x256xf32>
    %get3A_242 = arith.constant 1 : index
    %get3A_243 = arith.constant 0 : index
    %get3A_244 = arith.constant 0 : index
    %get3A_245 = vector.load %arg9[%get3A_242, %get3A_243, %get3A_244] : memref<8x1x256xf32, #tpu.memory_space<vmem>>, vector<1x1x256xf32>
    %get3A_246 = vector.shape_cast %get3A_245 : vector<1x1x256xf32> to vector<1x256xf32>
    %get3A_247 = arith.constant 1 : index
    %get3A_248 = arith.constant 0 : index
    %get3A_249 = arith.constant 0 : index
    %get3A_250 = vector.load %arg10[%get3A_247, %get3A_248, %get3A_249] : memref<8x1x256xf32, #tpu.memory_space<vmem>>, vector<1x1x256xf32>
    %get3A_251 = vector.shape_cast %get3A_250 : vector<1x1x256xf32> to vector<1x256xf32>
    %reduce_sum3A_252 = arith.constant dense<0.000000e+00> : vector<64xf32>
    %reduce_sum3A_253 = vector.multi_reduction <add>, %add3A_241, %reduce_sum3A_252 [1] : vector<64x256xf32> to vector<64xf32>
    %broadcast_in_dim3A_254 = vector.shape_cast %reduce_sum3A_253 : vector<64xf32> to vector<64x1xf32>
    %div3A_255 = arith.constant 2.560000e+02 : f32
    %div3A_256 = vector.broadcast %div3A_255 : f32 to vector<64x1xf32>
    %div3A_257 = arith.divf %broadcast_in_dim3A_254, %div3A_256 : vector<64x1xf32>
    %sub3A_258 = vector.broadcast %div3A_257 : vector<64x1xf32> to vector<64x256xf32>
    %sub3A_259 = arith.subf %add3A_241, %sub3A_258 : vector<64x256xf32>
    %integer_pow3A_260 = arith.mulf %sub3A_259, %sub3A_259 : vector<64x256xf32>
    %reduce_sum3A_261 = arith.constant dense<0.000000e+00> : vector<64xf32>
    %reduce_sum3A_262 = vector.multi_reduction <add>, %integer_pow3A_260, %reduce_sum3A_261 [1] : vector<64x256xf32> to vector<64xf32>
    %broadcast_in_dim3A_263 = vector.shape_cast %reduce_sum3A_262 : vector<64xf32> to vector<64x1xf32>
    %div3A_264 = arith.constant 2.560000e+02 : f32
    %div3A_265 = vector.broadcast %div3A_264 : f32 to vector<64x1xf32>
    %div3A_266 = arith.divf %broadcast_in_dim3A_263, %div3A_265 : vector<64x1xf32>
    %sub3A_267 = vector.broadcast %div3A_257 : vector<64x1xf32> to vector<64x256xf32>
    %sub3A_268 = arith.subf %add3A_241, %sub3A_267 : vector<64x256xf32>
    %add3A_269 = arith.constant 9.99999974E-6 : f32
    %add3A_270 = vector.broadcast %add3A_269 : f32 to vector<64x1xf32>
    %add3A_271 = arith.addf %div3A_266, %add3A_270 : vector<64x1xf32>
    %sqrt3A_272 = math.sqrt %add3A_271 : vector<64x1xf32>
    %div3A_273 = vector.broadcast %sqrt3A_272 : vector<64x1xf32> to vector<64x256xf32>
    %div3A_274 = arith.divf %sub3A_268, %div3A_273 : vector<64x256xf32>
    %mul3A_275 = vector.broadcast %get3A_246 : vector<1x256xf32> to vector<64x256xf32>
    %mul3A_276 = arith.mulf %div3A_274, %mul3A_275 : vector<64x256xf32>
    %add3A_277 = vector.broadcast %get3A_251 : vector<1x256xf32> to vector<64x256xf32>
    %add3A_278 = arith.addf %mul3A_276, %add3A_277 : vector<64x256xf32>
    %mul3A_279 = arith.constant 5.000000e-01 : f32
    %mul3A_280 = vector.broadcast %mul3A_279 : f32 to vector<64x256xf32>
    %mul3A_281 = arith.mulf %mul3A_280, %add3A_278 : vector<64x256xf32>
    %mul3A_282 = arith.constant 0.707106769 : f32
    %mul3A_283 = vector.broadcast %mul3A_282 : f32 to vector<64x256xf32>
    %mul3A_284 = arith.mulf %add3A_278, %mul3A_283 : vector<64x256xf32>
    %erf3A_285 = math.erf %mul3A_284 : vector<64x256xf32>
    %add3A_286 = arith.constant 1.000000e+00 : f32
    %add3A_287 = vector.broadcast %add3A_286 : f32 to vector<64x256xf32>
    %add3A_288 = arith.addf %add3A_287, %erf3A_285 : vector<64x256xf32>
    %mul3A_289 = arith.mulf %mul3A_281, %add3A_288 : vector<64x256xf32>
    %get3A_290 = arith.constant 1 : index
    %get3A_291 = arith.constant 0 : index
    %get3A_292 = arith.constant 0 : index
    %get3A_293 = vector.load %arg11[%get3A_290, %get3A_291, %get3A_292] : memref<8x128x256xf32, #tpu.memory_space<vmem>>, vector<1x128x256xf32>
    %get3A_294 = vector.shape_cast %get3A_293 : vector<1x128x256xf32> to vector<128x256xf32>
    %dot_general3A_295 = arith.constant dense<0.000000e+00> : vector<64x128xf32>
    %dot_general3A_296 = tpu.matmul %mul3A_289, %get3A_294, %dot_general3A_295 {dimension_numbers = #tpu.dot_dimension_numbers<[1], [1], [0], [0], [0, 0, 1, 0], [], []>, transpose_lhs_hint = false} : vector<64x256xf32>, vector<128x256xf32>, vector<64x128xf32> -> vector<64x128xf32>
    %get3A_297 = arith.constant 1 : index
    %get3A_298 = arith.constant 0 : index
    %get3A_299 = arith.constant 0 : index
    %get3A_300 = vector.load %arg12[%get3A_297, %get3A_298, %get3A_299] : memref<8x1x128xf32, #tpu.memory_space<vmem>>, vector<1x1x128xf32>
    %get3A_301 = vector.shape_cast %get3A_300 : vector<1x1x128xf32> to vector<1x128xf32>
    %add3A_302 = vector.broadcast %get3A_301 : vector<1x128xf32> to vector<64x128xf32>
    %add3A_303 = arith.addf %dot_general3A_296, %add3A_302 : vector<64x128xf32>
    %get3A_304 = arith.constant 1 : index
    %get3A_305 = arith.constant 0 : index
    %get3A_306 = arith.constant 0 : index
    %get3A_307 = vector.load %arg13[%get3A_304, %get3A_305, %get3A_306] : memref<8x1x128xf32, #tpu.memory_space<vmem>>, vector<1x1x128xf32>
    %get3A_308 = vector.shape_cast %get3A_307 : vector<1x1x128xf32> to vector<1x128xf32>
    %get3A_309 = arith.constant 1 : index
    %get3A_310 = arith.constant 0 : index
    %get3A_311 = arith.constant 0 : index
    %get3A_312 = vector.load %arg14[%get3A_309, %get3A_310, %get3A_311] : memref<8x1x128xf32, #tpu.memory_space<vmem>>, vector<1x1x128xf32>
    %get3A_313 = vector.shape_cast %get3A_312 : vector<1x1x128xf32> to vector<1x128xf32>
    %reduce_sum3A_314 = arith.constant dense<0.000000e+00> : vector<64xf32>
    %reduce_sum3A_315 = vector.multi_reduction <add>, %add3A_303, %reduce_sum3A_314 [1] : vector<64x128xf32> to vector<64xf32>
    %broadcast_in_dim3A_316 = vector.shape_cast %reduce_sum3A_315 : vector<64xf32> to vector<64x1xf32>
    %div3A_317 = arith.constant 1.280000e+02 : f32
    %div3A_318 = vector.broadcast %div3A_317 : f32 to vector<64x1xf32>
    %div3A_319 = arith.divf %broadcast_in_dim3A_316, %div3A_318 : vector<64x1xf32>
    %sub3A_320 = vector.broadcast %div3A_319 : vector<64x1xf32> to vector<64x128xf32>
    %sub3A_321 = arith.subf %add3A_303, %sub3A_320 : vector<64x128xf32>
    %integer_pow3A_322 = arith.mulf %sub3A_321, %sub3A_321 : vector<64x128xf32>
    %reduce_sum3A_323 = arith.constant dense<0.000000e+00> : vector<64xf32>
    %reduce_sum3A_324 = vector.multi_reduction <add>, %integer_pow3A_322, %reduce_sum3A_323 [1] : vector<64x128xf32> to vector<64xf32>
    %broadcast_in_dim3A_325 = vector.shape_cast %reduce_sum3A_324 : vector<64xf32> to vector<64x1xf32>
    %div3A_326 = arith.constant 1.280000e+02 : f32
    %div3A_327 = vector.broadcast %div3A_326 : f32 to vector<64x1xf32>
    %div3A_328 = arith.divf %broadcast_in_dim3A_325, %div3A_327 : vector<64x1xf32>
    %sub3A_329 = vector.broadcast %div3A_319 : vector<64x1xf32> to vector<64x128xf32>
    %sub3A_330 = arith.subf %add3A_303, %sub3A_329 : vector<64x128xf32>
    %add3A_331 = arith.constant 9.99999974E-6 : f32
    %add3A_332 = vector.broadcast %add3A_331 : f32 to vector<64x1xf32>
    %add3A_333 = arith.addf %div3A_328, %add3A_332 : vector<64x1xf32>
    %sqrt3A_334 = math.sqrt %add3A_333 : vector<64x1xf32>
    %div3A_335 = vector.broadcast %sqrt3A_334 : vector<64x1xf32> to vector<64x128xf32>
    %div3A_336 = arith.divf %sub3A_330, %div3A_335 : vector<64x128xf32>
    %mul3A_337 = vector.broadcast %get3A_308 : vector<1x128xf32> to vector<64x128xf32>
    %mul3A_338 = arith.mulf %div3A_336, %mul3A_337 : vector<64x128xf32>
    %add3A_339 = vector.broadcast %get3A_313 : vector<1x128xf32> to vector<64x128xf32>
    %add3A_340 = arith.addf %mul3A_338, %add3A_339 : vector<64x128xf32>
    %mul3A_341 = arith.constant 5.000000e-01 : f32
    %mul3A_342 = vector.broadcast %mul3A_341 : f32 to vector<64x128xf32>
    %mul3A_343 = arith.mulf %mul3A_342, %add3A_340 : vector<64x128xf32>
    %mul3A_344 = arith.constant 0.707106769 : f32
    %mul3A_345 = vector.broadcast %mul3A_344 : f32 to vector<64x128xf32>
    %mul3A_346 = arith.mulf %add3A_340, %mul3A_345 : vector<64x128xf32>
    %erf3A_347 = math.erf %mul3A_346 : vector<64x128xf32>
    %add3A_348 = arith.constant 1.000000e+00 : f32
    %add3A_349 = vector.broadcast %add3A_348 : f32 to vector<64x128xf32>
    %add3A_350 = arith.addf %add3A_349, %erf3A_347 : vector<64x128xf32>
    %mul3A_351 = arith.mulf %mul3A_343, %add3A_350 : vector<64x128xf32>
    %get3A_352 = arith.constant 1 : index
    %get3A_353 = arith.constant 0 : index
    %get3A_354 = arith.constant 0 : index
    %get3A_355 = vector.load %arg15[%get3A_352, %get3A_353, %get3A_354] : memref<8x128x128xf32, #tpu.memory_space<vmem>>, vector<1x128x128xf32>
    %get3A_356 = vector.shape_cast %get3A_355 : vector<1x128x128xf32> to vector<128x128xf32>
    %dot_general3A_357 = arith.constant dense<0.000000e+00> : vector<64x128xf32>
    %dot_general3A_358 = tpu.matmul %mul3A_351, %get3A_356, %dot_general3A_357 {dimension_numbers = #tpu.dot_dimension_numbers<[1], [1], [0], [0], [0, 0, 1, 0], [], []>, transpose_lhs_hint = false} : vector<64x128xf32>, vector<128x128xf32>, vector<64x128xf32> -> vector<64x128xf32>
    %get3A_359 = arith.constant 1 : index
    %get3A_360 = arith.constant 0 : index
    %get3A_361 = arith.constant 0 : index
    %get3A_362 = vector.load %arg16[%get3A_359, %get3A_360, %get3A_361] : memref<8x1x128xf32, #tpu.memory_space<vmem>>, vector<1x1x128xf32>
    %get3A_363 = vector.shape_cast %get3A_362 : vector<1x1x128xf32> to vector<1x128xf32>
    %add3A_364 = vector.broadcast %get3A_363 : vector<1x128xf32> to vector<64x128xf32>
    %add3A_365 = arith.addf %dot_general3A_358, %add3A_364 : vector<64x128xf32>
    %eq3A_366 = arith.constant 1 : i32
    %eq3A_367 = vector.broadcast %eq3A_366 : i32 to vector<64x1xi32>
    %eq3A_368 = arith.cmpi eq, %broadcast_in_dim3A_56, %eq3A_367 : vector<64x1xi32>
    %jit3A_369 = arith.constant 0.000000e+00 : f32
    %broadcast_in_dim3A_370 = vector.broadcast %jit3A_369 : f32 to vector<64x1xf32>
    %select_n3A_371 = arith.select %eq3A_368, %div3A_74, %broadcast_in_dim3A_370 : vector<64x1xi1>, vector<64x1xf32>
    %eq3A_372 = arith.constant 1 : i32
    %eq3A_373 = vector.broadcast %eq3A_372 : i32 to vector<64x1xi32>
    %eq3A_374 = arith.cmpi eq, %broadcast_in_dim3A_72, %eq3A_373 : vector<64x1xi32>
    %jit3A_375 = arith.constant 0.000000e+00 : f32
    %broadcast_in_dim3A_376 = vector.broadcast %jit3A_375 : f32 to vector<64x1xf32>
    %select_n3A_377 = arith.select %eq3A_374, %div3A_75, %broadcast_in_dim3A_376 : vector<64x1xi1>, vector<64x1xf32>
    %add3A_378 = arith.addf %select_n3A_371, %select_n3A_377 : vector<64x1xf32>
    %mul3A_379 = vector.broadcast %add3A_378 : vector<64x1xf32> to vector<64x128xf32>
    %mul3A_380 = arith.mulf %mul3A_379, %add3A_365 : vector<64x128xf32>
    %add3A_381 = arith.addf %add3A_227, %mul3A_380 : vector<64x128xf32>
    %get3A_382 = arith.constant 2 : index
    %get3A_383 = arith.constant 0 : index
    %get3A_384 = arith.constant 0 : index
    %get3A_385 = vector.load %arg7[%get3A_382, %get3A_383, %get3A_384] : memref<8x256x256xf32, #tpu.memory_space<vmem>>, vector<1x256x256xf32>
    %get3A_386 = vector.shape_cast %get3A_385 : vector<1x256x256xf32> to vector<256x256xf32>
    %dot_general3A_387 = arith.constant dense<0.000000e+00> : vector<64x256xf32>
    %dot_general3A_388 = tpu.matmul %add3A_27, %get3A_386, %dot_general3A_387 {dimension_numbers = #tpu.dot_dimension_numbers<[1], [1], [0], [0], [0, 0, 1, 0], [], []>, transpose_lhs_hint = false} : vector<64x256xf32>, vector<256x256xf32>, vector<64x256xf32> -> vector<64x256xf32>
    %get3A_389 = arith.constant 2 : index
    %get3A_390 = arith.constant 0 : index
    %get3A_391 = arith.constant 0 : index
    %get3A_392 = vector.load %arg8[%get3A_389, %get3A_390, %get3A_391] : memref<8x1x256xf32, #tpu.memory_space<vmem>>, vector<1x1x256xf32>
    %get3A_393 = vector.shape_cast %get3A_392 : vector<1x1x256xf32> to vector<1x256xf32>
    %add3A_394 = vector.broadcast %get3A_393 : vector<1x256xf32> to vector<64x256xf32>
    %add3A_395 = arith.addf %dot_general3A_388, %add3A_394 : vector<64x256xf32>
    %get3A_396 = arith.constant 2 : index
    %get3A_397 = arith.constant 0 : index
    %get3A_398 = arith.constant 0 : index
    %get3A_399 = vector.load %arg9[%get3A_396, %get3A_397, %get3A_398] : memref<8x1x256xf32, #tpu.memory_space<vmem>>, vector<1x1x256xf32>
    %get3A_400 = vector.shape_cast %get3A_399 : vector<1x1x256xf32> to vector<1x256xf32>
    %get3A_401 = arith.constant 2 : index
    %get3A_402 = arith.constant 0 : index
    %get3A_403 = arith.constant 0 : index
    %get3A_404 = vector.load %arg10[%get3A_401, %get3A_402, %get3A_403] : memref<8x1x256xf32, #tpu.memory_space<vmem>>, vector<1x1x256xf32>
    %get3A_405 = vector.shape_cast %get3A_404 : vector<1x1x256xf32> to vector<1x256xf32>
    %reduce_sum3A_406 = arith.constant dense<0.000000e+00> : vector<64xf32>
    %reduce_sum3A_407 = vector.multi_reduction <add>, %add3A_395, %reduce_sum3A_406 [1] : vector<64x256xf32> to vector<64xf32>
    %broadcast_in_dim3A_408 = vector.shape_cast %reduce_sum3A_407 : vector<64xf32> to vector<64x1xf32>
    %div3A_409 = arith.constant 2.560000e+02 : f32
    %div3A_410 = vector.broadcast %div3A_409 : f32 to vector<64x1xf32>
    %div3A_411 = arith.divf %broadcast_in_dim3A_408, %div3A_410 : vector<64x1xf32>
    %sub3A_412 = vector.broadcast %div3A_411 : vector<64x1xf32> to vector<64x256xf32>
    %sub3A_413 = arith.subf %add3A_395, %sub3A_412 : vector<64x256xf32>
    %integer_pow3A_414 = arith.mulf %sub3A_413, %sub3A_413 : vector<64x256xf32>
    %reduce_sum3A_415 = arith.constant dense<0.000000e+00> : vector<64xf32>
    %reduce_sum3A_416 = vector.multi_reduction <add>, %integer_pow3A_414, %reduce_sum3A_415 [1] : vector<64x256xf32> to vector<64xf32>
    %broadcast_in_dim3A_417 = vector.shape_cast %reduce_sum3A_416 : vector<64xf32> to vector<64x1xf32>
    %div3A_418 = arith.constant 2.560000e+02 : f32
    %div3A_419 = vector.broadcast %div3A_418 : f32 to vector<64x1xf32>
    %div3A_420 = arith.divf %broadcast_in_dim3A_417, %div3A_419 : vector<64x1xf32>
    %sub3A_421 = vector.broadcast %div3A_411 : vector<64x1xf32> to vector<64x256xf32>
    %sub3A_422 = arith.subf %add3A_395, %sub3A_421 : vector<64x256xf32>
    %add3A_423 = arith.constant 9.99999974E-6 : f32
    %add3A_424 = vector.broadcast %add3A_423 : f32 to vector<64x1xf32>
    %add3A_425 = arith.addf %div3A_420, %add3A_424 : vector<64x1xf32>
    %sqrt3A_426 = math.sqrt %add3A_425 : vector<64x1xf32>
    %div3A_427 = vector.broadcast %sqrt3A_426 : vector<64x1xf32> to vector<64x256xf32>
    %div3A_428 = arith.divf %sub3A_422, %div3A_427 : vector<64x256xf32>
    %mul3A_429 = vector.broadcast %get3A_400 : vector<1x256xf32> to vector<64x256xf32>
    %mul3A_430 = arith.mulf %div3A_428, %mul3A_429 : vector<64x256xf32>
    %add3A_431 = vector.broadcast %get3A_405 : vector<1x256xf32> to vector<64x256xf32>
    %add3A_432 = arith.addf %mul3A_430, %add3A_431 : vector<64x256xf32>
    %mul3A_433 = arith.constant 5.000000e-01 : f32
    %mul3A_434 = vector.broadcast %mul3A_433 : f32 to vector<64x256xf32>
    %mul3A_435 = arith.mulf %mul3A_434, %add3A_432 : vector<64x256xf32>
    %mul3A_436 = arith.constant 0.707106769 : f32
    %mul3A_437 = vector.broadcast %mul3A_436 : f32 to vector<64x256xf32>
    %mul3A_438 = arith.mulf %add3A_432, %mul3A_437 : vector<64x256xf32>
    %erf3A_439 = math.erf %mul3A_438 : vector<64x256xf32>
    %add3A_440 = arith.constant 1.000000e+00 : f32
    %add3A_441 = vector.broadcast %add3A_440 : f32 to vector<64x256xf32>
    %add3A_442 = arith.addf %add3A_441, %erf3A_439 : vector<64x256xf32>
    %mul3A_443 = arith.mulf %mul3A_435, %add3A_442 : vector<64x256xf32>
    %get3A_444 = arith.constant 2 : index
    %get3A_445 = arith.constant 0 : index
    %get3A_446 = arith.constant 0 : index
    %get3A_447 = vector.load %arg11[%get3A_444, %get3A_445, %get3A_446] : memref<8x128x256xf32, #tpu.memory_space<vmem>>, vector<1x128x256xf32>
    %get3A_448 = vector.shape_cast %get3A_447 : vector<1x128x256xf32> to vector<128x256xf32>
    %dot_general3A_449 = arith.constant dense<0.000000e+00> : vector<64x128xf32>
    %dot_general3A_450 = tpu.matmul %mul3A_443, %get3A_448, %dot_general3A_449 {dimension_numbers = #tpu.dot_dimension_numbers<[1], [1], [0], [0], [0, 0, 1, 0], [], []>, transpose_lhs_hint = false} : vector<64x256xf32>, vector<128x256xf32>, vector<64x128xf32> -> vector<64x128xf32>
    %get3A_451 = arith.constant 2 : index
    %get3A_452 = arith.constant 0 : index
    %get3A_453 = arith.constant 0 : index
    %get3A_454 = vector.load %arg12[%get3A_451, %get3A_452, %get3A_453] : memref<8x1x128xf32, #tpu.memory_space<vmem>>, vector<1x1x128xf32>
    %get3A_455 = vector.shape_cast %get3A_454 : vector<1x1x128xf32> to vector<1x128xf32>
    %add3A_456 = vector.broadcast %get3A_455 : vector<1x128xf32> to vector<64x128xf32>
    %add3A_457 = arith.addf %dot_general3A_450, %add3A_456 : vector<64x128xf32>
    %get3A_458 = arith.constant 2 : index
    %get3A_459 = arith.constant 0 : index
    %get3A_460 = arith.constant 0 : index
    %get3A_461 = vector.load %arg13[%get3A_458, %get3A_459, %get3A_460] : memref<8x1x128xf32, #tpu.memory_space<vmem>>, vector<1x1x128xf32>
    %get3A_462 = vector.shape_cast %get3A_461 : vector<1x1x128xf32> to vector<1x128xf32>
    %get3A_463 = arith.constant 2 : index
    %get3A_464 = arith.constant 0 : index
    %get3A_465 = arith.constant 0 : index
    %get3A_466 = vector.load %arg14[%get3A_463, %get3A_464, %get3A_465] : memref<8x1x128xf32, #tpu.memory_space<vmem>>, vector<1x1x128xf32>
    %get3A_467 = vector.shape_cast %get3A_466 : vector<1x1x128xf32> to vector<1x128xf32>
    %reduce_sum3A_468 = arith.constant dense<0.000000e+00> : vector<64xf32>
    %reduce_sum3A_469 = vector.multi_reduction <add>, %add3A_457, %reduce_sum3A_468 [1] : vector<64x128xf32> to vector<64xf32>
    %broadcast_in_dim3A_470 = vector.shape_cast %reduce_sum3A_469 : vector<64xf32> to vector<64x1xf32>
    %div3A_471 = arith.constant 1.280000e+02 : f32
    %div3A_472 = vector.broadcast %div3A_471 : f32 to vector<64x1xf32>
    %div3A_473 = arith.divf %broadcast_in_dim3A_470, %div3A_472 : vector<64x1xf32>
    %sub3A_474 = vector.broadcast %div3A_473 : vector<64x1xf32> to vector<64x128xf32>
    %sub3A_475 = arith.subf %add3A_457, %sub3A_474 : vector<64x128xf32>
    %integer_pow3A_476 = arith.mulf %sub3A_475, %sub3A_475 : vector<64x128xf32>
    %reduce_sum3A_477 = arith.constant dense<0.000000e+00> : vector<64xf32>
    %reduce_sum3A_478 = vector.multi_reduction <add>, %integer_pow3A_476, %reduce_sum3A_477 [1] : vector<64x128xf32> to vector<64xf32>
    %broadcast_in_dim3A_479 = vector.shape_cast %reduce_sum3A_478 : vector<64xf32> to vector<64x1xf32>
    %div3A_480 = arith.constant 1.280000e+02 : f32
    %div3A_481 = vector.broadcast %div3A_480 : f32 to vector<64x1xf32>
    %div3A_482 = arith.divf %broadcast_in_dim3A_479, %div3A_481 : vector<64x1xf32>
    %sub3A_483 = vector.broadcast %div3A_473 : vector<64x1xf32> to vector<64x128xf32>
    %sub3A_484 = arith.subf %add3A_457, %sub3A_483 : vector<64x128xf32>
    %add3A_485 = arith.constant 9.99999974E-6 : f32
    %add3A_486 = vector.broadcast %add3A_485 : f32 to vector<64x1xf32>
    %add3A_487 = arith.addf %div3A_482, %add3A_486 : vector<64x1xf32>
    %sqrt3A_488 = math.sqrt %add3A_487 : vector<64x1xf32>
    %div3A_489 = vector.broadcast %sqrt3A_488 : vector<64x1xf32> to vector<64x128xf32>
    %div3A_490 = arith.divf %sub3A_484, %div3A_489 : vector<64x128xf32>
    %mul3A_491 = vector.broadcast %get3A_462 : vector<1x128xf32> to vector<64x128xf32>
    %mul3A_492 = arith.mulf %div3A_490, %mul3A_491 : vector<64x128xf32>
    %add3A_493 = vector.broadcast %get3A_467 : vector<1x128xf32> to vector<64x128xf32>
    %add3A_494 = arith.addf %mul3A_492, %add3A_493 : vector<64x128xf32>
    %mul3A_495 = arith.constant 5.000000e-01 : f32
    %mul3A_496 = vector.broadcast %mul3A_495 : f32 to vector<64x128xf32>
    %mul3A_497 = arith.mulf %mul3A_496, %add3A_494 : vector<64x128xf32>
    %mul3A_498 = arith.constant 0.707106769 : f32
    %mul3A_499 = vector.broadcast %mul3A_498 : f32 to vector<64x128xf32>
    %mul3A_500 = arith.mulf %add3A_494, %mul3A_499 : vector<64x128xf32>
    %erf3A_501 = math.erf %mul3A_500 : vector<64x128xf32>
    %add3A_502 = arith.constant 1.000000e+00 : f32
    %add3A_503 = vector.broadcast %add3A_502 : f32 to vector<64x128xf32>
    %add3A_504 = arith.addf %add3A_503, %erf3A_501 : vector<64x128xf32>
    %mul3A_505 = arith.mulf %mul3A_497, %add3A_504 : vector<64x128xf32>
    %get3A_506 = arith.constant 2 : index
    %get3A_507 = arith.constant 0 : index
    %get3A_508 = arith.constant 0 : index
    %get3A_509 = vector.load %arg15[%get3A_506, %get3A_507, %get3A_508] : memref<8x128x128xf32, #tpu.memory_space<vmem>>, vector<1x128x128xf32>
    %get3A_510 = vector.shape_cast %get3A_509 : vector<1x128x128xf32> to vector<128x128xf32>
    %dot_general3A_511 = arith.constant dense<0.000000e+00> : vector<64x128xf32>
    %dot_general3A_512 = tpu.matmul %mul3A_505, %get3A_510, %dot_general3A_511 {dimension_numbers = #tpu.dot_dimension_numbers<[1], [1], [0], [0], [0, 0, 1, 0], [], []>, transpose_lhs_hint = false} : vector<64x128xf32>, vector<128x128xf32>, vector<64x128xf32> -> vector<64x128xf32>
    %get3A_513 = arith.constant 2 : index
    %get3A_514 = arith.constant 0 : index
    %get3A_515 = arith.constant 0 : index
    %get3A_516 = vector.load %arg16[%get3A_513, %get3A_514, %get3A_515] : memref<8x1x128xf32, #tpu.memory_space<vmem>>, vector<1x1x128xf32>
    %get3A_517 = vector.shape_cast %get3A_516 : vector<1x1x128xf32> to vector<1x128xf32>
    %add3A_518 = vector.broadcast %get3A_517 : vector<1x128xf32> to vector<64x128xf32>
    %add3A_519 = arith.addf %dot_general3A_512, %add3A_518 : vector<64x128xf32>
    %eq3A_520 = arith.constant 2 : i32
    %eq3A_521 = vector.broadcast %eq3A_520 : i32 to vector<64x1xi32>
    %eq3A_522 = arith.cmpi eq, %broadcast_in_dim3A_56, %eq3A_521 : vector<64x1xi32>
    %jit3A_523 = arith.constant 0.000000e+00 : f32
    %broadcast_in_dim3A_524 = vector.broadcast %jit3A_523 : f32 to vector<64x1xf32>
    %select_n3A_525 = arith.select %eq3A_522, %div3A_74, %broadcast_in_dim3A_524 : vector<64x1xi1>, vector<64x1xf32>
    %eq3A_526 = arith.constant 2 : i32
    %eq3A_527 = vector.broadcast %eq3A_526 : i32 to vector<64x1xi32>
    %eq3A_528 = arith.cmpi eq, %broadcast_in_dim3A_72, %eq3A_527 : vector<64x1xi32>
    %jit3A_529 = arith.constant 0.000000e+00 : f32
    %broadcast_in_dim3A_530 = vector.broadcast %jit3A_529 : f32 to vector<64x1xf32>
    %select_n3A_531 = arith.select %eq3A_528, %div3A_75, %broadcast_in_dim3A_530 : vector<64x1xi1>, vector<64x1xf32>
    %add3A_532 = arith.addf %select_n3A_525, %select_n3A_531 : vector<64x1xf32>
    %mul3A_533 = vector.broadcast %add3A_532 : vector<64x1xf32> to vector<64x128xf32>
    %mul3A_534 = arith.mulf %mul3A_533, %add3A_519 : vector<64x128xf32>
    %add3A_535 = arith.addf %add3A_381, %mul3A_534 : vector<64x128xf32>
    %get3A_536 = arith.constant 3 : index
    %get3A_537 = arith.constant 0 : index
    %get3A_538 = arith.constant 0 : index
    %get3A_539 = vector.load %arg7[%get3A_536, %get3A_537, %get3A_538] : memref<8x256x256xf32, #tpu.memory_space<vmem>>, vector<1x256x256xf32>
    %get3A_540 = vector.shape_cast %get3A_539 : vector<1x256x256xf32> to vector<256x256xf32>
    %dot_general3A_541 = arith.constant dense<0.000000e+00> : vector<64x256xf32>
    %dot_general3A_542 = tpu.matmul %add3A_27, %get3A_540, %dot_general3A_541 {dimension_numbers = #tpu.dot_dimension_numbers<[1], [1], [0], [0], [0, 0, 1, 0], [], []>, transpose_lhs_hint = false} : vector<64x256xf32>, vector<256x256xf32>, vector<64x256xf32> -> vector<64x256xf32>
    %get3A_543 = arith.constant 3 : index
    %get3A_544 = arith.constant 0 : index
    %get3A_545 = arith.constant 0 : index
    %get3A_546 = vector.load %arg8[%get3A_543, %get3A_544, %get3A_545] : memref<8x1x256xf32, #tpu.memory_space<vmem>>, vector<1x1x256xf32>
    %get3A_547 = vector.shape_cast %get3A_546 : vector<1x1x256xf32> to vector<1x256xf32>
    %add3A_548 = vector.broadcast %get3A_547 : vector<1x256xf32> to vector<64x256xf32>
    %add3A_549 = arith.addf %dot_general3A_542, %add3A_548 : vector<64x256xf32>
    %get3A_550 = arith.constant 3 : index
    %get3A_551 = arith.constant 0 : index
    %get3A_552 = arith.constant 0 : index
    %get3A_553 = vector.load %arg9[%get3A_550, %get3A_551, %get3A_552] : memref<8x1x256xf32, #tpu.memory_space<vmem>>, vector<1x1x256xf32>
    %get3A_554 = vector.shape_cast %get3A_553 : vector<1x1x256xf32> to vector<1x256xf32>
    %get3A_555 = arith.constant 3 : index
    %get3A_556 = arith.constant 0 : index
    %get3A_557 = arith.constant 0 : index
    %get3A_558 = vector.load %arg10[%get3A_555, %get3A_556, %get3A_557] : memref<8x1x256xf32, #tpu.memory_space<vmem>>, vector<1x1x256xf32>
    %get3A_559 = vector.shape_cast %get3A_558 : vector<1x1x256xf32> to vector<1x256xf32>
    %reduce_sum3A_560 = arith.constant dense<0.000000e+00> : vector<64xf32>
    %reduce_sum3A_561 = vector.multi_reduction <add>, %add3A_549, %reduce_sum3A_560 [1] : vector<64x256xf32> to vector<64xf32>
    %broadcast_in_dim3A_562 = vector.shape_cast %reduce_sum3A_561 : vector<64xf32> to vector<64x1xf32>
    %div3A_563 = arith.constant 2.560000e+02 : f32
    %div3A_564 = vector.broadcast %div3A_563 : f32 to vector<64x1xf32>
    %div3A_565 = arith.divf %broadcast_in_dim3A_562, %div3A_564 : vector<64x1xf32>
    %sub3A_566 = vector.broadcast %div3A_565 : vector<64x1xf32> to vector<64x256xf32>
    %sub3A_567 = arith.subf %add3A_549, %sub3A_566 : vector<64x256xf32>
    %integer_pow3A_568 = arith.mulf %sub3A_567, %sub3A_567 : vector<64x256xf32>
    %reduce_sum3A_569 = arith.constant dense<0.000000e+00> : vector<64xf32>
    %reduce_sum3A_570 = vector.multi_reduction <add>, %integer_pow3A_568, %reduce_sum3A_569 [1] : vector<64x256xf32> to vector<64xf32>
    %broadcast_in_dim3A_571 = vector.shape_cast %reduce_sum3A_570 : vector<64xf32> to vector<64x1xf32>
    %div3A_572 = arith.constant 2.560000e+02 : f32
    %div3A_573 = vector.broadcast %div3A_572 : f32 to vector<64x1xf32>
    %div3A_574 = arith.divf %broadcast_in_dim3A_571, %div3A_573 : vector<64x1xf32>
    %sub3A_575 = vector.broadcast %div3A_565 : vector<64x1xf32> to vector<64x256xf32>
    %sub3A_576 = arith.subf %add3A_549, %sub3A_575 : vector<64x256xf32>
    %add3A_577 = arith.constant 9.99999974E-6 : f32
    %add3A_578 = vector.broadcast %add3A_577 : f32 to vector<64x1xf32>
    %add3A_579 = arith.addf %div3A_574, %add3A_578 : vector<64x1xf32>
    %sqrt3A_580 = math.sqrt %add3A_579 : vector<64x1xf32>
    %div3A_581 = vector.broadcast %sqrt3A_580 : vector<64x1xf32> to vector<64x256xf32>
    %div3A_582 = arith.divf %sub3A_576, %div3A_581 : vector<64x256xf32>
    %mul3A_583 = vector.broadcast %get3A_554 : vector<1x256xf32> to vector<64x256xf32>
    %mul3A_584 = arith.mulf %div3A_582, %mul3A_583 : vector<64x256xf32>
    %add3A_585 = vector.broadcast %get3A_559 : vector<1x256xf32> to vector<64x256xf32>
    %add3A_586 = arith.addf %mul3A_584, %add3A_585 : vector<64x256xf32>
    %mul3A_587 = arith.constant 5.000000e-01 : f32
    %mul3A_588 = vector.broadcast %mul3A_587 : f32 to vector<64x256xf32>
    %mul3A_589 = arith.mulf %mul3A_588, %add3A_586 : vector<64x256xf32>
    %mul3A_590 = arith.constant 0.707106769 : f32
    %mul3A_591 = vector.broadcast %mul3A_590 : f32 to vector<64x256xf32>
    %mul3A_592 = arith.mulf %add3A_586, %mul3A_591 : vector<64x256xf32>
    %erf3A_593 = math.erf %mul3A_592 : vector<64x256xf32>
    %add3A_594 = arith.constant 1.000000e+00 : f32
    %add3A_595 = vector.broadcast %add3A_594 : f32 to vector<64x256xf32>
    %add3A_596 = arith.addf %add3A_595, %erf3A_593 : vector<64x256xf32>
    %mul3A_597 = arith.mulf %mul3A_589, %add3A_596 : vector<64x256xf32>
    %get3A_598 = arith.constant 3 : index
    %get3A_599 = arith.constant 0 : index
    %get3A_600 = arith.constant 0 : index
    %get3A_601 = vector.load %arg11[%get3A_598, %get3A_599, %get3A_600] : memref<8x128x256xf32, #tpu.memory_space<vmem>>, vector<1x128x256xf32>
    %get3A_602 = vector.shape_cast %get3A_601 : vector<1x128x256xf32> to vector<128x256xf32>
    %dot_general3A_603 = arith.constant dense<0.000000e+00> : vector<64x128xf32>
    %dot_general3A_604 = tpu.matmul %mul3A_597, %get3A_602, %dot_general3A_603 {dimension_numbers = #tpu.dot_dimension_numbers<[1], [1], [0], [0], [0, 0, 1, 0], [], []>, transpose_lhs_hint = false} : vector<64x256xf32>, vector<128x256xf32>, vector<64x128xf32> -> vector<64x128xf32>
    %get3A_605 = arith.constant 3 : index
    %get3A_606 = arith.constant 0 : index
    %get3A_607 = arith.constant 0 : index
    %get3A_608 = vector.load %arg12[%get3A_605, %get3A_606, %get3A_607] : memref<8x1x128xf32, #tpu.memory_space<vmem>>, vector<1x1x128xf32>
    %get3A_609 = vector.shape_cast %get3A_608 : vector<1x1x128xf32> to vector<1x128xf32>
    %add3A_610 = vector.broadcast %get3A_609 : vector<1x128xf32> to vector<64x128xf32>
    %add3A_611 = arith.addf %dot_general3A_604, %add3A_610 : vector<64x128xf32>
    %get3A_612 = arith.constant 3 : index
    %get3A_613 = arith.constant 0 : index
    %get3A_614 = arith.constant 0 : index
    %get3A_615 = vector.load %arg13[%get3A_612, %get3A_613, %get3A_614] : memref<8x1x128xf32, #tpu.memory_space<vmem>>, vector<1x1x128xf32>
    %get3A_616 = vector.shape_cast %get3A_615 : vector<1x1x128xf32> to vector<1x128xf32>
    %get3A_617 = arith.constant 3 : index
    %get3A_618 = arith.constant 0 : index
    %get3A_619 = arith.constant 0 : index
    %get3A_620 = vector.load %arg14[%get3A_617, %get3A_618, %get3A_619] : memref<8x1x128xf32, #tpu.memory_space<vmem>>, vector<1x1x128xf32>
    %get3A_621 = vector.shape_cast %get3A_620 : vector<1x1x128xf32> to vector<1x128xf32>
    %reduce_sum3A_622 = arith.constant dense<0.000000e+00> : vector<64xf32>
    %reduce_sum3A_623 = vector.multi_reduction <add>, %add3A_611, %reduce_sum3A_622 [1] : vector<64x128xf32> to vector<64xf32>
    %broadcast_in_dim3A_624 = vector.shape_cast %reduce_sum3A_623 : vector<64xf32> to vector<64x1xf32>
    %div3A_625 = arith.constant 1.280000e+02 : f32
    %div3A_626 = vector.broadcast %div3A_625 : f32 to vector<64x1xf32>
    %div3A_627 = arith.divf %broadcast_in_dim3A_624, %div3A_626 : vector<64x1xf32>
    %sub3A_628 = vector.broadcast %div3A_627 : vector<64x1xf32> to vector<64x128xf32>
    %sub3A_629 = arith.subf %add3A_611, %sub3A_628 : vector<64x128xf32>
    %integer_pow3A_630 = arith.mulf %sub3A_629, %sub3A_629 : vector<64x128xf32>
    %reduce_sum3A_631 = arith.constant dense<0.000000e+00> : vector<64xf32>
    %reduce_sum3A_632 = vector.multi_reduction <add>, %integer_pow3A_630, %reduce_sum3A_631 [1] : vector<64x128xf32> to vector<64xf32>
    %broadcast_in_dim3A_633 = vector.shape_cast %reduce_sum3A_632 : vector<64xf32> to vector<64x1xf32>
    %div3A_634 = arith.constant 1.280000e+02 : f32
    %div3A_635 = vector.broadcast %div3A_634 : f32 to vector<64x1xf32>
    %div3A_636 = arith.divf %broadcast_in_dim3A_633, %div3A_635 : vector<64x1xf32>
    %sub3A_637 = vector.broadcast %div3A_627 : vector<64x1xf32> to vector<64x128xf32>
    %sub3A_638 = arith.subf %add3A_611, %sub3A_637 : vector<64x128xf32>
    %add3A_639 = arith.constant 9.99999974E-6 : f32
    %add3A_640 = vector.broadcast %add3A_639 : f32 to vector<64x1xf32>
    %add3A_641 = arith.addf %div3A_636, %add3A_640 : vector<64x1xf32>
    %sqrt3A_642 = math.sqrt %add3A_641 : vector<64x1xf32>
    %div3A_643 = vector.broadcast %sqrt3A_642 : vector<64x1xf32> to vector<64x128xf32>
    %div3A_644 = arith.divf %sub3A_638, %div3A_643 : vector<64x128xf32>
    %mul3A_645 = vector.broadcast %get3A_616 : vector<1x128xf32> to vector<64x128xf32>
    %mul3A_646 = arith.mulf %div3A_644, %mul3A_645 : vector<64x128xf32>
    %add3A_647 = vector.broadcast %get3A_621 : vector<1x128xf32> to vector<64x128xf32>
    %add3A_648 = arith.addf %mul3A_646, %add3A_647 : vector<64x128xf32>
    %mul3A_649 = arith.constant 5.000000e-01 : f32
    %mul3A_650 = vector.broadcast %mul3A_649 : f32 to vector<64x128xf32>
    %mul3A_651 = arith.mulf %mul3A_650, %add3A_648 : vector<64x128xf32>
    %mul3A_652 = arith.constant 0.707106769 : f32
    %mul3A_653 = vector.broadcast %mul3A_652 : f32 to vector<64x128xf32>
    %mul3A_654 = arith.mulf %add3A_648, %mul3A_653 : vector<64x128xf32>
    %erf3A_655 = math.erf %mul3A_654 : vector<64x128xf32>
    %add3A_656 = arith.constant 1.000000e+00 : f32
    %add3A_657 = vector.broadcast %add3A_656 : f32 to vector<64x128xf32>
    %add3A_658 = arith.addf %add3A_657, %erf3A_655 : vector<64x128xf32>
    %mul3A_659 = arith.mulf %mul3A_651, %add3A_658 : vector<64x128xf32>
    %get3A_660 = arith.constant 3 : index
    %get3A_661 = arith.constant 0 : index
    %get3A_662 = arith.constant 0 : index
    %get3A_663 = vector.load %arg15[%get3A_660, %get3A_661, %get3A_662] : memref<8x128x128xf32, #tpu.memory_space<vmem>>, vector<1x128x128xf32>
    %get3A_664 = vector.shape_cast %get3A_663 : vector<1x128x128xf32> to vector<128x128xf32>
    %dot_general3A_665 = arith.constant dense<0.000000e+00> : vector<64x128xf32>
    %dot_general3A_666 = tpu.matmul %mul3A_659, %get3A_664, %dot_general3A_665 {dimension_numbers = #tpu.dot_dimension_numbers<[1], [1], [0], [0], [0, 0, 1, 0], [], []>, transpose_lhs_hint = false} : vector<64x128xf32>, vector<128x128xf32>, vector<64x128xf32> -> vector<64x128xf32>
    %get3A_667 = arith.constant 3 : index
    %get3A_668 = arith.constant 0 : index
    %get3A_669 = arith.constant 0 : index
    %get3A_670 = vector.load %arg16[%get3A_667, %get3A_668, %get3A_669] : memref<8x1x128xf32, #tpu.memory_space<vmem>>, vector<1x1x128xf32>
    %get3A_671 = vector.shape_cast %get3A_670 : vector<1x1x128xf32> to vector<1x128xf32>
    %add3A_672 = vector.broadcast %get3A_671 : vector<1x128xf32> to vector<64x128xf32>
    %add3A_673 = arith.addf %dot_general3A_666, %add3A_672 : vector<64x128xf32>
    %eq3A_674 = arith.constant 3 : i32
    %eq3A_675 = vector.broadcast %eq3A_674 : i32 to vector<64x1xi32>
    %eq3A_676 = arith.cmpi eq, %broadcast_in_dim3A_56, %eq3A_675 : vector<64x1xi32>
    %jit3A_677 = arith.constant 0.000000e+00 : f32
    %broadcast_in_dim3A_678 = vector.broadcast %jit3A_677 : f32 to vector<64x1xf32>
    %select_n3A_679 = arith.select %eq3A_676, %div3A_74, %broadcast_in_dim3A_678 : vector<64x1xi1>, vector<64x1xf32>
    %eq3A_680 = arith.constant 3 : i32
    %eq3A_681 = vector.broadcast %eq3A_680 : i32 to vector<64x1xi32>
    %eq3A_682 = arith.cmpi eq, %broadcast_in_dim3A_72, %eq3A_681 : vector<64x1xi32>
    %jit3A_683 = arith.constant 0.000000e+00 : f32
    %broadcast_in_dim3A_684 = vector.broadcast %jit3A_683 : f32 to vector<64x1xf32>
    %select_n3A_685 = arith.select %eq3A_682, %div3A_75, %broadcast_in_dim3A_684 : vector<64x1xi1>, vector<64x1xf32>
    %add3A_686 = arith.addf %select_n3A_679, %select_n3A_685 : vector<64x1xf32>
    %mul3A_687 = vector.broadcast %add3A_686 : vector<64x1xf32> to vector<64x128xf32>
    %mul3A_688 = arith.mulf %mul3A_687, %add3A_673 : vector<64x128xf32>
    %add3A_689 = arith.addf %add3A_535, %mul3A_688 : vector<64x128xf32>
    %get3A_690 = arith.constant 4 : index
    %get3A_691 = arith.constant 0 : index
    %get3A_692 = arith.constant 0 : index
    %get3A_693 = vector.load %arg7[%get3A_690, %get3A_691, %get3A_692] : memref<8x256x256xf32, #tpu.memory_space<vmem>>, vector<1x256x256xf32>
    %get3A_694 = vector.shape_cast %get3A_693 : vector<1x256x256xf32> to vector<256x256xf32>
    %dot_general3A_695 = arith.constant dense<0.000000e+00> : vector<64x256xf32>
    %dot_general3A_696 = tpu.matmul %add3A_27, %get3A_694, %dot_general3A_695 {dimension_numbers = #tpu.dot_dimension_numbers<[1], [1], [0], [0], [0, 0, 1, 0], [], []>, transpose_lhs_hint = false} : vector<64x256xf32>, vector<256x256xf32>, vector<64x256xf32> -> vector<64x256xf32>
    %get3A_697 = arith.constant 4 : index
    %get3A_698 = arith.constant 0 : index
    %get3A_699 = arith.constant 0 : index
    %get3A_700 = vector.load %arg8[%get3A_697, %get3A_698, %get3A_699] : memref<8x1x256xf32, #tpu.memory_space<vmem>>, vector<1x1x256xf32>
    %get3A_701 = vector.shape_cast %get3A_700 : vector<1x1x256xf32> to vector<1x256xf32>
    %add3A_702 = vector.broadcast %get3A_701 : vector<1x256xf32> to vector<64x256xf32>
    %add3A_703 = arith.addf %dot_general3A_696, %add3A_702 : vector<64x256xf32>
    %get3A_704 = arith.constant 4 : index
    %get3A_705 = arith.constant 0 : index
    %get3A_706 = arith.constant 0 : index
    %get3A_707 = vector.load %arg9[%get3A_704, %get3A_705, %get3A_706] : memref<8x1x256xf32, #tpu.memory_space<vmem>>, vector<1x1x256xf32>
    %get3A_708 = vector.shape_cast %get3A_707 : vector<1x1x256xf32> to vector<1x256xf32>
    %get3A_709 = arith.constant 4 : index
    %get3A_710 = arith.constant 0 : index
    %get3A_711 = arith.constant 0 : index
    %get3A_712 = vector.load %arg10[%get3A_709, %get3A_710, %get3A_711] : memref<8x1x256xf32, #tpu.memory_space<vmem>>, vector<1x1x256xf32>
    %get3A_713 = vector.shape_cast %get3A_712 : vector<1x1x256xf32> to vector<1x256xf32>
    %reduce_sum3A_714 = arith.constant dense<0.000000e+00> : vector<64xf32>
    %reduce_sum3A_715 = vector.multi_reduction <add>, %add3A_703, %reduce_sum3A_714 [1] : vector<64x256xf32> to vector<64xf32>
    %broadcast_in_dim3A_716 = vector.shape_cast %reduce_sum3A_715 : vector<64xf32> to vector<64x1xf32>
    %div3A_717 = arith.constant 2.560000e+02 : f32
    %div3A_718 = vector.broadcast %div3A_717 : f32 to vector<64x1xf32>
    %div3A_719 = arith.divf %broadcast_in_dim3A_716, %div3A_718 : vector<64x1xf32>
    %sub3A_720 = vector.broadcast %div3A_719 : vector<64x1xf32> to vector<64x256xf32>
    %sub3A_721 = arith.subf %add3A_703, %sub3A_720 : vector<64x256xf32>
    %integer_pow3A_722 = arith.mulf %sub3A_721, %sub3A_721 : vector<64x256xf32>
    %reduce_sum3A_723 = arith.constant dense<0.000000e+00> : vector<64xf32>
    %reduce_sum3A_724 = vector.multi_reduction <add>, %integer_pow3A_722, %reduce_sum3A_723 [1] : vector<64x256xf32> to vector<64xf32>
    %broadcast_in_dim3A_725 = vector.shape_cast %reduce_sum3A_724 : vector<64xf32> to vector<64x1xf32>
    %div3A_726 = arith.constant 2.560000e+02 : f32
    %div3A_727 = vector.broadcast %div3A_726 : f32 to vector<64x1xf32>
    %div3A_728 = arith.divf %broadcast_in_dim3A_725, %div3A_727 : vector<64x1xf32>
    %sub3A_729 = vector.broadcast %div3A_719 : vector<64x1xf32> to vector<64x256xf32>
    %sub3A_730 = arith.subf %add3A_703, %sub3A_729 : vector<64x256xf32>
    %add3A_731 = arith.constant 9.99999974E-6 : f32
    %add3A_732 = vector.broadcast %add3A_731 : f32 to vector<64x1xf32>
    %add3A_733 = arith.addf %div3A_728, %add3A_732 : vector<64x1xf32>
    %sqrt3A_734 = math.sqrt %add3A_733 : vector<64x1xf32>
    %div3A_735 = vector.broadcast %sqrt3A_734 : vector<64x1xf32> to vector<64x256xf32>
    %div3A_736 = arith.divf %sub3A_730, %div3A_735 : vector<64x256xf32>
    %mul3A_737 = vector.broadcast %get3A_708 : vector<1x256xf32> to vector<64x256xf32>
    %mul3A_738 = arith.mulf %div3A_736, %mul3A_737 : vector<64x256xf32>
    %add3A_739 = vector.broadcast %get3A_713 : vector<1x256xf32> to vector<64x256xf32>
    %add3A_740 = arith.addf %mul3A_738, %add3A_739 : vector<64x256xf32>
    %mul3A_741 = arith.constant 5.000000e-01 : f32
    %mul3A_742 = vector.broadcast %mul3A_741 : f32 to vector<64x256xf32>
    %mul3A_743 = arith.mulf %mul3A_742, %add3A_740 : vector<64x256xf32>
    %mul3A_744 = arith.constant 0.707106769 : f32
    %mul3A_745 = vector.broadcast %mul3A_744 : f32 to vector<64x256xf32>
    %mul3A_746 = arith.mulf %add3A_740, %mul3A_745 : vector<64x256xf32>
    %erf3A_747 = math.erf %mul3A_746 : vector<64x256xf32>
    %add3A_748 = arith.constant 1.000000e+00 : f32
    %add3A_749 = vector.broadcast %add3A_748 : f32 to vector<64x256xf32>
    %add3A_750 = arith.addf %add3A_749, %erf3A_747 : vector<64x256xf32>
    %mul3A_751 = arith.mulf %mul3A_743, %add3A_750 : vector<64x256xf32>
    %get3A_752 = arith.constant 4 : index
    %get3A_753 = arith.constant 0 : index
    %get3A_754 = arith.constant 0 : index
    %get3A_755 = vector.load %arg11[%get3A_752, %get3A_753, %get3A_754] : memref<8x128x256xf32, #tpu.memory_space<vmem>>, vector<1x128x256xf32>
    %get3A_756 = vector.shape_cast %get3A_755 : vector<1x128x256xf32> to vector<128x256xf32>
    %dot_general3A_757 = arith.constant dense<0.000000e+00> : vector<64x128xf32>
    %dot_general3A_758 = tpu.matmul %mul3A_751, %get3A_756, %dot_general3A_757 {dimension_numbers = #tpu.dot_dimension_numbers<[1], [1], [0], [0], [0, 0, 1, 0], [], []>, transpose_lhs_hint = false} : vector<64x256xf32>, vector<128x256xf32>, vector<64x128xf32> -> vector<64x128xf32>
    %get3A_759 = arith.constant 4 : index
    %get3A_760 = arith.constant 0 : index
    %get3A_761 = arith.constant 0 : index
    %get3A_762 = vector.load %arg12[%get3A_759, %get3A_760, %get3A_761] : memref<8x1x128xf32, #tpu.memory_space<vmem>>, vector<1x1x128xf32>
    %get3A_763 = vector.shape_cast %get3A_762 : vector<1x1x128xf32> to vector<1x128xf32>
    %add3A_764 = vector.broadcast %get3A_763 : vector<1x128xf32> to vector<64x128xf32>
    %add3A_765 = arith.addf %dot_general3A_758, %add3A_764 : vector<64x128xf32>
    %get3A_766 = arith.constant 4 : index
    %get3A_767 = arith.constant 0 : index
    %get3A_768 = arith.constant 0 : index
    %get3A_769 = vector.load %arg13[%get3A_766, %get3A_767, %get3A_768] : memref<8x1x128xf32, #tpu.memory_space<vmem>>, vector<1x1x128xf32>
    %get3A_770 = vector.shape_cast %get3A_769 : vector<1x1x128xf32> to vector<1x128xf32>
    %get3A_771 = arith.constant 4 : index
    %get3A_772 = arith.constant 0 : index
    %get3A_773 = arith.constant 0 : index
    %get3A_774 = vector.load %arg14[%get3A_771, %get3A_772, %get3A_773] : memref<8x1x128xf32, #tpu.memory_space<vmem>>, vector<1x1x128xf32>
    %get3A_775 = vector.shape_cast %get3A_774 : vector<1x1x128xf32> to vector<1x128xf32>
    %reduce_sum3A_776 = arith.constant dense<0.000000e+00> : vector<64xf32>
    %reduce_sum3A_777 = vector.multi_reduction <add>, %add3A_765, %reduce_sum3A_776 [1] : vector<64x128xf32> to vector<64xf32>
    %broadcast_in_dim3A_778 = vector.shape_cast %reduce_sum3A_777 : vector<64xf32> to vector<64x1xf32>
    %div3A_779 = arith.constant 1.280000e+02 : f32
    %div3A_780 = vector.broadcast %div3A_779 : f32 to vector<64x1xf32>
    %div3A_781 = arith.divf %broadcast_in_dim3A_778, %div3A_780 : vector<64x1xf32>
    %sub3A_782 = vector.broadcast %div3A_781 : vector<64x1xf32> to vector<64x128xf32>
    %sub3A_783 = arith.subf %add3A_765, %sub3A_782 : vector<64x128xf32>
    %integer_pow3A_784 = arith.mulf %sub3A_783, %sub3A_783 : vector<64x128xf32>
    %reduce_sum3A_785 = arith.constant dense<0.000000e+00> : vector<64xf32>
    %reduce_sum3A_786 = vector.multi_reduction <add>, %integer_pow3A_784, %reduce_sum3A_785 [1] : vector<64x128xf32> to vector<64xf32>
    %broadcast_in_dim3A_787 = vector.shape_cast %reduce_sum3A_786 : vector<64xf32> to vector<64x1xf32>
    %div3A_788 = arith.constant 1.280000e+02 : f32
    %div3A_789 = vector.broadcast %div3A_788 : f32 to vector<64x1xf32>
    %div3A_790 = arith.divf %broadcast_in_dim3A_787, %div3A_789 : vector<64x1xf32>
    %sub3A_791 = vector.broadcast %div3A_781 : vector<64x1xf32> to vector<64x128xf32>
    %sub3A_792 = arith.subf %add3A_765, %sub3A_791 : vector<64x128xf32>
    %add3A_793 = arith.constant 9.99999974E-6 : f32
    %add3A_794 = vector.broadcast %add3A_793 : f32 to vector<64x1xf32>
    %add3A_795 = arith.addf %div3A_790, %add3A_794 : vector<64x1xf32>
    %sqrt3A_796 = math.sqrt %add3A_795 : vector<64x1xf32>
    %div3A_797 = vector.broadcast %sqrt3A_796 : vector<64x1xf32> to vector<64x128xf32>
    %div3A_798 = arith.divf %sub3A_792, %div3A_797 : vector<64x128xf32>
    %mul3A_799 = vector.broadcast %get3A_770 : vector<1x128xf32> to vector<64x128xf32>
    %mul3A_800 = arith.mulf %div3A_798, %mul3A_799 : vector<64x128xf32>
    %add3A_801 = vector.broadcast %get3A_775 : vector<1x128xf32> to vector<64x128xf32>
    %add3A_802 = arith.addf %mul3A_800, %add3A_801 : vector<64x128xf32>
    %mul3A_803 = arith.constant 5.000000e-01 : f32
    %mul3A_804 = vector.broadcast %mul3A_803 : f32 to vector<64x128xf32>
    %mul3A_805 = arith.mulf %mul3A_804, %add3A_802 : vector<64x128xf32>
    %mul3A_806 = arith.constant 0.707106769 : f32
    %mul3A_807 = vector.broadcast %mul3A_806 : f32 to vector<64x128xf32>
    %mul3A_808 = arith.mulf %add3A_802, %mul3A_807 : vector<64x128xf32>
    %erf3A_809 = math.erf %mul3A_808 : vector<64x128xf32>
    %add3A_810 = arith.constant 1.000000e+00 : f32
    %add3A_811 = vector.broadcast %add3A_810 : f32 to vector<64x128xf32>
    %add3A_812 = arith.addf %add3A_811, %erf3A_809 : vector<64x128xf32>
    %mul3A_813 = arith.mulf %mul3A_805, %add3A_812 : vector<64x128xf32>
    %get3A_814 = arith.constant 4 : index
    %get3A_815 = arith.constant 0 : index
    %get3A_816 = arith.constant 0 : index
    %get3A_817 = vector.load %arg15[%get3A_814, %get3A_815, %get3A_816] : memref<8x128x128xf32, #tpu.memory_space<vmem>>, vector<1x128x128xf32>
    %get3A_818 = vector.shape_cast %get3A_817 : vector<1x128x128xf32> to vector<128x128xf32>
    %dot_general3A_819 = arith.constant dense<0.000000e+00> : vector<64x128xf32>
    %dot_general3A_820 = tpu.matmul %mul3A_813, %get3A_818, %dot_general3A_819 {dimension_numbers = #tpu.dot_dimension_numbers<[1], [1], [0], [0], [0, 0, 1, 0], [], []>, transpose_lhs_hint = false} : vector<64x128xf32>, vector<128x128xf32>, vector<64x128xf32> -> vector<64x128xf32>
    %get3A_821 = arith.constant 4 : index
    %get3A_822 = arith.constant 0 : index
    %get3A_823 = arith.constant 0 : index
    %get3A_824 = vector.load %arg16[%get3A_821, %get3A_822, %get3A_823] : memref<8x1x128xf32, #tpu.memory_space<vmem>>, vector<1x1x128xf32>
    %get3A_825 = vector.shape_cast %get3A_824 : vector<1x1x128xf32> to vector<1x128xf32>
    %add3A_826 = vector.broadcast %get3A_825 : vector<1x128xf32> to vector<64x128xf32>
    %add3A_827 = arith.addf %dot_general3A_820, %add3A_826 : vector<64x128xf32>
    %eq3A_828 = arith.constant 4 : i32
    %eq3A_829 = vector.broadcast %eq3A_828 : i32 to vector<64x1xi32>
    %eq3A_830 = arith.cmpi eq, %broadcast_in_dim3A_56, %eq3A_829 : vector<64x1xi32>
    %jit3A_831 = arith.constant 0.000000e+00 : f32
    %broadcast_in_dim3A_832 = vector.broadcast %jit3A_831 : f32 to vector<64x1xf32>
    %select_n3A_833 = arith.select %eq3A_830, %div3A_74, %broadcast_in_dim3A_832 : vector<64x1xi1>, vector<64x1xf32>
    %eq3A_834 = arith.constant 4 : i32
    %eq3A_835 = vector.broadcast %eq3A_834 : i32 to vector<64x1xi32>
    %eq3A_836 = arith.cmpi eq, %broadcast_in_dim3A_72, %eq3A_835 : vector<64x1xi32>
    %jit3A_837 = arith.constant 0.000000e+00 : f32
    %broadcast_in_dim3A_838 = vector.broadcast %jit3A_837 : f32 to vector<64x1xf32>
    %select_n3A_839 = arith.select %eq3A_836, %div3A_75, %broadcast_in_dim3A_838 : vector<64x1xi1>, vector<64x1xf32>
    %add3A_840 = arith.addf %select_n3A_833, %select_n3A_839 : vector<64x1xf32>
    %mul3A_841 = vector.broadcast %add3A_840 : vector<64x1xf32> to vector<64x128xf32>
    %mul3A_842 = arith.mulf %mul3A_841, %add3A_827 : vector<64x128xf32>
    %add3A_843 = arith.addf %add3A_689, %mul3A_842 : vector<64x128xf32>
    %get3A_844 = arith.constant 5 : index
    %get3A_845 = arith.constant 0 : index
    %get3A_846 = arith.constant 0 : index
    %get3A_847 = vector.load %arg7[%get3A_844, %get3A_845, %get3A_846] : memref<8x256x256xf32, #tpu.memory_space<vmem>>, vector<1x256x256xf32>
    %get3A_848 = vector.shape_cast %get3A_847 : vector<1x256x256xf32> to vector<256x256xf32>
    %dot_general3A_849 = arith.constant dense<0.000000e+00> : vector<64x256xf32>
    %dot_general3A_850 = tpu.matmul %add3A_27, %get3A_848, %dot_general3A_849 {dimension_numbers = #tpu.dot_dimension_numbers<[1], [1], [0], [0], [0, 0, 1, 0], [], []>, transpose_lhs_hint = false} : vector<64x256xf32>, vector<256x256xf32>, vector<64x256xf32> -> vector<64x256xf32>
    %get3A_851 = arith.constant 5 : index
    %get3A_852 = arith.constant 0 : index
    %get3A_853 = arith.constant 0 : index
    %get3A_854 = vector.load %arg8[%get3A_851, %get3A_852, %get3A_853] : memref<8x1x256xf32, #tpu.memory_space<vmem>>, vector<1x1x256xf32>
    %get3A_855 = vector.shape_cast %get3A_854 : vector<1x1x256xf32> to vector<1x256xf32>
    %add3A_856 = vector.broadcast %get3A_855 : vector<1x256xf32> to vector<64x256xf32>
    %add3A_857 = arith.addf %dot_general3A_850, %add3A_856 : vector<64x256xf32>
    %get3A_858 = arith.constant 5 : index
    %get3A_859 = arith.constant 0 : index
    %get3A_860 = arith.constant 0 : index
    %get3A_861 = vector.load %arg9[%get3A_858, %get3A_859, %get3A_860] : memref<8x1x256xf32, #tpu.memory_space<vmem>>, vector<1x1x256xf32>
    %get3A_862 = vector.shape_cast %get3A_861 : vector<1x1x256xf32> to vector<1x256xf32>
    %get3A_863 = arith.constant 5 : index
    %get3A_864 = arith.constant 0 : index
    %get3A_865 = arith.constant 0 : index
    %get3A_866 = vector.load %arg10[%get3A_863, %get3A_864, %get3A_865] : memref<8x1x256xf32, #tpu.memory_space<vmem>>, vector<1x1x256xf32>
    %get3A_867 = vector.shape_cast %get3A_866 : vector<1x1x256xf32> to vector<1x256xf32>
    %reduce_sum3A_868 = arith.constant dense<0.000000e+00> : vector<64xf32>
    %reduce_sum3A_869 = vector.multi_reduction <add>, %add3A_857, %reduce_sum3A_868 [1] : vector<64x256xf32> to vector<64xf32>
    %broadcast_in_dim3A_870 = vector.shape_cast %reduce_sum3A_869 : vector<64xf32> to vector<64x1xf32>
    %div3A_871 = arith.constant 2.560000e+02 : f32
    %div3A_872 = vector.broadcast %div3A_871 : f32 to vector<64x1xf32>
    %div3A_873 = arith.divf %broadcast_in_dim3A_870, %div3A_872 : vector<64x1xf32>
    %sub3A_874 = vector.broadcast %div3A_873 : vector<64x1xf32> to vector<64x256xf32>
    %sub3A_875 = arith.subf %add3A_857, %sub3A_874 : vector<64x256xf32>
    %integer_pow3A_876 = arith.mulf %sub3A_875, %sub3A_875 : vector<64x256xf32>
    %reduce_sum3A_877 = arith.constant dense<0.000000e+00> : vector<64xf32>
    %reduce_sum3A_878 = vector.multi_reduction <add>, %integer_pow3A_876, %reduce_sum3A_877 [1] : vector<64x256xf32> to vector<64xf32>
    %broadcast_in_dim3A_879 = vector.shape_cast %reduce_sum3A_878 : vector<64xf32> to vector<64x1xf32>
    %div3A_880 = arith.constant 2.560000e+02 : f32
    %div3A_881 = vector.broadcast %div3A_880 : f32 to vector<64x1xf32>
    %div3A_882 = arith.divf %broadcast_in_dim3A_879, %div3A_881 : vector<64x1xf32>
    %sub3A_883 = vector.broadcast %div3A_873 : vector<64x1xf32> to vector<64x256xf32>
    %sub3A_884 = arith.subf %add3A_857, %sub3A_883 : vector<64x256xf32>
    %add3A_885 = arith.constant 9.99999974E-6 : f32
    %add3A_886 = vector.broadcast %add3A_885 : f32 to vector<64x1xf32>
    %add3A_887 = arith.addf %div3A_882, %add3A_886 : vector<64x1xf32>
    %sqrt3A_888 = math.sqrt %add3A_887 : vector<64x1xf32>
    %div3A_889 = vector.broadcast %sqrt3A_888 : vector<64x1xf32> to vector<64x256xf32>
    %div3A_890 = arith.divf %sub3A_884, %div3A_889 : vector<64x256xf32>
    %mul3A_891 = vector.broadcast %get3A_862 : vector<1x256xf32> to vector<64x256xf32>
    %mul3A_892 = arith.mulf %div3A_890, %mul3A_891 : vector<64x256xf32>
    %add3A_893 = vector.broadcast %get3A_867 : vector<1x256xf32> to vector<64x256xf32>
    %add3A_894 = arith.addf %mul3A_892, %add3A_893 : vector<64x256xf32>
    %mul3A_895 = arith.constant 5.000000e-01 : f32
    %mul3A_896 = vector.broadcast %mul3A_895 : f32 to vector<64x256xf32>
    %mul3A_897 = arith.mulf %mul3A_896, %add3A_894 : vector<64x256xf32>
    %mul3A_898 = arith.constant 0.707106769 : f32
    %mul3A_899 = vector.broadcast %mul3A_898 : f32 to vector<64x256xf32>
    %mul3A_900 = arith.mulf %add3A_894, %mul3A_899 : vector<64x256xf32>
    %erf3A_901 = math.erf %mul3A_900 : vector<64x256xf32>
    %add3A_902 = arith.constant 1.000000e+00 : f32
    %add3A_903 = vector.broadcast %add3A_902 : f32 to vector<64x256xf32>
    %add3A_904 = arith.addf %add3A_903, %erf3A_901 : vector<64x256xf32>
    %mul3A_905 = arith.mulf %mul3A_897, %add3A_904 : vector<64x256xf32>
    %get3A_906 = arith.constant 5 : index
    %get3A_907 = arith.constant 0 : index
    %get3A_908 = arith.constant 0 : index
    %get3A_909 = vector.load %arg11[%get3A_906, %get3A_907, %get3A_908] : memref<8x128x256xf32, #tpu.memory_space<vmem>>, vector<1x128x256xf32>
    %get3A_910 = vector.shape_cast %get3A_909 : vector<1x128x256xf32> to vector<128x256xf32>
    %dot_general3A_911 = arith.constant dense<0.000000e+00> : vector<64x128xf32>
    %dot_general3A_912 = tpu.matmul %mul3A_905, %get3A_910, %dot_general3A_911 {dimension_numbers = #tpu.dot_dimension_numbers<[1], [1], [0], [0], [0, 0, 1, 0], [], []>, transpose_lhs_hint = false} : vector<64x256xf32>, vector<128x256xf32>, vector<64x128xf32> -> vector<64x128xf32>
    %get3A_913 = arith.constant 5 : index
    %get3A_914 = arith.constant 0 : index
    %get3A_915 = arith.constant 0 : index
    %get3A_916 = vector.load %arg12[%get3A_913, %get3A_914, %get3A_915] : memref<8x1x128xf32, #tpu.memory_space<vmem>>, vector<1x1x128xf32>
    %get3A_917 = vector.shape_cast %get3A_916 : vector<1x1x128xf32> to vector<1x128xf32>
    %add3A_918 = vector.broadcast %get3A_917 : vector<1x128xf32> to vector<64x128xf32>
    %add3A_919 = arith.addf %dot_general3A_912, %add3A_918 : vector<64x128xf32>
    %get3A_920 = arith.constant 5 : index
    %get3A_921 = arith.constant 0 : index
    %get3A_922 = arith.constant 0 : index
    %get3A_923 = vector.load %arg13[%get3A_920, %get3A_921, %get3A_922] : memref<8x1x128xf32, #tpu.memory_space<vmem>>, vector<1x1x128xf32>
    %get3A_924 = vector.shape_cast %get3A_923 : vector<1x1x128xf32> to vector<1x128xf32>
    %get3A_925 = arith.constant 5 : index
    %get3A_926 = arith.constant 0 : index
    %get3A_927 = arith.constant 0 : index
    %get3A_928 = vector.load %arg14[%get3A_925, %get3A_926, %get3A_927] : memref<8x1x128xf32, #tpu.memory_space<vmem>>, vector<1x1x128xf32>
    %get3A_929 = vector.shape_cast %get3A_928 : vector<1x1x128xf32> to vector<1x128xf32>
    %reduce_sum3A_930 = arith.constant dense<0.000000e+00> : vector<64xf32>
    %reduce_sum3A_931 = vector.multi_reduction <add>, %add3A_919, %reduce_sum3A_930 [1] : vector<64x128xf32> to vector<64xf32>
    %broadcast_in_dim3A_932 = vector.shape_cast %reduce_sum3A_931 : vector<64xf32> to vector<64x1xf32>
    %div3A_933 = arith.constant 1.280000e+02 : f32
    %div3A_934 = vector.broadcast %div3A_933 : f32 to vector<64x1xf32>
    %div3A_935 = arith.divf %broadcast_in_dim3A_932, %div3A_934 : vector<64x1xf32>
    %sub3A_936 = vector.broadcast %div3A_935 : vector<64x1xf32> to vector<64x128xf32>
    %sub3A_937 = arith.subf %add3A_919, %sub3A_936 : vector<64x128xf32>
    %integer_pow3A_938 = arith.mulf %sub3A_937, %sub3A_937 : vector<64x128xf32>
    %reduce_sum3A_939 = arith.constant dense<0.000000e+00> : vector<64xf32>
    %reduce_sum3A_940 = vector.multi_reduction <add>, %integer_pow3A_938, %reduce_sum3A_939 [1] : vector<64x128xf32> to vector<64xf32>
    %broadcast_in_dim3A_941 = vector.shape_cast %reduce_sum3A_940 : vector<64xf32> to vector<64x1xf32>
    %div3A_942 = arith.constant 1.280000e+02 : f32
    %div3A_943 = vector.broadcast %div3A_942 : f32 to vector<64x1xf32>
    %div3A_944 = arith.divf %broadcast_in_dim3A_941, %div3A_943 : vector<64x1xf32>
    %sub3A_945 = vector.broadcast %div3A_935 : vector<64x1xf32> to vector<64x128xf32>
    %sub3A_946 = arith.subf %add3A_919, %sub3A_945 : vector<64x128xf32>
    %add3A_947 = arith.constant 9.99999974E-6 : f32
    %add3A_948 = vector.broadcast %add3A_947 : f32 to vector<64x1xf32>
    %add3A_949 = arith.addf %div3A_944, %add3A_948 : vector<64x1xf32>
    %sqrt3A_950 = math.sqrt %add3A_949 : vector<64x1xf32>
    %div3A_951 = vector.broadcast %sqrt3A_950 : vector<64x1xf32> to vector<64x128xf32>
    %div3A_952 = arith.divf %sub3A_946, %div3A_951 : vector<64x128xf32>
    %mul3A_953 = vector.broadcast %get3A_924 : vector<1x128xf32> to vector<64x128xf32>
    %mul3A_954 = arith.mulf %div3A_952, %mul3A_953 : vector<64x128xf32>
    %add3A_955 = vector.broadcast %get3A_929 : vector<1x128xf32> to vector<64x128xf32>
    %add3A_956 = arith.addf %mul3A_954, %add3A_955 : vector<64x128xf32>
    %mul3A_957 = arith.constant 5.000000e-01 : f32
    %mul3A_958 = vector.broadcast %mul3A_957 : f32 to vector<64x128xf32>
    %mul3A_959 = arith.mulf %mul3A_958, %add3A_956 : vector<64x128xf32>
    %mul3A_960 = arith.constant 0.707106769 : f32
    %mul3A_961 = vector.broadcast %mul3A_960 : f32 to vector<64x128xf32>
    %mul3A_962 = arith.mulf %add3A_956, %mul3A_961 : vector<64x128xf32>
    %erf3A_963 = math.erf %mul3A_962 : vector<64x128xf32>
    %add3A_964 = arith.constant 1.000000e+00 : f32
    %add3A_965 = vector.broadcast %add3A_964 : f32 to vector<64x128xf32>
    %add3A_966 = arith.addf %add3A_965, %erf3A_963 : vector<64x128xf32>
    %mul3A_967 = arith.mulf %mul3A_959, %add3A_966 : vector<64x128xf32>
    %get3A_968 = arith.constant 5 : index
    %get3A_969 = arith.constant 0 : index
    %get3A_970 = arith.constant 0 : index
    %get3A_971 = vector.load %arg15[%get3A_968, %get3A_969, %get3A_970] : memref<8x128x128xf32, #tpu.memory_space<vmem>>, vector<1x128x128xf32>
    %get3A_972 = vector.shape_cast %get3A_971 : vector<1x128x128xf32> to vector<128x128xf32>
    %dot_general3A_973 = arith.constant dense<0.000000e+00> : vector<64x128xf32>
    %dot_general3A_974 = tpu.matmul %mul3A_967, %get3A_972, %dot_general3A_973 {dimension_numbers = #tpu.dot_dimension_numbers<[1], [1], [0], [0], [0, 0, 1, 0], [], []>, transpose_lhs_hint = false} : vector<64x128xf32>, vector<128x128xf32>, vector<64x128xf32> -> vector<64x128xf32>
    %get3A_975 = arith.constant 5 : index
    %get3A_976 = arith.constant 0 : index
    %get3A_977 = arith.constant 0 : index
    %get3A_978 = vector.load %arg16[%get3A_975, %get3A_976, %get3A_977] : memref<8x1x128xf32, #tpu.memory_space<vmem>>, vector<1x1x128xf32>
    %get3A_979 = vector.shape_cast %get3A_978 : vector<1x1x128xf32> to vector<1x128xf32>
    %add3A_980 = vector.broadcast %get3A_979 : vector<1x128xf32> to vector<64x128xf32>
    %add3A_981 = arith.addf %dot_general3A_974, %add3A_980 : vector<64x128xf32>
    %eq3A_982 = arith.constant 5 : i32
    %eq3A_983 = vector.broadcast %eq3A_982 : i32 to vector<64x1xi32>
    %eq3A_984 = arith.cmpi eq, %broadcast_in_dim3A_56, %eq3A_983 : vector<64x1xi32>
    %jit3A_985 = arith.constant 0.000000e+00 : f32
    %broadcast_in_dim3A_986 = vector.broadcast %jit3A_985 : f32 to vector<64x1xf32>
    %select_n3A_987 = arith.select %eq3A_984, %div3A_74, %broadcast_in_dim3A_986 : vector<64x1xi1>, vector<64x1xf32>
    %eq3A_988 = arith.constant 5 : i32
    %eq3A_989 = vector.broadcast %eq3A_988 : i32 to vector<64x1xi32>
    %eq3A_990 = arith.cmpi eq, %broadcast_in_dim3A_72, %eq3A_989 : vector<64x1xi32>
    %jit3A_991 = arith.constant 0.000000e+00 : f32
    %broadcast_in_dim3A_992 = vector.broadcast %jit3A_991 : f32 to vector<64x1xf32>
    %select_n3A_993 = arith.select %eq3A_990, %div3A_75, %broadcast_in_dim3A_992 : vector<64x1xi1>, vector<64x1xf32>
    %add3A_994 = arith.addf %select_n3A_987, %select_n3A_993 : vector<64x1xf32>
    %mul3A_995 = vector.broadcast %add3A_994 : vector<64x1xf32> to vector<64x128xf32>
    %mul3A_996 = arith.mulf %mul3A_995, %add3A_981 : vector<64x128xf32>
    %add3A_997 = arith.addf %add3A_843, %mul3A_996 : vector<64x128xf32>
    %get3A_998 = arith.constant 6 : index
    %get3A_999 = arith.constant 0 : index
    %get3A_1000 = arith.constant 0 : index
    %get3A_1001 = vector.load %arg7[%get3A_998, %get3A_999, %get3A_1000] : memref<8x256x256xf32, #tpu.memory_space<vmem>>, vector<1x256x256xf32>
    %get3A_1002 = vector.shape_cast %get3A_1001 : vector<1x256x256xf32> to vector<256x256xf32>
    %dot_general3A_1003 = arith.constant dense<0.000000e+00> : vector<64x256xf32>
    %dot_general3A_1004 = tpu.matmul %add3A_27, %get3A_1002, %dot_general3A_1003 {dimension_numbers = #tpu.dot_dimension_numbers<[1], [1], [0], [0], [0, 0, 1, 0], [], []>, transpose_lhs_hint = false} : vector<64x256xf32>, vector<256x256xf32>, vector<64x256xf32> -> vector<64x256xf32>
    %get3A_1005 = arith.constant 6 : index
    %get3A_1006 = arith.constant 0 : index
    %get3A_1007 = arith.constant 0 : index
    %get3A_1008 = vector.load %arg8[%get3A_1005, %get3A_1006, %get3A_1007] : memref<8x1x256xf32, #tpu.memory_space<vmem>>, vector<1x1x256xf32>
    %get3A_1009 = vector.shape_cast %get3A_1008 : vector<1x1x256xf32> to vector<1x256xf32>
    %add3A_1010 = vector.broadcast %get3A_1009 : vector<1x256xf32> to vector<64x256xf32>
    %add3A_1011 = arith.addf %dot_general3A_1004, %add3A_1010 : vector<64x256xf32>
    %get3A_1012 = arith.constant 6 : index
    %get3A_1013 = arith.constant 0 : index
    %get3A_1014 = arith.constant 0 : index
    %get3A_1015 = vector.load %arg9[%get3A_1012, %get3A_1013, %get3A_1014] : memref<8x1x256xf32, #tpu.memory_space<vmem>>, vector<1x1x256xf32>
    %get3A_1016 = vector.shape_cast %get3A_1015 : vector<1x1x256xf32> to vector<1x256xf32>
    %get3A_1017 = arith.constant 6 : index
    %get3A_1018 = arith.constant 0 : index
    %get3A_1019 = arith.constant 0 : index
    %get3A_1020 = vector.load %arg10[%get3A_1017, %get3A_1018, %get3A_1019] : memref<8x1x256xf32, #tpu.memory_space<vmem>>, vector<1x1x256xf32>
    %get3A_1021 = vector.shape_cast %get3A_1020 : vector<1x1x256xf32> to vector<1x256xf32>
    %reduce_sum3A_1022 = arith.constant dense<0.000000e+00> : vector<64xf32>
    %reduce_sum3A_1023 = vector.multi_reduction <add>, %add3A_1011, %reduce_sum3A_1022 [1] : vector<64x256xf32> to vector<64xf32>
    %broadcast_in_dim3A_1024 = vector.shape_cast %reduce_sum3A_1023 : vector<64xf32> to vector<64x1xf32>
    %div3A_1025 = arith.constant 2.560000e+02 : f32
    %div3A_1026 = vector.broadcast %div3A_1025 : f32 to vector<64x1xf32>
    %div3A_1027 = arith.divf %broadcast_in_dim3A_1024, %div3A_1026 : vector<64x1xf32>
    %sub3A_1028 = vector.broadcast %div3A_1027 : vector<64x1xf32> to vector<64x256xf32>
    %sub3A_1029 = arith.subf %add3A_1011, %sub3A_1028 : vector<64x256xf32>
    %integer_pow3A_1030 = arith.mulf %sub3A_1029, %sub3A_1029 : vector<64x256xf32>
    %reduce_sum3A_1031 = arith.constant dense<0.000000e+00> : vector<64xf32>
    %reduce_sum3A_1032 = vector.multi_reduction <add>, %integer_pow3A_1030, %reduce_sum3A_1031 [1] : vector<64x256xf32> to vector<64xf32>
    %broadcast_in_dim3A_1033 = vector.shape_cast %reduce_sum3A_1032 : vector<64xf32> to vector<64x1xf32>
    %div3A_1034 = arith.constant 2.560000e+02 : f32
    %div3A_1035 = vector.broadcast %div3A_1034 : f32 to vector<64x1xf32>
    %div3A_1036 = arith.divf %broadcast_in_dim3A_1033, %div3A_1035 : vector<64x1xf32>
    %sub3A_1037 = vector.broadcast %div3A_1027 : vector<64x1xf32> to vector<64x256xf32>
    %sub3A_1038 = arith.subf %add3A_1011, %sub3A_1037 : vector<64x256xf32>
    %add3A_1039 = arith.constant 9.99999974E-6 : f32
    %add3A_1040 = vector.broadcast %add3A_1039 : f32 to vector<64x1xf32>
    %add3A_1041 = arith.addf %div3A_1036, %add3A_1040 : vector<64x1xf32>
    %sqrt3A_1042 = math.sqrt %add3A_1041 : vector<64x1xf32>
    %div3A_1043 = vector.broadcast %sqrt3A_1042 : vector<64x1xf32> to vector<64x256xf32>
    %div3A_1044 = arith.divf %sub3A_1038, %div3A_1043 : vector<64x256xf32>
    %mul3A_1045 = vector.broadcast %get3A_1016 : vector<1x256xf32> to vector<64x256xf32>
    %mul3A_1046 = arith.mulf %div3A_1044, %mul3A_1045 : vector<64x256xf32>
    %add3A_1047 = vector.broadcast %get3A_1021 : vector<1x256xf32> to vector<64x256xf32>
    %add3A_1048 = arith.addf %mul3A_1046, %add3A_1047 : vector<64x256xf32>
    %mul3A_1049 = arith.constant 5.000000e-01 : f32
    %mul3A_1050 = vector.broadcast %mul3A_1049 : f32 to vector<64x256xf32>
    %mul3A_1051 = arith.mulf %mul3A_1050, %add3A_1048 : vector<64x256xf32>
    %mul3A_1052 = arith.constant 0.707106769 : f32
    %mul3A_1053 = vector.broadcast %mul3A_1052 : f32 to vector<64x256xf32>
    %mul3A_1054 = arith.mulf %add3A_1048, %mul3A_1053 : vector<64x256xf32>
    %erf3A_1055 = math.erf %mul3A_1054 : vector<64x256xf32>
    %add3A_1056 = arith.constant 1.000000e+00 : f32
    %add3A_1057 = vector.broadcast %add3A_1056 : f32 to vector<64x256xf32>
    %add3A_1058 = arith.addf %add3A_1057, %erf3A_1055 : vector<64x256xf32>
    %mul3A_1059 = arith.mulf %mul3A_1051, %add3A_1058 : vector<64x256xf32>
    %get3A_1060 = arith.constant 6 : index
    %get3A_1061 = arith.constant 0 : index
    %get3A_1062 = arith.constant 0 : index
    %get3A_1063 = vector.load %arg11[%get3A_1060, %get3A_1061, %get3A_1062] : memref<8x128x256xf32, #tpu.memory_space<vmem>>, vector<1x128x256xf32>
    %get3A_1064 = vector.shape_cast %get3A_1063 : vector<1x128x256xf32> to vector<128x256xf32>
    %dot_general3A_1065 = arith.constant dense<0.000000e+00> : vector<64x128xf32>
    %dot_general3A_1066 = tpu.matmul %mul3A_1059, %get3A_1064, %dot_general3A_1065 {dimension_numbers = #tpu.dot_dimension_numbers<[1], [1], [0], [0], [0, 0, 1, 0], [], []>, transpose_lhs_hint = false} : vector<64x256xf32>, vector<128x256xf32>, vector<64x128xf32> -> vector<64x128xf32>
    %get3A_1067 = arith.constant 6 : index
    %get3A_1068 = arith.constant 0 : index
    %get3A_1069 = arith.constant 0 : index
    %get3A_1070 = vector.load %arg12[%get3A_1067, %get3A_1068, %get3A_1069] : memref<8x1x128xf32, #tpu.memory_space<vmem>>, vector<1x1x128xf32>
    %get3A_1071 = vector.shape_cast %get3A_1070 : vector<1x1x128xf32> to vector<1x128xf32>
    %add3A_1072 = vector.broadcast %get3A_1071 : vector<1x128xf32> to vector<64x128xf32>
    %add3A_1073 = arith.addf %dot_general3A_1066, %add3A_1072 : vector<64x128xf32>
    %get3A_1074 = arith.constant 6 : index
    %get3A_1075 = arith.constant 0 : index
    %get3A_1076 = arith.constant 0 : index
    %get3A_1077 = vector.load %arg13[%get3A_1074, %get3A_1075, %get3A_1076] : memref<8x1x128xf32, #tpu.memory_space<vmem>>, vector<1x1x128xf32>
    %get3A_1078 = vector.shape_cast %get3A_1077 : vector<1x1x128xf32> to vector<1x128xf32>
    %get3A_1079 = arith.constant 6 : index
    %get3A_1080 = arith.constant 0 : index
    %get3A_1081 = arith.constant 0 : index
    %get3A_1082 = vector.load %arg14[%get3A_1079, %get3A_1080, %get3A_1081] : memref<8x1x128xf32, #tpu.memory_space<vmem>>, vector<1x1x128xf32>
    %get3A_1083 = vector.shape_cast %get3A_1082 : vector<1x1x128xf32> to vector<1x128xf32>
    %reduce_sum3A_1084 = arith.constant dense<0.000000e+00> : vector<64xf32>
    %reduce_sum3A_1085 = vector.multi_reduction <add>, %add3A_1073, %reduce_sum3A_1084 [1] : vector<64x128xf32> to vector<64xf32>
    %broadcast_in_dim3A_1086 = vector.shape_cast %reduce_sum3A_1085 : vector<64xf32> to vector<64x1xf32>
    %div3A_1087 = arith.constant 1.280000e+02 : f32
    %div3A_1088 = vector.broadcast %div3A_1087 : f32 to vector<64x1xf32>
    %div3A_1089 = arith.divf %broadcast_in_dim3A_1086, %div3A_1088 : vector<64x1xf32>
    %sub3A_1090 = vector.broadcast %div3A_1089 : vector<64x1xf32> to vector<64x128xf32>
    %sub3A_1091 = arith.subf %add3A_1073, %sub3A_1090 : vector<64x128xf32>
    %integer_pow3A_1092 = arith.mulf %sub3A_1091, %sub3A_1091 : vector<64x128xf32>
    %reduce_sum3A_1093 = arith.constant dense<0.000000e+00> : vector<64xf32>
    %reduce_sum3A_1094 = vector.multi_reduction <add>, %integer_pow3A_1092, %reduce_sum3A_1093 [1] : vector<64x128xf32> to vector<64xf32>
    %broadcast_in_dim3A_1095 = vector.shape_cast %reduce_sum3A_1094 : vector<64xf32> to vector<64x1xf32>
    %div3A_1096 = arith.constant 1.280000e+02 : f32
    %div3A_1097 = vector.broadcast %div3A_1096 : f32 to vector<64x1xf32>
    %div3A_1098 = arith.divf %broadcast_in_dim3A_1095, %div3A_1097 : vector<64x1xf32>
    %sub3A_1099 = vector.broadcast %div3A_1089 : vector<64x1xf32> to vector<64x128xf32>
    %sub3A_1100 = arith.subf %add3A_1073, %sub3A_1099 : vector<64x128xf32>
    %add3A_1101 = arith.constant 9.99999974E-6 : f32
    %add3A_1102 = vector.broadcast %add3A_1101 : f32 to vector<64x1xf32>
    %add3A_1103 = arith.addf %div3A_1098, %add3A_1102 : vector<64x1xf32>
    %sqrt3A_1104 = math.sqrt %add3A_1103 : vector<64x1xf32>
    %div3A_1105 = vector.broadcast %sqrt3A_1104 : vector<64x1xf32> to vector<64x128xf32>
    %div3A_1106 = arith.divf %sub3A_1100, %div3A_1105 : vector<64x128xf32>
    %mul3A_1107 = vector.broadcast %get3A_1078 : vector<1x128xf32> to vector<64x128xf32>
    %mul3A_1108 = arith.mulf %div3A_1106, %mul3A_1107 : vector<64x128xf32>
    %add3A_1109 = vector.broadcast %get3A_1083 : vector<1x128xf32> to vector<64x128xf32>
    %add3A_1110 = arith.addf %mul3A_1108, %add3A_1109 : vector<64x128xf32>
    %mul3A_1111 = arith.constant 5.000000e-01 : f32
    %mul3A_1112 = vector.broadcast %mul3A_1111 : f32 to vector<64x128xf32>
    %mul3A_1113 = arith.mulf %mul3A_1112, %add3A_1110 : vector<64x128xf32>
    %mul3A_1114 = arith.constant 0.707106769 : f32
    %mul3A_1115 = vector.broadcast %mul3A_1114 : f32 to vector<64x128xf32>
    %mul3A_1116 = arith.mulf %add3A_1110, %mul3A_1115 : vector<64x128xf32>
    %erf3A_1117 = math.erf %mul3A_1116 : vector<64x128xf32>
    %add3A_1118 = arith.constant 1.000000e+00 : f32
    %add3A_1119 = vector.broadcast %add3A_1118 : f32 to vector<64x128xf32>
    %add3A_1120 = arith.addf %add3A_1119, %erf3A_1117 : vector<64x128xf32>
    %mul3A_1121 = arith.mulf %mul3A_1113, %add3A_1120 : vector<64x128xf32>
    %get3A_1122 = arith.constant 6 : index
    %get3A_1123 = arith.constant 0 : index
    %get3A_1124 = arith.constant 0 : index
    %get3A_1125 = vector.load %arg15[%get3A_1122, %get3A_1123, %get3A_1124] : memref<8x128x128xf32, #tpu.memory_space<vmem>>, vector<1x128x128xf32>
    %get3A_1126 = vector.shape_cast %get3A_1125 : vector<1x128x128xf32> to vector<128x128xf32>
    %dot_general3A_1127 = arith.constant dense<0.000000e+00> : vector<64x128xf32>
    %dot_general3A_1128 = tpu.matmul %mul3A_1121, %get3A_1126, %dot_general3A_1127 {dimension_numbers = #tpu.dot_dimension_numbers<[1], [1], [0], [0], [0, 0, 1, 0], [], []>, transpose_lhs_hint = false} : vector<64x128xf32>, vector<128x128xf32>, vector<64x128xf32> -> vector<64x128xf32>
    %get3A_1129 = arith.constant 6 : index
    %get3A_1130 = arith.constant 0 : index
    %get3A_1131 = arith.constant 0 : index
    %get3A_1132 = vector.load %arg16[%get3A_1129, %get3A_1130, %get3A_1131] : memref<8x1x128xf32, #tpu.memory_space<vmem>>, vector<1x1x128xf32>
    %get3A_1133 = vector.shape_cast %get3A_1132 : vector<1x1x128xf32> to vector<1x128xf32>
    %add3A_1134 = vector.broadcast %get3A_1133 : vector<1x128xf32> to vector<64x128xf32>
    %add3A_1135 = arith.addf %dot_general3A_1128, %add3A_1134 : vector<64x128xf32>
    %eq3A_1136 = arith.constant 6 : i32
    %eq3A_1137 = vector.broadcast %eq3A_1136 : i32 to vector<64x1xi32>
    %eq3A_1138 = arith.cmpi eq, %broadcast_in_dim3A_56, %eq3A_1137 : vector<64x1xi32>
    %jit3A_1139 = arith.constant 0.000000e+00 : f32
    %broadcast_in_dim3A_1140 = vector.broadcast %jit3A_1139 : f32 to vector<64x1xf32>
    %select_n3A_1141 = arith.select %eq3A_1138, %div3A_74, %broadcast_in_dim3A_1140 : vector<64x1xi1>, vector<64x1xf32>
    %eq3A_1142 = arith.constant 6 : i32
    %eq3A_1143 = vector.broadcast %eq3A_1142 : i32 to vector<64x1xi32>
    %eq3A_1144 = arith.cmpi eq, %broadcast_in_dim3A_72, %eq3A_1143 : vector<64x1xi32>
    %jit3A_1145 = arith.constant 0.000000e+00 : f32
    %broadcast_in_dim3A_1146 = vector.broadcast %jit3A_1145 : f32 to vector<64x1xf32>
    %select_n3A_1147 = arith.select %eq3A_1144, %div3A_75, %broadcast_in_dim3A_1146 : vector<64x1xi1>, vector<64x1xf32>
    %add3A_1148 = arith.addf %select_n3A_1141, %select_n3A_1147 : vector<64x1xf32>
    %mul3A_1149 = vector.broadcast %add3A_1148 : vector<64x1xf32> to vector<64x128xf32>
    %mul3A_1150 = arith.mulf %mul3A_1149, %add3A_1135 : vector<64x128xf32>
    %add3A_1151 = arith.addf %add3A_997, %mul3A_1150 : vector<64x128xf32>
    %get3A_1152 = arith.constant 7 : index
    %get3A_1153 = arith.constant 0 : index
    %get3A_1154 = arith.constant 0 : index
    %get3A_1155 = vector.load %arg7[%get3A_1152, %get3A_1153, %get3A_1154] : memref<8x256x256xf32, #tpu.memory_space<vmem>>, vector<1x256x256xf32>
    %get3A_1156 = vector.shape_cast %get3A_1155 : vector<1x256x256xf32> to vector<256x256xf32>
    %dot_general3A_1157 = arith.constant dense<0.000000e+00> : vector<64x256xf32>
    %dot_general3A_1158 = tpu.matmul %add3A_27, %get3A_1156, %dot_general3A_1157 {dimension_numbers = #tpu.dot_dimension_numbers<[1], [1], [0], [0], [0, 0, 1, 0], [], []>, transpose_lhs_hint = false} : vector<64x256xf32>, vector<256x256xf32>, vector<64x256xf32> -> vector<64x256xf32>
    %get3A_1159 = arith.constant 7 : index
    %get3A_1160 = arith.constant 0 : index
    %get3A_1161 = arith.constant 0 : index
    %get3A_1162 = vector.load %arg8[%get3A_1159, %get3A_1160, %get3A_1161] : memref<8x1x256xf32, #tpu.memory_space<vmem>>, vector<1x1x256xf32>
    %get3A_1163 = vector.shape_cast %get3A_1162 : vector<1x1x256xf32> to vector<1x256xf32>
    %add3A_1164 = vector.broadcast %get3A_1163 : vector<1x256xf32> to vector<64x256xf32>
    %add3A_1165 = arith.addf %dot_general3A_1158, %add3A_1164 : vector<64x256xf32>
    %get3A_1166 = arith.constant 7 : index
    %get3A_1167 = arith.constant 0 : index
    %get3A_1168 = arith.constant 0 : index
    %get3A_1169 = vector.load %arg9[%get3A_1166, %get3A_1167, %get3A_1168] : memref<8x1x256xf32, #tpu.memory_space<vmem>>, vector<1x1x256xf32>
    %get3A_1170 = vector.shape_cast %get3A_1169 : vector<1x1x256xf32> to vector<1x256xf32>
    %get3A_1171 = arith.constant 7 : index
    %get3A_1172 = arith.constant 0 : index
    %get3A_1173 = arith.constant 0 : index
    %get3A_1174 = vector.load %arg10[%get3A_1171, %get3A_1172, %get3A_1173] : memref<8x1x256xf32, #tpu.memory_space<vmem>>, vector<1x1x256xf32>
    %get3A_1175 = vector.shape_cast %get3A_1174 : vector<1x1x256xf32> to vector<1x256xf32>
    %reduce_sum3A_1176 = arith.constant dense<0.000000e+00> : vector<64xf32>
    %reduce_sum3A_1177 = vector.multi_reduction <add>, %add3A_1165, %reduce_sum3A_1176 [1] : vector<64x256xf32> to vector<64xf32>
    %broadcast_in_dim3A_1178 = vector.shape_cast %reduce_sum3A_1177 : vector<64xf32> to vector<64x1xf32>
    %div3A_1179 = arith.constant 2.560000e+02 : f32
    %div3A_1180 = vector.broadcast %div3A_1179 : f32 to vector<64x1xf32>
    %div3A_1181 = arith.divf %broadcast_in_dim3A_1178, %div3A_1180 : vector<64x1xf32>
    %sub3A_1182 = vector.broadcast %div3A_1181 : vector<64x1xf32> to vector<64x256xf32>
    %sub3A_1183 = arith.subf %add3A_1165, %sub3A_1182 : vector<64x256xf32>
    %integer_pow3A_1184 = arith.mulf %sub3A_1183, %sub3A_1183 : vector<64x256xf32>
    %reduce_sum3A_1185 = arith.constant dense<0.000000e+00> : vector<64xf32>
    %reduce_sum3A_1186 = vector.multi_reduction <add>, %integer_pow3A_1184, %reduce_sum3A_1185 [1] : vector<64x256xf32> to vector<64xf32>
    %broadcast_in_dim3A_1187 = vector.shape_cast %reduce_sum3A_1186 : vector<64xf32> to vector<64x1xf32>
    %div3A_1188 = arith.constant 2.560000e+02 : f32
    %div3A_1189 = vector.broadcast %div3A_1188 : f32 to vector<64x1xf32>
    %div3A_1190 = arith.divf %broadcast_in_dim3A_1187, %div3A_1189 : vector<64x1xf32>
    %sub3A_1191 = vector.broadcast %div3A_1181 : vector<64x1xf32> to vector<64x256xf32>
    %sub3A_1192 = arith.subf %add3A_1165, %sub3A_1191 : vector<64x256xf32>
    %add3A_1193 = arith.constant 9.99999974E-6 : f32
    %add3A_1194 = vector.broadcast %add3A_1193 : f32 to vector<64x1xf32>
    %add3A_1195 = arith.addf %div3A_1190, %add3A_1194 : vector<64x1xf32>
    %sqrt3A_1196 = math.sqrt %add3A_1195 : vector<64x1xf32>
    %div3A_1197 = vector.broadcast %sqrt3A_1196 : vector<64x1xf32> to vector<64x256xf32>
    %div3A_1198 = arith.divf %sub3A_1192, %div3A_1197 : vector<64x256xf32>
    %mul3A_1199 = vector.broadcast %get3A_1170 : vector<1x256xf32> to vector<64x256xf32>
    %mul3A_1200 = arith.mulf %div3A_1198, %mul3A_1199 : vector<64x256xf32>
    %add3A_1201 = vector.broadcast %get3A_1175 : vector<1x256xf32> to vector<64x256xf32>
    %add3A_1202 = arith.addf %mul3A_1200, %add3A_1201 : vector<64x256xf32>
    %mul3A_1203 = arith.constant 5.000000e-01 : f32
    %mul3A_1204 = vector.broadcast %mul3A_1203 : f32 to vector<64x256xf32>
    %mul3A_1205 = arith.mulf %mul3A_1204, %add3A_1202 : vector<64x256xf32>
    %mul3A_1206 = arith.constant 0.707106769 : f32
    %mul3A_1207 = vector.broadcast %mul3A_1206 : f32 to vector<64x256xf32>
    %mul3A_1208 = arith.mulf %add3A_1202, %mul3A_1207 : vector<64x256xf32>
    %erf3A_1209 = math.erf %mul3A_1208 : vector<64x256xf32>
    %add3A_1210 = arith.constant 1.000000e+00 : f32
    %add3A_1211 = vector.broadcast %add3A_1210 : f32 to vector<64x256xf32>
    %add3A_1212 = arith.addf %add3A_1211, %erf3A_1209 : vector<64x256xf32>
    %mul3A_1213 = arith.mulf %mul3A_1205, %add3A_1212 : vector<64x256xf32>
    %get3A_1214 = arith.constant 7 : index
    %get3A_1215 = arith.constant 0 : index
    %get3A_1216 = arith.constant 0 : index
    %get3A_1217 = vector.load %arg11[%get3A_1214, %get3A_1215, %get3A_1216] : memref<8x128x256xf32, #tpu.memory_space<vmem>>, vector<1x128x256xf32>
    %get3A_1218 = vector.shape_cast %get3A_1217 : vector<1x128x256xf32> to vector<128x256xf32>
    %dot_general3A_1219 = arith.constant dense<0.000000e+00> : vector<64x128xf32>
    %dot_general3A_1220 = tpu.matmul %mul3A_1213, %get3A_1218, %dot_general3A_1219 {dimension_numbers = #tpu.dot_dimension_numbers<[1], [1], [0], [0], [0, 0, 1, 0], [], []>, transpose_lhs_hint = false} : vector<64x256xf32>, vector<128x256xf32>, vector<64x128xf32> -> vector<64x128xf32>
    %get3A_1221 = arith.constant 7 : index
    %get3A_1222 = arith.constant 0 : index
    %get3A_1223 = arith.constant 0 : index
    %get3A_1224 = vector.load %arg12[%get3A_1221, %get3A_1222, %get3A_1223] : memref<8x1x128xf32, #tpu.memory_space<vmem>>, vector<1x1x128xf32>
    %get3A_1225 = vector.shape_cast %get3A_1224 : vector<1x1x128xf32> to vector<1x128xf32>
    %add3A_1226 = vector.broadcast %get3A_1225 : vector<1x128xf32> to vector<64x128xf32>
    %add3A_1227 = arith.addf %dot_general3A_1220, %add3A_1226 : vector<64x128xf32>
    %get3A_1228 = arith.constant 7 : index
    %get3A_1229 = arith.constant 0 : index
    %get3A_1230 = arith.constant 0 : index
    %get3A_1231 = vector.load %arg13[%get3A_1228, %get3A_1229, %get3A_1230] : memref<8x1x128xf32, #tpu.memory_space<vmem>>, vector<1x1x128xf32>
    %get3A_1232 = vector.shape_cast %get3A_1231 : vector<1x1x128xf32> to vector<1x128xf32>
    %get3A_1233 = arith.constant 7 : index
    %get3A_1234 = arith.constant 0 : index
    %get3A_1235 = arith.constant 0 : index
    %get3A_1236 = vector.load %arg14[%get3A_1233, %get3A_1234, %get3A_1235] : memref<8x1x128xf32, #tpu.memory_space<vmem>>, vector<1x1x128xf32>
    %get3A_1237 = vector.shape_cast %get3A_1236 : vector<1x1x128xf32> to vector<1x128xf32>
    %reduce_sum3A_1238 = arith.constant dense<0.000000e+00> : vector<64xf32>
    %reduce_sum3A_1239 = vector.multi_reduction <add>, %add3A_1227, %reduce_sum3A_1238 [1] : vector<64x128xf32> to vector<64xf32>
    %broadcast_in_dim3A_1240 = vector.shape_cast %reduce_sum3A_1239 : vector<64xf32> to vector<64x1xf32>
    %div3A_1241 = arith.constant 1.280000e+02 : f32
    %div3A_1242 = vector.broadcast %div3A_1241 : f32 to vector<64x1xf32>
    %div3A_1243 = arith.divf %broadcast_in_dim3A_1240, %div3A_1242 : vector<64x1xf32>
    %sub3A_1244 = vector.broadcast %div3A_1243 : vector<64x1xf32> to vector<64x128xf32>
    %sub3A_1245 = arith.subf %add3A_1227, %sub3A_1244 : vector<64x128xf32>
    %integer_pow3A_1246 = arith.mulf %sub3A_1245, %sub3A_1245 : vector<64x128xf32>
    %reduce_sum3A_1247 = arith.constant dense<0.000000e+00> : vector<64xf32>
    %reduce_sum3A_1248 = vector.multi_reduction <add>, %integer_pow3A_1246, %reduce_sum3A_1247 [1] : vector<64x128xf32> to vector<64xf32>
    %broadcast_in_dim3A_1249 = vector.shape_cast %reduce_sum3A_1248 : vector<64xf32> to vector<64x1xf32>
    %div3A_1250 = arith.constant 1.280000e+02 : f32
    %div3A_1251 = vector.broadcast %div3A_1250 : f32 to vector<64x1xf32>
    %div3A_1252 = arith.divf %broadcast_in_dim3A_1249, %div3A_1251 : vector<64x1xf32>
    %sub3A_1253 = vector.broadcast %div3A_1243 : vector<64x1xf32> to vector<64x128xf32>
    %sub3A_1254 = arith.subf %add3A_1227, %sub3A_1253 : vector<64x128xf32>
    %add3A_1255 = arith.constant 9.99999974E-6 : f32
    %add3A_1256 = vector.broadcast %add3A_1255 : f32 to vector<64x1xf32>
    %add3A_1257 = arith.addf %div3A_1252, %add3A_1256 : vector<64x1xf32>
    %sqrt3A_1258 = math.sqrt %add3A_1257 : vector<64x1xf32>
    %div3A_1259 = vector.broadcast %sqrt3A_1258 : vector<64x1xf32> to vector<64x128xf32>
    %div3A_1260 = arith.divf %sub3A_1254, %div3A_1259 : vector<64x128xf32>
    %mul3A_1261 = vector.broadcast %get3A_1232 : vector<1x128xf32> to vector<64x128xf32>
    %mul3A_1262 = arith.mulf %div3A_1260, %mul3A_1261 : vector<64x128xf32>
    %add3A_1263 = vector.broadcast %get3A_1237 : vector<1x128xf32> to vector<64x128xf32>
    %add3A_1264 = arith.addf %mul3A_1262, %add3A_1263 : vector<64x128xf32>
    %mul3A_1265 = arith.constant 5.000000e-01 : f32
    %mul3A_1266 = vector.broadcast %mul3A_1265 : f32 to vector<64x128xf32>
    %mul3A_1267 = arith.mulf %mul3A_1266, %add3A_1264 : vector<64x128xf32>
    %mul3A_1268 = arith.constant 0.707106769 : f32
    %mul3A_1269 = vector.broadcast %mul3A_1268 : f32 to vector<64x128xf32>
    %mul3A_1270 = arith.mulf %add3A_1264, %mul3A_1269 : vector<64x128xf32>
    %erf3A_1271 = math.erf %mul3A_1270 : vector<64x128xf32>
    %add3A_1272 = arith.constant 1.000000e+00 : f32
    %add3A_1273 = vector.broadcast %add3A_1272 : f32 to vector<64x128xf32>
    %add3A_1274 = arith.addf %add3A_1273, %erf3A_1271 : vector<64x128xf32>
    %mul3A_1275 = arith.mulf %mul3A_1267, %add3A_1274 : vector<64x128xf32>
    %get3A_1276 = arith.constant 7 : index
    %get3A_1277 = arith.constant 0 : index
    %get3A_1278 = arith.constant 0 : index
    %get3A_1279 = vector.load %arg15[%get3A_1276, %get3A_1277, %get3A_1278] : memref<8x128x128xf32, #tpu.memory_space<vmem>>, vector<1x128x128xf32>
    %get3A_1280 = vector.shape_cast %get3A_1279 : vector<1x128x128xf32> to vector<128x128xf32>
    %dot_general3A_1281 = arith.constant dense<0.000000e+00> : vector<64x128xf32>
    %dot_general3A_1282 = tpu.matmul %mul3A_1275, %get3A_1280, %dot_general3A_1281 {dimension_numbers = #tpu.dot_dimension_numbers<[1], [1], [0], [0], [0, 0, 1, 0], [], []>, transpose_lhs_hint = false} : vector<64x128xf32>, vector<128x128xf32>, vector<64x128xf32> -> vector<64x128xf32>
    %get3A_1283 = arith.constant 7 : index
    %get3A_1284 = arith.constant 0 : index
    %get3A_1285 = arith.constant 0 : index
    %get3A_1286 = vector.load %arg16[%get3A_1283, %get3A_1284, %get3A_1285] : memref<8x1x128xf32, #tpu.memory_space<vmem>>, vector<1x1x128xf32>
    %get3A_1287 = vector.shape_cast %get3A_1286 : vector<1x1x128xf32> to vector<1x128xf32>
    %add3A_1288 = vector.broadcast %get3A_1287 : vector<1x128xf32> to vector<64x128xf32>
    %add3A_1289 = arith.addf %dot_general3A_1282, %add3A_1288 : vector<64x128xf32>
    %eq3A_1290 = arith.constant 7 : i32
    %eq3A_1291 = vector.broadcast %eq3A_1290 : i32 to vector<64x1xi32>
    %eq3A_1292 = arith.cmpi eq, %broadcast_in_dim3A_56, %eq3A_1291 : vector<64x1xi32>
    %jit3A_1293 = arith.constant 0.000000e+00 : f32
    %broadcast_in_dim3A_1294 = vector.broadcast %jit3A_1293 : f32 to vector<64x1xf32>
    %select_n3A_1295 = arith.select %eq3A_1292, %div3A_74, %broadcast_in_dim3A_1294 : vector<64x1xi1>, vector<64x1xf32>
    %eq3A_1296 = arith.constant 7 : i32
    %eq3A_1297 = vector.broadcast %eq3A_1296 : i32 to vector<64x1xi32>
    %eq3A_1298 = arith.cmpi eq, %broadcast_in_dim3A_72, %eq3A_1297 : vector<64x1xi32>
    %jit3A_1299 = arith.constant 0.000000e+00 : f32
    %broadcast_in_dim3A_1300 = vector.broadcast %jit3A_1299 : f32 to vector<64x1xf32>
    %select_n3A_1301 = arith.select %eq3A_1298, %div3A_75, %broadcast_in_dim3A_1300 : vector<64x1xi1>, vector<64x1xf32>
    %add3A_1302 = arith.addf %select_n3A_1295, %select_n3A_1301 : vector<64x1xf32>
    %mul3A_1303 = vector.broadcast %add3A_1302 : vector<64x1xf32> to vector<64x128xf32>
    %mul3A_1304 = arith.mulf %mul3A_1303, %add3A_1289 : vector<64x128xf32>
    %add3A_1305 = arith.addf %add3A_1151, %mul3A_1304 : vector<64x128xf32>
    %swap3A = arith.constant 0 : index
    %swap3A_1306 = arith.constant 0 : index
    %swap3A_1307 = vector.load %arg17[%swap3A, %swap3A_1306] : memref<64x128xf32, #tpu.memory_space<vmem>>, vector<64x128xf32>
    tpu.vector_store %arg17[%swap3A, %swap3A_1306], %add3A_1305 {strides = array<i32>} : memref<64x128xf32, #tpu.memory_space<vmem>>, vector<64x128xf32>,
    return
  }
}

</mosaic_0001>

<sc_bundles>
// kernel: gather_offload_async_start
scs
__scs_entry_jumppad:
0x0: {  	(pc) =	sbr.rel $0x88, $3  }
0x1: {  	(tag) =	ssettag $0x0;
	lr =	simm.s32 $0x1  }
0x2: {  	[smem:$0x3F44] =	sst lr;
	_ =	strace $0xD0000000  }
0x3: {  	_ = 	snop  }
0x4: {  	_ = 	snop  }
0x5: {  	_ = 	snop  }
0x6: {  	_ = 	snop  }
0x7: {  	_ = 	snop  }
__scs_overlays_trampoline_lowered:
0x8: {  	[smem:$0x3F53] =	sst s0  }
0x9: {  	[smem:$0x3F54] =	sst s1  }
0xa: {  	[smem:$0x3F55] =	sst s2  }
0xb: {  	[smem:$0x3F56] =	sst s3  }
0xc: {  	[smem:$0x3F57] =	sst s4  }
0xd: {  	[smem:$0x3F58] =	sst s5  }
0xe: {  	[smem:$0x3F59] =	sst s6  }
0xf: {  	[smem:$0x3F5A] =	sst s7  }
0x10: {  	[smem:$0x3F5B] =	sst s8  }
0x11: {  	[smem:$0x3F5C] =	sst s9;
	s0 =	simm.s32 @!p0 $0x0  }
0x12: {  	s1 =	sld [smem:$0x3F42];
	s0 =	simm.s32 @p0 $0x1  }
0x13: {  	[smem:$0x3F5D] =	sst s0;
	s0 =	simm.s32 @!p1 $0x0  }
0x14: {  	s2 =	sld [smem:$0x3F41];
	s0 =	simm.s32 @p1 $0x1  }
0x15: {  	[smem:$0x3F5E] =	sst s0;
	s0 =	simm.s32 @!p2 $0x0  }
0x16: {  	s3 =	sld [smem:$0x3FDB];
	s0 =	simm.s32 @p2 $0x1  }
0x17: {  	s4 =	simm.s32 $0x1BF5;
	[smem:$0x3F60] =	sst s0  }
0x18: {  	s0 =	sld [smem:$0x3F43];
	_ =	swait.ge [sflag:s4], $0x0  }
0x19: {  	s7 =	sld [smem:$0x3F44]  }
0x1a: {  	s8 =	sadd.s32 $0xFFFFE003, lr  }
0x1b: {  	s9 =	sadd.s32 $0xFFFFFEF7, lr;
	s5 =	simm.s32 $0xFFFFFFFF;
	p2 =	slt.u32 s8, $0xFFFFF086  }
0x1c: {  	p1 =	slt.u32 s9, $0xF7A;
	s5 =	simm.s32 @!p2 $0x0  }
0x1d: {  	s5 =	simm.s32 @p1 $0x1;
	p0 =	seq.s32 s7, s2  }
0x1e: {  	s7 =	smul.u32 @!p0 $0xF7A, s2;
	p2 =	seq.s32 @!p0 s5, $0x0  }
0x1f: {  	s9 =	smul.u32 $0xF7A, s1;
	s8 =	simm.s32 @!p0 $0x1BF5;
	p2 =	por !p2, p0  }
0x20: {  	[sflag:s8] =	ssyncset.s32 @!p0 $0xFFFFF086;
	s6 =	sadd.s32 @!p0 s3, s7;
	s7 =	simm.s32 @!p0 $0x108  }
0x21: {  	s3 =	sadd.s32 s3, s9;
	s6 =	sadd.s32 @!p0 $0x88, s6;
	s7 =	simm.s32 @p2 $0x1082  }
0x22: {  	[simem:s7], [sflag:s8] =	dma.local @!p0 [hbm:s6], $0xF7A  }
0x23: {  	s9 =	sor.u32 $0xD0000000, s2;
	s6 =	simm.s32 $0x108;
	_ =	swait.ge @!p0 [sflag:s8], $0x0  }
0x24: {  	s3 =	sadd.s32 $0x88, s3;
	s6 =	simm.s32 @!p1 $0x1082;
	[sflag:s4] =	ssyncset.s32 $0xFFFFF086  }
0x25: {  	[simem:s6], [sflag:s4] =	dma.local [hbm:s3], $0xF7A  }
0x26: {  	[smem:$0x3F44] =	sst s1;
	(tag) =	ssettag s2;
	_ =	strace s9  }
0x27: {  	s1 =	sld [smem:$0x3F54]  }
0x28: {  	s2 =	sld [smem:$0x3F55]  }
0x29: {  	s4 =	sld [smem:$0x3F57]  }
0x2a: {  	p0 =	seq.s32 s5, $0x0;
	s5 =	sld [smem:$0x3F58]  }
0x2b: {  	s6 =	sld [smem:$0x3F59]  }
0x2c: {  	s7 =	sld [smem:$0x3F5A]  }
0x2d: {  	s3 =	simm.s32 $0x108;
	s8 =	sld [smem:$0x3F5B]  }
0x2e: {  	s3 =	simm.s32 @!p0 $0x1082;
	s9 =	sld [smem:$0x3F5C]  }
0x2f: {  	lr =	sadd.s32 s0, s3;
	s0 =	sld [smem:$0x3F53]  }
0x30: {  	s3 =	sld [smem:$0x3F56]  }
0x31: {  	[smem:$0x3F5F] =	sst s10  }
0x32: {  	s10 =	sld [smem:$0x3F5D];
	_ =	sdelay $0x3  }
0x33: {  	p0 =	seq.s32 s10, $0x1;
	s10 =	sld [smem:$0x3F5F];
	_ =	sdelay $0x3  }
0x34: {  	[smem:$0x3F5F] =	sst s10  }
0x35: {  	s10 =	sld [smem:$0x3F5E];
	_ =	sdelay $0x3  }
0x36: {  	p1 =	seq.s32 s10, $0x1;
	s10 =	sld [smem:$0x3F5F];
	_ =	sdelay $0x3  }
0x37: {  	[smem:$0x3F5F] =	sst s10  }
0x38: {  	s10 =	sld [smem:$0x3F60]  }
0x39: {  	_ = 	snop;
	(pc) =	sbr.ind lr, $3  }
0x3a: {  	_ = 	snop  }
0x3b: {  	_ = 	snop  }
0x3c: {  	p2 =	seq.s32 s10, $0x1;
	s10 =	sld [smem:$0x3F5F]  }
0x3d: {  	_ =	shalt  }
0x3e: {  	_ =	shalt  }
0x3f: {  	_ =	shalt  }
0x40: {  	_ =	shalt  }
0x41: {  	_ =	shalt  }
0x42: {  	_ =	shalt  }
0x43: {  	_ =	shalt  }
0x44: {  	_ =	shalt  }
0x45: {  	_ =	shalt  }
0x46: {  	_ =	shalt  }
0x47: {  	_ =	shalt  }
0x48: {  	_ =	shalt  }
0x49: {  	_ =	shalt  }
0x4a: {  	_ =	shalt  }
0x4b: {  	_ =	shalt  }
0x4c: {  	_ =	shalt  }
0x4d: {  	_ =	shalt  }
0x4e: {  	_ =	shalt  }
0x4f: {  	_ =	shalt  }
0x50: {  	_ =	shalt  }
0x51: {  	_ =	shalt  }
0x52: {  	_ =	shalt  }
0x53: {  	_ =	shalt  }
0x54: {  	_ =	shalt  }
0x55: {  	_ =	shalt  }
0x56: {  	_ =	shalt  }
0x57: {  	_ =	shalt  }
0x58: {  	_ =	shalt  }
0x59: {  	_ =	shalt  }
0x5a: {  	_ =	shalt  }
0x5b: {  	_ =	shalt  }
0x5c: {  	_ =	shalt  }
0x5d: {  	_ =	shalt  }
0x5e: {  	_ =	shalt  }
0x5f: {  	_ =	shalt  }
0x60: {  	_ =	shalt  }
0x61: {  	_ =	shalt  }
0x62: {  	_ =	shalt  }
0x63: {  	_ =	shalt  }
0x64: {  	_ =	shalt  }
0x65: {  	_ =	shalt  }
0x66: {  	_ =	shalt  }
0x67: {  	_ =	shalt  }
0x68: {  	_ =	shalt  }
0x69: {  	_ =	shalt  }
0x6a: {  	_ =	shalt  }
0x6b: {  	_ =	shalt  }
0x6c: {  	_ =	shalt  }
0x6d: {  	_ =	shalt  }
0x6e: {  	_ =	shalt  }
0x6f: {  	_ =	shalt  }
0x70: {  	_ =	shalt  }
0x71: {  	_ =	shalt  }
0x72: {  	_ =	shalt  }
0x73: {  	_ =	shalt  }
0x74: {  	_ =	shalt  }
0x75: {  	_ =	shalt  }
0x76: {  	_ =	shalt  }
0x77: {  	_ =	shalt  }
0x78: {  	_ =	shalt  }
0x79: {  	_ =	shalt  }
0x7a: {  	_ =	shalt  }
0x7b: {  	_ =	shalt  }
0x7c: {  	_ =	shalt  }
0x7d: {  	_ =	shalt  }
0x7e: {  	_ =	shalt  }
0x7f: {  	_ =	shalt  }
0x80: {  	_ =	shalt  }
0x81: {  	_ =	shalt  }
0x82: {  	_ =	shalt  }
0x83: {  	_ =	shalt  }
0x84: {  	_ =	shalt  }
0x85: {  	_ =	shalt  }
0x86: {  	_ =	shalt  }
0x87: {  	_ =	shalt  }
.Lfunc_end0:
.L_simem_size_0:
called_computation_lowered:
.L_overlay_start_0:
0x88: {  	s2 =	sld [smem:$0x3FD9]  }
0x89: {  	s3 =	sld [smem:$0x3FFE];
	_ =	sdelay $0x1  }
0x8a: {  	s1 =	srdreg.scid  }
0x8b: {  	s0 =	sand.u32 $0x1, s1  }
0x8c: {  	s17 =	sshll.u32 s0, $0xA;
	s2 =	sadd.s32 s3, s2  }
0x8d: {  	s2 =	sadd.s32 s2, s17  }
0x8e: {  	[smem:$0x3F6B] =	sst s2  }
0x8f: {  	_ = 	snop  }
0x90: {  	s2 =	sld [smem:$0x3FD0];
	(tm) =	ssettm $0x1  }
0x91: {  	s18 =	sld [smem:$0x3FFB];
	_ =	sdelay $0x3  }
0x92: {  	_ =	strace s18  }
0x93: {  	s3 =	sld [smem:$0x3FFC];
	_ =	sdelay $0x3  }
0x94: {  	_ =	strace s3  }
0x95: {  	s3 =	sld [smem:$0x3FFD];
	_ =	sdelay $0x3  }
0x96: {  	_ =	strace s3  }
0x97: {  	_ =	strace $0x8FFFFFFF  }
0x98: {  	s19 =	sld [smem:$0x3FDB];
	_ =	sdelay $0x1  }
0x99: {  	s4 =	simm.s32 $_scs_section_size  }
0x9a: {  	s5 =	simm.s32 $_size__tile_overlayer_lowered;
	s6 =	simm.s32 $_tile_overlayer_lowered  }
0x9b: {  	s22 =	simm.s32 $0x1BFF;
	s21 =	sshll.u32 s6, $0x1;
	s3 =	sadd.s32 s4, s19  }
0x9c: {  	s7 =	simm.s32 $0x0;
	s20 =	sshll.u32 s5, $0x1;
	s5 =	sadd.s32 s21, s3  }
0x9d: {  	[timem:s7], [sflag:s22] =	dma.local [hbm:s5], s20  }
0x9e: {  	_ =	swait.ge [sflag:s22], s20  }
0x9f: {  	s4 =	ssub.s32 $0x0, s20;
	[sflag:s22] =	ssyncset.done $0x0  }
0xa0: {  	[sflag:s22] =	ssyncadd.s32 s4;
	_ =	sdelay $0x1  }
0xa1: {  	s23 =	simm.s32 $0x1B8B  }
0xa2: {  	_ =	swait.ge [sflag:s23], $0x1  }
0xa3: {  	[sflag:s23] =	ssyncset.done $0x0  }
0xa4: {  	s25 =	simm.s32 $0x1B8E;
	s24 =	sld [smem:$0x3FFE];
	[sflag:s23] =	ssyncadd.s32 $0xFFFFFFFF  }
0xa5: {  	s26 =	simm.s32 $execute0_lowered;
	[smem:$0x3FD2] =	sst s25  }
0xa6: {  	s5 =	sshll.u32 s26, $0x1;
	_ =	strace $0x80000046;
	[dreg:$0x1] =	wrdreg $0xFFFFFFFF  }
0xa7: {  	s28 =	simm.s32 $_size_execute0_lowered;
	s3 =	sadd.s32 s3, s5;
	[dreg:$0x0] =	wrdreg $0x0  }
0xa8: {  	s5 =	sshll.u32 s28, $0x1;
	[dreg:$0x2] =	wrdreg s3  }
0xa9: {  	[dreg:$0x3] =	wrdreg s5  }
0xaa: {  	[dreg:$0x4] =	wrdreg $0xC0  }
0xab: {  	_ =	task [dreg:s7], $0x5FFFF  }
0xac: {  	[dreg:$0x1] =	wrdreg $0xFFFFFFFF  }
0xad: {  	[dreg:$0x0] =	wrdreg $0x60  }
0xae: {  	[dreg:$0x2] =	wrdreg s24  }
0xaf: {  	[dreg:$0x3] =	wrdreg s2  }
0xb0: {  	[dreg:$0x4] =	wrdreg $0x9  }
0xb1: {  	_ =	task.clear_ibuf [dreg:s7], $0x5FFFF;
	_ =	strace $0x90000046  }
0xb2: {  	s29 =	simm.s32 $0x9;
	_ =	strace $0x80000048  }
0xb3: {  	_ =	swait.ge [sflag:s29], $0x1  }
0xb4: {  	[sflag:s29] =	ssyncadd.s32 $0xFFFFFFFF  }
0xb5: {  	_ =	strace $0x90000048  }
0xb6: {  	_ =	sfence  }
0xb7: {  	s30 =	sld [smem:$0x0];
	_ =	sdelay $0x2  }
0xb8: {  	s31 =	sshll.u32 s1, $0xD;
	s1 =	sshrl.u32 s1, $0x2  }
0xb9: {  	s3 =	sand.u32 $0x4000, s31;
	s1 =	sadd.s32 s1, s30  }
0xba: {  	s0 =	sor.u32 s3, s0;
	s1 =	sshll.u32 s1, $0x11  }
0xbb: {  	s0 =	sor.u32 s1, s0  }
0xbc: {  	s0 =	sadd.s32 $0x8F2B, s0  }
0xbd: {  	[sflag:s0] =	ssyncadd.remote.s32 $0x1  }
0xbe: {  	_ =	sfence.sel $0xFFFF  }
0xbf: {  	[dreg:$0x0] =	wrdreg $0xFFFFFFFF;
	(pc) =	sbr.abs _section_cstart, $3  }
0xc0: {  	[dreg:$0x1] =	wrdreg $0xFFFFFFFF  }
0xc1: {  	_ =	task.clear_ibuf [dreg:s7], $0x2FFFF;
	_ =	strace $0x9FFFFFFF  }
0xc2: {  	(tm) =	ssettm $0x7FFFFFFF  }
0xc3: {  	_ =	shalt  }
tec
execute0_lowered:
.L_overlay_start_1:
0x0: {  	(tag) =	ssettag $0x1  }
0x1: {  	s7 =	rddreg [dreg:$0x0]  }
0x2: {  	s0 =	srdreg.scid;
	s2 =	rddreg [dreg:$0x1]  }
0x3: {  	s1 =	stileid.u32;
	s5 =	simm.s32 $0x2;
	s9 =	simm.s32 $0x3  }
0x4: {  	s3 =	sshll.u32 s0, $0x4;
	s0 =	rddreg [dreg:$0x2];
	_ =	strace $0x80000047  }
.Ltmp0:
0x5: {  	s4 =	sand.u32 $0x10, s3;
	s3 =	simm.s32 $0x1;
	(pc) =	sbr.rel .LBB2_1-.Ltmp0, $4  }
0x6: {  	s12 =	simm.s32 $0x0;
	s4 =	sor.u32 s1, s4;
	[sflag:s3] =	ssyncpa.u1 $0x0  }
0x7: {  	s11 =	simm.s32 $0x0;
	s4 =	smul.u32 $0x30, s4;
	[sflag:s5] =	ssyncpa.u1 $0x0  }
0x8: {  	s6 =	sadd.s32 $0x94600, s7;
	s7 =	sadd.s32 $0x107000, s7;
	[sflag:s9] =	ssyncpa.u1 $0x0  }
0x9: {  	vm0 =	vmmov $0xff;
	vm1 =	vcmask $0x3F20;
	s9 =	simm.s32 $0x30;
	s8 =	sadd.s32 $0x30, s4;
	s10 =	smov.u32 s4  }
.LBB2_11:
0xa: {  	s12 =	sshrl.u32 s10, $0x3  }
0xb: {  	s13 =	sand.u32 $0x7, s10;
	s12 =	sadd.s32 s2, s12  }
0xc: {  	[tilespmem:s9], [sflag:$0x2] =	stream.linear.gather [hbm4b:s12+s13], $0x30, $0x38;
	[tilespmem:$0xC060] =	vst v63  }
.LBB2_12:
0xd: {  	s12 =	sadd.s32 $0x30, s10  }
0xe: {  	s13 =	smov.u32 s4;
	s11 =	sadd.s32 $0x1, s11;
	p0 =	slt.s32 s12, s8  }
0xf: {  	s13 =	smov.u32 @p0 s12;
	p0 =	sne.s32 s11, $0x3  }
.Ltmp1:
0x10: {  	_ = 	snop;
	(pc) =	sbr.rel @!p0 .LBB2_13-.Ltmp1, $2  }
0x11: {  	_ =	sdelay $0x2  }
0x12: {  	s12 =	smov.u32 s10;
	s10 =	smov.u32 s13  }
.LBB2_1:
0x13: {  	p0 =	seq.s32 s11, $0x0  }
.Ltmp2:
0x14: {  	_ = 	snop;
	(pc) =	sbr.rel @p0 .LBB2_11-.Ltmp2, $1  }
0x15: {  	_ =	sdelay $0x3  }
0x16: {  	p0 =	seq.s32 s11, $0x1  }
.Ltmp3:
0x17: {  	_ = 	snop;
	(pc) =	sbr.rel @!p0 .LBB2_10-.Ltmp3, $1  }
0x18: {  	_ =	sdelay $0x3  }
0x19: {  	_ =	swait.ge [sflag:s5], $0x30  }
0x1a: {  	[sflag:s5] =	ssyncset.done $0x0  }
0x1b: {  	s13 =	simm.s32 $0x0;
	s14 =	simm.s32 $0x60;
	[sflag:s5] =	ssyncadd.s32 $0xFFFFFFD0  }
.LBB2_4:
0x1c: {  	s15 =	sshll.u32 s13, $0x4  }
0x1d: {  	s15 =	sand.u32 $0x3FFFFFF0, s15  }
0x1e: {  	v0 =	vld.msk [tilespmem:s15+$0x30 ss:$0x1], $0xffff;
	_ =	sdelay $0x4  }
0x1f: {  	vm2 =	vgt.s32 v0, $0x0  }
0x20: {  	v0 =	vnsel vm2, $0x0, v0  }
0x21: {  	v0 =	vmin.u32 v0, $0x5FF  }
0x22: {  	v1 =	vshll.u32 v0, $0x6;
	v0 =	vshll.u32 v0, $0x4  }
0x23: {  	v1 =	vand.u32 $0x1FE00, v1;
	v0 =	vand.u32 $0x70, v0  }
0x24: {  	v0 =	vor.u32 v0, v1;
	_ =	sdelay $0x2  }
0x25: {  	s16 =	sadd.s32 $0xFFFFF000, s14  }
0x26: {  	s31 =	sadd.s32 $0x7000, s16;
	s16 =	sadd.s32 $0x8000, s16;
	s15 =	simm.s32 $0xFFFFD000  }
0x27: {  	v1 =	vadd.s32 $0x80, v0;
	[tilespmem:s31], [sflag:$0x1] =	stream.indirect_vreg.gather [hbm:s6], $0x80, v0, vm0, $0x38;
	[tilespmem:$0xC060] =	vst v63  }
.LBB2_5:
0x28: {  	[tilespmem:s16], [sflag:$0x1] =	stream.indirect_vreg.gather [hbm:s6], $0x80, v0, vm1, $0x38;
	[tilespmem:$0xC060] =	vst v63  }
0x29: {  	v0 =	vmov v1;
	p0 =	sne.s32 s15, $0xFFFFF000  }
.Ltmp4:
0x2a: {  	s16 =	sshra.s32 s15, $0x2;
	(pc) =	sbr.rel @p0 .LBB2_5-.Ltmp4, $4  }
0x2b: {  	s15 =	sadd.s32 $0x1000, s15;
	s16 =	sadd.s32 s16, s14  }
0x2c: {  	s17 =	sadd.s32 $0x7000, s16  }
0x2d: {  	[tilespmem:s17], [sflag:$0x1] =	stream.indirect_vreg.gather [hbm:s6], $0x80, v1, vm0, $0x38;
	[tilespmem:$0xC060] =	vst v63  }
0x2e: {  	s16 =	sadd.s32 $0x8000, s16;
	v1 =	vadd.s32 $0x80, v1  }
0x2f: {  	s13 =	sadd.s32 $0x1, s13  }
0x30: {  	p0 =	sne.s32 s13, $0x3  }
.Ltmp5:
0x31: {  	_ = 	snop;
	(pc) =	sbr.rel @p0 .LBB2_4-.Ltmp5, $3  }
0x32: {  	_ =	sdelay $0x1  }
0x33: {  	[tilespmem:s16], [sflag:$0x1] =	stream.indirect_vreg.gather [hbm:s6], $0x80, v0, vm1, $0x38;
	[tilespmem:$0xC060] =	vst v63  }
0x34: {  	s14 =	sadd.s32 $0x2000, s14  }
0x35: {  	s13 =	sshll.u32 s12, $0x6  }
0x36: {  	_ =	swait.ge [sflag:s3], $0x6000;
	s31 =	sshll.u32 s12, $0x4;
	s13 =	sand.u32 $0xFFFFFE00, s13  }
0x37: {  	s14 =	simm.s32 $0x200;
	s12 =	sand.u32 $0x70, s31;
	s13 =	sadd.s32 s13, s7  }
0x38: {  	s15 =	simm.s32 $0x7060;
	[sflag:s3] =	ssyncset.done $0x0;
	s12 =	sadd.s32 s12, s13  }
0x39: {  	[sflag:s3] =	ssyncadd.s32 $0xFFFFA000;
	s13 =	simm.s32 $0x6060;
	s16 =	sadd.s32 $0x0, s12  }
.LBB2_8:
0x3a: {  	[hbm:s16] =	stream.linear.scatter [tilespmem:s13], [sflag:$0x3], $0x1000, $0x38;
	[tilespmem:$0xC060] =	vst v63  }
0x3b: {  	s16 =	smov.u32 s14;
	s13 =	smov.u32 s15;
	p0 =	seq.s32 s14, $0xA00  }
.Ltmp6:
0x3c: {  	s14 =	sadd.s32 $0x200, s14;
	(pc) =	sbr.rel @!p0 .LBB2_8-.Ltmp6, $2  }
0x3d: {  	_ =	sdelay $0x2  }
0x3e: {  	s15 =	sadd.s32 $0x1000, s15;
	s16 =	sadd.s32 s16, s12  }
.Ltmp7:
0x3f: {  	(pc) =	sbr.rel .LBB2_12-.Ltmp7, $2  }
0x40: {  	_ =	sdelay $0x2  }
0x41: {  	[hbm:s16] =	stream.linear.scatter [tilespmem:s13], [sflag:$0x3], $0x1000, $0x38;
	[tilespmem:$0xC060] =	vst v63  }
.LBB2_10:
0x42: {  	s2 =	simm.s32 $0x3  }
0x43: {  	_ =	swait.ge [sflag:s2], $0x6000  }
0x44: {  	[sflag:s2] =	ssyncset.done $0x0  }
0x45: {  	[sflag:s2] =	ssyncadd.s32 $0xFFFFA000  }
.LBB2_13:
0x46: {  	_ =	sfence.sel $0x180000  }
0x47: {  	s2 =	simm.s32 $0x2;
	[bflag:$0x0] =	sbarrier.arrive $0xFFFF  }
0x48: {  	s30 =	simm.s32 $0x3;
	[sflag:s2] =	ssyncpa.u1 $0x1  }
0x49: {  	s31 =	simm.s32 $0x1;
	[sflag:s30] =	ssyncpa.u1 $0x1  }
0x4a: {  	[sflag:s31] =	ssyncpa.u1 $0x1  }
0x4b: {  	p0 =	sne.s32 s1, $0x0;
	_ =	strace $0x90000047  }
0x4c: {  	s0 =	sadd.s32 @!p0 $0x100000, s0;
	[bflag:$0x2] =	sbarrier.arrive $0xFFFF  }
0x4d: {  	[sflag:s0] =	ssyncadd.tile.s32 @!p0 $0x1;
	_ =	shalt  }
.Lfunc_end2:
_tile_overlayer_lowered:
.L_overlay_start_2:
0x4e: {  	(tag) =	ssettag $0x2  }
0x4f: {  	s0 =	rddreg [dreg:$0x0];
	s2 =	stileid.u32  }
0x50: {  	s1 =	rddreg [dreg:$0x1];
	p0 =	sne.s32 s2, $0x0  }
0x51: {  	s3 =	rddreg [dreg:$0x2];
	[bflag:$0x3] =	sbarrier.arrive $0xFFFF;
	s2 =	simm.s32 @!p0 $0x1C01  }
0x52: {  	[timem:s3], [sflag:s2] =	dma.local @!p0 [hbm:s0], s1  }
0x53: {  	s0 =	simm.s32 @!p0 $0x1  }
0x54: {  	_ =	swait.ge @!p0 [sflag:s0], s1  }
0x55: {  	s1 =	ssub.s32 @!p0 $0x0, s1;
	[sflag:s0] =	ssyncset.done @!p0 $0x0  }
0x56: {  	[sflag:s0] =	ssyncadd.s32 @!p0 s1  }
0x57: {  	[bflag:$0x3] =	sbarrier.arrive $0xFFFF  }
0x58: {  	_ =	shalt  }

</sc_bundles>
